<compile_context>
chip_gen: v7x
topology: tpu7x:2x2x1
jax: 0.10.2.dev20260603
libtpu: 0.0.44.dev20260713+nightly
codegen_flags: <defaults>
</compile_context>

<pallas_src>
import functools

import jax
import jax.numpy as jnp
import numpy as np
from jax import lax
from jax.experimental import pallas as pl
from jax.experimental.pallas import tpu as pltpu
from jax.experimental.pallas import tpu_sc as plsc

B, N, D, NH = 8, 10000, 128, 16
TOTAL = B * N
LANES = 16
NW = 32
CHUNK_NODES = 40
CHUNK_IDX = CHUNK_NODES * NH
IDX_PER_XFER = 128
XFERS = CHUNK_IDX // IDX_PER_XFER
N_CHUNKS = TOTAL // CHUNK_NODES
STEPS = -(-N_CHUNKS // NW)
PAIRS = (STEPS + 2) // 2
WORDS = D // 2

MM_BLK = 2000

_PERM = np.empty(D, dtype=np.int32)
for _c in range(D // 32):
    for _i in range(16):
        _PERM[16 * _c + _i] = 32 * _c + _i
        _PERM[64 + 16 * _c + _i] = 32 * _c + 16 + _i


def _mm_body(xa_ref, xb_ref, w_ref, o_ref):
    ws = w_ref[...] * (1.0 / NH)

    def pack(yf):
        lo = lax.bitcast_convert_type(
            yf[:, :WORDS].astype(jnp.bfloat16),
            jnp.uint16).astype(jnp.uint32)
        hi = lax.bitcast_convert_type(
            yf[:, WORDS:].astype(jnp.bfloat16),
            jnp.uint16).astype(jnp.uint32)
        return lax.bitcast_convert_type(lo | (hi << 16), jnp.int32)

    o_ref[:, :WORDS] = pack(
        jnp.dot(xa_ref[...], ws, preferred_element_type=jnp.float32))
    o_ref[:, WORDS:] = pack(
        jnp.dot(xb_ref[...], ws, preferred_element_type=jnp.float32))


def _matmul(x2, wp):
    half_blocks = TOTAL // 2 // MM_BLK
    return pl.pallas_call(
        _mm_body,
        grid=(half_blocks,),
        in_specs=[pl.BlockSpec((MM_BLK, D), lambda i: (i, 0)),
                  pl.BlockSpec((MM_BLK, D),
                               lambda i: (i + TOTAL // 2 // MM_BLK, 0)),
                  pl.BlockSpec((D, D), lambda i: (0, 0))],
        out_specs=pl.BlockSpec((MM_BLK, D), lambda i: (i, 0)),
        out_shape=jax.ShapeDtypeStruct((TOTAL // 2, D), jnp.int32),
    )(x2, x2, wp)


def _sc_gather_sum(y2i, gidx3):
    mesh = plsc.VectorSubcoreMesh(core_axis_name="c", subcore_axis_name="s")

    @functools.partial(
        pl.kernel,
        mesh=mesh,
        compiler_params=pltpu.CompilerParams(use_tc_tiling_on_sc=False),
        out_type=jax.ShapeDtypeStruct((TOTAL, D), jnp.float32),
        scratch_types=[
            pltpu.VMEM((NH, CHUNK_NODES), jnp.int32),
            pltpu.VMEM((NH, CHUNK_NODES), jnp.int32),
            pltpu.VMEM((CHUNK_IDX,), jnp.int32),
            pltpu.VMEM((CHUNK_IDX,), jnp.int32),
            pltpu.VMEM((CHUNK_IDX, WORDS), jnp.int32),
            pltpu.VMEM((CHUNK_IDX, WORDS), jnp.int32),
            pltpu.VMEM((CHUNK_NODES, D), jnp.float32),
            pltpu.VMEM((CHUNK_NODES, D), jnp.float32),
            pltpu.SemaphoreType.DMA,
            pltpu.SemaphoreType.DMA,
            pltpu.SemaphoreType.DMA,
            pltpu.SemaphoreType.DMA,
            pltpu.SemaphoreType.DMA,
            pltpu.SemaphoreType.DMA,
        ],
    )
    def k(y_hbm, gidx_hbm, out_hbm, stg0, stg1, idx0, idx1, rows0, rows1,
          out0, out1, sem0, sem1, osem0, osem1, isem0, isem1):
        wid = lax.axis_index("s") * 2 + lax.axis_index("c")
        stg_bufs = (stg0, stg1)
        idx_bufs = (idx0, idx1)
        row_bufs = (rows0, rows1)
        out_bufs = (out0, out1)
        sems = (sem0, sem1)
        osems = (osem0, osem1)
        isems = (isem0, isem1)

        def idx_copy(t, p):
            cid = wid + t * NW
            b = cid // (N // CHUNK_NODES)
            n0 = (cid % (N // CHUNK_NODES)) * CHUNK_NODES
            return pltpu.make_async_copy(
                gidx_hbm.at[b, :, pl.ds(n0, CHUNK_NODES)],
                stg_bufs[p], isems[p])

        def gather_copies(idx_v, rows_v, sem):
            return [pltpu.make_async_copy(
                        y_hbm.at[idx_v.at[pl.ds(j * IDX_PER_XFER,
                                                IDX_PER_XFER)]],
                        rows_v.at[pl.ds(j * IDX_PER_XFER, IDX_PER_XFER)],
                        sem)
                    for j in range(XFERS)]

        def out_copy(t, p):
            cid = wid + t * NW
            return pltpu.make_async_copy(
                out_bufs[p],
                out_hbm.at[pl.ds(cid * CHUNK_NODES, CHUNK_NODES)],
                osems[p])

        def prefetch(t, p):
            cid = wid + t * NW

            @pl.when(cid < N_CHUNKS)
            def _():
                idx_copy(t, p).start()

        def fire(t, p):
            cid = wid + t * NW

            @pl.when(cid < N_CHUNKS)
            def _():
                stg_v = stg_bufs[p]
                idx_v = idx_bufs[p]
                idx_copy(t, p).wait()
                off_vec = jnp.full(
                    (LANES,), (cid // (N // CHUNK_NODES)) * N,
                    dtype=jnp.int32)
                half_vec = jnp.full((LANES,), TOTAL // 2, dtype=jnp.int32)
                adj_vec = jnp.full((LANES,), TOTAL - 1, dtype=jnp.int32)
                zero_vec = jnp.zeros((LANES,), dtype=jnp.int32)
                for j in range(NH):
                    for s0 in (0, 16, CHUNK_NODES - LANES):
                        g = stg_v[j, pl.ds(s0, LANES)] + off_vec
                        g2 = g + g
                        idx_v[pl.ds(j * CHUNK_NODES + s0, LANES)] = (
                            g2 - jnp.where(g >= half_vec, adj_vec,
                                           zero_vec))
                for cp in gather_copies(idx_v, row_bufs[p], sems[p]):
                    cp.start()

        def consume_wait(t, p):
            cid = wid + t * NW

            @pl.when(cid < N_CHUNKS)
            def _():
                for cp in gather_copies(idx_bufs[p], row_bufs[p], sems[p]):
                    cp.wait()

        def reduce(t, p):
            cid = wid + t * NW

            @pl.when(cid < N_CHUNKS)
            def _():
                rows_v = row_bufs[p]
                out_v = out_bufs[p]

                @pl.when(cid >= 2 * NW)
                def _():
                    out_copy(t - 2, p).wait()

                def bf16_pair(r, c):
                    v = rows_v[r, pl.ds(c * LANES, LANES)]
                    a = lax.bitcast_convert_type(v << 16, jnp.float32)
                    b = lax.bitcast_convert_type(v, jnp.float32)
                    return a, b

                def node_body(m, _):
                    for c in range(D // 32):
                        acc_a, acc_b = bf16_pair(m, c)
                        for r in range(1, NH):
                            a, b = bf16_pair(r * CHUNK_NODES + m, c)
                            acc_a = acc_a + a
                            acc_b = acc_b + b
                        out_v[m, pl.ds(32 * c, LANES)] = acc_a
                        out_v[m, pl.ds(32 * c + LANES, LANES)] = acc_b
                    return 0

                lax.fori_loop(0, CHUNK_NODES, node_body, 0)
                out_copy(t, p).start()

        def step(t, p):
            consume_wait(t, p)
            prefetch(t + 2, p)
            fire(t + 1, 1 - p)
            reduce(t, p)

        prefetch(0, 0)
        prefetch(1, 1)
        fire(0, 0)

        def pair_body(kk, _):
            t = 2 * kk
            step(t, 0)
            step(t + 1, 1)
            return 0

        lax.fori_loop(0, PAIRS, pair_body, 0)

        nv = (N_CHUNKS - wid + NW - 1) // NW
        for p in (0, 1):
            @pl.when((nv >= 1) & ((nv - 1) % 2 == p))
            def _(p=p):
                out_copy(nv - 1, p).wait()

            @pl.when((nv >= 2) & ((nv - 2) % 2 == p))
            def _(p=p):
                out_copy(nv - 2, p).wait()

    return k(y2i, gidx3)


def kernel(x, local_cell_indices_nh, W):
    x2 = x.reshape(TOTAL, D)
    ypack = _matmul(x2, W[:, _PERM])
    y2i = ypack.reshape(TOTAL, WORDS)
    gidx3 = jnp.transpose(local_cell_indices_nh.astype(jnp.int32),
                          (0, 2, 1))
    out2 = _sc_gather_sum(y2i, gidx3)
    return out2.reshape(B, N, D)

# --- scband reference (transcript-rebuilt; emitter-appended) ---
"""Pipeline reference for scband-icon-transformer-20091857011279 (READ-ONLY COPY).

The authoritative reference and input builder live on the scoring server;
editing this copy changes nothing except your own understanding.
"""

import jax, jax.numpy as jnp
import numpy as np


def setup_inputs(seed: int = 0) -> dict:
    key = jax.random.key(seed)
    k1, k2, k3 = jax.random.split(key, 3)
    b, n, d, nh = 8, 10000, 128, 16
    x = jax.random.normal(k1, (b, n, d), dtype=jnp.float32)
    local_cell_indices_nh = jax.random.randint(k2, (b, n, nh), 0, n, dtype=jnp.int64)
    W = jax.random.normal(k3, (d, d), dtype=jnp.float32) * 0.05
    return {"x": x, "local_cell_indices_nh": local_cell_indices_nh, "W": W}


def gather_nh_data(x, local_cell_indices_nh):
    # Faithful port of gather_nh_data with batch_sample_indices=0 and
    # sampled_level == global_level (single full-grid sample), so the
    # batch offset term (batch_sample_indices * 4**(sl-gl)) is zero.
    b, n, e = x.shape
    nh = local_cell_indices_nh.shape[-1]
    idx = local_cell_indices_nh.reshape(b, -1)  # [b, n*nh]
    gathered = jnp.take_along_axis(x, idx[..., None], axis=1)  # [b, n*nh, e]
    return gathered.reshape(b, n, nh, e)


def reference(x, local_cell_indices_nh, W):
    # ICON grid_layer.get_nh neighborhood gather followed by a projection
    # (proj_data-style reduction over the neighborhood axis + linear map).
    x_nh = gather_nh_data(x, local_cell_indices_nh)   # [b, n, nh, d]
    agg = x_nh.mean(axis=2)                            # [b, n, d]
    out = agg @ W                                      # [b, n, d]
    return out

if __name__ == "__main__":
    import jax
    _d = setup_inputs()
    print(jax.jit(kernel)(*tuple(_d.values())))

</pallas_src>

<mosaic_0001>
#map = affine_map<(d0, d1) -> (0, 0)>
#map1 = affine_map<(d0, d1) -> (0, 0, 0)>
module attributes {stable_mosaic.version = 14 : i64} {
  func.func @k(%arg0: i32, %arg1: i32, %arg2: memref<80000x64xi32, #tpu.memory_space<hbm>>, %arg3: memref<8x16x10000xi32, #tpu.memory_space<hbm>>, %arg4: memref<80000x128xf32, #tpu.memory_space<hbm>>, %arg5: memref<16x40xi32, #tpu.memory_space<vmem>>, %arg6: memref<16x40xi32, #tpu.memory_space<vmem>>, %arg7: memref<640xi32, #tpu.memory_space<vmem>>, %arg8: memref<640xi32, #tpu.memory_space<vmem>>, %arg9: memref<640x64xi32, #tpu.memory_space<vmem>>, %arg10: memref<640x64xi32, #tpu.memory_space<vmem>>, %arg11: memref<40x128xf32, #tpu.memory_space<vmem>>, %arg12: memref<40x128xf32, #tpu.memory_space<vmem>>, %arg13: memref<!tpu.dma_semaphore, #tpu.memory_space<semaphore_mem>>, %arg14: memref<!tpu.dma_semaphore, #tpu.memory_space<semaphore_mem>>, %arg15: memref<!tpu.dma_semaphore, #tpu.memory_space<semaphore_mem>>, %arg16: memref<!tpu.dma_semaphore, #tpu.memory_space<semaphore_mem>>, %arg17: memref<!tpu.dma_semaphore, #tpu.memory_space<semaphore_mem>>, %arg18: memref<!tpu.dma_semaphore, #tpu.memory_space<semaphore_mem>>) attributes {dimension_semantics = [#tpu.dimension_semantics<core_parallel>, #tpu.dimension_semantics<subcore_parallel>], iteration_bounds = array<i64: 2, 16>, scalar_prefetch = 0 : i64, scratch_operands = 14 : i64, tpu.core_type = #tpu.core_type<sc_vector_subcore>, window_params = [{transform_indices = #map}, {transform_indices = #map1}, {transform_indices = #map}]} {
    %mul3A = arith.constant 2 : i32
    %mul3A_0 = arith.muli %arg1, %mul3A : i32
    %add3A = arith.addi %mul3A_0, %arg0 : i32
    %add3A_1 = arith.constant 0 : i32
    %add3A_2 = arith.addi %add3A, %add3A_1 : i32
    %lt3A = arith.constant 2000 : i32
    %lt3A_3 = arith.cmpi slt, %add3A_2, %lt3A : i32
    %convert_element_type3A = arith.extui %lt3A_3 : i1 to i32
    %cond3A = arith.constant 0 : i32
    %cond3A_4 = arith.cmpi ne, %convert_element_type3A, %cond3A : i32
    scf.if %cond3A_4 {
      %add3A_149 = arith.constant 0 : i32
      %add3A_150 = arith.addi %add3A, %add3A_149 : i32
      %jit3A_151 = arith.constant 250 : i32
      %div3A_152 = arith.divsi %add3A_150, %jit3A_151 : i32
      %sign3A_153 = arith.constant 0 : i32
      %sign3A_154 = arith.cmpi sgt, %add3A_150, %sign3A_153 : i32
      %sign3A_155 = arith.extui %sign3A_154 : i1 to i32
      %sign3A_156 = arith.constant 0 : i32
      %sign3A_157 = arith.cmpi slt, %add3A_150, %sign3A_156 : i32
      %sign3A_158 = arith.extui %sign3A_157 : i1 to i32
      %sign3A_159 = arith.subi %sign3A_155, %sign3A_158 : i32
      %sign3A_160 = arith.constant 0 : i32
      %sign3A_161 = arith.cmpi sgt, %jit3A_151, %sign3A_160 : i32
      %sign3A_162 = arith.extui %sign3A_161 : i1 to i32
      %sign3A_163 = arith.constant 0 : i32
      %sign3A_164 = arith.cmpi slt, %jit3A_151, %sign3A_163 : i32
      %sign3A_165 = arith.extui %sign3A_164 : i1 to i32
      %sign3A_166 = arith.subi %sign3A_162, %sign3A_165 : i32
      %ne3A_167 = arith.cmpi ne, %sign3A_159, %sign3A_166 : i32
      %rem3A_168 = arith.remsi %add3A_150, %jit3A_151 : i32
      %ne3A_169 = arith.constant 0 : i32
      %ne3A_170 = arith.cmpi ne, %rem3A_168, %ne3A_169 : i32
      %and3A_171 = arith.andi %ne3A_167, %ne3A_170 : i1
      %sub3A_172 = arith.constant 1 : i32
      %sub3A_173 = arith.subi %div3A_152, %sub3A_172 : i32
      %select_n3A_174 = arith.select %and3A_171, %sub3A_173, %div3A_152 : i32
      %jit3A_175 = arith.constant 250 : i32
      %eq3A_176 = arith.constant 0 : i32
      %eq3A_177 = arith.cmpi eq, %jit3A_175, %eq3A_176 : i32
      %jit3A_178 = arith.constant 1 : i32
      %select_n3A_179 = arith.select %eq3A_177, %jit3A_178, %jit3A_175 : i32
      %rem3A_180 = arith.remsi %add3A_150, %select_n3A_179 : i32
      %ne3A_181 = arith.constant 0 : i32
      %ne3A_182 = arith.cmpi ne, %rem3A_180, %ne3A_181 : i32
      %lt3A_183 = arith.constant 0 : i32
      %lt3A_184 = arith.cmpi slt, %rem3A_180, %lt3A_183 : i32
      %lt3A_185 = arith.constant 0 : i32
      %lt3A_186 = arith.cmpi slt, %select_n3A_179, %lt3A_185 : i32
      %ne3A_187 = arith.xori %lt3A_184, %lt3A_186 : i1
      %and3A_188 = arith.andi %ne3A_187, %ne3A_182 : i1
      %add3A_189 = arith.addi %rem3A_180, %select_n3A_179 : i32
      %select_n3A_190 = arith.select %and3A_188, %add3A_189, %rem3A_180 : i32
      %mul3A_191 = arith.constant 40 : i32
      %mul3A_192 = arith.muli %select_n3A_190, %mul3A_191 : i32
      %dma_start3A = arith.constant 0 : i32
      %dma_start3A_193 = tpu.memref_slice %arg3[%select_n3A_174, %dma_start3A, %mul3A_192] : memref<8x16x10000xi32, #tpu.memory_space<hbm>> -> memref<1x16x40xi32, #tpu.memory_space<hbm>>
      %dma_start3A_194 = tpu.memref_squeeze %dma_start3A_193 : memref<1x16x40xi32, #tpu.memory_space<hbm>> -> memref<16x40xi32, #tpu.memory_space<hbm>>
      %dma_start3A_195 = arith.constant 0 : i32
      %dma_start3A_196 = tpu.memref_slice %arg3[%select_n3A_174, %dma_start3A_195, %mul3A_192] : memref<8x16x10000xi32, #tpu.memory_space<hbm>> -> memref<1x16x40xi32, #tpu.memory_space<hbm>>
      %dma_start3A_197 = tpu.memref_squeeze %dma_start3A_196 : memref<1x16x40xi32, #tpu.memory_space<hbm>> -> memref<16x40xi32, #tpu.memory_space<hbm>>
      tpu.enqueue_dma source(%dma_start3A_197 : memref<16x40xi32, #tpu.memory_space<hbm>>) target(%arg5 : memref<16x40xi32, #tpu.memory_space<vmem>>) target_semaphore(%arg17 : memref<!tpu.dma_semaphore, #tpu.memory_space<semaphore_mem>>)
    } else {
    }
    %add3A_5 = arith.constant 32 : i32
    %add3A_6 = arith.addi %add3A, %add3A_5 : i32
    %lt3A_7 = arith.constant 2000 : i32
    %lt3A_8 = arith.cmpi slt, %add3A_6, %lt3A_7 : i32
    %convert_element_type3A_9 = arith.extui %lt3A_8 : i1 to i32
    %cond3A_10 = arith.constant 0 : i32
    %cond3A_11 = arith.cmpi ne, %convert_element_type3A_9, %cond3A_10 : i32
    scf.if %cond3A_11 {
      %add3A_149 = arith.constant 32 : i32
      %add3A_150 = arith.addi %add3A, %add3A_149 : i32
      %jit3A_151 = arith.constant 250 : i32
      %div3A_152 = arith.divsi %add3A_150, %jit3A_151 : i32
      %sign3A_153 = arith.constant 0 : i32
      %sign3A_154 = arith.cmpi sgt, %add3A_150, %sign3A_153 : i32
      %sign3A_155 = arith.extui %sign3A_154 : i1 to i32
      %sign3A_156 = arith.constant 0 : i32
      %sign3A_157 = arith.cmpi slt, %add3A_150, %sign3A_156 : i32
      %sign3A_158 = arith.extui %sign3A_157 : i1 to i32
      %sign3A_159 = arith.subi %sign3A_155, %sign3A_158 : i32
      %sign3A_160 = arith.constant 0 : i32
      %sign3A_161 = arith.cmpi sgt, %jit3A_151, %sign3A_160 : i32
      %sign3A_162 = arith.extui %sign3A_161 : i1 to i32
      %sign3A_163 = arith.constant 0 : i32
      %sign3A_164 = arith.cmpi slt, %jit3A_151, %sign3A_163 : i32
      %sign3A_165 = arith.extui %sign3A_164 : i1 to i32
      %sign3A_166 = arith.subi %sign3A_162, %sign3A_165 : i32
      %ne3A_167 = arith.cmpi ne, %sign3A_159, %sign3A_166 : i32
      %rem3A_168 = arith.remsi %add3A_150, %jit3A_151 : i32
      %ne3A_169 = arith.constant 0 : i32
      %ne3A_170 = arith.cmpi ne, %rem3A_168, %ne3A_169 : i32
      %and3A_171 = arith.andi %ne3A_167, %ne3A_170 : i1
      %sub3A_172 = arith.constant 1 : i32
      %sub3A_173 = arith.subi %div3A_152, %sub3A_172 : i32
      %select_n3A_174 = arith.select %and3A_171, %sub3A_173, %div3A_152 : i32
      %jit3A_175 = arith.constant 250 : i32
      %eq3A_176 = arith.constant 0 : i32
      %eq3A_177 = arith.cmpi eq, %jit3A_175, %eq3A_176 : i32
      %jit3A_178 = arith.constant 1 : i32
      %select_n3A_179 = arith.select %eq3A_177, %jit3A_178, %jit3A_175 : i32
      %rem3A_180 = arith.remsi %add3A_150, %select_n3A_179 : i32
      %ne3A_181 = arith.constant 0 : i32
      %ne3A_182 = arith.cmpi ne, %rem3A_180, %ne3A_181 : i32
      %lt3A_183 = arith.constant 0 : i32
      %lt3A_184 = arith.cmpi slt, %rem3A_180, %lt3A_183 : i32
      %lt3A_185 = arith.constant 0 : i32
      %lt3A_186 = arith.cmpi slt, %select_n3A_179, %lt3A_185 : i32
      %ne3A_187 = arith.xori %lt3A_184, %lt3A_186 : i1
      %and3A_188 = arith.andi %ne3A_187, %ne3A_182 : i1
      %add3A_189 = arith.addi %rem3A_180, %select_n3A_179 : i32
      %select_n3A_190 = arith.select %and3A_188, %add3A_189, %rem3A_180 : i32
      %mul3A_191 = arith.constant 40 : i32
      %mul3A_192 = arith.muli %select_n3A_190, %mul3A_191 : i32
      %dma_start3A = arith.constant 0 : i32
      %dma_start3A_193 = tpu.memref_slice %arg3[%select_n3A_174, %dma_start3A, %mul3A_192] : memref<8x16x10000xi32, #tpu.memory_space<hbm>> -> memref<1x16x40xi32, #tpu.memory_space<hbm>>
      %dma_start3A_194 = tpu.memref_squeeze %dma_start3A_193 : memref<1x16x40xi32, #tpu.memory_space<hbm>> -> memref<16x40xi32, #tpu.memory_space<hbm>>
      %dma_start3A_195 = arith.constant 0 : i32
      %dma_start3A_196 = tpu.memref_slice %arg3[%select_n3A_174, %dma_start3A_195, %mul3A_192] : memref<8x16x10000xi32, #tpu.memory_space<hbm>> -> memref<1x16x40xi32, #tpu.memory_space<hbm>>
      %dma_start3A_197 = tpu.memref_squeeze %dma_start3A_196 : memref<1x16x40xi32, #tpu.memory_space<hbm>> -> memref<16x40xi32, #tpu.memory_space<hbm>>
      tpu.enqueue_dma source(%dma_start3A_197 : memref<16x40xi32, #tpu.memory_space<hbm>>) target(%arg6 : memref<16x40xi32, #tpu.memory_space<vmem>>) target_semaphore(%arg18 : memref<!tpu.dma_semaphore, #tpu.memory_space<semaphore_mem>>)
    } else {
    }
    %add3A_12 = arith.constant 0 : i32
    %add3A_13 = arith.addi %add3A, %add3A_12 : i32
    %lt3A_14 = arith.constant 2000 : i32
    %lt3A_15 = arith.cmpi slt, %add3A_13, %lt3A_14 : i32
    %convert_element_type3A_16 = arith.extui %lt3A_15 : i1 to i32
    %cond3A_17 = arith.constant 0 : i32
    %cond3A_18 = arith.cmpi ne, %convert_element_type3A_16, %cond3A_17 : i32
    scf.if %cond3A_18 {
      %add3A_149 = arith.constant 0 : i32
      %add3A_150 = arith.addi %add3A, %add3A_149 : i32
      %jit3A_151 = arith.constant 250 : i32
      %div3A_152 = arith.divsi %add3A_150, %jit3A_151 : i32
      %sign3A_153 = arith.constant 0 : i32
      %sign3A_154 = arith.cmpi sgt, %add3A_150, %sign3A_153 : i32
      %sign3A_155 = arith.extui %sign3A_154 : i1 to i32
      %sign3A_156 = arith.constant 0 : i32
      %sign3A_157 = arith.cmpi slt, %add3A_150, %sign3A_156 : i32
      %sign3A_158 = arith.extui %sign3A_157 : i1 to i32
      %sign3A_159 = arith.subi %sign3A_155, %sign3A_158 : i32
      %sign3A_160 = arith.constant 0 : i32
      %sign3A_161 = arith.cmpi sgt, %jit3A_151, %sign3A_160 : i32
      %sign3A_162 = arith.extui %sign3A_161 : i1 to i32
      %sign3A_163 = arith.constant 0 : i32
      %sign3A_164 = arith.cmpi slt, %jit3A_151, %sign3A_163 : i32
      %sign3A_165 = arith.extui %sign3A_164 : i1 to i32
      %sign3A_166 = arith.subi %sign3A_162, %sign3A_165 : i32
      %ne3A_167 = arith.cmpi ne, %sign3A_159, %sign3A_166 : i32
      %rem3A_168 = arith.remsi %add3A_150, %jit3A_151 : i32
      %ne3A_169 = arith.constant 0 : i32
      %ne3A_170 = arith.cmpi ne, %rem3A_168, %ne3A_169 : i32
      %and3A_171 = arith.andi %ne3A_167, %ne3A_170 : i1
      %sub3A_172 = arith.constant 1 : i32
      %sub3A_173 = arith.subi %div3A_152, %sub3A_172 : i32
      %select_n3A_174 = arith.select %and3A_171, %sub3A_173, %div3A_152 : i32
      %jit3A_175 = arith.constant 250 : i32
      %eq3A_176 = arith.constant 0 : i32
      %eq3A_177 = arith.cmpi eq, %jit3A_175, %eq3A_176 : i32
      %jit3A_178 = arith.constant 1 : i32
      %select_n3A_179 = arith.select %eq3A_177, %jit3A_178, %jit3A_175 : i32
      %rem3A_180 = arith.remsi %add3A_150, %select_n3A_179 : i32
      %ne3A_181 = arith.constant 0 : i32
      %ne3A_182 = arith.cmpi ne, %rem3A_180, %ne3A_181 : i32
      %lt3A_183 = arith.constant 0 : i32
      %lt3A_184 = arith.cmpi slt, %rem3A_180, %lt3A_183 : i32
      %lt3A_185 = arith.constant 0 : i32
      %lt3A_186 = arith.cmpi slt, %select_n3A_179, %lt3A_185 : i32
      %ne3A_187 = arith.xori %lt3A_184, %lt3A_186 : i1
      %and3A_188 = arith.andi %ne3A_187, %ne3A_182 : i1
      %add3A_189 = arith.addi %rem3A_180, %select_n3A_179 : i32
      %select_n3A_190 = arith.select %and3A_188, %add3A_189, %rem3A_180 : i32
      %mul3A_191 = arith.constant 40 : i32
      %mul3A_192 = arith.muli %select_n3A_190, %mul3A_191 : i32
      %dma_wait3A = arith.constant 0 : i32
      %dma_wait3A_193 = tpu.memref_slice %arg3[%select_n3A_174, %dma_wait3A, %mul3A_192] : memref<8x16x10000xi32, #tpu.memory_space<hbm>> -> memref<1x16x40xi32, #tpu.memory_space<hbm>>
      %dma_wait3A_194 = tpu.memref_squeeze %dma_wait3A_193 : memref<1x16x40xi32, #tpu.memory_space<hbm>> -> memref<16x40xi32, #tpu.memory_space<hbm>>
      %dma_wait3A_195 = arith.constant 0 : i32
      %dma_wait3A_196 = tpu.memref_slice %arg3[%select_n3A_174, %dma_wait3A_195, %mul3A_192] : memref<8x16x10000xi32, #tpu.memory_space<hbm>> -> memref<1x16x40xi32, #tpu.memory_space<hbm>>
      %dma_wait3A_197 = tpu.memref_squeeze %dma_wait3A_196 : memref<1x16x40xi32, #tpu.memory_space<hbm>> -> memref<16x40xi32, #tpu.memory_space<hbm>>
      tpu.wait_dma2 semaphore(%arg17 : memref<!tpu.dma_semaphore, #tpu.memory_space<semaphore_mem>>) src(%dma_wait3A_197 : memref<16x40xi32, #tpu.memory_space<hbm>>) dst(%arg5 : memref<16x40xi32, #tpu.memory_space<vmem>>)
      %jit3A_198 = arith.constant 250 : i32
      %div3A_199 = arith.divsi %add3A_13, %jit3A_198 : i32
      %sign3A_200 = arith.constant 0 : i32
      %sign3A_201 = arith.cmpi sgt, %add3A_13, %sign3A_200 : i32
      %sign3A_202 = arith.extui %sign3A_201 : i1 to i32
      %sign3A_203 = arith.constant 0 : i32
      %sign3A_204 = arith.cmpi slt, %add3A_13, %sign3A_203 : i32
      %sign3A_205 = arith.extui %sign3A_204 : i1 to i32
      %sign3A_206 = arith.subi %sign3A_202, %sign3A_205 : i32
      %sign3A_207 = arith.constant 0 : i32
      %sign3A_208 = arith.cmpi sgt, %jit3A_198, %sign3A_207 : i32
      %sign3A_209 = arith.extui %sign3A_208 : i1 to i32
      %sign3A_210 = arith.constant 0 : i32
      %sign3A_211 = arith.cmpi slt, %jit3A_198, %sign3A_210 : i32
      %sign3A_212 = arith.extui %sign3A_211 : i1 to i32
      %sign3A_213 = arith.subi %sign3A_209, %sign3A_212 : i32
      %ne3A_214 = arith.cmpi ne, %sign3A_206, %sign3A_213 : i32
      %rem3A_215 = arith.remsi %add3A_13, %jit3A_198 : i32
      %ne3A_216 = arith.constant 0 : i32
      %ne3A_217 = arith.cmpi ne, %rem3A_215, %ne3A_216 : i32
      %and3A_218 = arith.andi %ne3A_214, %ne3A_217 : i1
      %sub3A_219 = arith.constant 1 : i32
      %sub3A_220 = arith.subi %div3A_199, %sub3A_219 : i32
      %select_n3A_221 = arith.select %and3A_218, %sub3A_220, %div3A_199 : i32
      %mul3A_222 = arith.constant 10000 : i32
      %mul3A_223 = arith.muli %select_n3A_221, %mul3A_222 : i32
      %broadcast_in_dim3A = vector.broadcast %mul3A_223 : i32 to vector<16xi32>
      %broadcast_in_dim3A_224 = arith.constant 40000 : i32
      %broadcast_in_dim3A_225 = vector.broadcast %broadcast_in_dim3A_224 : i32 to vector<16xi32>
      %broadcast_in_dim3A_226 = arith.constant 79999 : i32
      %broadcast_in_dim3A_227 = vector.broadcast %broadcast_in_dim3A_226 : i32 to vector<16xi32>
      %broadcast_in_dim3A_228 = arith.constant 0 : i32
      %broadcast_in_dim3A_229 = vector.broadcast %broadcast_in_dim3A_228 : i32 to vector<16xi32>
      %get3A = arith.constant 0 : i32
      %get3A_230 = arith.index_cast %get3A : i32 to index
      %get3A_231 = arith.constant 0 : index
      %get3A_232 = tpu.vector_load %arg5[%get3A_230, %get3A_231] {strides = array<i32>} : memref<16x40xi32, #tpu.memory_space<vmem>>, vector<1x16xi32>,
      %get3A_233 = vector.shape_cast %get3A_232 : vector<1x16xi32> to vector<16xi32>
      %add3A_234 = arith.addi %get3A_233, %broadcast_in_dim3A : vector<16xi32>
      %add3A_235 = arith.addi %add3A_234, %add3A_234 : vector<16xi32>
      %ge3A_236 = arith.cmpi sge, %add3A_234, %broadcast_in_dim3A_225 : vector<16xi32>
      %select_n3A_237 = arith.select %ge3A_236, %broadcast_in_dim3A_227, %broadcast_in_dim3A_229 : vector<16xi1>, vector<16xi32>
      %sub3A_238 = arith.subi %add3A_235, %select_n3A_237 : vector<16xi32>
      %swap3A = arith.constant 0 : index
      %swap3A_239 = tpu.vector_load %arg7[%swap3A] {strides = array<i32>} : memref<640xi32, #tpu.memory_space<vmem>>, vector<16xi32>,
      %swap3A_240 = vector.shape_cast %swap3A_239 : vector<16xi32> to vector<16xi32>
      %swap3A_241 = vector.shape_cast %sub3A_238 : vector<16xi32> to vector<16xi32>
      tpu.vector_store %arg7[%swap3A], %swap3A_241 {strides = array<i32>} : memref<640xi32, #tpu.memory_space<vmem>>, vector<16xi32>,
      %get3A_242 = arith.constant 0 : i32
      %get3A_243 = arith.index_cast %get3A_242 : i32 to index
      %get3A_244 = arith.constant 16 : index
      %get3A_245 = tpu.vector_load %arg5[%get3A_243, %get3A_244] {strides = array<i32>} : memref<16x40xi32, #tpu.memory_space<vmem>>, vector<1x16xi32>,
      %get3A_246 = vector.shape_cast %get3A_245 : vector<1x16xi32> to vector<16xi32>
      %add3A_247 = arith.addi %get3A_246, %broadcast_in_dim3A : vector<16xi32>
      %add3A_248 = arith.addi %add3A_247, %add3A_247 : vector<16xi32>
      %ge3A_249 = arith.cmpi sge, %add3A_247, %broadcast_in_dim3A_225 : vector<16xi32>
      %select_n3A_250 = arith.select %ge3A_249, %broadcast_in_dim3A_227, %broadcast_in_dim3A_229 : vector<16xi1>, vector<16xi32>
      %sub3A_251 = arith.subi %add3A_248, %select_n3A_250 : vector<16xi32>
      %swap3A_252 = arith.constant 16 : index
      %swap3A_253 = tpu.vector_load %arg7[%swap3A_252] {strides = array<i32>} : memref<640xi32, #tpu.memory_space<vmem>>, vector<16xi32>,
      %swap3A_254 = vector.shape_cast %swap3A_253 : vector<16xi32> to vector<16xi32>
      %swap3A_255 = vector.shape_cast %sub3A_251 : vector<16xi32> to vector<16xi32>
      tpu.vector_store %arg7[%swap3A_252], %swap3A_255 {strides = array<i32>} : memref<640xi32, #tpu.memory_space<vmem>>, vector<16xi32>,
      %get3A_256 = arith.constant 0 : i32
      %get3A_257 = arith.index_cast %get3A_256 : i32 to index
      %get3A_258 = arith.constant 24 : index
      %get3A_259 = tpu.vector_load %arg5[%get3A_257, %get3A_258] {strides = array<i32>} : memref<16x40xi32, #tpu.memory_space<vmem>>, vector<1x16xi32>,
      %get3A_260 = vector.shape_cast %get3A_259 : vector<1x16xi32> to vector<16xi32>
      %add3A_261 = arith.addi %get3A_260, %broadcast_in_dim3A : vector<16xi32>
      %add3A_262 = arith.addi %add3A_261, %add3A_261 : vector<16xi32>
      %ge3A_263 = arith.cmpi sge, %add3A_261, %broadcast_in_dim3A_225 : vector<16xi32>
      %select_n3A_264 = arith.select %ge3A_263, %broadcast_in_dim3A_227, %broadcast_in_dim3A_229 : vector<16xi1>, vector<16xi32>
      %sub3A_265 = arith.subi %add3A_262, %select_n3A_264 : vector<16xi32>
      %swap3A_266 = arith.constant 24 : index
      %swap3A_267 = tpu.vector_load %arg7[%swap3A_266] {strides = array<i32>} : memref<640xi32, #tpu.memory_space<vmem>>, vector<16xi32>,
      %swap3A_268 = vector.shape_cast %swap3A_267 : vector<16xi32> to vector<16xi32>
      %swap3A_269 = vector.shape_cast %sub3A_265 : vector<16xi32> to vector<16xi32>
      tpu.vector_store %arg7[%swap3A_266], %swap3A_269 {strides = array<i32>} : memref<640xi32, #tpu.memory_space<vmem>>, vector<16xi32>,
      %get3A_270 = arith.constant 1 : i32
      %get3A_271 = arith.index_cast %get3A_270 : i32 to index
      %get3A_272 = arith.constant 0 : index
      %get3A_273 = tpu.vector_load %arg5[%get3A_271, %get3A_272] {strides = array<i32>} : memref<16x40xi32, #tpu.memory_space<vmem>>, vector<1x16xi32>,
      %get3A_274 = vector.shape_cast %get3A_273 : vector<1x16xi32> to vector<16xi32>
      %add3A_275 = arith.addi %get3A_274, %broadcast_in_dim3A : vector<16xi32>
      %add3A_276 = arith.addi %add3A_275, %add3A_275 : vector<16xi32>
      %ge3A_277 = arith.cmpi sge, %add3A_275, %broadcast_in_dim3A_225 : vector<16xi32>
      %select_n3A_278 = arith.select %ge3A_277, %broadcast_in_dim3A_227, %broadcast_in_dim3A_229 : vector<16xi1>, vector<16xi32>
      %sub3A_279 = arith.subi %add3A_276, %select_n3A_278 : vector<16xi32>
      %swap3A_280 = arith.constant 40 : index
      %swap3A_281 = tpu.vector_load %arg7[%swap3A_280] {strides = array<i32>} : memref<640xi32, #tpu.memory_space<vmem>>, vector<16xi32>,
      %swap3A_282 = vector.shape_cast %swap3A_281 : vector<16xi32> to vector<16xi32>
      %swap3A_283 = vector.shape_cast %sub3A_279 : vector<16xi32> to vector<16xi32>
      tpu.vector_store %arg7[%swap3A_280], %swap3A_283 {strides = array<i32>} : memref<640xi32, #tpu.memory_space<vmem>>, vector<16xi32>,
      %get3A_284 = arith.constant 1 : i32
      %get3A_285 = arith.index_cast %get3A_284 : i32 to index
      %get3A_286 = arith.constant 16 : index
      %get3A_287 = tpu.vector_load %arg5[%get3A_285, %get3A_286] {strides = array<i32>} : memref<16x40xi32, #tpu.memory_space<vmem>>, vector<1x16xi32>,
      %get3A_288 = vector.shape_cast %get3A_287 : vector<1x16xi32> to vector<16xi32>
      %add3A_289 = arith.addi %get3A_288, %broadcast_in_dim3A : vector<16xi32>
      %add3A_290 = arith.addi %add3A_289, %add3A_289 : vector<16xi32>
      %ge3A_291 = arith.cmpi sge, %add3A_289, %broadcast_in_dim3A_225 : vector<16xi32>
      %select_n3A_292 = arith.select %ge3A_291, %broadcast_in_dim3A_227, %broadcast_in_dim3A_229 : vector<16xi1>, vector<16xi32>
      %sub3A_293 = arith.subi %add3A_290, %select_n3A_292 : vector<16xi32>
      %swap3A_294 = arith.constant 56 : index
      %swap3A_295 = tpu.vector_load %arg7[%swap3A_294] {strides = array<i32>} : memref<640xi32, #tpu.memory_space<vmem>>, vector<16xi32>,
      %swap3A_296 = vector.shape_cast %swap3A_295 : vector<16xi32> to vector<16xi32>
      %swap3A_297 = vector.shape_cast %sub3A_293 : vector<16xi32> to vector<16xi32>
      tpu.vector_store %arg7[%swap3A_294], %swap3A_297 {strides = array<i32>} : memref<640xi32, #tpu.memory_space<vmem>>, vector<16xi32>,
      %get3A_298 = arith.constant 1 : i32
      %get3A_299 = arith.index_cast %get3A_298 : i32 to index
      %get3A_300 = arith.constant 24 : index
      %get3A_301 = tpu.vector_load %arg5[%get3A_299, %get3A_300] {strides = array<i32>} : memref<16x40xi32, #tpu.memory_space<vmem>>, vector<1x16xi32>,
      %get3A_302 = vector.shape_cast %get3A_301 : vector<1x16xi32> to vector<16xi32>
      %add3A_303 = arith.addi %get3A_302, %broadcast_in_dim3A : vector<16xi32>
      %add3A_304 = arith.addi %add3A_303, %add3A_303 : vector<16xi32>
      %ge3A_305 = arith.cmpi sge, %add3A_303, %broadcast_in_dim3A_225 : vector<16xi32>
      %select_n3A_306 = arith.select %ge3A_305, %broadcast_in_dim3A_227, %broadcast_in_dim3A_229 : vector<16xi1>, vector<16xi32>
      %sub3A_307 = arith.subi %add3A_304, %select_n3A_306 : vector<16xi32>
      %swap3A_308 = arith.constant 64 : index
      %swap3A_309 = tpu.vector_load %arg7[%swap3A_308] {strides = array<i32>} : memref<640xi32, #tpu.memory_space<vmem>>, vector<16xi32>,
      %swap3A_310 = vector.shape_cast %swap3A_309 : vector<16xi32> to vector<16xi32>
      %swap3A_311 = vector.shape_cast %sub3A_307 : vector<16xi32> to vector<16xi32>
      tpu.vector_store %arg7[%swap3A_308], %swap3A_311 {strides = array<i32>} : memref<640xi32, #tpu.memory_space<vmem>>, vector<16xi32>,
      %get3A_312 = arith.constant 2 : i32
      %get3A_313 = arith.index_cast %get3A_312 : i32 to index
      %get3A_314 = arith.constant 0 : index
      %get3A_315 = tpu.vector_load %arg5[%get3A_313, %get3A_314] {strides = array<i32>} : memref<16x40xi32, #tpu.memory_space<vmem>>, vector<1x16xi32>,
      %get3A_316 = vector.shape_cast %get3A_315 : vector<1x16xi32> to vector<16xi32>
      %add3A_317 = arith.addi %get3A_316, %broadcast_in_dim3A : vector<16xi32>
      %add3A_318 = arith.addi %add3A_317, %add3A_317 : vector<16xi32>
      %ge3A_319 = arith.cmpi sge, %add3A_317, %broadcast_in_dim3A_225 : vector<16xi32>
      %select_n3A_320 = arith.select %ge3A_319, %broadcast_in_dim3A_227, %broadcast_in_dim3A_229 : vector<16xi1>, vector<16xi32>
      %sub3A_321 = arith.subi %add3A_318, %select_n3A_320 : vector<16xi32>
      %swap3A_322 = arith.constant 80 : index
      %swap3A_323 = tpu.vector_load %arg7[%swap3A_322] {strides = array<i32>} : memref<640xi32, #tpu.memory_space<vmem>>, vector<16xi32>,
      %swap3A_324 = vector.shape_cast %swap3A_323 : vector<16xi32> to vector<16xi32>
      %swap3A_325 = vector.shape_cast %sub3A_321 : vector<16xi32> to vector<16xi32>
      tpu.vector_store %arg7[%swap3A_322], %swap3A_325 {strides = array<i32>} : memref<640xi32, #tpu.memory_space<vmem>>, vector<16xi32>,
      %get3A_326 = arith.constant 2 : i32
      %get3A_327 = arith.index_cast %get3A_326 : i32 to index
      %get3A_328 = arith.constant 16 : index
      %get3A_329 = tpu.vector_load %arg5[%get3A_327, %get3A_328] {strides = array<i32>} : memref<16x40xi32, #tpu.memory_space<vmem>>, vector<1x16xi32>,
      %get3A_330 = vector.shape_cast %get3A_329 : vector<1x16xi32> to vector<16xi32>
      %add3A_331 = arith.addi %get3A_330, %broadcast_in_dim3A : vector<16xi32>
      %add3A_332 = arith.addi %add3A_331, %add3A_331 : vector<16xi32>
      %ge3A_333 = arith.cmpi sge, %add3A_331, %broadcast_in_dim3A_225 : vector<16xi32>
      %select_n3A_334 = arith.select %ge3A_333, %broadcast_in_dim3A_227, %broadcast_in_dim3A_229 : vector<16xi1>, vector<16xi32>
      %sub3A_335 = arith.subi %add3A_332, %select_n3A_334 : vector<16xi32>
      %swap3A_336 = arith.constant 96 : index
      %swap3A_337 = tpu.vector_load %arg7[%swap3A_336] {strides = array<i32>} : memref<640xi32, #tpu.memory_space<vmem>>, vector<16xi32>,
      %swap3A_338 = vector.shape_cast %swap3A_337 : vector<16xi32> to vector<16xi32>
      %swap3A_339 = vector.shape_cast %sub3A_335 : vector<16xi32> to vector<16xi32>
      tpu.vector_store %arg7[%swap3A_336], %swap3A_339 {strides = array<i32>} : memref<640xi32, #tpu.memory_space<vmem>>, vector<16xi32>,
      %get3A_340 = arith.constant 2 : i32
      %get3A_341 = arith.index_cast %get3A_340 : i32 to index
      %get3A_342 = arith.constant 24 : index
      %get3A_343 = tpu.vector_load %arg5[%get3A_341, %get3A_342] {strides = array<i32>} : memref<16x40xi32, #tpu.memory_space<vmem>>, vector<1x16xi32>,
      %get3A_344 = vector.shape_cast %get3A_343 : vector<1x16xi32> to vector<16xi32>
      %add3A_345 = arith.addi %get3A_344, %broadcast_in_dim3A : vector<16xi32>
      %add3A_346 = arith.addi %add3A_345, %add3A_345 : vector<16xi32>
      %ge3A_347 = arith.cmpi sge, %add3A_345, %broadcast_in_dim3A_225 : vector<16xi32>
      %select_n3A_348 = arith.select %ge3A_347, %broadcast_in_dim3A_227, %broadcast_in_dim3A_229 : vector<16xi1>, vector<16xi32>
      %sub3A_349 = arith.subi %add3A_346, %select_n3A_348 : vector<16xi32>
      %swap3A_350 = arith.constant 104 : index
      %swap3A_351 = tpu.vector_load %arg7[%swap3A_350] {strides = array<i32>} : memref<640xi32, #tpu.memory_space<vmem>>, vector<16xi32>,
      %swap3A_352 = vector.shape_cast %swap3A_351 : vector<16xi32> to vector<16xi32>
      %swap3A_353 = vector.shape_cast %sub3A_349 : vector<16xi32> to vector<16xi32>
      tpu.vector_store %arg7[%swap3A_350], %swap3A_353 {strides = array<i32>} : memref<640xi32, #tpu.memory_space<vmem>>, vector<16xi32>,
      %get3A_354 = arith.constant 3 : i32
      %get3A_355 = arith.index_cast %get3A_354 : i32 to index
      %get3A_356 = arith.constant 0 : index
      %get3A_357 = tpu.vector_load %arg5[%get3A_355, %get3A_356] {strides = array<i32>} : memref<16x40xi32, #tpu.memory_space<vmem>>, vector<1x16xi32>,
      %get3A_358 = vector.shape_cast %get3A_357 : vector<1x16xi32> to vector<16xi32>
      %add3A_359 = arith.addi %get3A_358, %broadcast_in_dim3A : vector<16xi32>
      %add3A_360 = arith.addi %add3A_359, %add3A_359 : vector<16xi32>
      %ge3A_361 = arith.cmpi sge, %add3A_359, %broadcast_in_dim3A_225 : vector<16xi32>
      %select_n3A_362 = arith.select %ge3A_361, %broadcast_in_dim3A_227, %broadcast_in_dim3A_229 : vector<16xi1>, vector<16xi32>
      %sub3A_363 = arith.subi %add3A_360, %select_n3A_362 : vector<16xi32>
      %swap3A_364 = arith.constant 120 : index
      %swap3A_365 = tpu.vector_load %arg7[%swap3A_364] {strides = array<i32>} : memref<640xi32, #tpu.memory_space<vmem>>, vector<16xi32>,
      %swap3A_366 = vector.shape_cast %swap3A_365 : vector<16xi32> to vector<16xi32>
      %swap3A_367 = vector.shape_cast %sub3A_363 : vector<16xi32> to vector<16xi32>
      tpu.vector_store %arg7[%swap3A_364], %swap3A_367 {strides = array<i32>} : memref<640xi32, #tpu.memory_space<vmem>>, vector<16xi32>,
      %get3A_368 = arith.constant 3 : i32
      %get3A_369 = arith.index_cast %get3A_368 : i32 to index
      %get3A_370 = arith.constant 16 : index
      %get3A_371 = tpu.vector_load %arg5[%get3A_369, %get3A_370] {strides = array<i32>} : memref<16x40xi32, #tpu.memory_space<vmem>>, vector<1x16xi32>,
      %get3A_372 = vector.shape_cast %get3A_371 : vector<1x16xi32> to vector<16xi32>
      %add3A_373 = arith.addi %get3A_372, %broadcast_in_dim3A : vector<16xi32>
      %add3A_374 = arith.addi %add3A_373, %add3A_373 : vector<16xi32>
      %ge3A_375 = arith.cmpi sge, %add3A_373, %broadcast_in_dim3A_225 : vector<16xi32>
      %select_n3A_376 = arith.select %ge3A_375, %broadcast_in_dim3A_227, %broadcast_in_dim3A_229 : vector<16xi1>, vector<16xi32>
      %sub3A_377 = arith.subi %add3A_374, %select_n3A_376 : vector<16xi32>
      %swap3A_378 = arith.constant 136 : index
      %swap3A_379 = tpu.vector_load %arg7[%swap3A_378] {strides = array<i32>} : memref<640xi32, #tpu.memory_space<vmem>>, vector<16xi32>,
      %swap3A_380 = vector.shape_cast %swap3A_379 : vector<16xi32> to vector<16xi32>
      %swap3A_381 = vector.shape_cast %sub3A_377 : vector<16xi32> to vector<16xi32>
      tpu.vector_store %arg7[%swap3A_378], %swap3A_381 {strides = array<i32>} : memref<640xi32, #tpu.memory_space<vmem>>, vector<16xi32>,
      %get3A_382 = arith.constant 3 : i32
      %get3A_383 = arith.index_cast %get3A_382 : i32 to index
      %get3A_384 = arith.constant 24 : index
      %get3A_385 = tpu.vector_load %arg5[%get3A_383, %get3A_384] {strides = array<i32>} : memref<16x40xi32, #tpu.memory_space<vmem>>, vector<1x16xi32>,
      %get3A_386 = vector.shape_cast %get3A_385 : vector<1x16xi32> to vector<16xi32>
      %add3A_387 = arith.addi %get3A_386, %broadcast_in_dim3A : vector<16xi32>
      %add3A_388 = arith.addi %add3A_387, %add3A_387 : vector<16xi32>
      %ge3A_389 = arith.cmpi sge, %add3A_387, %broadcast_in_dim3A_225 : vector<16xi32>
      %select_n3A_390 = arith.select %ge3A_389, %broadcast_in_dim3A_227, %broadcast_in_dim3A_229 : vector<16xi1>, vector<16xi32>
      %sub3A_391 = arith.subi %add3A_388, %select_n3A_390 : vector<16xi32>
      %swap3A_392 = arith.constant 144 : index
      %swap3A_393 = tpu.vector_load %arg7[%swap3A_392] {strides = array<i32>} : memref<640xi32, #tpu.memory_space<vmem>>, vector<16xi32>,
      %swap3A_394 = vector.shape_cast %swap3A_393 : vector<16xi32> to vector<16xi32>
      %swap3A_395 = vector.shape_cast %sub3A_391 : vector<16xi32> to vector<16xi32>
      tpu.vector_store %arg7[%swap3A_392], %swap3A_395 {strides = array<i32>} : memref<640xi32, #tpu.memory_space<vmem>>, vector<16xi32>,
      %get3A_396 = arith.constant 4 : i32
      %get3A_397 = arith.index_cast %get3A_396 : i32 to index
      %get3A_398 = arith.constant 0 : index
      %get3A_399 = tpu.vector_load %arg5[%get3A_397, %get3A_398] {strides = array<i32>} : memref<16x40xi32, #tpu.memory_space<vmem>>, vector<1x16xi32>,
      %get3A_400 = vector.shape_cast %get3A_399 : vector<1x16xi32> to vector<16xi32>
      %add3A_401 = arith.addi %get3A_400, %broadcast_in_dim3A : vector<16xi32>
      %add3A_402 = arith.addi %add3A_401, %add3A_401 : vector<16xi32>
      %ge3A_403 = arith.cmpi sge, %add3A_401, %broadcast_in_dim3A_225 : vector<16xi32>
      %select_n3A_404 = arith.select %ge3A_403, %broadcast_in_dim3A_227, %broadcast_in_dim3A_229 : vector<16xi1>, vector<16xi32>
      %sub3A_405 = arith.subi %add3A_402, %select_n3A_404 : vector<16xi32>
      %swap3A_406 = arith.constant 160 : index
      %swap3A_407 = tpu.vector_load %arg7[%swap3A_406] {strides = array<i32>} : memref<640xi32, #tpu.memory_space<vmem>>, vector<16xi32>,
      %swap3A_408 = vector.shape_cast %swap3A_407 : vector<16xi32> to vector<16xi32>
      %swap3A_409 = vector.shape_cast %sub3A_405 : vector<16xi32> to vector<16xi32>
      tpu.vector_store %arg7[%swap3A_406], %swap3A_409 {strides = array<i32>} : memref<640xi32, #tpu.memory_space<vmem>>, vector<16xi32>,
      %get3A_410 = arith.constant 4 : i32
      %get3A_411 = arith.index_cast %get3A_410 : i32 to index
      %get3A_412 = arith.constant 16 : index
      %get3A_413 = tpu.vector_load %arg5[%get3A_411, %get3A_412] {strides = array<i32>} : memref<16x40xi32, #tpu.memory_space<vmem>>, vector<1x16xi32>,
      %get3A_414 = vector.shape_cast %get3A_413 : vector<1x16xi32> to vector<16xi32>
      %add3A_415 = arith.addi %get3A_414, %broadcast_in_dim3A : vector<16xi32>
      %add3A_416 = arith.addi %add3A_415, %add3A_415 : vector<16xi32>
      %ge3A_417 = arith.cmpi sge, %add3A_415, %broadcast_in_dim3A_225 : vector<16xi32>
      %select_n3A_418 = arith.select %ge3A_417, %broadcast_in_dim3A_227, %broadcast_in_dim3A_229 : vector<16xi1>, vector<16xi32>
      %sub3A_419 = arith.subi %add3A_416, %select_n3A_418 : vector<16xi32>
      %swap3A_420 = arith.constant 176 : index
      %swap3A_421 = tpu.vector_load %arg7[%swap3A_420] {strides = array<i32>} : memref<640xi32, #tpu.memory_space<vmem>>, vector<16xi32>,
      %swap3A_422 = vector.shape_cast %swap3A_421 : vector<16xi32> to vector<16xi32>
      %swap3A_423 = vector.shape_cast %sub3A_419 : vector<16xi32> to vector<16xi32>
      tpu.vector_store %arg7[%swap3A_420], %swap3A_423 {strides = array<i32>} : memref<640xi32, #tpu.memory_space<vmem>>, vector<16xi32>,
      %get3A_424 = arith.constant 4 : i32
      %get3A_425 = arith.index_cast %get3A_424 : i32 to index
      %get3A_426 = arith.constant 24 : index
      %get3A_427 = tpu.vector_load %arg5[%get3A_425, %get3A_426] {strides = array<i32>} : memref<16x40xi32, #tpu.memory_space<vmem>>, vector<1x16xi32>,
      %get3A_428 = vector.shape_cast %get3A_427 : vector<1x16xi32> to vector<16xi32>
      %add3A_429 = arith.addi %get3A_428, %broadcast_in_dim3A : vector<16xi32>
      %add3A_430 = arith.addi %add3A_429, %add3A_429 : vector<16xi32>
      %ge3A_431 = arith.cmpi sge, %add3A_429, %broadcast_in_dim3A_225 : vector<16xi32>
      %select_n3A_432 = arith.select %ge3A_431, %broadcast_in_dim3A_227, %broadcast_in_dim3A_229 : vector<16xi1>, vector<16xi32>
      %sub3A_433 = arith.subi %add3A_430, %select_n3A_432 : vector<16xi32>
      %swap3A_434 = arith.constant 184 : index
      %swap3A_435 = tpu.vector_load %arg7[%swap3A_434] {strides = array<i32>} : memref<640xi32, #tpu.memory_space<vmem>>, vector<16xi32>,
      %swap3A_436 = vector.shape_cast %swap3A_435 : vector<16xi32> to vector<16xi32>
      %swap3A_437 = vector.shape_cast %sub3A_433 : vector<16xi32> to vector<16xi32>
      tpu.vector_store %arg7[%swap3A_434], %swap3A_437 {strides = array<i32>} : memref<640xi32, #tpu.memory_space<vmem>>, vector<16xi32>,
      %get3A_438 = arith.constant 5 : i32
      %get3A_439 = arith.index_cast %get3A_438 : i32 to index
      %get3A_440 = arith.constant 0 : index
      %get3A_441 = tpu.vector_load %arg5[%get3A_439, %get3A_440] {strides = array<i32>} : memref<16x40xi32, #tpu.memory_space<vmem>>, vector<1x16xi32>,
      %get3A_442 = vector.shape_cast %get3A_441 : vector<1x16xi32> to vector<16xi32>
      %add3A_443 = arith.addi %get3A_442, %broadcast_in_dim3A : vector<16xi32>
      %add3A_444 = arith.addi %add3A_443, %add3A_443 : vector<16xi32>
      %ge3A_445 = arith.cmpi sge, %add3A_443, %broadcast_in_dim3A_225 : vector<16xi32>
      %select_n3A_446 = arith.select %ge3A_445, %broadcast_in_dim3A_227, %broadcast_in_dim3A_229 : vector<16xi1>, vector<16xi32>
      %sub3A_447 = arith.subi %add3A_444, %select_n3A_446 : vector<16xi32>
      %swap3A_448 = arith.constant 200 : index
      %swap3A_449 = tpu.vector_load %arg7[%swap3A_448] {strides = array<i32>} : memref<640xi32, #tpu.memory_space<vmem>>, vector<16xi32>,
      %swap3A_450 = vector.shape_cast %swap3A_449 : vector<16xi32> to vector<16xi32>
      %swap3A_451 = vector.shape_cast %sub3A_447 : vector<16xi32> to vector<16xi32>
      tpu.vector_store %arg7[%swap3A_448], %swap3A_451 {strides = array<i32>} : memref<640xi32, #tpu.memory_space<vmem>>, vector<16xi32>,
      %get3A_452 = arith.constant 5 : i32
      %get3A_453 = arith.index_cast %get3A_452 : i32 to index
      %get3A_454 = arith.constant 16 : index
      %get3A_455 = tpu.vector_load %arg5[%get3A_453, %get3A_454] {strides = array<i32>} : memref<16x40xi32, #tpu.memory_space<vmem>>, vector<1x16xi32>,
      %get3A_456 = vector.shape_cast %get3A_455 : vector<1x16xi32> to vector<16xi32>
      %add3A_457 = arith.addi %get3A_456, %broadcast_in_dim3A : vector<16xi32>
      %add3A_458 = arith.addi %add3A_457, %add3A_457 : vector<16xi32>
      %ge3A_459 = arith.cmpi sge, %add3A_457, %broadcast_in_dim3A_225 : vector<16xi32>
      %select_n3A_460 = arith.select %ge3A_459, %broadcast_in_dim3A_227, %broadcast_in_dim3A_229 : vector<16xi1>, vector<16xi32>
      %sub3A_461 = arith.subi %add3A_458, %select_n3A_460 : vector<16xi32>
      %swap3A_462 = arith.constant 216 : index
      %swap3A_463 = tpu.vector_load %arg7[%swap3A_462] {strides = array<i32>} : memref<640xi32, #tpu.memory_space<vmem>>, vector<16xi32>,
      %swap3A_464 = vector.shape_cast %swap3A_463 : vector<16xi32> to vector<16xi32>
      %swap3A_465 = vector.shape_cast %sub3A_461 : vector<16xi32> to vector<16xi32>
      tpu.vector_store %arg7[%swap3A_462], %swap3A_465 {strides = array<i32>} : memref<640xi32, #tpu.memory_space<vmem>>, vector<16xi32>,
      %get3A_466 = arith.constant 5 : i32
      %get3A_467 = arith.index_cast %get3A_466 : i32 to index
      %get3A_468 = arith.constant 24 : index
      %get3A_469 = tpu.vector_load %arg5[%get3A_467, %get3A_468] {strides = array<i32>} : memref<16x40xi32, #tpu.memory_space<vmem>>, vector<1x16xi32>,
      %get3A_470 = vector.shape_cast %get3A_469 : vector<1x16xi32> to vector<16xi32>
      %add3A_471 = arith.addi %get3A_470, %broadcast_in_dim3A : vector<16xi32>
      %add3A_472 = arith.addi %add3A_471, %add3A_471 : vector<16xi32>
      %ge3A_473 = arith.cmpi sge, %add3A_471, %broadcast_in_dim3A_225 : vector<16xi32>
      %select_n3A_474 = arith.select %ge3A_473, %broadcast_in_dim3A_227, %broadcast_in_dim3A_229 : vector<16xi1>, vector<16xi32>
      %sub3A_475 = arith.subi %add3A_472, %select_n3A_474 : vector<16xi32>
      %swap3A_476 = arith.constant 224 : index
      %swap3A_477 = tpu.vector_load %arg7[%swap3A_476] {strides = array<i32>} : memref<640xi32, #tpu.memory_space<vmem>>, vector<16xi32>,
      %swap3A_478 = vector.shape_cast %swap3A_477 : vector<16xi32> to vector<16xi32>
      %swap3A_479 = vector.shape_cast %sub3A_475 : vector<16xi32> to vector<16xi32>
      tpu.vector_store %arg7[%swap3A_476], %swap3A_479 {strides = array<i32>} : memref<640xi32, #tpu.memory_space<vmem>>, vector<16xi32>,
      %get3A_480 = arith.constant 6 : i32
      %get3A_481 = arith.index_cast %get3A_480 : i32 to index
      %get3A_482 = arith.constant 0 : index
      %get3A_483 = tpu.vector_load %arg5[%get3A_481, %get3A_482] {strides = array<i32>} : memref<16x40xi32, #tpu.memory_space<vmem>>, vector<1x16xi32>,
      %get3A_484 = vector.shape_cast %get3A_483 : vector<1x16xi32> to vector<16xi32>
      %add3A_485 = arith.addi %get3A_484, %broadcast_in_dim3A : vector<16xi32>
      %add3A_486 = arith.addi %add3A_485, %add3A_485 : vector<16xi32>
      %ge3A_487 = arith.cmpi sge, %add3A_485, %broadcast_in_dim3A_225 : vector<16xi32>
      %select_n3A_488 = arith.select %ge3A_487, %broadcast_in_dim3A_227, %broadcast_in_dim3A_229 : vector<16xi1>, vector<16xi32>
      %sub3A_489 = arith.subi %add3A_486, %select_n3A_488 : vector<16xi32>
      %swap3A_490 = arith.constant 240 : index
      %swap3A_491 = tpu.vector_load %arg7[%swap3A_490] {strides = array<i32>} : memref<640xi32, #tpu.memory_space<vmem>>, vector<16xi32>,
      %swap3A_492 = vector.shape_cast %swap3A_491 : vector<16xi32> to vector<16xi32>
      %swap3A_493 = vector.shape_cast %sub3A_489 : vector<16xi32> to vector<16xi32>
      tpu.vector_store %arg7[%swap3A_490], %swap3A_493 {strides = array<i32>} : memref<640xi32, #tpu.memory_space<vmem>>, vector<16xi32>,
      %get3A_494 = arith.constant 6 : i32
      %get3A_495 = arith.index_cast %get3A_494 : i32 to index
      %get3A_496 = arith.constant 16 : index
      %get3A_497 = tpu.vector_load %arg5[%get3A_495, %get3A_496] {strides = array<i32>} : memref<16x40xi32, #tpu.memory_space<vmem>>, vector<1x16xi32>,
      %get3A_498 = vector.shape_cast %get3A_497 : vector<1x16xi32> to vector<16xi32>
      %add3A_499 = arith.addi %get3A_498, %broadcast_in_dim3A : vector<16xi32>
      %add3A_500 = arith.addi %add3A_499, %add3A_499 : vector<16xi32>
      %ge3A_501 = arith.cmpi sge, %add3A_499, %broadcast_in_dim3A_225 : vector<16xi32>
      %select_n3A_502 = arith.select %ge3A_501, %broadcast_in_dim3A_227, %broadcast_in_dim3A_229 : vector<16xi1>, vector<16xi32>
      %sub3A_503 = arith.subi %add3A_500, %select_n3A_502 : vector<16xi32>
      %swap3A_504 = arith.constant 256 : index
      %swap3A_505 = tpu.vector_load %arg7[%swap3A_504] {strides = array<i32>} : memref<640xi32, #tpu.memory_space<vmem>>, vector<16xi32>,
      %swap3A_506 = vector.shape_cast %swap3A_505 : vector<16xi32> to vector<16xi32>
      %swap3A_507 = vector.shape_cast %sub3A_503 : vector<16xi32> to vector<16xi32>
      tpu.vector_store %arg7[%swap3A_504], %swap3A_507 {strides = array<i32>} : memref<640xi32, #tpu.memory_space<vmem>>, vector<16xi32>,
      %get3A_508 = arith.constant 6 : i32
      %get3A_509 = arith.index_cast %get3A_508 : i32 to index
      %get3A_510 = arith.constant 24 : index
      %get3A_511 = tpu.vector_load %arg5[%get3A_509, %get3A_510] {strides = array<i32>} : memref<16x40xi32, #tpu.memory_space<vmem>>, vector<1x16xi32>,
      %get3A_512 = vector.shape_cast %get3A_511 : vector<1x16xi32> to vector<16xi32>
      %add3A_513 = arith.addi %get3A_512, %broadcast_in_dim3A : vector<16xi32>
      %add3A_514 = arith.addi %add3A_513, %add3A_513 : vector<16xi32>
      %ge3A_515 = arith.cmpi sge, %add3A_513, %broadcast_in_dim3A_225 : vector<16xi32>
      %select_n3A_516 = arith.select %ge3A_515, %broadcast_in_dim3A_227, %broadcast_in_dim3A_229 : vector<16xi1>, vector<16xi32>
      %sub3A_517 = arith.subi %add3A_514, %select_n3A_516 : vector<16xi32>
      %swap3A_518 = arith.constant 264 : index
      %swap3A_519 = tpu.vector_load %arg7[%swap3A_518] {strides = array<i32>} : memref<640xi32, #tpu.memory_space<vmem>>, vector<16xi32>,
      %swap3A_520 = vector.shape_cast %swap3A_519 : vector<16xi32> to vector<16xi32>
      %swap3A_521 = vector.shape_cast %sub3A_517 : vector<16xi32> to vector<16xi32>
      tpu.vector_store %arg7[%swap3A_518], %swap3A_521 {strides = array<i32>} : memref<640xi32, #tpu.memory_space<vmem>>, vector<16xi32>,
      %get3A_522 = arith.constant 7 : i32
      %get3A_523 = arith.index_cast %get3A_522 : i32 to index
      %get3A_524 = arith.constant 0 : index
      %get3A_525 = tpu.vector_load %arg5[%get3A_523, %get3A_524] {strides = array<i32>} : memref<16x40xi32, #tpu.memory_space<vmem>>, vector<1x16xi32>,
      %get3A_526 = vector.shape_cast %get3A_525 : vector<1x16xi32> to vector<16xi32>
      %add3A_527 = arith.addi %get3A_526, %broadcast_in_dim3A : vector<16xi32>
      %add3A_528 = arith.addi %add3A_527, %add3A_527 : vector<16xi32>
      %ge3A_529 = arith.cmpi sge, %add3A_527, %broadcast_in_dim3A_225 : vector<16xi32>
      %select_n3A_530 = arith.select %ge3A_529, %broadcast_in_dim3A_227, %broadcast_in_dim3A_229 : vector<16xi1>, vector<16xi32>
      %sub3A_531 = arith.subi %add3A_528, %select_n3A_530 : vector<16xi32>
      %swap3A_532 = arith.constant 280 : index
      %swap3A_533 = tpu.vector_load %arg7[%swap3A_532] {strides = array<i32>} : memref<640xi32, #tpu.memory_space<vmem>>, vector<16xi32>,
      %swap3A_534 = vector.shape_cast %swap3A_533 : vector<16xi32> to vector<16xi32>
      %swap3A_535 = vector.shape_cast %sub3A_531 : vector<16xi32> to vector<16xi32>
      tpu.vector_store %arg7[%swap3A_532], %swap3A_535 {strides = array<i32>} : memref<640xi32, #tpu.memory_space<vmem>>, vector<16xi32>,
      %get3A_536 = arith.constant 7 : i32
      %get3A_537 = arith.index_cast %get3A_536 : i32 to index
      %get3A_538 = arith.constant 16 : index
      %get3A_539 = tpu.vector_load %arg5[%get3A_537, %get3A_538] {strides = array<i32>} : memref<16x40xi32, #tpu.memory_space<vmem>>, vector<1x16xi32>,
      %get3A_540 = vector.shape_cast %get3A_539 : vector<1x16xi32> to vector<16xi32>
      %add3A_541 = arith.addi %get3A_540, %broadcast_in_dim3A : vector<16xi32>
      %add3A_542 = arith.addi %add3A_541, %add3A_541 : vector<16xi32>
      %ge3A_543 = arith.cmpi sge, %add3A_541, %broadcast_in_dim3A_225 : vector<16xi32>
      %select_n3A_544 = arith.select %ge3A_543, %broadcast_in_dim3A_227, %broadcast_in_dim3A_229 : vector<16xi1>, vector<16xi32>
      %sub3A_545 = arith.subi %add3A_542, %select_n3A_544 : vector<16xi32>
      %swap3A_546 = arith.constant 296 : index
      %swap3A_547 = tpu.vector_load %arg7[%swap3A_546] {strides = array<i32>} : memref<640xi32, #tpu.memory_space<vmem>>, vector<16xi32>,
      %swap3A_548 = vector.shape_cast %swap3A_547 : vector<16xi32> to vector<16xi32>
      %swap3A_549 = vector.shape_cast %sub3A_545 : vector<16xi32> to vector<16xi32>
      tpu.vector_store %arg7[%swap3A_546], %swap3A_549 {strides = array<i32>} : memref<640xi32, #tpu.memory_space<vmem>>, vector<16xi32>,
      %get3A_550 = arith.constant 7 : i32
      %get3A_551 = arith.index_cast %get3A_550 : i32 to index
      %get3A_552 = arith.constant 24 : index
      %get3A_553 = tpu.vector_load %arg5[%get3A_551, %get3A_552] {strides = array<i32>} : memref<16x40xi32, #tpu.memory_space<vmem>>, vector<1x16xi32>,
      %get3A_554 = vector.shape_cast %get3A_553 : vector<1x16xi32> to vector<16xi32>
      %add3A_555 = arith.addi %get3A_554, %broadcast_in_dim3A : vector<16xi32>
      %add3A_556 = arith.addi %add3A_555, %add3A_555 : vector<16xi32>
      %ge3A_557 = arith.cmpi sge, %add3A_555, %broadcast_in_dim3A_225 : vector<16xi32>
      %select_n3A_558 = arith.select %ge3A_557, %broadcast_in_dim3A_227, %broadcast_in_dim3A_229 : vector<16xi1>, vector<16xi32>
      %sub3A_559 = arith.subi %add3A_556, %select_n3A_558 : vector<16xi32>
      %swap3A_560 = arith.constant 304 : index
      %swap3A_561 = tpu.vector_load %arg7[%swap3A_560] {strides = array<i32>} : memref<640xi32, #tpu.memory_space<vmem>>, vector<16xi32>,
      %swap3A_562 = vector.shape_cast %swap3A_561 : vector<16xi32> to vector<16xi32>
      %swap3A_563 = vector.shape_cast %sub3A_559 : vector<16xi32> to vector<16xi32>
      tpu.vector_store %arg7[%swap3A_560], %swap3A_563 {strides = array<i32>} : memref<640xi32, #tpu.memory_space<vmem>>, vector<16xi32>,
      %get3A_564 = arith.constant 8 : i32
      %get3A_565 = arith.index_cast %get3A_564 : i32 to index
      %get3A_566 = arith.constant 0 : index
      %get3A_567 = tpu.vector_load %arg5[%get3A_565, %get3A_566] {strides = array<i32>} : memref<16x40xi32, #tpu.memory_space<vmem>>, vector<1x16xi32>,
      %get3A_568 = vector.shape_cast %get3A_567 : vector<1x16xi32> to vector<16xi32>
      %add3A_569 = arith.addi %get3A_568, %broadcast_in_dim3A : vector<16xi32>
      %add3A_570 = arith.addi %add3A_569, %add3A_569 : vector<16xi32>
      %ge3A_571 = arith.cmpi sge, %add3A_569, %broadcast_in_dim3A_225 : vector<16xi32>
      %select_n3A_572 = arith.select %ge3A_571, %broadcast_in_dim3A_227, %broadcast_in_dim3A_229 : vector<16xi1>, vector<16xi32>
      %sub3A_573 = arith.subi %add3A_570, %select_n3A_572 : vector<16xi32>
      %swap3A_574 = arith.constant 320 : index
      %swap3A_575 = tpu.vector_load %arg7[%swap3A_574] {strides = array<i32>} : memref<640xi32, #tpu.memory_space<vmem>>, vector<16xi32>,
      %swap3A_576 = vector.shape_cast %swap3A_575 : vector<16xi32> to vector<16xi32>
      %swap3A_577 = vector.shape_cast %sub3A_573 : vector<16xi32> to vector<16xi32>
      tpu.vector_store %arg7[%swap3A_574], %swap3A_577 {strides = array<i32>} : memref<640xi32, #tpu.memory_space<vmem>>, vector<16xi32>,
      %get3A_578 = arith.constant 8 : i32
      %get3A_579 = arith.index_cast %get3A_578 : i32 to index
      %get3A_580 = arith.constant 16 : index
      %get3A_581 = tpu.vector_load %arg5[%get3A_579, %get3A_580] {strides = array<i32>} : memref<16x40xi32, #tpu.memory_space<vmem>>, vector<1x16xi32>,
      %get3A_582 = vector.shape_cast %get3A_581 : vector<1x16xi32> to vector<16xi32>
      %add3A_583 = arith.addi %get3A_582, %broadcast_in_dim3A : vector<16xi32>
      %add3A_584 = arith.addi %add3A_583, %add3A_583 : vector<16xi32>
      %ge3A_585 = arith.cmpi sge, %add3A_583, %broadcast_in_dim3A_225 : vector<16xi32>
      %select_n3A_586 = arith.select %ge3A_585, %broadcast_in_dim3A_227, %broadcast_in_dim3A_229 : vector<16xi1>, vector<16xi32>
      %sub3A_587 = arith.subi %add3A_584, %select_n3A_586 : vector<16xi32>
      %swap3A_588 = arith.constant 336 : index
      %swap3A_589 = tpu.vector_load %arg7[%swap3A_588] {strides = array<i32>} : memref<640xi32, #tpu.memory_space<vmem>>, vector<16xi32>,
      %swap3A_590 = vector.shape_cast %swap3A_589 : vector<16xi32> to vector<16xi32>
      %swap3A_591 = vector.shape_cast %sub3A_587 : vector<16xi32> to vector<16xi32>
      tpu.vector_store %arg7[%swap3A_588], %swap3A_591 {strides = array<i32>} : memref<640xi32, #tpu.memory_space<vmem>>, vector<16xi32>,
      %get3A_592 = arith.constant 8 : i32
      %get3A_593 = arith.index_cast %get3A_592 : i32 to index
      %get3A_594 = arith.constant 24 : index
      %get3A_595 = tpu.vector_load %arg5[%get3A_593, %get3A_594] {strides = array<i32>} : memref<16x40xi32, #tpu.memory_space<vmem>>, vector<1x16xi32>,
      %get3A_596 = vector.shape_cast %get3A_595 : vector<1x16xi32> to vector<16xi32>
      %add3A_597 = arith.addi %get3A_596, %broadcast_in_dim3A : vector<16xi32>
      %add3A_598 = arith.addi %add3A_597, %add3A_597 : vector<16xi32>
      %ge3A_599 = arith.cmpi sge, %add3A_597, %broadcast_in_dim3A_225 : vector<16xi32>
      %select_n3A_600 = arith.select %ge3A_599, %broadcast_in_dim3A_227, %broadcast_in_dim3A_229 : vector<16xi1>, vector<16xi32>
      %sub3A_601 = arith.subi %add3A_598, %select_n3A_600 : vector<16xi32>
      %swap3A_602 = arith.constant 344 : index
      %swap3A_603 = tpu.vector_load %arg7[%swap3A_602] {strides = array<i32>} : memref<640xi32, #tpu.memory_space<vmem>>, vector<16xi32>,
      %swap3A_604 = vector.shape_cast %swap3A_603 : vector<16xi32> to vector<16xi32>
      %swap3A_605 = vector.shape_cast %sub3A_601 : vector<16xi32> to vector<16xi32>
      tpu.vector_store %arg7[%swap3A_602], %swap3A_605 {strides = array<i32>} : memref<640xi32, #tpu.memory_space<vmem>>, vector<16xi32>,
      %get3A_606 = arith.constant 9 : i32
      %get3A_607 = arith.index_cast %get3A_606 : i32 to index
      %get3A_608 = arith.constant 0 : index
      %get3A_609 = tpu.vector_load %arg5[%get3A_607, %get3A_608] {strides = array<i32>} : memref<16x40xi32, #tpu.memory_space<vmem>>, vector<1x16xi32>,
      %get3A_610 = vector.shape_cast %get3A_609 : vector<1x16xi32> to vector<16xi32>
      %add3A_611 = arith.addi %get3A_610, %broadcast_in_dim3A : vector<16xi32>
      %add3A_612 = arith.addi %add3A_611, %add3A_611 : vector<16xi32>
      %ge3A_613 = arith.cmpi sge, %add3A_611, %broadcast_in_dim3A_225 : vector<16xi32>
      %select_n3A_614 = arith.select %ge3A_613, %broadcast_in_dim3A_227, %broadcast_in_dim3A_229 : vector<16xi1>, vector<16xi32>
      %sub3A_615 = arith.subi %add3A_612, %select_n3A_614 : vector<16xi32>
      %swap3A_616 = arith.constant 360 : index
      %swap3A_617 = tpu.vector_load %arg7[%swap3A_616] {strides = array<i32>} : memref<640xi32, #tpu.memory_space<vmem>>, vector<16xi32>,
      %swap3A_618 = vector.shape_cast %swap3A_617 : vector<16xi32> to vector<16xi32>
      %swap3A_619 = vector.shape_cast %sub3A_615 : vector<16xi32> to vector<16xi32>
      tpu.vector_store %arg7[%swap3A_616], %swap3A_619 {strides = array<i32>} : memref<640xi32, #tpu.memory_space<vmem>>, vector<16xi32>,
      %get3A_620 = arith.constant 9 : i32
      %get3A_621 = arith.index_cast %get3A_620 : i32 to index
      %get3A_622 = arith.constant 16 : index
      %get3A_623 = tpu.vector_load %arg5[%get3A_621, %get3A_622] {strides = array<i32>} : memref<16x40xi32, #tpu.memory_space<vmem>>, vector<1x16xi32>,
      %get3A_624 = vector.shape_cast %get3A_623 : vector<1x16xi32> to vector<16xi32>
      %add3A_625 = arith.addi %get3A_624, %broadcast_in_dim3A : vector<16xi32>
      %add3A_626 = arith.addi %add3A_625, %add3A_625 : vector<16xi32>
      %ge3A_627 = arith.cmpi sge, %add3A_625, %broadcast_in_dim3A_225 : vector<16xi32>
      %select_n3A_628 = arith.select %ge3A_627, %broadcast_in_dim3A_227, %broadcast_in_dim3A_229 : vector<16xi1>, vector<16xi32>
      %sub3A_629 = arith.subi %add3A_626, %select_n3A_628 : vector<16xi32>
      %swap3A_630 = arith.constant 376 : index
      %swap3A_631 = tpu.vector_load %arg7[%swap3A_630] {strides = array<i32>} : memref<640xi32, #tpu.memory_space<vmem>>, vector<16xi32>,
      %swap3A_632 = vector.shape_cast %swap3A_631 : vector<16xi32> to vector<16xi32>
      %swap3A_633 = vector.shape_cast %sub3A_629 : vector<16xi32> to vector<16xi32>
      tpu.vector_store %arg7[%swap3A_630], %swap3A_633 {strides = array<i32>} : memref<640xi32, #tpu.memory_space<vmem>>, vector<16xi32>,
      %get3A_634 = arith.constant 9 : i32
      %get3A_635 = arith.index_cast %get3A_634 : i32 to index
      %get3A_636 = arith.constant 24 : index
      %get3A_637 = tpu.vector_load %arg5[%get3A_635, %get3A_636] {strides = array<i32>} : memref<16x40xi32, #tpu.memory_space<vmem>>, vector<1x16xi32>,
      %get3A_638 = vector.shape_cast %get3A_637 : vector<1x16xi32> to vector<16xi32>
      %add3A_639 = arith.addi %get3A_638, %broadcast_in_dim3A : vector<16xi32>
      %add3A_640 = arith.addi %add3A_639, %add3A_639 : vector<16xi32>
      %ge3A_641 = arith.cmpi sge, %add3A_639, %broadcast_in_dim3A_225 : vector<16xi32>
      %select_n3A_642 = arith.select %ge3A_641, %broadcast_in_dim3A_227, %broadcast_in_dim3A_229 : vector<16xi1>, vector<16xi32>
      %sub3A_643 = arith.subi %add3A_640, %select_n3A_642 : vector<16xi32>
      %swap3A_644 = arith.constant 384 : index
      %swap3A_645 = tpu.vector_load %arg7[%swap3A_644] {strides = array<i32>} : memref<640xi32, #tpu.memory_space<vmem>>, vector<16xi32>,
      %swap3A_646 = vector.shape_cast %swap3A_645 : vector<16xi32> to vector<16xi32>
      %swap3A_647 = vector.shape_cast %sub3A_643 : vector<16xi32> to vector<16xi32>
      tpu.vector_store %arg7[%swap3A_644], %swap3A_647 {strides = array<i32>} : memref<640xi32, #tpu.memory_space<vmem>>, vector<16xi32>,
      %get3A_648 = arith.constant 10 : i32
      %get3A_649 = arith.index_cast %get3A_648 : i32 to index
      %get3A_650 = arith.constant 0 : index
      %get3A_651 = tpu.vector_load %arg5[%get3A_649, %get3A_650] {strides = array<i32>} : memref<16x40xi32, #tpu.memory_space<vmem>>, vector<1x16xi32>,
      %get3A_652 = vector.shape_cast %get3A_651 : vector<1x16xi32> to vector<16xi32>
      %add3A_653 = arith.addi %get3A_652, %broadcast_in_dim3A : vector<16xi32>
      %add3A_654 = arith.addi %add3A_653, %add3A_653 : vector<16xi32>
      %ge3A_655 = arith.cmpi sge, %add3A_653, %broadcast_in_dim3A_225 : vector<16xi32>
      %select_n3A_656 = arith.select %ge3A_655, %broadcast_in_dim3A_227, %broadcast_in_dim3A_229 : vector<16xi1>, vector<16xi32>
      %sub3A_657 = arith.subi %add3A_654, %select_n3A_656 : vector<16xi32>
      %swap3A_658 = arith.constant 400 : index
      %swap3A_659 = tpu.vector_load %arg7[%swap3A_658] {strides = array<i32>} : memref<640xi32, #tpu.memory_space<vmem>>, vector<16xi32>,
      %swap3A_660 = vector.shape_cast %swap3A_659 : vector<16xi32> to vector<16xi32>
      %swap3A_661 = vector.shape_cast %sub3A_657 : vector<16xi32> to vector<16xi32>
      tpu.vector_store %arg7[%swap3A_658], %swap3A_661 {strides = array<i32>} : memref<640xi32, #tpu.memory_space<vmem>>, vector<16xi32>,
      %get3A_662 = arith.constant 10 : i32
      %get3A_663 = arith.index_cast %get3A_662 : i32 to index
      %get3A_664 = arith.constant 16 : index
      %get3A_665 = tpu.vector_load %arg5[%get3A_663, %get3A_664] {strides = array<i32>} : memref<16x40xi32, #tpu.memory_space<vmem>>, vector<1x16xi32>,
      %get3A_666 = vector.shape_cast %get3A_665 : vector<1x16xi32> to vector<16xi32>
      %add3A_667 = arith.addi %get3A_666, %broadcast_in_dim3A : vector<16xi32>
      %add3A_668 = arith.addi %add3A_667, %add3A_667 : vector<16xi32>
      %ge3A_669 = arith.cmpi sge, %add3A_667, %broadcast_in_dim3A_225 : vector<16xi32>
      %select_n3A_670 = arith.select %ge3A_669, %broadcast_in_dim3A_227, %broadcast_in_dim3A_229 : vector<16xi1>, vector<16xi32>
      %sub3A_671 = arith.subi %add3A_668, %select_n3A_670 : vector<16xi32>
      %swap3A_672 = arith.constant 416 : index
      %swap3A_673 = tpu.vector_load %arg7[%swap3A_672] {strides = array<i32>} : memref<640xi32, #tpu.memory_space<vmem>>, vector<16xi32>,
      %swap3A_674 = vector.shape_cast %swap3A_673 : vector<16xi32> to vector<16xi32>
      %swap3A_675 = vector.shape_cast %sub3A_671 : vector<16xi32> to vector<16xi32>
      tpu.vector_store %arg7[%swap3A_672], %swap3A_675 {strides = array<i32>} : memref<640xi32, #tpu.memory_space<vmem>>, vector<16xi32>,
      %get3A_676 = arith.constant 10 : i32
      %get3A_677 = arith.index_cast %get3A_676 : i32 to index
      %get3A_678 = arith.constant 24 : index
      %get3A_679 = tpu.vector_load %arg5[%get3A_677, %get3A_678] {strides = array<i32>} : memref<16x40xi32, #tpu.memory_space<vmem>>, vector<1x16xi32>,
      %get3A_680 = vector.shape_cast %get3A_679 : vector<1x16xi32> to vector<16xi32>
      %add3A_681 = arith.addi %get3A_680, %broadcast_in_dim3A : vector<16xi32>
      %add3A_682 = arith.addi %add3A_681, %add3A_681 : vector<16xi32>
      %ge3A_683 = arith.cmpi sge, %add3A_681, %broadcast_in_dim3A_225 : vector<16xi32>
      %select_n3A_684 = arith.select %ge3A_683, %broadcast_in_dim3A_227, %broadcast_in_dim3A_229 : vector<16xi1>, vector<16xi32>
      %sub3A_685 = arith.subi %add3A_682, %select_n3A_684 : vector<16xi32>
      %swap3A_686 = arith.constant 424 : index
      %swap3A_687 = tpu.vector_load %arg7[%swap3A_686] {strides = array<i32>} : memref<640xi32, #tpu.memory_space<vmem>>, vector<16xi32>,
      %swap3A_688 = vector.shape_cast %swap3A_687 : vector<16xi32> to vector<16xi32>
      %swap3A_689 = vector.shape_cast %sub3A_685 : vector<16xi32> to vector<16xi32>
      tpu.vector_store %arg7[%swap3A_686], %swap3A_689 {strides = array<i32>} : memref<640xi32, #tpu.memory_space<vmem>>, vector<16xi32>,
      %get3A_690 = arith.constant 11 : i32
      %get3A_691 = arith.index_cast %get3A_690 : i32 to index
      %get3A_692 = arith.constant 0 : index
      %get3A_693 = tpu.vector_load %arg5[%get3A_691, %get3A_692] {strides = array<i32>} : memref<16x40xi32, #tpu.memory_space<vmem>>, vector<1x16xi32>,
      %get3A_694 = vector.shape_cast %get3A_693 : vector<1x16xi32> to vector<16xi32>
      %add3A_695 = arith.addi %get3A_694, %broadcast_in_dim3A : vector<16xi32>
      %add3A_696 = arith.addi %add3A_695, %add3A_695 : vector<16xi32>
      %ge3A_697 = arith.cmpi sge, %add3A_695, %broadcast_in_dim3A_225 : vector<16xi32>
      %select_n3A_698 = arith.select %ge3A_697, %broadcast_in_dim3A_227, %broadcast_in_dim3A_229 : vector<16xi1>, vector<16xi32>
      %sub3A_699 = arith.subi %add3A_696, %select_n3A_698 : vector<16xi32>
      %swap3A_700 = arith.constant 440 : index
      %swap3A_701 = tpu.vector_load %arg7[%swap3A_700] {strides = array<i32>} : memref<640xi32, #tpu.memory_space<vmem>>, vector<16xi32>,
      %swap3A_702 = vector.shape_cast %swap3A_701 : vector<16xi32> to vector<16xi32>
      %swap3A_703 = vector.shape_cast %sub3A_699 : vector<16xi32> to vector<16xi32>
      tpu.vector_store %arg7[%swap3A_700], %swap3A_703 {strides = array<i32>} : memref<640xi32, #tpu.memory_space<vmem>>, vector<16xi32>,
      %get3A_704 = arith.constant 11 : i32
      %get3A_705 = arith.index_cast %get3A_704 : i32 to index
      %get3A_706 = arith.constant 16 : index
      %get3A_707 = tpu.vector_load %arg5[%get3A_705, %get3A_706] {strides = array<i32>} : memref<16x40xi32, #tpu.memory_space<vmem>>, vector<1x16xi32>,
      %get3A_708 = vector.shape_cast %get3A_707 : vector<1x16xi32> to vector<16xi32>
      %add3A_709 = arith.addi %get3A_708, %broadcast_in_dim3A : vector<16xi32>
      %add3A_710 = arith.addi %add3A_709, %add3A_709 : vector<16xi32>
      %ge3A_711 = arith.cmpi sge, %add3A_709, %broadcast_in_dim3A_225 : vector<16xi32>
      %select_n3A_712 = arith.select %ge3A_711, %broadcast_in_dim3A_227, %broadcast_in_dim3A_229 : vector<16xi1>, vector<16xi32>
      %sub3A_713 = arith.subi %add3A_710, %select_n3A_712 : vector<16xi32>
      %swap3A_714 = arith.constant 456 : index
      %swap3A_715 = tpu.vector_load %arg7[%swap3A_714] {strides = array<i32>} : memref<640xi32, #tpu.memory_space<vmem>>, vector<16xi32>,
      %swap3A_716 = vector.shape_cast %swap3A_715 : vector<16xi32> to vector<16xi32>
      %swap3A_717 = vector.shape_cast %sub3A_713 : vector<16xi32> to vector<16xi32>
      tpu.vector_store %arg7[%swap3A_714], %swap3A_717 {strides = array<i32>} : memref<640xi32, #tpu.memory_space<vmem>>, vector<16xi32>,
      %get3A_718 = arith.constant 11 : i32
      %get3A_719 = arith.index_cast %get3A_718 : i32 to index
      %get3A_720 = arith.constant 24 : index
      %get3A_721 = tpu.vector_load %arg5[%get3A_719, %get3A_720] {strides = array<i32>} : memref<16x40xi32, #tpu.memory_space<vmem>>, vector<1x16xi32>,
      %get3A_722 = vector.shape_cast %get3A_721 : vector<1x16xi32> to vector<16xi32>
      %add3A_723 = arith.addi %get3A_722, %broadcast_in_dim3A : vector<16xi32>
      %add3A_724 = arith.addi %add3A_723, %add3A_723 : vector<16xi32>
      %ge3A_725 = arith.cmpi sge, %add3A_723, %broadcast_in_dim3A_225 : vector<16xi32>
      %select_n3A_726 = arith.select %ge3A_725, %broadcast_in_dim3A_227, %broadcast_in_dim3A_229 : vector<16xi1>, vector<16xi32>
      %sub3A_727 = arith.subi %add3A_724, %select_n3A_726 : vector<16xi32>
      %swap3A_728 = arith.constant 464 : index
      %swap3A_729 = tpu.vector_load %arg7[%swap3A_728] {strides = array<i32>} : memref<640xi32, #tpu.memory_space<vmem>>, vector<16xi32>,
      %swap3A_730 = vector.shape_cast %swap3A_729 : vector<16xi32> to vector<16xi32>
      %swap3A_731 = vector.shape_cast %sub3A_727 : vector<16xi32> to vector<16xi32>
      tpu.vector_store %arg7[%swap3A_728], %swap3A_731 {strides = array<i32>} : memref<640xi32, #tpu.memory_space<vmem>>, vector<16xi32>,
      %get3A_732 = arith.constant 12 : i32
      %get3A_733 = arith.index_cast %get3A_732 : i32 to index
      %get3A_734 = arith.constant 0 : index
      %get3A_735 = tpu.vector_load %arg5[%get3A_733, %get3A_734] {strides = array<i32>} : memref<16x40xi32, #tpu.memory_space<vmem>>, vector<1x16xi32>,
      %get3A_736 = vector.shape_cast %get3A_735 : vector<1x16xi32> to vector<16xi32>
      %add3A_737 = arith.addi %get3A_736, %broadcast_in_dim3A : vector<16xi32>
      %add3A_738 = arith.addi %add3A_737, %add3A_737 : vector<16xi32>
      %ge3A_739 = arith.cmpi sge, %add3A_737, %broadcast_in_dim3A_225 : vector<16xi32>
      %select_n3A_740 = arith.select %ge3A_739, %broadcast_in_dim3A_227, %broadcast_in_dim3A_229 : vector<16xi1>, vector<16xi32>
      %sub3A_741 = arith.subi %add3A_738, %select_n3A_740 : vector<16xi32>
      %swap3A_742 = arith.constant 480 : index
      %swap3A_743 = tpu.vector_load %arg7[%swap3A_742] {strides = array<i32>} : memref<640xi32, #tpu.memory_space<vmem>>, vector<16xi32>,
      %swap3A_744 = vector.shape_cast %swap3A_743 : vector<16xi32> to vector<16xi32>
      %swap3A_745 = vector.shape_cast %sub3A_741 : vector<16xi32> to vector<16xi32>
      tpu.vector_store %arg7[%swap3A_742], %swap3A_745 {strides = array<i32>} : memref<640xi32, #tpu.memory_space<vmem>>, vector<16xi32>,
      %get3A_746 = arith.constant 12 : i32
      %get3A_747 = arith.index_cast %get3A_746 : i32 to index
      %get3A_748 = arith.constant 16 : index
      %get3A_749 = tpu.vector_load %arg5[%get3A_747, %get3A_748] {strides = array<i32>} : memref<16x40xi32, #tpu.memory_space<vmem>>, vector<1x16xi32>,
      %get3A_750 = vector.shape_cast %get3A_749 : vector<1x16xi32> to vector<16xi32>
      %add3A_751 = arith.addi %get3A_750, %broadcast_in_dim3A : vector<16xi32>
      %add3A_752 = arith.addi %add3A_751, %add3A_751 : vector<16xi32>
      %ge3A_753 = arith.cmpi sge, %add3A_751, %broadcast_in_dim3A_225 : vector<16xi32>
      %select_n3A_754 = arith.select %ge3A_753, %broadcast_in_dim3A_227, %broadcast_in_dim3A_229 : vector<16xi1>, vector<16xi32>
      %sub3A_755 = arith.subi %add3A_752, %select_n3A_754 : vector<16xi32>
      %swap3A_756 = arith.constant 496 : index
      %swap3A_757 = tpu.vector_load %arg7[%swap3A_756] {strides = array<i32>} : memref<640xi32, #tpu.memory_space<vmem>>, vector<16xi32>,
      %swap3A_758 = vector.shape_cast %swap3A_757 : vector<16xi32> to vector<16xi32>
      %swap3A_759 = vector.shape_cast %sub3A_755 : vector<16xi32> to vector<16xi32>
      tpu.vector_store %arg7[%swap3A_756], %swap3A_759 {strides = array<i32>} : memref<640xi32, #tpu.memory_space<vmem>>, vector<16xi32>,
      %get3A_760 = arith.constant 12 : i32
      %get3A_761 = arith.index_cast %get3A_760 : i32 to index
      %get3A_762 = arith.constant 24 : index
      %get3A_763 = tpu.vector_load %arg5[%get3A_761, %get3A_762] {strides = array<i32>} : memref<16x40xi32, #tpu.memory_space<vmem>>, vector<1x16xi32>,
      %get3A_764 = vector.shape_cast %get3A_763 : vector<1x16xi32> to vector<16xi32>
      %add3A_765 = arith.addi %get3A_764, %broadcast_in_dim3A : vector<16xi32>
      %add3A_766 = arith.addi %add3A_765, %add3A_765 : vector<16xi32>
      %ge3A_767 = arith.cmpi sge, %add3A_765, %broadcast_in_dim3A_225 : vector<16xi32>
      %select_n3A_768 = arith.select %ge3A_767, %broadcast_in_dim3A_227, %broadcast_in_dim3A_229 : vector<16xi1>, vector<16xi32>
      %sub3A_769 = arith.subi %add3A_766, %select_n3A_768 : vector<16xi32>
      %swap3A_770 = arith.constant 504 : index
      %swap3A_771 = tpu.vector_load %arg7[%swap3A_770] {strides = array<i32>} : memref<640xi32, #tpu.memory_space<vmem>>, vector<16xi32>,
      %swap3A_772 = vector.shape_cast %swap3A_771 : vector<16xi32> to vector<16xi32>
      %swap3A_773 = vector.shape_cast %sub3A_769 : vector<16xi32> to vector<16xi32>
      tpu.vector_store %arg7[%swap3A_770], %swap3A_773 {strides = array<i32>} : memref<640xi32, #tpu.memory_space<vmem>>, vector<16xi32>,
      %get3A_774 = arith.constant 13 : i32
      %get3A_775 = arith.index_cast %get3A_774 : i32 to index
      %get3A_776 = arith.constant 0 : index
      %get3A_777 = tpu.vector_load %arg5[%get3A_775, %get3A_776] {strides = array<i32>} : memref<16x40xi32, #tpu.memory_space<vmem>>, vector<1x16xi32>,
      %get3A_778 = vector.shape_cast %get3A_777 : vector<1x16xi32> to vector<16xi32>
      %add3A_779 = arith.addi %get3A_778, %broadcast_in_dim3A : vector<16xi32>
      %add3A_780 = arith.addi %add3A_779, %add3A_779 : vector<16xi32>
      %ge3A_781 = arith.cmpi sge, %add3A_779, %broadcast_in_dim3A_225 : vector<16xi32>
      %select_n3A_782 = arith.select %ge3A_781, %broadcast_in_dim3A_227, %broadcast_in_dim3A_229 : vector<16xi1>, vector<16xi32>
      %sub3A_783 = arith.subi %add3A_780, %select_n3A_782 : vector<16xi32>
      %swap3A_784 = arith.constant 520 : index
      %swap3A_785 = tpu.vector_load %arg7[%swap3A_784] {strides = array<i32>} : memref<640xi32, #tpu.memory_space<vmem>>, vector<16xi32>,
      %swap3A_786 = vector.shape_cast %swap3A_785 : vector<16xi32> to vector<16xi32>
      %swap3A_787 = vector.shape_cast %sub3A_783 : vector<16xi32> to vector<16xi32>
      tpu.vector_store %arg7[%swap3A_784], %swap3A_787 {strides = array<i32>} : memref<640xi32, #tpu.memory_space<vmem>>, vector<16xi32>,
      %get3A_788 = arith.constant 13 : i32
      %get3A_789 = arith.index_cast %get3A_788 : i32 to index
      %get3A_790 = arith.constant 16 : index
      %get3A_791 = tpu.vector_load %arg5[%get3A_789, %get3A_790] {strides = array<i32>} : memref<16x40xi32, #tpu.memory_space<vmem>>, vector<1x16xi32>,
      %get3A_792 = vector.shape_cast %get3A_791 : vector<1x16xi32> to vector<16xi32>
      %add3A_793 = arith.addi %get3A_792, %broadcast_in_dim3A : vector<16xi32>
      %add3A_794 = arith.addi %add3A_793, %add3A_793 : vector<16xi32>
      %ge3A_795 = arith.cmpi sge, %add3A_793, %broadcast_in_dim3A_225 : vector<16xi32>
      %select_n3A_796 = arith.select %ge3A_795, %broadcast_in_dim3A_227, %broadcast_in_dim3A_229 : vector<16xi1>, vector<16xi32>
      %sub3A_797 = arith.subi %add3A_794, %select_n3A_796 : vector<16xi32>
      %swap3A_798 = arith.constant 536 : index
      %swap3A_799 = tpu.vector_load %arg7[%swap3A_798] {strides = array<i32>} : memref<640xi32, #tpu.memory_space<vmem>>, vector<16xi32>,
      %swap3A_800 = vector.shape_cast %swap3A_799 : vector<16xi32> to vector<16xi32>
      %swap3A_801 = vector.shape_cast %sub3A_797 : vector<16xi32> to vector<16xi32>
      tpu.vector_store %arg7[%swap3A_798], %swap3A_801 {strides = array<i32>} : memref<640xi32, #tpu.memory_space<vmem>>, vector<16xi32>,
      %get3A_802 = arith.constant 13 : i32
      %get3A_803 = arith.index_cast %get3A_802 : i32 to index
      %get3A_804 = arith.constant 24 : index
      %get3A_805 = tpu.vector_load %arg5[%get3A_803, %get3A_804] {strides = array<i32>} : memref<16x40xi32, #tpu.memory_space<vmem>>, vector<1x16xi32>,
      %get3A_806 = vector.shape_cast %get3A_805 : vector<1x16xi32> to vector<16xi32>
      %add3A_807 = arith.addi %get3A_806, %broadcast_in_dim3A : vector<16xi32>
      %add3A_808 = arith.addi %add3A_807, %add3A_807 : vector<16xi32>
      %ge3A_809 = arith.cmpi sge, %add3A_807, %broadcast_in_dim3A_225 : vector<16xi32>
      %select_n3A_810 = arith.select %ge3A_809, %broadcast_in_dim3A_227, %broadcast_in_dim3A_229 : vector<16xi1>, vector<16xi32>
      %sub3A_811 = arith.subi %add3A_808, %select_n3A_810 : vector<16xi32>
      %swap3A_812 = arith.constant 544 : index
      %swap3A_813 = tpu.vector_load %arg7[%swap3A_812] {strides = array<i32>} : memref<640xi32, #tpu.memory_space<vmem>>, vector<16xi32>,
      %swap3A_814 = vector.shape_cast %swap3A_813 : vector<16xi32> to vector<16xi32>
      %swap3A_815 = vector.shape_cast %sub3A_811 : vector<16xi32> to vector<16xi32>
      tpu.vector_store %arg7[%swap3A_812], %swap3A_815 {strides = array<i32>} : memref<640xi32, #tpu.memory_space<vmem>>, vector<16xi32>,
      %get3A_816 = arith.constant 14 : i32
      %get3A_817 = arith.index_cast %get3A_816 : i32 to index
      %get3A_818 = arith.constant 0 : index
      %get3A_819 = tpu.vector_load %arg5[%get3A_817, %get3A_818] {strides = array<i32>} : memref<16x40xi32, #tpu.memory_space<vmem>>, vector<1x16xi32>,
      %get3A_820 = vector.shape_cast %get3A_819 : vector<1x16xi32> to vector<16xi32>
      %add3A_821 = arith.addi %get3A_820, %broadcast_in_dim3A : vector<16xi32>
      %add3A_822 = arith.addi %add3A_821, %add3A_821 : vector<16xi32>
      %ge3A_823 = arith.cmpi sge, %add3A_821, %broadcast_in_dim3A_225 : vector<16xi32>
      %select_n3A_824 = arith.select %ge3A_823, %broadcast_in_dim3A_227, %broadcast_in_dim3A_229 : vector<16xi1>, vector<16xi32>
      %sub3A_825 = arith.subi %add3A_822, %select_n3A_824 : vector<16xi32>
      %swap3A_826 = arith.constant 560 : index
      %swap3A_827 = tpu.vector_load %arg7[%swap3A_826] {strides = array<i32>} : memref<640xi32, #tpu.memory_space<vmem>>, vector<16xi32>,
      %swap3A_828 = vector.shape_cast %swap3A_827 : vector<16xi32> to vector<16xi32>
      %swap3A_829 = vector.shape_cast %sub3A_825 : vector<16xi32> to vector<16xi32>
      tpu.vector_store %arg7[%swap3A_826], %swap3A_829 {strides = array<i32>} : memref<640xi32, #tpu.memory_space<vmem>>, vector<16xi32>,
      %get3A_830 = arith.constant 14 : i32
      %get3A_831 = arith.index_cast %get3A_830 : i32 to index
      %get3A_832 = arith.constant 16 : index
      %get3A_833 = tpu.vector_load %arg5[%get3A_831, %get3A_832] {strides = array<i32>} : memref<16x40xi32, #tpu.memory_space<vmem>>, vector<1x16xi32>,
      %get3A_834 = vector.shape_cast %get3A_833 : vector<1x16xi32> to vector<16xi32>
      %add3A_835 = arith.addi %get3A_834, %broadcast_in_dim3A : vector<16xi32>
      %add3A_836 = arith.addi %add3A_835, %add3A_835 : vector<16xi32>
      %ge3A_837 = arith.cmpi sge, %add3A_835, %broadcast_in_dim3A_225 : vector<16xi32>
      %select_n3A_838 = arith.select %ge3A_837, %broadcast_in_dim3A_227, %broadcast_in_dim3A_229 : vector<16xi1>, vector<16xi32>
      %sub3A_839 = arith.subi %add3A_836, %select_n3A_838 : vector<16xi32>
      %swap3A_840 = arith.constant 576 : index
      %swap3A_841 = tpu.vector_load %arg7[%swap3A_840] {strides = array<i32>} : memref<640xi32, #tpu.memory_space<vmem>>, vector<16xi32>,
      %swap3A_842 = vector.shape_cast %swap3A_841 : vector<16xi32> to vector<16xi32>
      %swap3A_843 = vector.shape_cast %sub3A_839 : vector<16xi32> to vector<16xi32>
      tpu.vector_store %arg7[%swap3A_840], %swap3A_843 {strides = array<i32>} : memref<640xi32, #tpu.memory_space<vmem>>, vector<16xi32>,
      %get3A_844 = arith.constant 14 : i32
      %get3A_845 = arith.index_cast %get3A_844 : i32 to index
      %get3A_846 = arith.constant 24 : index
      %get3A_847 = tpu.vector_load %arg5[%get3A_845, %get3A_846] {strides = array<i32>} : memref<16x40xi32, #tpu.memory_space<vmem>>, vector<1x16xi32>,
      %get3A_848 = vector.shape_cast %get3A_847 : vector<1x16xi32> to vector<16xi32>
      %add3A_849 = arith.addi %get3A_848, %broadcast_in_dim3A : vector<16xi32>
      %add3A_850 = arith.addi %add3A_849, %add3A_849 : vector<16xi32>
      %ge3A_851 = arith.cmpi sge, %add3A_849, %broadcast_in_dim3A_225 : vector<16xi32>
      %select_n3A_852 = arith.select %ge3A_851, %broadcast_in_dim3A_227, %broadcast_in_dim3A_229 : vector<16xi1>, vector<16xi32>
      %sub3A_853 = arith.subi %add3A_850, %select_n3A_852 : vector<16xi32>
      %swap3A_854 = arith.constant 584 : index
      %swap3A_855 = tpu.vector_load %arg7[%swap3A_854] {strides = array<i32>} : memref<640xi32, #tpu.memory_space<vmem>>, vector<16xi32>,
      %swap3A_856 = vector.shape_cast %swap3A_855 : vector<16xi32> to vector<16xi32>
      %swap3A_857 = vector.shape_cast %sub3A_853 : vector<16xi32> to vector<16xi32>
      tpu.vector_store %arg7[%swap3A_854], %swap3A_857 {strides = array<i32>} : memref<640xi32, #tpu.memory_space<vmem>>, vector<16xi32>,
      %get3A_858 = arith.constant 15 : i32
      %get3A_859 = arith.index_cast %get3A_858 : i32 to index
      %get3A_860 = arith.constant 0 : index
      %get3A_861 = tpu.vector_load %arg5[%get3A_859, %get3A_860] {strides = array<i32>} : memref<16x40xi32, #tpu.memory_space<vmem>>, vector<1x16xi32>,
      %get3A_862 = vector.shape_cast %get3A_861 : vector<1x16xi32> to vector<16xi32>
      %add3A_863 = arith.addi %get3A_862, %broadcast_in_dim3A : vector<16xi32>
      %add3A_864 = arith.addi %add3A_863, %add3A_863 : vector<16xi32>
      %ge3A_865 = arith.cmpi sge, %add3A_863, %broadcast_in_dim3A_225 : vector<16xi32>
      %select_n3A_866 = arith.select %ge3A_865, %broadcast_in_dim3A_227, %broadcast_in_dim3A_229 : vector<16xi1>, vector<16xi32>
      %sub3A_867 = arith.subi %add3A_864, %select_n3A_866 : vector<16xi32>
      %swap3A_868 = arith.constant 600 : index
      %swap3A_869 = tpu.vector_load %arg7[%swap3A_868] {strides = array<i32>} : memref<640xi32, #tpu.memory_space<vmem>>, vector<16xi32>,
      %swap3A_870 = vector.shape_cast %swap3A_869 : vector<16xi32> to vector<16xi32>
      %swap3A_871 = vector.shape_cast %sub3A_867 : vector<16xi32> to vector<16xi32>
      tpu.vector_store %arg7[%swap3A_868], %swap3A_871 {strides = array<i32>} : memref<640xi32, #tpu.memory_space<vmem>>, vector<16xi32>,
      %get3A_872 = arith.constant 15 : i32
      %get3A_873 = arith.index_cast %get3A_872 : i32 to index
      %get3A_874 = arith.constant 16 : index
      %get3A_875 = tpu.vector_load %arg5[%get3A_873, %get3A_874] {strides = array<i32>} : memref<16x40xi32, #tpu.memory_space<vmem>>, vector<1x16xi32>,
      %get3A_876 = vector.shape_cast %get3A_875 : vector<1x16xi32> to vector<16xi32>
      %add3A_877 = arith.addi %get3A_876, %broadcast_in_dim3A : vector<16xi32>
      %add3A_878 = arith.addi %add3A_877, %add3A_877 : vector<16xi32>
      %ge3A_879 = arith.cmpi sge, %add3A_877, %broadcast_in_dim3A_225 : vector<16xi32>
      %select_n3A_880 = arith.select %ge3A_879, %broadcast_in_dim3A_227, %broadcast_in_dim3A_229 : vector<16xi1>, vector<16xi32>
      %sub3A_881 = arith.subi %add3A_878, %select_n3A_880 : vector<16xi32>
      %swap3A_882 = arith.constant 616 : index
      %swap3A_883 = tpu.vector_load %arg7[%swap3A_882] {strides = array<i32>} : memref<640xi32, #tpu.memory_space<vmem>>, vector<16xi32>,
      %swap3A_884 = vector.shape_cast %swap3A_883 : vector<16xi32> to vector<16xi32>
      %swap3A_885 = vector.shape_cast %sub3A_881 : vector<16xi32> to vector<16xi32>
      tpu.vector_store %arg7[%swap3A_882], %swap3A_885 {strides = array<i32>} : memref<640xi32, #tpu.memory_space<vmem>>, vector<16xi32>,
      %get3A_886 = arith.constant 15 : i32
      %get3A_887 = arith.index_cast %get3A_886 : i32 to index
      %get3A_888 = arith.constant 24 : index
      %get3A_889 = tpu.vector_load %arg5[%get3A_887, %get3A_888] {strides = array<i32>} : memref<16x40xi32, #tpu.memory_space<vmem>>, vector<1x16xi32>,
      %get3A_890 = vector.shape_cast %get3A_889 : vector<1x16xi32> to vector<16xi32>
      %add3A_891 = arith.addi %get3A_890, %broadcast_in_dim3A : vector<16xi32>
      %add3A_892 = arith.addi %add3A_891, %add3A_891 : vector<16xi32>
      %ge3A_893 = arith.cmpi sge, %add3A_891, %broadcast_in_dim3A_225 : vector<16xi32>
      %select_n3A_894 = arith.select %ge3A_893, %broadcast_in_dim3A_227, %broadcast_in_dim3A_229 : vector<16xi1>, vector<16xi32>
      %sub3A_895 = arith.subi %add3A_892, %select_n3A_894 : vector<16xi32>
      %swap3A_896 = arith.constant 624 : index
      %swap3A_897 = tpu.vector_load %arg7[%swap3A_896] {strides = array<i32>} : memref<640xi32, #tpu.memory_space<vmem>>, vector<16xi32>,
      %swap3A_898 = vector.shape_cast %swap3A_897 : vector<16xi32> to vector<16xi32>
      %swap3A_899 = vector.shape_cast %sub3A_895 : vector<16xi32> to vector<16xi32>
      tpu.vector_store %arg7[%swap3A_896], %swap3A_899 {strides = array<i32>} : memref<640xi32, #tpu.memory_space<vmem>>, vector<16xi32>,
      %dma_start3A = arith.constant 0 : i32
      %dma_start3A_900 = arith.constant 0 : i32
      %dma_start3A_901 = tpu.memref_slice %arg9[%dma_start3A, %dma_start3A_900] : memref<640x64xi32, #tpu.memory_space<vmem>> -> memref<128x64xi32, #tpu.memory_space<vmem>>
      %dma_start3A_902 = arith.constant 0 : i32
      %dma_start3A_903 = tpu.memref_slice %arg7[%dma_start3A_902] : memref<640xi32, #tpu.memory_space<vmem>> -> memref<128xi32, #tpu.memory_space<vmem>>
      %dma_start3A_904 = arith.constant 0 : i32
      %dma_start3A_905 = arith.constant 0 : i32
      %dma_start3A_906 = tpu.memref_slice %arg2[%dma_start3A_904, %dma_start3A_905] : memref<80000x64xi32, #tpu.memory_space<hbm>> -> memref<80000x64xi32, #tpu.memory_space<hbm>>
      tpu.enqueue_indirect_dma source(%dma_start3A_906 : memref<80000x64xi32, #tpu.memory_space<hbm>>) target(%dma_start3A_901 : memref<128x64xi32, #tpu.memory_space<vmem>>) offsets(%dma_start3A_903 : memref<128xi32, #tpu.memory_space<vmem>>) semaphore(%arg13 : memref<!tpu.dma_semaphore, #tpu.memory_space<semaphore_mem>>)
      %dma_start3A_907 = arith.constant 128 : i32
      %dma_start3A_908 = arith.constant 0 : i32
      %dma_start3A_909 = tpu.memref_slice %arg9[%dma_start3A_907, %dma_start3A_908] : memref<640x64xi32, #tpu.memory_space<vmem>> -> memref<128x64xi32, #tpu.memory_space<vmem>>
      %dma_start3A_910 = arith.constant 128 : i32
      %dma_start3A_911 = tpu.memref_slice %arg7[%dma_start3A_910] : memref<640xi32, #tpu.memory_space<vmem>> -> memref<128xi32, #tpu.memory_space<vmem>>
      %dma_start3A_912 = arith.constant 0 : i32
      %dma_start3A_913 = arith.constant 0 : i32
      %dma_start3A_914 = tpu.memref_slice %arg2[%dma_start3A_912, %dma_start3A_913] : memref<80000x64xi32, #tpu.memory_space<hbm>> -> memref<80000x64xi32, #tpu.memory_space<hbm>>
      tpu.enqueue_indirect_dma source(%dma_start3A_914 : memref<80000x64xi32, #tpu.memory_space<hbm>>) target(%dma_start3A_909 : memref<128x64xi32, #tpu.memory_space<vmem>>) offsets(%dma_start3A_911 : memref<128xi32, #tpu.memory_space<vmem>>) semaphore(%arg13 : memref<!tpu.dma_semaphore, #tpu.memory_space<semaphore_mem>>)
      %dma_start3A_915 = arith.constant 256 : i32
      %dma_start3A_916 = arith.constant 0 : i32
      %dma_start3A_917 = tpu.memref_slice %arg9[%dma_start3A_915, %dma_start3A_916] : memref<640x64xi32, #tpu.memory_space<vmem>> -> memref<128x64xi32, #tpu.memory_space<vmem>>
      %dma_start3A_918 = arith.constant 256 : i32
      %dma_start3A_919 = tpu.memref_slice %arg7[%dma_start3A_918] : memref<640xi32, #tpu.memory_space<vmem>> -> memref<128xi32, #tpu.memory_space<vmem>>
      %dma_start3A_920 = arith.constant 0 : i32
      %dma_start3A_921 = arith.constant 0 : i32
      %dma_start3A_922 = tpu.memref_slice %arg2[%dma_start3A_920, %dma_start3A_921] : memref<80000x64xi32, #tpu.memory_space<hbm>> -> memref<80000x64xi32, #tpu.memory_space<hbm>>
      tpu.enqueue_indirect_dma source(%dma_start3A_922 : memref<80000x64xi32, #tpu.memory_space<hbm>>) target(%dma_start3A_917 : memref<128x64xi32, #tpu.memory_space<vmem>>) offsets(%dma_start3A_919 : memref<128xi32, #tpu.memory_space<vmem>>) semaphore(%arg13 : memref<!tpu.dma_semaphore, #tpu.memory_space<semaphore_mem>>)
      %dma_start3A_923 = arith.constant 384 : i32
      %dma_start3A_924 = arith.constant 0 : i32
      %dma_start3A_925 = tpu.memref_slice %arg9[%dma_start3A_923, %dma_start3A_924] : memref<640x64xi32, #tpu.memory_space<vmem>> -> memref<128x64xi32, #tpu.memory_space<vmem>>
      %dma_start3A_926 = arith.constant 384 : i32
      %dma_start3A_927 = tpu.memref_slice %arg7[%dma_start3A_926] : memref<640xi32, #tpu.memory_space<vmem>> -> memref<128xi32, #tpu.memory_space<vmem>>
      %dma_start3A_928 = arith.constant 0 : i32
      %dma_start3A_929 = arith.constant 0 : i32
      %dma_start3A_930 = tpu.memref_slice %arg2[%dma_start3A_928, %dma_start3A_929] : memref<80000x64xi32, #tpu.memory_space<hbm>> -> memref<80000x64xi32, #tpu.memory_space<hbm>>
      tpu.enqueue_indirect_dma source(%dma_start3A_930 : memref<80000x64xi32, #tpu.memory_space<hbm>>) target(%dma_start3A_925 : memref<128x64xi32, #tpu.memory_space<vmem>>) offsets(%dma_start3A_927 : memref<128xi32, #tpu.memory_space<vmem>>) semaphore(%arg13 : memref<!tpu.dma_semaphore, #tpu.memory_space<semaphore_mem>>)
      %dma_start3A_931 = arith.constant 512 : i32
      %dma_start3A_932 = arith.constant 0 : i32
      %dma_start3A_933 = tpu.memref_slice %arg9[%dma_start3A_931, %dma_start3A_932] : memref<640x64xi32, #tpu.memory_space<vmem>> -> memref<128x64xi32, #tpu.memory_space<vmem>>
      %dma_start3A_934 = arith.constant 512 : i32
      %dma_start3A_935 = tpu.memref_slice %arg7[%dma_start3A_934] : memref<640xi32, #tpu.memory_space<vmem>> -> memref<128xi32, #tpu.memory_space<vmem>>
      %dma_start3A_936 = arith.constant 0 : i32
      %dma_start3A_937 = arith.constant 0 : i32
      %dma_start3A_938 = tpu.memref_slice %arg2[%dma_start3A_936, %dma_start3A_937] : memref<80000x64xi32, #tpu.memory_space<hbm>> -> memref<80000x64xi32, #tpu.memory_space<hbm>>
      tpu.enqueue_indirect_dma source(%dma_start3A_938 : memref<80000x64xi32, #tpu.memory_space<hbm>>) target(%dma_start3A_933 : memref<128x64xi32, #tpu.memory_space<vmem>>) offsets(%dma_start3A_935 : memref<128xi32, #tpu.memory_space<vmem>>) semaphore(%arg13 : memref<!tpu.dma_semaphore, #tpu.memory_space<semaphore_mem>>)
    } else {
    }
    %scan3A = arith.constant 0 : i32
    %scan3A_19 = arith.constant 0 : i32
    %scan3A_20 = arith.constant 32 : i32
    %scan3A_21 = arith.addi %scan3A_19, %scan3A_20 : i32
    %scan3A_22 = arith.constant 1 : i32
    %scan3A_23 = scf.for %scan3A_149 = %scan3A_19 to %scan3A_21 step %scan3A_22 iter_args(%scan3A_150 = %scan3A) -> (i32)  : i32 {
      %mul3A_151 = arith.constant 2 : i32
      %mul3A_152 = arith.muli %mul3A_151, %scan3A_149 : i32
      %mul3A_153 = arith.constant 32 : i32
      %mul3A_154 = arith.muli %mul3A_152, %mul3A_153 : i32
      %add3A_155 = arith.addi %add3A, %mul3A_154 : i32
      %lt3A_156 = arith.constant 2000 : i32
      %lt3A_157 = arith.cmpi slt, %add3A_155, %lt3A_156 : i32
      %convert_element_type3A_158 = arith.extui %lt3A_157 : i1 to i32
      %cond3A_159 = arith.constant 0 : i32
      %cond3A_160 = arith.cmpi ne, %convert_element_type3A_158, %cond3A_159 : i32
      scf.if %cond3A_160 {
        %dma_wait3A = arith.constant 0 : i32
        %dma_wait3A_228 = arith.constant 0 : i32
        %dma_wait3A_229 = tpu.memref_slice %arg9[%dma_wait3A, %dma_wait3A_228] : memref<640x64xi32, #tpu.memory_space<vmem>> -> memref<128x64xi32, #tpu.memory_space<vmem>>
        %dma_wait3A_230 = arith.constant 0 : i32
        %dma_wait3A_231 = tpu.memref_slice %arg7[%dma_wait3A_230] : memref<640xi32, #tpu.memory_space<vmem>> -> memref<128xi32, #tpu.memory_space<vmem>>
        %dma_wait3A_232 = arith.constant 0 : i32
        %dma_wait3A_233 = arith.constant 0 : i32
        %dma_wait3A_234 = tpu.memref_slice %arg2[%dma_wait3A_232, %dma_wait3A_233] : memref<80000x64xi32, #tpu.memory_space<hbm>> -> memref<80000x64xi32, #tpu.memory_space<hbm>>
        tpu.wait_indirect_dma semaphore(%arg13 : memref<!tpu.dma_semaphore, #tpu.memory_space<semaphore_mem>>) src(%dma_wait3A_234 : memref<80000x64xi32, #tpu.memory_space<hbm>>) dst(%dma_wait3A_229 : memref<128x64xi32, #tpu.memory_space<vmem>>)
        %dma_wait3A_235 = arith.constant 128 : i32
        %dma_wait3A_236 = arith.constant 0 : i32
        %dma_wait3A_237 = tpu.memref_slice %arg9[%dma_wait3A_235, %dma_wait3A_236] : memref<640x64xi32, #tpu.memory_space<vmem>> -> memref<128x64xi32, #tpu.memory_space<vmem>>
        %dma_wait3A_238 = arith.constant 128 : i32
        %dma_wait3A_239 = tpu.memref_slice %arg7[%dma_wait3A_238] : memref<640xi32, #tpu.memory_space<vmem>> -> memref<128xi32, #tpu.memory_space<vmem>>
        %dma_wait3A_240 = arith.constant 0 : i32
        %dma_wait3A_241 = arith.constant 0 : i32
        %dma_wait3A_242 = tpu.memref_slice %arg2[%dma_wait3A_240, %dma_wait3A_241] : memref<80000x64xi32, #tpu.memory_space<hbm>> -> memref<80000x64xi32, #tpu.memory_space<hbm>>
        tpu.wait_indirect_dma semaphore(%arg13 : memref<!tpu.dma_semaphore, #tpu.memory_space<semaphore_mem>>) src(%dma_wait3A_242 : memref<80000x64xi32, #tpu.memory_space<hbm>>) dst(%dma_wait3A_237 : memref<128x64xi32, #tpu.memory_space<vmem>>)
        %dma_wait3A_243 = arith.constant 256 : i32
        %dma_wait3A_244 = arith.constant 0 : i32
        %dma_wait3A_245 = tpu.memref_slice %arg9[%dma_wait3A_243, %dma_wait3A_244] : memref<640x64xi32, #tpu.memory_space<vmem>> -> memref<128x64xi32, #tpu.memory_space<vmem>>
        %dma_wait3A_246 = arith.constant 256 : i32
        %dma_wait3A_247 = tpu.memref_slice %arg7[%dma_wait3A_246] : memref<640xi32, #tpu.memory_space<vmem>> -> memref<128xi32, #tpu.memory_space<vmem>>
        %dma_wait3A_248 = arith.constant 0 : i32
        %dma_wait3A_249 = arith.constant 0 : i32
        %dma_wait3A_250 = tpu.memref_slice %arg2[%dma_wait3A_248, %dma_wait3A_249] : memref<80000x64xi32, #tpu.memory_space<hbm>> -> memref<80000x64xi32, #tpu.memory_space<hbm>>
        tpu.wait_indirect_dma semaphore(%arg13 : memref<!tpu.dma_semaphore, #tpu.memory_space<semaphore_mem>>) src(%dma_wait3A_250 : memref<80000x64xi32, #tpu.memory_space<hbm>>) dst(%dma_wait3A_245 : memref<128x64xi32, #tpu.memory_space<vmem>>)
        %dma_wait3A_251 = arith.constant 384 : i32
        %dma_wait3A_252 = arith.constant 0 : i32
        %dma_wait3A_253 = tpu.memref_slice %arg9[%dma_wait3A_251, %dma_wait3A_252] : memref<640x64xi32, #tpu.memory_space<vmem>> -> memref<128x64xi32, #tpu.memory_space<vmem>>
        %dma_wait3A_254 = arith.constant 384 : i32
        %dma_wait3A_255 = tpu.memref_slice %arg7[%dma_wait3A_254] : memref<640xi32, #tpu.memory_space<vmem>> -> memref<128xi32, #tpu.memory_space<vmem>>
        %dma_wait3A_256 = arith.constant 0 : i32
        %dma_wait3A_257 = arith.constant 0 : i32
        %dma_wait3A_258 = tpu.memref_slice %arg2[%dma_wait3A_256, %dma_wait3A_257] : memref<80000x64xi32, #tpu.memory_space<hbm>> -> memref<80000x64xi32, #tpu.memory_space<hbm>>
        tpu.wait_indirect_dma semaphore(%arg13 : memref<!tpu.dma_semaphore, #tpu.memory_space<semaphore_mem>>) src(%dma_wait3A_258 : memref<80000x64xi32, #tpu.memory_space<hbm>>) dst(%dma_wait3A_253 : memref<128x64xi32, #tpu.memory_space<vmem>>)
        %dma_wait3A_259 = arith.constant 512 : i32
        %dma_wait3A_260 = arith.constant 0 : i32
        %dma_wait3A_261 = tpu.memref_slice %arg9[%dma_wait3A_259, %dma_wait3A_260] : memref<640x64xi32, #tpu.memory_space<vmem>> -> memref<128x64xi32, #tpu.memory_space<vmem>>
        %dma_wait3A_262 = arith.constant 512 : i32
        %dma_wait3A_263 = tpu.memref_slice %arg7[%dma_wait3A_262] : memref<640xi32, #tpu.memory_space<vmem>> -> memref<128xi32, #tpu.memory_space<vmem>>
        %dma_wait3A_264 = arith.constant 0 : i32
        %dma_wait3A_265 = arith.constant 0 : i32
        %dma_wait3A_266 = tpu.memref_slice %arg2[%dma_wait3A_264, %dma_wait3A_265] : memref<80000x64xi32, #tpu.memory_space<hbm>> -> memref<80000x64xi32, #tpu.memory_space<hbm>>
        tpu.wait_indirect_dma semaphore(%arg13 : memref<!tpu.dma_semaphore, #tpu.memory_space<semaphore_mem>>) src(%dma_wait3A_266 : memref<80000x64xi32, #tpu.memory_space<hbm>>) dst(%dma_wait3A_261 : memref<128x64xi32, #tpu.memory_space<vmem>>)
      } else {
      }
      %add3A_161 = arith.constant 2 : i32
      %add3A_162 = arith.addi %mul3A_152, %add3A_161 : i32
      %mul3A_163 = arith.constant 32 : i32
      %mul3A_164 = arith.muli %add3A_162, %mul3A_163 : i32
      %add3A_165 = arith.addi %add3A, %mul3A_164 : i32
      %lt3A_166 = arith.constant 2000 : i32
      %lt3A_167 = arith.cmpi slt, %add3A_165, %lt3A_166 : i32
      %convert_element_type3A_168 = arith.extui %lt3A_167 : i1 to i32
      %cond3A_169 = arith.constant 0 : i32
      %cond3A_170 = arith.cmpi ne, %convert_element_type3A_168, %cond3A_169 : i32
      scf.if %cond3A_170 {
        %mul3A_228 = arith.constant 32 : i32
        %mul3A_229 = arith.muli %add3A_162, %mul3A_228 : i32
        %add3A_230 = arith.addi %add3A, %mul3A_229 : i32
        %jit3A_231 = arith.constant 250 : i32
        %div3A_232 = arith.divsi %add3A_230, %jit3A_231 : i32
        %sign3A_233 = arith.constant 0 : i32
        %sign3A_234 = arith.cmpi sgt, %add3A_230, %sign3A_233 : i32
        %sign3A_235 = arith.extui %sign3A_234 : i1 to i32
        %sign3A_236 = arith.constant 0 : i32
        %sign3A_237 = arith.cmpi slt, %add3A_230, %sign3A_236 : i32
        %sign3A_238 = arith.extui %sign3A_237 : i1 to i32
        %sign3A_239 = arith.subi %sign3A_235, %sign3A_238 : i32
        %sign3A_240 = arith.constant 0 : i32
        %sign3A_241 = arith.cmpi sgt, %jit3A_231, %sign3A_240 : i32
        %sign3A_242 = arith.extui %sign3A_241 : i1 to i32
        %sign3A_243 = arith.constant 0 : i32
        %sign3A_244 = arith.cmpi slt, %jit3A_231, %sign3A_243 : i32
        %sign3A_245 = arith.extui %sign3A_244 : i1 to i32
        %sign3A_246 = arith.subi %sign3A_242, %sign3A_245 : i32
        %ne3A_247 = arith.cmpi ne, %sign3A_239, %sign3A_246 : i32
        %rem3A_248 = arith.remsi %add3A_230, %jit3A_231 : i32
        %ne3A_249 = arith.constant 0 : i32
        %ne3A_250 = arith.cmpi ne, %rem3A_248, %ne3A_249 : i32
        %and3A_251 = arith.andi %ne3A_247, %ne3A_250 : i1
        %sub3A_252 = arith.constant 1 : i32
        %sub3A_253 = arith.subi %div3A_232, %sub3A_252 : i32
        %select_n3A_254 = arith.select %and3A_251, %sub3A_253, %div3A_232 : i32
        %jit3A_255 = arith.constant 250 : i32
        %eq3A_256 = arith.constant 0 : i32
        %eq3A_257 = arith.cmpi eq, %jit3A_255, %eq3A_256 : i32
        %jit3A_258 = arith.constant 1 : i32
        %select_n3A_259 = arith.select %eq3A_257, %jit3A_258, %jit3A_255 : i32
        %rem3A_260 = arith.remsi %add3A_230, %select_n3A_259 : i32
        %ne3A_261 = arith.constant 0 : i32
        %ne3A_262 = arith.cmpi ne, %rem3A_260, %ne3A_261 : i32
        %lt3A_263 = arith.constant 0 : i32
        %lt3A_264 = arith.cmpi slt, %rem3A_260, %lt3A_263 : i32
        %lt3A_265 = arith.constant 0 : i32
        %lt3A_266 = arith.cmpi slt, %select_n3A_259, %lt3A_265 : i32
        %ne3A_267 = arith.xori %lt3A_264, %lt3A_266 : i1
        %and3A_268 = arith.andi %ne3A_267, %ne3A_262 : i1
        %add3A_269 = arith.addi %rem3A_260, %select_n3A_259 : i32
        %select_n3A_270 = arith.select %and3A_268, %add3A_269, %rem3A_260 : i32
        %mul3A_271 = arith.constant 40 : i32
        %mul3A_272 = arith.muli %select_n3A_270, %mul3A_271 : i32
        %dma_start3A = arith.constant 0 : i32
        %dma_start3A_273 = tpu.memref_slice %arg3[%select_n3A_254, %dma_start3A, %mul3A_272] : memref<8x16x10000xi32, #tpu.memory_space<hbm>> -> memref<1x16x40xi32, #tpu.memory_space<hbm>>
        %dma_start3A_274 = tpu.memref_squeeze %dma_start3A_273 : memref<1x16x40xi32, #tpu.memory_space<hbm>> -> memref<16x40xi32, #tpu.memory_space<hbm>>
        %dma_start3A_275 = arith.constant 0 : i32
        %dma_start3A_276 = tpu.memref_slice %arg3[%select_n3A_254, %dma_start3A_275, %mul3A_272] : memref<8x16x10000xi32, #tpu.memory_space<hbm>> -> memref<1x16x40xi32, #tpu.memory_space<hbm>>
        %dma_start3A_277 = tpu.memref_squeeze %dma_start3A_276 : memref<1x16x40xi32, #tpu.memory_space<hbm>> -> memref<16x40xi32, #tpu.memory_space<hbm>>
        tpu.enqueue_dma source(%dma_start3A_277 : memref<16x40xi32, #tpu.memory_space<hbm>>) target(%arg5 : memref<16x40xi32, #tpu.memory_space<vmem>>) target_semaphore(%arg17 : memref<!tpu.dma_semaphore, #tpu.memory_space<semaphore_mem>>)
      } else {
      }
      %add3A_171 = arith.constant 1 : i32
      %add3A_172 = arith.addi %mul3A_152, %add3A_171 : i32
      %mul3A_173 = arith.constant 32 : i32
      %mul3A_174 = arith.muli %add3A_172, %mul3A_173 : i32
      %add3A_175 = arith.addi %add3A, %mul3A_174 : i32
      %lt3A_176 = arith.constant 2000 : i32
      %lt3A_177 = arith.cmpi slt, %add3A_175, %lt3A_176 : i32
      %convert_element_type3A_178 = arith.extui %lt3A_177 : i1 to i32
      %cond3A_179 = arith.constant 0 : i32
      %cond3A_180 = arith.cmpi ne, %convert_element_type3A_178, %cond3A_179 : i32
      scf.if %cond3A_180 {
        %mul3A_228 = arith.constant 32 : i32
        %mul3A_229 = arith.muli %add3A_172, %mul3A_228 : i32
        %add3A_230 = arith.addi %add3A, %mul3A_229 : i32
        %jit3A_231 = arith.constant 250 : i32
        %div3A_232 = arith.divsi %add3A_230, %jit3A_231 : i32
        %sign3A_233 = arith.constant 0 : i32
        %sign3A_234 = arith.cmpi sgt, %add3A_230, %sign3A_233 : i32
        %sign3A_235 = arith.extui %sign3A_234 : i1 to i32
        %sign3A_236 = arith.constant 0 : i32
        %sign3A_237 = arith.cmpi slt, %add3A_230, %sign3A_236 : i32
        %sign3A_238 = arith.extui %sign3A_237 : i1 to i32
        %sign3A_239 = arith.subi %sign3A_235, %sign3A_238 : i32
        %sign3A_240 = arith.constant 0 : i32
        %sign3A_241 = arith.cmpi sgt, %jit3A_231, %sign3A_240 : i32
        %sign3A_242 = arith.extui %sign3A_241 : i1 to i32
        %sign3A_243 = arith.constant 0 : i32
        %sign3A_244 = arith.cmpi slt, %jit3A_231, %sign3A_243 : i32
        %sign3A_245 = arith.extui %sign3A_244 : i1 to i32
        %sign3A_246 = arith.subi %sign3A_242, %sign3A_245 : i32
        %ne3A_247 = arith.cmpi ne, %sign3A_239, %sign3A_246 : i32
        %rem3A_248 = arith.remsi %add3A_230, %jit3A_231 : i32
        %ne3A_249 = arith.constant 0 : i32
        %ne3A_250 = arith.cmpi ne, %rem3A_248, %ne3A_249 : i32
        %and3A_251 = arith.andi %ne3A_247, %ne3A_250 : i1
        %sub3A_252 = arith.constant 1 : i32
        %sub3A_253 = arith.subi %div3A_232, %sub3A_252 : i32
        %select_n3A_254 = arith.select %and3A_251, %sub3A_253, %div3A_232 : i32
        %jit3A_255 = arith.constant 250 : i32
        %eq3A_256 = arith.constant 0 : i32
        %eq3A_257 = arith.cmpi eq, %jit3A_255, %eq3A_256 : i32
        %jit3A_258 = arith.constant 1 : i32
        %select_n3A_259 = arith.select %eq3A_257, %jit3A_258, %jit3A_255 : i32
        %rem3A_260 = arith.remsi %add3A_230, %select_n3A_259 : i32
        %ne3A_261 = arith.constant 0 : i32
        %ne3A_262 = arith.cmpi ne, %rem3A_260, %ne3A_261 : i32
        %lt3A_263 = arith.constant 0 : i32
        %lt3A_264 = arith.cmpi slt, %rem3A_260, %lt3A_263 : i32
        %lt3A_265 = arith.constant 0 : i32
        %lt3A_266 = arith.cmpi slt, %select_n3A_259, %lt3A_265 : i32
        %ne3A_267 = arith.xori %lt3A_264, %lt3A_266 : i1
        %and3A_268 = arith.andi %ne3A_267, %ne3A_262 : i1
        %add3A_269 = arith.addi %rem3A_260, %select_n3A_259 : i32
        %select_n3A_270 = arith.select %and3A_268, %add3A_269, %rem3A_260 : i32
        %mul3A_271 = arith.constant 40 : i32
        %mul3A_272 = arith.muli %select_n3A_270, %mul3A_271 : i32
        %dma_wait3A = arith.constant 0 : i32
        %dma_wait3A_273 = tpu.memref_slice %arg3[%select_n3A_254, %dma_wait3A, %mul3A_272] : memref<8x16x10000xi32, #tpu.memory_space<hbm>> -> memref<1x16x40xi32, #tpu.memory_space<hbm>>
        %dma_wait3A_274 = tpu.memref_squeeze %dma_wait3A_273 : memref<1x16x40xi32, #tpu.memory_space<hbm>> -> memref<16x40xi32, #tpu.memory_space<hbm>>
        %dma_wait3A_275 = arith.constant 0 : i32
        %dma_wait3A_276 = tpu.memref_slice %arg3[%select_n3A_254, %dma_wait3A_275, %mul3A_272] : memref<8x16x10000xi32, #tpu.memory_space<hbm>> -> memref<1x16x40xi32, #tpu.memory_space<hbm>>
        %dma_wait3A_277 = tpu.memref_squeeze %dma_wait3A_276 : memref<1x16x40xi32, #tpu.memory_space<hbm>> -> memref<16x40xi32, #tpu.memory_space<hbm>>
        tpu.wait_dma2 semaphore(%arg18 : memref<!tpu.dma_semaphore, #tpu.memory_space<semaphore_mem>>) src(%dma_wait3A_277 : memref<16x40xi32, #tpu.memory_space<hbm>>) dst(%arg6 : memref<16x40xi32, #tpu.memory_space<vmem>>)
        %jit3A_278 = arith.constant 250 : i32
        %div3A_279 = arith.divsi %add3A_175, %jit3A_278 : i32
        %sign3A_280 = arith.constant 0 : i32
        %sign3A_281 = arith.cmpi sgt, %add3A_175, %sign3A_280 : i32
        %sign3A_282 = arith.extui %sign3A_281 : i1 to i32
        %sign3A_283 = arith.constant 0 : i32
        %sign3A_284 = arith.cmpi slt, %add3A_175, %sign3A_283 : i32
        %sign3A_285 = arith.extui %sign3A_284 : i1 to i32
        %sign3A_286 = arith.subi %sign3A_282, %sign3A_285 : i32
        %sign3A_287 = arith.constant 0 : i32
        %sign3A_288 = arith.cmpi sgt, %jit3A_278, %sign3A_287 : i32
        %sign3A_289 = arith.extui %sign3A_288 : i1 to i32
        %sign3A_290 = arith.constant 0 : i32
        %sign3A_291 = arith.cmpi slt, %jit3A_278, %sign3A_290 : i32
        %sign3A_292 = arith.extui %sign3A_291 : i1 to i32
        %sign3A_293 = arith.subi %sign3A_289, %sign3A_292 : i32
        %ne3A_294 = arith.cmpi ne, %sign3A_286, %sign3A_293 : i32
        %rem3A_295 = arith.remsi %add3A_175, %jit3A_278 : i32
        %ne3A_296 = arith.constant 0 : i32
        %ne3A_297 = arith.cmpi ne, %rem3A_295, %ne3A_296 : i32
        %and3A_298 = arith.andi %ne3A_294, %ne3A_297 : i1
        %sub3A_299 = arith.constant 1 : i32
        %sub3A_300 = arith.subi %div3A_279, %sub3A_299 : i32
        %select_n3A_301 = arith.select %and3A_298, %sub3A_300, %div3A_279 : i32
        %mul3A_302 = arith.constant 10000 : i32
        %mul3A_303 = arith.muli %select_n3A_301, %mul3A_302 : i32
        %broadcast_in_dim3A = vector.broadcast %mul3A_303 : i32 to vector<16xi32>
        %broadcast_in_dim3A_304 = arith.constant 40000 : i32
        %broadcast_in_dim3A_305 = vector.broadcast %broadcast_in_dim3A_304 : i32 to vector<16xi32>
        %broadcast_in_dim3A_306 = arith.constant 79999 : i32
        %broadcast_in_dim3A_307 = vector.broadcast %broadcast_in_dim3A_306 : i32 to vector<16xi32>
        %broadcast_in_dim3A_308 = arith.constant 0 : i32
        %broadcast_in_dim3A_309 = vector.broadcast %broadcast_in_dim3A_308 : i32 to vector<16xi32>
        %get3A = arith.constant 0 : i32
        %get3A_310 = arith.index_cast %get3A : i32 to index
        %get3A_311 = arith.constant 0 : index
        %get3A_312 = tpu.vector_load %arg6[%get3A_310, %get3A_311] {strides = array<i32>} : memref<16x40xi32, #tpu.memory_space<vmem>>, vector<1x16xi32>,
        %get3A_313 = vector.shape_cast %get3A_312 : vector<1x16xi32> to vector<16xi32>
        %add3A_314 = arith.addi %get3A_313, %broadcast_in_dim3A : vector<16xi32>
        %add3A_315 = arith.addi %add3A_314, %add3A_314 : vector<16xi32>
        %ge3A_316 = arith.cmpi sge, %add3A_314, %broadcast_in_dim3A_305 : vector<16xi32>
        %select_n3A_317 = arith.select %ge3A_316, %broadcast_in_dim3A_307, %broadcast_in_dim3A_309 : vector<16xi1>, vector<16xi32>
        %sub3A_318 = arith.subi %add3A_315, %select_n3A_317 : vector<16xi32>
        %swap3A = arith.constant 0 : index
        %swap3A_319 = tpu.vector_load %arg8[%swap3A] {strides = array<i32>} : memref<640xi32, #tpu.memory_space<vmem>>, vector<16xi32>,
        %swap3A_320 = vector.shape_cast %swap3A_319 : vector<16xi32> to vector<16xi32>
        %swap3A_321 = vector.shape_cast %sub3A_318 : vector<16xi32> to vector<16xi32>
        tpu.vector_store %arg8[%swap3A], %swap3A_321 {strides = array<i32>} : memref<640xi32, #tpu.memory_space<vmem>>, vector<16xi32>,
        %get3A_322 = arith.constant 0 : i32
        %get3A_323 = arith.index_cast %get3A_322 : i32 to index
        %get3A_324 = arith.constant 16 : index
        %get3A_325 = tpu.vector_load %arg6[%get3A_323, %get3A_324] {strides = array<i32>} : memref<16x40xi32, #tpu.memory_space<vmem>>, vector<1x16xi32>,
        %get3A_326 = vector.shape_cast %get3A_325 : vector<1x16xi32> to vector<16xi32>
        %add3A_327 = arith.addi %get3A_326, %broadcast_in_dim3A : vector<16xi32>
        %add3A_328 = arith.addi %add3A_327, %add3A_327 : vector<16xi32>
        %ge3A_329 = arith.cmpi sge, %add3A_327, %broadcast_in_dim3A_305 : vector<16xi32>
        %select_n3A_330 = arith.select %ge3A_329, %broadcast_in_dim3A_307, %broadcast_in_dim3A_309 : vector<16xi1>, vector<16xi32>
        %sub3A_331 = arith.subi %add3A_328, %select_n3A_330 : vector<16xi32>
        %swap3A_332 = arith.constant 16 : index
        %swap3A_333 = tpu.vector_load %arg8[%swap3A_332] {strides = array<i32>} : memref<640xi32, #tpu.memory_space<vmem>>, vector<16xi32>,
        %swap3A_334 = vector.shape_cast %swap3A_333 : vector<16xi32> to vector<16xi32>
        %swap3A_335 = vector.shape_cast %sub3A_331 : vector<16xi32> to vector<16xi32>
        tpu.vector_store %arg8[%swap3A_332], %swap3A_335 {strides = array<i32>} : memref<640xi32, #tpu.memory_space<vmem>>, vector<16xi32>,
        %get3A_336 = arith.constant 0 : i32
        %get3A_337 = arith.index_cast %get3A_336 : i32 to index
        %get3A_338 = arith.constant 24 : index
        %get3A_339 = tpu.vector_load %arg6[%get3A_337, %get3A_338] {strides = array<i32>} : memref<16x40xi32, #tpu.memory_space<vmem>>, vector<1x16xi32>,
        %get3A_340 = vector.shape_cast %get3A_339 : vector<1x16xi32> to vector<16xi32>
        %add3A_341 = arith.addi %get3A_340, %broadcast_in_dim3A : vector<16xi32>
        %add3A_342 = arith.addi %add3A_341, %add3A_341 : vector<16xi32>
        %ge3A_343 = arith.cmpi sge, %add3A_341, %broadcast_in_dim3A_305 : vector<16xi32>
        %select_n3A_344 = arith.select %ge3A_343, %broadcast_in_dim3A_307, %broadcast_in_dim3A_309 : vector<16xi1>, vector<16xi32>
        %sub3A_345 = arith.subi %add3A_342, %select_n3A_344 : vector<16xi32>
        %swap3A_346 = arith.constant 24 : index
        %swap3A_347 = tpu.vector_load %arg8[%swap3A_346] {strides = array<i32>} : memref<640xi32, #tpu.memory_space<vmem>>, vector<16xi32>,
        %swap3A_348 = vector.shape_cast %swap3A_347 : vector<16xi32> to vector<16xi32>
        %swap3A_349 = vector.shape_cast %sub3A_345 : vector<16xi32> to vector<16xi32>
        tpu.vector_store %arg8[%swap3A_346], %swap3A_349 {strides = array<i32>} : memref<640xi32, #tpu.memory_space<vmem>>, vector<16xi32>,
        %get3A_350 = arith.constant 1 : i32
        %get3A_351 = arith.index_cast %get3A_350 : i32 to index
        %get3A_352 = arith.constant 0 : index
        %get3A_353 = tpu.vector_load %arg6[%get3A_351, %get3A_352] {strides = array<i32>} : memref<16x40xi32, #tpu.memory_space<vmem>>, vector<1x16xi32>,
        %get3A_354 = vector.shape_cast %get3A_353 : vector<1x16xi32> to vector<16xi32>
        %add3A_355 = arith.addi %get3A_354, %broadcast_in_dim3A : vector<16xi32>
        %add3A_356 = arith.addi %add3A_355, %add3A_355 : vector<16xi32>
        %ge3A_357 = arith.cmpi sge, %add3A_355, %broadcast_in_dim3A_305 : vector<16xi32>
        %select_n3A_358 = arith.select %ge3A_357, %broadcast_in_dim3A_307, %broadcast_in_dim3A_309 : vector<16xi1>, vector<16xi32>
        %sub3A_359 = arith.subi %add3A_356, %select_n3A_358 : vector<16xi32>
        %swap3A_360 = arith.constant 40 : index
        %swap3A_361 = tpu.vector_load %arg8[%swap3A_360] {strides = array<i32>} : memref<640xi32, #tpu.memory_space<vmem>>, vector<16xi32>,
        %swap3A_362 = vector.shape_cast %swap3A_361 : vector<16xi32> to vector<16xi32>
        %swap3A_363 = vector.shape_cast %sub3A_359 : vector<16xi32> to vector<16xi32>
        tpu.vector_store %arg8[%swap3A_360], %swap3A_363 {strides = array<i32>} : memref<640xi32, #tpu.memory_space<vmem>>, vector<16xi32>,
        %get3A_364 = arith.constant 1 : i32
        %get3A_365 = arith.index_cast %get3A_364 : i32 to index
        %get3A_366 = arith.constant 16 : index
        %get3A_367 = tpu.vector_load %arg6[%get3A_365, %get3A_366] {strides = array<i32>} : memref<16x40xi32, #tpu.memory_space<vmem>>, vector<1x16xi32>,
        %get3A_368 = vector.shape_cast %get3A_367 : vector<1x16xi32> to vector<16xi32>
        %add3A_369 = arith.addi %get3A_368, %broadcast_in_dim3A : vector<16xi32>
        %add3A_370 = arith.addi %add3A_369, %add3A_369 : vector<16xi32>
        %ge3A_371 = arith.cmpi sge, %add3A_369, %broadcast_in_dim3A_305 : vector<16xi32>
        %select_n3A_372 = arith.select %ge3A_371, %broadcast_in_dim3A_307, %broadcast_in_dim3A_309 : vector<16xi1>, vector<16xi32>
        %sub3A_373 = arith.subi %add3A_370, %select_n3A_372 : vector<16xi32>
        %swap3A_374 = arith.constant 56 : index
        %swap3A_375 = tpu.vector_load %arg8[%swap3A_374] {strides = array<i32>} : memref<640xi32, #tpu.memory_space<vmem>>, vector<16xi32>,
        %swap3A_376 = vector.shape_cast %swap3A_375 : vector<16xi32> to vector<16xi32>
        %swap3A_377 = vector.shape_cast %sub3A_373 : vector<16xi32> to vector<16xi32>
        tpu.vector_store %arg8[%swap3A_374], %swap3A_377 {strides = array<i32>} : memref<640xi32, #tpu.memory_space<vmem>>, vector<16xi32>,
        %get3A_378 = arith.constant 1 : i32
        %get3A_379 = arith.index_cast %get3A_378 : i32 to index
        %get3A_380 = arith.constant 24 : index
        %get3A_381 = tpu.vector_load %arg6[%get3A_379, %get3A_380] {strides = array<i32>} : memref<16x40xi32, #tpu.memory_space<vmem>>, vector<1x16xi32>,
        %get3A_382 = vector.shape_cast %get3A_381 : vector<1x16xi32> to vector<16xi32>
        %add3A_383 = arith.addi %get3A_382, %broadcast_in_dim3A : vector<16xi32>
        %add3A_384 = arith.addi %add3A_383, %add3A_383 : vector<16xi32>
        %ge3A_385 = arith.cmpi sge, %add3A_383, %broadcast_in_dim3A_305 : vector<16xi32>
        %select_n3A_386 = arith.select %ge3A_385, %broadcast_in_dim3A_307, %broadcast_in_dim3A_309 : vector<16xi1>, vector<16xi32>
        %sub3A_387 = arith.subi %add3A_384, %select_n3A_386 : vector<16xi32>
        %swap3A_388 = arith.constant 64 : index
        %swap3A_389 = tpu.vector_load %arg8[%swap3A_388] {strides = array<i32>} : memref<640xi32, #tpu.memory_space<vmem>>, vector<16xi32>,
        %swap3A_390 = vector.shape_cast %swap3A_389 : vector<16xi32> to vector<16xi32>
        %swap3A_391 = vector.shape_cast %sub3A_387 : vector<16xi32> to vector<16xi32>
        tpu.vector_store %arg8[%swap3A_388], %swap3A_391 {strides = array<i32>} : memref<640xi32, #tpu.memory_space<vmem>>, vector<16xi32>,
        %get3A_392 = arith.constant 2 : i32
        %get3A_393 = arith.index_cast %get3A_392 : i32 to index
        %get3A_394 = arith.constant 0 : index
        %get3A_395 = tpu.vector_load %arg6[%get3A_393, %get3A_394] {strides = array<i32>} : memref<16x40xi32, #tpu.memory_space<vmem>>, vector<1x16xi32>,
        %get3A_396 = vector.shape_cast %get3A_395 : vector<1x16xi32> to vector<16xi32>
        %add3A_397 = arith.addi %get3A_396, %broadcast_in_dim3A : vector<16xi32>
        %add3A_398 = arith.addi %add3A_397, %add3A_397 : vector<16xi32>
        %ge3A_399 = arith.cmpi sge, %add3A_397, %broadcast_in_dim3A_305 : vector<16xi32>
        %select_n3A_400 = arith.select %ge3A_399, %broadcast_in_dim3A_307, %broadcast_in_dim3A_309 : vector<16xi1>, vector<16xi32>
        %sub3A_401 = arith.subi %add3A_398, %select_n3A_400 : vector<16xi32>
        %swap3A_402 = arith.constant 80 : index
        %swap3A_403 = tpu.vector_load %arg8[%swap3A_402] {strides = array<i32>} : memref<640xi32, #tpu.memory_space<vmem>>, vector<16xi32>,
        %swap3A_404 = vector.shape_cast %swap3A_403 : vector<16xi32> to vector<16xi32>
        %swap3A_405 = vector.shape_cast %sub3A_401 : vector<16xi32> to vector<16xi32>
        tpu.vector_store %arg8[%swap3A_402], %swap3A_405 {strides = array<i32>} : memref<640xi32, #tpu.memory_space<vmem>>, vector<16xi32>,
        %get3A_406 = arith.constant 2 : i32
        %get3A_407 = arith.index_cast %get3A_406 : i32 to index
        %get3A_408 = arith.constant 16 : index
        %get3A_409 = tpu.vector_load %arg6[%get3A_407, %get3A_408] {strides = array<i32>} : memref<16x40xi32, #tpu.memory_space<vmem>>, vector<1x16xi32>,
        %get3A_410 = vector.shape_cast %get3A_409 : vector<1x16xi32> to vector<16xi32>
        %add3A_411 = arith.addi %get3A_410, %broadcast_in_dim3A : vector<16xi32>
        %add3A_412 = arith.addi %add3A_411, %add3A_411 : vector<16xi32>
        %ge3A_413 = arith.cmpi sge, %add3A_411, %broadcast_in_dim3A_305 : vector<16xi32>
        %select_n3A_414 = arith.select %ge3A_413, %broadcast_in_dim3A_307, %broadcast_in_dim3A_309 : vector<16xi1>, vector<16xi32>
        %sub3A_415 = arith.subi %add3A_412, %select_n3A_414 : vector<16xi32>
        %swap3A_416 = arith.constant 96 : index
        %swap3A_417 = tpu.vector_load %arg8[%swap3A_416] {strides = array<i32>} : memref<640xi32, #tpu.memory_space<vmem>>, vector<16xi32>,
        %swap3A_418 = vector.shape_cast %swap3A_417 : vector<16xi32> to vector<16xi32>
        %swap3A_419 = vector.shape_cast %sub3A_415 : vector<16xi32> to vector<16xi32>
        tpu.vector_store %arg8[%swap3A_416], %swap3A_419 {strides = array<i32>} : memref<640xi32, #tpu.memory_space<vmem>>, vector<16xi32>,
        %get3A_420 = arith.constant 2 : i32
        %get3A_421 = arith.index_cast %get3A_420 : i32 to index
        %get3A_422 = arith.constant 24 : index
        %get3A_423 = tpu.vector_load %arg6[%get3A_421, %get3A_422] {strides = array<i32>} : memref<16x40xi32, #tpu.memory_space<vmem>>, vector<1x16xi32>,
        %get3A_424 = vector.shape_cast %get3A_423 : vector<1x16xi32> to vector<16xi32>
        %add3A_425 = arith.addi %get3A_424, %broadcast_in_dim3A : vector<16xi32>
        %add3A_426 = arith.addi %add3A_425, %add3A_425 : vector<16xi32>
        %ge3A_427 = arith.cmpi sge, %add3A_425, %broadcast_in_dim3A_305 : vector<16xi32>
        %select_n3A_428 = arith.select %ge3A_427, %broadcast_in_dim3A_307, %broadcast_in_dim3A_309 : vector<16xi1>, vector<16xi32>
        %sub3A_429 = arith.subi %add3A_426, %select_n3A_428 : vector<16xi32>
        %swap3A_430 = arith.constant 104 : index
        %swap3A_431 = tpu.vector_load %arg8[%swap3A_430] {strides = array<i32>} : memref<640xi32, #tpu.memory_space<vmem>>, vector<16xi32>,
        %swap3A_432 = vector.shape_cast %swap3A_431 : vector<16xi32> to vector<16xi32>
        %swap3A_433 = vector.shape_cast %sub3A_429 : vector<16xi32> to vector<16xi32>
        tpu.vector_store %arg8[%swap3A_430], %swap3A_433 {strides = array<i32>} : memref<640xi32, #tpu.memory_space<vmem>>, vector<16xi32>,
        %get3A_434 = arith.constant 3 : i32
        %get3A_435 = arith.index_cast %get3A_434 : i32 to index
        %get3A_436 = arith.constant 0 : index
        %get3A_437 = tpu.vector_load %arg6[%get3A_435, %get3A_436] {strides = array<i32>} : memref<16x40xi32, #tpu.memory_space<vmem>>, vector<1x16xi32>,
        %get3A_438 = vector.shape_cast %get3A_437 : vector<1x16xi32> to vector<16xi32>
        %add3A_439 = arith.addi %get3A_438, %broadcast_in_dim3A : vector<16xi32>
        %add3A_440 = arith.addi %add3A_439, %add3A_439 : vector<16xi32>
        %ge3A_441 = arith.cmpi sge, %add3A_439, %broadcast_in_dim3A_305 : vector<16xi32>
        %select_n3A_442 = arith.select %ge3A_441, %broadcast_in_dim3A_307, %broadcast_in_dim3A_309 : vector<16xi1>, vector<16xi32>
        %sub3A_443 = arith.subi %add3A_440, %select_n3A_442 : vector<16xi32>
        %swap3A_444 = arith.constant 120 : index
        %swap3A_445 = tpu.vector_load %arg8[%swap3A_444] {strides = array<i32>} : memref<640xi32, #tpu.memory_space<vmem>>, vector<16xi32>,
        %swap3A_446 = vector.shape_cast %swap3A_445 : vector<16xi32> to vector<16xi32>
        %swap3A_447 = vector.shape_cast %sub3A_443 : vector<16xi32> to vector<16xi32>
        tpu.vector_store %arg8[%swap3A_444], %swap3A_447 {strides = array<i32>} : memref<640xi32, #tpu.memory_space<vmem>>, vector<16xi32>,
        %get3A_448 = arith.constant 3 : i32
        %get3A_449 = arith.index_cast %get3A_448 : i32 to index
        %get3A_450 = arith.constant 16 : index
        %get3A_451 = tpu.vector_load %arg6[%get3A_449, %get3A_450] {strides = array<i32>} : memref<16x40xi32, #tpu.memory_space<vmem>>, vector<1x16xi32>,
        %get3A_452 = vector.shape_cast %get3A_451 : vector<1x16xi32> to vector<16xi32>
        %add3A_453 = arith.addi %get3A_452, %broadcast_in_dim3A : vector<16xi32>
        %add3A_454 = arith.addi %add3A_453, %add3A_453 : vector<16xi32>
        %ge3A_455 = arith.cmpi sge, %add3A_453, %broadcast_in_dim3A_305 : vector<16xi32>
        %select_n3A_456 = arith.select %ge3A_455, %broadcast_in_dim3A_307, %broadcast_in_dim3A_309 : vector<16xi1>, vector<16xi32>
        %sub3A_457 = arith.subi %add3A_454, %select_n3A_456 : vector<16xi32>
        %swap3A_458 = arith.constant 136 : index
        %swap3A_459 = tpu.vector_load %arg8[%swap3A_458] {strides = array<i32>} : memref<640xi32, #tpu.memory_space<vmem>>, vector<16xi32>,
        %swap3A_460 = vector.shape_cast %swap3A_459 : vector<16xi32> to vector<16xi32>
        %swap3A_461 = vector.shape_cast %sub3A_457 : vector<16xi32> to vector<16xi32>
        tpu.vector_store %arg8[%swap3A_458], %swap3A_461 {strides = array<i32>} : memref<640xi32, #tpu.memory_space<vmem>>, vector<16xi32>,
        %get3A_462 = arith.constant 3 : i32
        %get3A_463 = arith.index_cast %get3A_462 : i32 to index
        %get3A_464 = arith.constant 24 : index
        %get3A_465 = tpu.vector_load %arg6[%get3A_463, %get3A_464] {strides = array<i32>} : memref<16x40xi32, #tpu.memory_space<vmem>>, vector<1x16xi32>,
        %get3A_466 = vector.shape_cast %get3A_465 : vector<1x16xi32> to vector<16xi32>
        %add3A_467 = arith.addi %get3A_466, %broadcast_in_dim3A : vector<16xi32>
        %add3A_468 = arith.addi %add3A_467, %add3A_467 : vector<16xi32>
        %ge3A_469 = arith.cmpi sge, %add3A_467, %broadcast_in_dim3A_305 : vector<16xi32>
        %select_n3A_470 = arith.select %ge3A_469, %broadcast_in_dim3A_307, %broadcast_in_dim3A_309 : vector<16xi1>, vector<16xi32>
        %sub3A_471 = arith.subi %add3A_468, %select_n3A_470 : vector<16xi32>
        %swap3A_472 = arith.constant 144 : index
        %swap3A_473 = tpu.vector_load %arg8[%swap3A_472] {strides = array<i32>} : memref<640xi32, #tpu.memory_space<vmem>>, vector<16xi32>,
        %swap3A_474 = vector.shape_cast %swap3A_473 : vector<16xi32> to vector<16xi32>
        %swap3A_475 = vector.shape_cast %sub3A_471 : vector<16xi32> to vector<16xi32>
        tpu.vector_store %arg8[%swap3A_472], %swap3A_475 {strides = array<i32>} : memref<640xi32, #tpu.memory_space<vmem>>, vector<16xi32>,
        %get3A_476 = arith.constant 4 : i32
        %get3A_477 = arith.index_cast %get3A_476 : i32 to index
        %get3A_478 = arith.constant 0 : index
        %get3A_479 = tpu.vector_load %arg6[%get3A_477, %get3A_478] {strides = array<i32>} : memref<16x40xi32, #tpu.memory_space<vmem>>, vector<1x16xi32>,
        %get3A_480 = vector.shape_cast %get3A_479 : vector<1x16xi32> to vector<16xi32>
        %add3A_481 = arith.addi %get3A_480, %broadcast_in_dim3A : vector<16xi32>
        %add3A_482 = arith.addi %add3A_481, %add3A_481 : vector<16xi32>
        %ge3A_483 = arith.cmpi sge, %add3A_481, %broadcast_in_dim3A_305 : vector<16xi32>
        %select_n3A_484 = arith.select %ge3A_483, %broadcast_in_dim3A_307, %broadcast_in_dim3A_309 : vector<16xi1>, vector<16xi32>
        %sub3A_485 = arith.subi %add3A_482, %select_n3A_484 : vector<16xi32>
        %swap3A_486 = arith.constant 160 : index
        %swap3A_487 = tpu.vector_load %arg8[%swap3A_486] {strides = array<i32>} : memref<640xi32, #tpu.memory_space<vmem>>, vector<16xi32>,
        %swap3A_488 = vector.shape_cast %swap3A_487 : vector<16xi32> to vector<16xi32>
        %swap3A_489 = vector.shape_cast %sub3A_485 : vector<16xi32> to vector<16xi32>
        tpu.vector_store %arg8[%swap3A_486], %swap3A_489 {strides = array<i32>} : memref<640xi32, #tpu.memory_space<vmem>>, vector<16xi32>,
        %get3A_490 = arith.constant 4 : i32
        %get3A_491 = arith.index_cast %get3A_490 : i32 to index
        %get3A_492 = arith.constant 16 : index
        %get3A_493 = tpu.vector_load %arg6[%get3A_491, %get3A_492] {strides = array<i32>} : memref<16x40xi32, #tpu.memory_space<vmem>>, vector<1x16xi32>,
        %get3A_494 = vector.shape_cast %get3A_493 : vector<1x16xi32> to vector<16xi32>
        %add3A_495 = arith.addi %get3A_494, %broadcast_in_dim3A : vector<16xi32>
        %add3A_496 = arith.addi %add3A_495, %add3A_495 : vector<16xi32>
        %ge3A_497 = arith.cmpi sge, %add3A_495, %broadcast_in_dim3A_305 : vector<16xi32>
        %select_n3A_498 = arith.select %ge3A_497, %broadcast_in_dim3A_307, %broadcast_in_dim3A_309 : vector<16xi1>, vector<16xi32>
        %sub3A_499 = arith.subi %add3A_496, %select_n3A_498 : vector<16xi32>
        %swap3A_500 = arith.constant 176 : index
        %swap3A_501 = tpu.vector_load %arg8[%swap3A_500] {strides = array<i32>} : memref<640xi32, #tpu.memory_space<vmem>>, vector<16xi32>,
        %swap3A_502 = vector.shape_cast %swap3A_501 : vector<16xi32> to vector<16xi32>
        %swap3A_503 = vector.shape_cast %sub3A_499 : vector<16xi32> to vector<16xi32>
        tpu.vector_store %arg8[%swap3A_500], %swap3A_503 {strides = array<i32>} : memref<640xi32, #tpu.memory_space<vmem>>, vector<16xi32>,
        %get3A_504 = arith.constant 4 : i32
        %get3A_505 = arith.index_cast %get3A_504 : i32 to index
        %get3A_506 = arith.constant 24 : index
        %get3A_507 = tpu.vector_load %arg6[%get3A_505, %get3A_506] {strides = array<i32>} : memref<16x40xi32, #tpu.memory_space<vmem>>, vector<1x16xi32>,
        %get3A_508 = vector.shape_cast %get3A_507 : vector<1x16xi32> to vector<16xi32>
        %add3A_509 = arith.addi %get3A_508, %broadcast_in_dim3A : vector<16xi32>
        %add3A_510 = arith.addi %add3A_509, %add3A_509 : vector<16xi32>
        %ge3A_511 = arith.cmpi sge, %add3A_509, %broadcast_in_dim3A_305 : vector<16xi32>
        %select_n3A_512 = arith.select %ge3A_511, %broadcast_in_dim3A_307, %broadcast_in_dim3A_309 : vector<16xi1>, vector<16xi32>
        %sub3A_513 = arith.subi %add3A_510, %select_n3A_512 : vector<16xi32>
        %swap3A_514 = arith.constant 184 : index
        %swap3A_515 = tpu.vector_load %arg8[%swap3A_514] {strides = array<i32>} : memref<640xi32, #tpu.memory_space<vmem>>, vector<16xi32>,
        %swap3A_516 = vector.shape_cast %swap3A_515 : vector<16xi32> to vector<16xi32>
        %swap3A_517 = vector.shape_cast %sub3A_513 : vector<16xi32> to vector<16xi32>
        tpu.vector_store %arg8[%swap3A_514], %swap3A_517 {strides = array<i32>} : memref<640xi32, #tpu.memory_space<vmem>>, vector<16xi32>,
        %get3A_518 = arith.constant 5 : i32
        %get3A_519 = arith.index_cast %get3A_518 : i32 to index
        %get3A_520 = arith.constant 0 : index
        %get3A_521 = tpu.vector_load %arg6[%get3A_519, %get3A_520] {strides = array<i32>} : memref<16x40xi32, #tpu.memory_space<vmem>>, vector<1x16xi32>,
        %get3A_522 = vector.shape_cast %get3A_521 : vector<1x16xi32> to vector<16xi32>
        %add3A_523 = arith.addi %get3A_522, %broadcast_in_dim3A : vector<16xi32>
        %add3A_524 = arith.addi %add3A_523, %add3A_523 : vector<16xi32>
        %ge3A_525 = arith.cmpi sge, %add3A_523, %broadcast_in_dim3A_305 : vector<16xi32>
        %select_n3A_526 = arith.select %ge3A_525, %broadcast_in_dim3A_307, %broadcast_in_dim3A_309 : vector<16xi1>, vector<16xi32>
        %sub3A_527 = arith.subi %add3A_524, %select_n3A_526 : vector<16xi32>
        %swap3A_528 = arith.constant 200 : index
        %swap3A_529 = tpu.vector_load %arg8[%swap3A_528] {strides = array<i32>} : memref<640xi32, #tpu.memory_space<vmem>>, vector<16xi32>,
        %swap3A_530 = vector.shape_cast %swap3A_529 : vector<16xi32> to vector<16xi32>
        %swap3A_531 = vector.shape_cast %sub3A_527 : vector<16xi32> to vector<16xi32>
        tpu.vector_store %arg8[%swap3A_528], %swap3A_531 {strides = array<i32>} : memref<640xi32, #tpu.memory_space<vmem>>, vector<16xi32>,
        %get3A_532 = arith.constant 5 : i32
        %get3A_533 = arith.index_cast %get3A_532 : i32 to index
        %get3A_534 = arith.constant 16 : index
        %get3A_535 = tpu.vector_load %arg6[%get3A_533, %get3A_534] {strides = array<i32>} : memref<16x40xi32, #tpu.memory_space<vmem>>, vector<1x16xi32>,
        %get3A_536 = vector.shape_cast %get3A_535 : vector<1x16xi32> to vector<16xi32>
        %add3A_537 = arith.addi %get3A_536, %broadcast_in_dim3A : vector<16xi32>
        %add3A_538 = arith.addi %add3A_537, %add3A_537 : vector<16xi32>
        %ge3A_539 = arith.cmpi sge, %add3A_537, %broadcast_in_dim3A_305 : vector<16xi32>
        %select_n3A_540 = arith.select %ge3A_539, %broadcast_in_dim3A_307, %broadcast_in_dim3A_309 : vector<16xi1>, vector<16xi32>
        %sub3A_541 = arith.subi %add3A_538, %select_n3A_540 : vector<16xi32>
        %swap3A_542 = arith.constant 216 : index
        %swap3A_543 = tpu.vector_load %arg8[%swap3A_542] {strides = array<i32>} : memref<640xi32, #tpu.memory_space<vmem>>, vector<16xi32>,
        %swap3A_544 = vector.shape_cast %swap3A_543 : vector<16xi32> to vector<16xi32>
        %swap3A_545 = vector.shape_cast %sub3A_541 : vector<16xi32> to vector<16xi32>
        tpu.vector_store %arg8[%swap3A_542], %swap3A_545 {strides = array<i32>} : memref<640xi32, #tpu.memory_space<vmem>>, vector<16xi32>,
        %get3A_546 = arith.constant 5 : i32
        %get3A_547 = arith.index_cast %get3A_546 : i32 to index
        %get3A_548 = arith.constant 24 : index
        %get3A_549 = tpu.vector_load %arg6[%get3A_547, %get3A_548] {strides = array<i32>} : memref<16x40xi32, #tpu.memory_space<vmem>>, vector<1x16xi32>,
        %get3A_550 = vector.shape_cast %get3A_549 : vector<1x16xi32> to vector<16xi32>
        %add3A_551 = arith.addi %get3A_550, %broadcast_in_dim3A : vector<16xi32>
        %add3A_552 = arith.addi %add3A_551, %add3A_551 : vector<16xi32>
        %ge3A_553 = arith.cmpi sge, %add3A_551, %broadcast_in_dim3A_305 : vector<16xi32>
        %select_n3A_554 = arith.select %ge3A_553, %broadcast_in_dim3A_307, %broadcast_in_dim3A_309 : vector<16xi1>, vector<16xi32>
        %sub3A_555 = arith.subi %add3A_552, %select_n3A_554 : vector<16xi32>
        %swap3A_556 = arith.constant 224 : index
        %swap3A_557 = tpu.vector_load %arg8[%swap3A_556] {strides = array<i32>} : memref<640xi32, #tpu.memory_space<vmem>>, vector<16xi32>,
        %swap3A_558 = vector.shape_cast %swap3A_557 : vector<16xi32> to vector<16xi32>
        %swap3A_559 = vector.shape_cast %sub3A_555 : vector<16xi32> to vector<16xi32>
        tpu.vector_store %arg8[%swap3A_556], %swap3A_559 {strides = array<i32>} : memref<640xi32, #tpu.memory_space<vmem>>, vector<16xi32>,
        %get3A_560 = arith.constant 6 : i32
        %get3A_561 = arith.index_cast %get3A_560 : i32 to index
        %get3A_562 = arith.constant 0 : index
        %get3A_563 = tpu.vector_load %arg6[%get3A_561, %get3A_562] {strides = array<i32>} : memref<16x40xi32, #tpu.memory_space<vmem>>, vector<1x16xi32>,
        %get3A_564 = vector.shape_cast %get3A_563 : vector<1x16xi32> to vector<16xi32>
        %add3A_565 = arith.addi %get3A_564, %broadcast_in_dim3A : vector<16xi32>
        %add3A_566 = arith.addi %add3A_565, %add3A_565 : vector<16xi32>
        %ge3A_567 = arith.cmpi sge, %add3A_565, %broadcast_in_dim3A_305 : vector<16xi32>
        %select_n3A_568 = arith.select %ge3A_567, %broadcast_in_dim3A_307, %broadcast_in_dim3A_309 : vector<16xi1>, vector<16xi32>
        %sub3A_569 = arith.subi %add3A_566, %select_n3A_568 : vector<16xi32>
        %swap3A_570 = arith.constant 240 : index
        %swap3A_571 = tpu.vector_load %arg8[%swap3A_570] {strides = array<i32>} : memref<640xi32, #tpu.memory_space<vmem>>, vector<16xi32>,
        %swap3A_572 = vector.shape_cast %swap3A_571 : vector<16xi32> to vector<16xi32>
        %swap3A_573 = vector.shape_cast %sub3A_569 : vector<16xi32> to vector<16xi32>
        tpu.vector_store %arg8[%swap3A_570], %swap3A_573 {strides = array<i32>} : memref<640xi32, #tpu.memory_space<vmem>>, vector<16xi32>,
        %get3A_574 = arith.constant 6 : i32
        %get3A_575 = arith.index_cast %get3A_574 : i32 to index
        %get3A_576 = arith.constant 16 : index
        %get3A_577 = tpu.vector_load %arg6[%get3A_575, %get3A_576] {strides = array<i32>} : memref<16x40xi32, #tpu.memory_space<vmem>>, vector<1x16xi32>,
        %get3A_578 = vector.shape_cast %get3A_577 : vector<1x16xi32> to vector<16xi32>
        %add3A_579 = arith.addi %get3A_578, %broadcast_in_dim3A : vector<16xi32>
        %add3A_580 = arith.addi %add3A_579, %add3A_579 : vector<16xi32>
        %ge3A_581 = arith.cmpi sge, %add3A_579, %broadcast_in_dim3A_305 : vector<16xi32>
        %select_n3A_582 = arith.select %ge3A_581, %broadcast_in_dim3A_307, %broadcast_in_dim3A_309 : vector<16xi1>, vector<16xi32>
        %sub3A_583 = arith.subi %add3A_580, %select_n3A_582 : vector<16xi32>
        %swap3A_584 = arith.constant 256 : index
        %swap3A_585 = tpu.vector_load %arg8[%swap3A_584] {strides = array<i32>} : memref<640xi32, #tpu.memory_space<vmem>>, vector<16xi32>,
        %swap3A_586 = vector.shape_cast %swap3A_585 : vector<16xi32> to vector<16xi32>
        %swap3A_587 = vector.shape_cast %sub3A_583 : vector<16xi32> to vector<16xi32>
        tpu.vector_store %arg8[%swap3A_584], %swap3A_587 {strides = array<i32>} : memref<640xi32, #tpu.memory_space<vmem>>, vector<16xi32>,
        %get3A_588 = arith.constant 6 : i32
        %get3A_589 = arith.index_cast %get3A_588 : i32 to index
        %get3A_590 = arith.constant 24 : index
        %get3A_591 = tpu.vector_load %arg6[%get3A_589, %get3A_590] {strides = array<i32>} : memref<16x40xi32, #tpu.memory_space<vmem>>, vector<1x16xi32>,
        %get3A_592 = vector.shape_cast %get3A_591 : vector<1x16xi32> to vector<16xi32>
        %add3A_593 = arith.addi %get3A_592, %broadcast_in_dim3A : vector<16xi32>
        %add3A_594 = arith.addi %add3A_593, %add3A_593 : vector<16xi32>
        %ge3A_595 = arith.cmpi sge, %add3A_593, %broadcast_in_dim3A_305 : vector<16xi32>
        %select_n3A_596 = arith.select %ge3A_595, %broadcast_in_dim3A_307, %broadcast_in_dim3A_309 : vector<16xi1>, vector<16xi32>
        %sub3A_597 = arith.subi %add3A_594, %select_n3A_596 : vector<16xi32>
        %swap3A_598 = arith.constant 264 : index
        %swap3A_599 = tpu.vector_load %arg8[%swap3A_598] {strides = array<i32>} : memref<640xi32, #tpu.memory_space<vmem>>, vector<16xi32>,
        %swap3A_600 = vector.shape_cast %swap3A_599 : vector<16xi32> to vector<16xi32>
        %swap3A_601 = vector.shape_cast %sub3A_597 : vector<16xi32> to vector<16xi32>
        tpu.vector_store %arg8[%swap3A_598], %swap3A_601 {strides = array<i32>} : memref<640xi32, #tpu.memory_space<vmem>>, vector<16xi32>,
        %get3A_602 = arith.constant 7 : i32
        %get3A_603 = arith.index_cast %get3A_602 : i32 to index
        %get3A_604 = arith.constant 0 : index
        %get3A_605 = tpu.vector_load %arg6[%get3A_603, %get3A_604] {strides = array<i32>} : memref<16x40xi32, #tpu.memory_space<vmem>>, vector<1x16xi32>,
        %get3A_606 = vector.shape_cast %get3A_605 : vector<1x16xi32> to vector<16xi32>
        %add3A_607 = arith.addi %get3A_606, %broadcast_in_dim3A : vector<16xi32>
        %add3A_608 = arith.addi %add3A_607, %add3A_607 : vector<16xi32>
        %ge3A_609 = arith.cmpi sge, %add3A_607, %broadcast_in_dim3A_305 : vector<16xi32>
        %select_n3A_610 = arith.select %ge3A_609, %broadcast_in_dim3A_307, %broadcast_in_dim3A_309 : vector<16xi1>, vector<16xi32>
        %sub3A_611 = arith.subi %add3A_608, %select_n3A_610 : vector<16xi32>
        %swap3A_612 = arith.constant 280 : index
        %swap3A_613 = tpu.vector_load %arg8[%swap3A_612] {strides = array<i32>} : memref<640xi32, #tpu.memory_space<vmem>>, vector<16xi32>,
        %swap3A_614 = vector.shape_cast %swap3A_613 : vector<16xi32> to vector<16xi32>
        %swap3A_615 = vector.shape_cast %sub3A_611 : vector<16xi32> to vector<16xi32>
        tpu.vector_store %arg8[%swap3A_612], %swap3A_615 {strides = array<i32>} : memref<640xi32, #tpu.memory_space<vmem>>, vector<16xi32>,
        %get3A_616 = arith.constant 7 : i32
        %get3A_617 = arith.index_cast %get3A_616 : i32 to index
        %get3A_618 = arith.constant 16 : index
        %get3A_619 = tpu.vector_load %arg6[%get3A_617, %get3A_618] {strides = array<i32>} : memref<16x40xi32, #tpu.memory_space<vmem>>, vector<1x16xi32>,
        %get3A_620 = vector.shape_cast %get3A_619 : vector<1x16xi32> to vector<16xi32>
        %add3A_621 = arith.addi %get3A_620, %broadcast_in_dim3A : vector<16xi32>
        %add3A_622 = arith.addi %add3A_621, %add3A_621 : vector<16xi32>
        %ge3A_623 = arith.cmpi sge, %add3A_621, %broadcast_in_dim3A_305 : vector<16xi32>
        %select_n3A_624 = arith.select %ge3A_623, %broadcast_in_dim3A_307, %broadcast_in_dim3A_309 : vector<16xi1>, vector<16xi32>
        %sub3A_625 = arith.subi %add3A_622, %select_n3A_624 : vector<16xi32>
        %swap3A_626 = arith.constant 296 : index
        %swap3A_627 = tpu.vector_load %arg8[%swap3A_626] {strides = array<i32>} : memref<640xi32, #tpu.memory_space<vmem>>, vector<16xi32>,
        %swap3A_628 = vector.shape_cast %swap3A_627 : vector<16xi32> to vector<16xi32>
        %swap3A_629 = vector.shape_cast %sub3A_625 : vector<16xi32> to vector<16xi32>
        tpu.vector_store %arg8[%swap3A_626], %swap3A_629 {strides = array<i32>} : memref<640xi32, #tpu.memory_space<vmem>>, vector<16xi32>,
        %get3A_630 = arith.constant 7 : i32
        %get3A_631 = arith.index_cast %get3A_630 : i32 to index
        %get3A_632 = arith.constant 24 : index
        %get3A_633 = tpu.vector_load %arg6[%get3A_631, %get3A_632] {strides = array<i32>} : memref<16x40xi32, #tpu.memory_space<vmem>>, vector<1x16xi32>,
        %get3A_634 = vector.shape_cast %get3A_633 : vector<1x16xi32> to vector<16xi32>
        %add3A_635 = arith.addi %get3A_634, %broadcast_in_dim3A : vector<16xi32>
        %add3A_636 = arith.addi %add3A_635, %add3A_635 : vector<16xi32>
        %ge3A_637 = arith.cmpi sge, %add3A_635, %broadcast_in_dim3A_305 : vector<16xi32>
        %select_n3A_638 = arith.select %ge3A_637, %broadcast_in_dim3A_307, %broadcast_in_dim3A_309 : vector<16xi1>, vector<16xi32>
        %sub3A_639 = arith.subi %add3A_636, %select_n3A_638 : vector<16xi32>
        %swap3A_640 = arith.constant 304 : index
        %swap3A_641 = tpu.vector_load %arg8[%swap3A_640] {strides = array<i32>} : memref<640xi32, #tpu.memory_space<vmem>>, vector<16xi32>,
        %swap3A_642 = vector.shape_cast %swap3A_641 : vector<16xi32> to vector<16xi32>
        %swap3A_643 = vector.shape_cast %sub3A_639 : vector<16xi32> to vector<16xi32>
        tpu.vector_store %arg8[%swap3A_640], %swap3A_643 {strides = array<i32>} : memref<640xi32, #tpu.memory_space<vmem>>, vector<16xi32>,
        %get3A_644 = arith.constant 8 : i32
        %get3A_645 = arith.index_cast %get3A_644 : i32 to index
        %get3A_646 = arith.constant 0 : index
        %get3A_647 = tpu.vector_load %arg6[%get3A_645, %get3A_646] {strides = array<i32>} : memref<16x40xi32, #tpu.memory_space<vmem>>, vector<1x16xi32>,
        %get3A_648 = vector.shape_cast %get3A_647 : vector<1x16xi32> to vector<16xi32>
        %add3A_649 = arith.addi %get3A_648, %broadcast_in_dim3A : vector<16xi32>
        %add3A_650 = arith.addi %add3A_649, %add3A_649 : vector<16xi32>
        %ge3A_651 = arith.cmpi sge, %add3A_649, %broadcast_in_dim3A_305 : vector<16xi32>
        %select_n3A_652 = arith.select %ge3A_651, %broadcast_in_dim3A_307, %broadcast_in_dim3A_309 : vector<16xi1>, vector<16xi32>
        %sub3A_653 = arith.subi %add3A_650, %select_n3A_652 : vector<16xi32>
        %swap3A_654 = arith.constant 320 : index
        %swap3A_655 = tpu.vector_load %arg8[%swap3A_654] {strides = array<i32>} : memref<640xi32, #tpu.memory_space<vmem>>, vector<16xi32>,
        %swap3A_656 = vector.shape_cast %swap3A_655 : vector<16xi32> to vector<16xi32>
        %swap3A_657 = vector.shape_cast %sub3A_653 : vector<16xi32> to vector<16xi32>
        tpu.vector_store %arg8[%swap3A_654], %swap3A_657 {strides = array<i32>} : memref<640xi32, #tpu.memory_space<vmem>>, vector<16xi32>,
        %get3A_658 = arith.constant 8 : i32
        %get3A_659 = arith.index_cast %get3A_658 : i32 to index
        %get3A_660 = arith.constant 16 : index
        %get3A_661 = tpu.vector_load %arg6[%get3A_659, %get3A_660] {strides = array<i32>} : memref<16x40xi32, #tpu.memory_space<vmem>>, vector<1x16xi32>,
        %get3A_662 = vector.shape_cast %get3A_661 : vector<1x16xi32> to vector<16xi32>
        %add3A_663 = arith.addi %get3A_662, %broadcast_in_dim3A : vector<16xi32>
        %add3A_664 = arith.addi %add3A_663, %add3A_663 : vector<16xi32>
        %ge3A_665 = arith.cmpi sge, %add3A_663, %broadcast_in_dim3A_305 : vector<16xi32>
        %select_n3A_666 = arith.select %ge3A_665, %broadcast_in_dim3A_307, %broadcast_in_dim3A_309 : vector<16xi1>, vector<16xi32>
        %sub3A_667 = arith.subi %add3A_664, %select_n3A_666 : vector<16xi32>
        %swap3A_668 = arith.constant 336 : index
        %swap3A_669 = tpu.vector_load %arg8[%swap3A_668] {strides = array<i32>} : memref<640xi32, #tpu.memory_space<vmem>>, vector<16xi32>,
        %swap3A_670 = vector.shape_cast %swap3A_669 : vector<16xi32> to vector<16xi32>
        %swap3A_671 = vector.shape_cast %sub3A_667 : vector<16xi32> to vector<16xi32>
        tpu.vector_store %arg8[%swap3A_668], %swap3A_671 {strides = array<i32>} : memref<640xi32, #tpu.memory_space<vmem>>, vector<16xi32>,
        %get3A_672 = arith.constant 8 : i32
        %get3A_673 = arith.index_cast %get3A_672 : i32 to index
        %get3A_674 = arith.constant 24 : index
        %get3A_675 = tpu.vector_load %arg6[%get3A_673, %get3A_674] {strides = array<i32>} : memref<16x40xi32, #tpu.memory_space<vmem>>, vector<1x16xi32>,
        %get3A_676 = vector.shape_cast %get3A_675 : vector<1x16xi32> to vector<16xi32>
        %add3A_677 = arith.addi %get3A_676, %broadcast_in_dim3A : vector<16xi32>
        %add3A_678 = arith.addi %add3A_677, %add3A_677 : vector<16xi32>
        %ge3A_679 = arith.cmpi sge, %add3A_677, %broadcast_in_dim3A_305 : vector<16xi32>
        %select_n3A_680 = arith.select %ge3A_679, %broadcast_in_dim3A_307, %broadcast_in_dim3A_309 : vector<16xi1>, vector<16xi32>
        %sub3A_681 = arith.subi %add3A_678, %select_n3A_680 : vector<16xi32>
        %swap3A_682 = arith.constant 344 : index
        %swap3A_683 = tpu.vector_load %arg8[%swap3A_682] {strides = array<i32>} : memref<640xi32, #tpu.memory_space<vmem>>, vector<16xi32>,
        %swap3A_684 = vector.shape_cast %swap3A_683 : vector<16xi32> to vector<16xi32>
        %swap3A_685 = vector.shape_cast %sub3A_681 : vector<16xi32> to vector<16xi32>
        tpu.vector_store %arg8[%swap3A_682], %swap3A_685 {strides = array<i32>} : memref<640xi32, #tpu.memory_space<vmem>>, vector<16xi32>,
        %get3A_686 = arith.constant 9 : i32
        %get3A_687 = arith.index_cast %get3A_686 : i32 to index
        %get3A_688 = arith.constant 0 : index
        %get3A_689 = tpu.vector_load %arg6[%get3A_687, %get3A_688] {strides = array<i32>} : memref<16x40xi32, #tpu.memory_space<vmem>>, vector<1x16xi32>,
        %get3A_690 = vector.shape_cast %get3A_689 : vector<1x16xi32> to vector<16xi32>
        %add3A_691 = arith.addi %get3A_690, %broadcast_in_dim3A : vector<16xi32>
        %add3A_692 = arith.addi %add3A_691, %add3A_691 : vector<16xi32>
        %ge3A_693 = arith.cmpi sge, %add3A_691, %broadcast_in_dim3A_305 : vector<16xi32>
        %select_n3A_694 = arith.select %ge3A_693, %broadcast_in_dim3A_307, %broadcast_in_dim3A_309 : vector<16xi1>, vector<16xi32>
        %sub3A_695 = arith.subi %add3A_692, %select_n3A_694 : vector<16xi32>
        %swap3A_696 = arith.constant 360 : index
        %swap3A_697 = tpu.vector_load %arg8[%swap3A_696] {strides = array<i32>} : memref<640xi32, #tpu.memory_space<vmem>>, vector<16xi32>,
        %swap3A_698 = vector.shape_cast %swap3A_697 : vector<16xi32> to vector<16xi32>
        %swap3A_699 = vector.shape_cast %sub3A_695 : vector<16xi32> to vector<16xi32>
        tpu.vector_store %arg8[%swap3A_696], %swap3A_699 {strides = array<i32>} : memref<640xi32, #tpu.memory_space<vmem>>, vector<16xi32>,
        %get3A_700 = arith.constant 9 : i32
        %get3A_701 = arith.index_cast %get3A_700 : i32 to index
        %get3A_702 = arith.constant 16 : index
        %get3A_703 = tpu.vector_load %arg6[%get3A_701, %get3A_702] {strides = array<i32>} : memref<16x40xi32, #tpu.memory_space<vmem>>, vector<1x16xi32>,
        %get3A_704 = vector.shape_cast %get3A_703 : vector<1x16xi32> to vector<16xi32>
        %add3A_705 = arith.addi %get3A_704, %broadcast_in_dim3A : vector<16xi32>
        %add3A_706 = arith.addi %add3A_705, %add3A_705 : vector<16xi32>
        %ge3A_707 = arith.cmpi sge, %add3A_705, %broadcast_in_dim3A_305 : vector<16xi32>
        %select_n3A_708 = arith.select %ge3A_707, %broadcast_in_dim3A_307, %broadcast_in_dim3A_309 : vector<16xi1>, vector<16xi32>
        %sub3A_709 = arith.subi %add3A_706, %select_n3A_708 : vector<16xi32>
        %swap3A_710 = arith.constant 376 : index
        %swap3A_711 = tpu.vector_load %arg8[%swap3A_710] {strides = array<i32>} : memref<640xi32, #tpu.memory_space<vmem>>, vector<16xi32>,
        %swap3A_712 = vector.shape_cast %swap3A_711 : vector<16xi32> to vector<16xi32>
        %swap3A_713 = vector.shape_cast %sub3A_709 : vector<16xi32> to vector<16xi32>
        tpu.vector_store %arg8[%swap3A_710], %swap3A_713 {strides = array<i32>} : memref<640xi32, #tpu.memory_space<vmem>>, vector<16xi32>,
        %get3A_714 = arith.constant 9 : i32
        %get3A_715 = arith.index_cast %get3A_714 : i32 to index
        %get3A_716 = arith.constant 24 : index
        %get3A_717 = tpu.vector_load %arg6[%get3A_715, %get3A_716] {strides = array<i32>} : memref<16x40xi32, #tpu.memory_space<vmem>>, vector<1x16xi32>,
        %get3A_718 = vector.shape_cast %get3A_717 : vector<1x16xi32> to vector<16xi32>
        %add3A_719 = arith.addi %get3A_718, %broadcast_in_dim3A : vector<16xi32>
        %add3A_720 = arith.addi %add3A_719, %add3A_719 : vector<16xi32>
        %ge3A_721 = arith.cmpi sge, %add3A_719, %broadcast_in_dim3A_305 : vector<16xi32>
        %select_n3A_722 = arith.select %ge3A_721, %broadcast_in_dim3A_307, %broadcast_in_dim3A_309 : vector<16xi1>, vector<16xi32>
        %sub3A_723 = arith.subi %add3A_720, %select_n3A_722 : vector<16xi32>
        %swap3A_724 = arith.constant 384 : index
        %swap3A_725 = tpu.vector_load %arg8[%swap3A_724] {strides = array<i32>} : memref<640xi32, #tpu.memory_space<vmem>>, vector<16xi32>,
        %swap3A_726 = vector.shape_cast %swap3A_725 : vector<16xi32> to vector<16xi32>
        %swap3A_727 = vector.shape_cast %sub3A_723 : vector<16xi32> to vector<16xi32>
        tpu.vector_store %arg8[%swap3A_724], %swap3A_727 {strides = array<i32>} : memref<640xi32, #tpu.memory_space<vmem>>, vector<16xi32>,
        %get3A_728 = arith.constant 10 : i32
        %get3A_729 = arith.index_cast %get3A_728 : i32 to index
        %get3A_730 = arith.constant 0 : index
        %get3A_731 = tpu.vector_load %arg6[%get3A_729, %get3A_730] {strides = array<i32>} : memref<16x40xi32, #tpu.memory_space<vmem>>, vector<1x16xi32>,
        %get3A_732 = vector.shape_cast %get3A_731 : vector<1x16xi32> to vector<16xi32>
        %add3A_733 = arith.addi %get3A_732, %broadcast_in_dim3A : vector<16xi32>
        %add3A_734 = arith.addi %add3A_733, %add3A_733 : vector<16xi32>
        %ge3A_735 = arith.cmpi sge, %add3A_733, %broadcast_in_dim3A_305 : vector<16xi32>
        %select_n3A_736 = arith.select %ge3A_735, %broadcast_in_dim3A_307, %broadcast_in_dim3A_309 : vector<16xi1>, vector<16xi32>
        %sub3A_737 = arith.subi %add3A_734, %select_n3A_736 : vector<16xi32>
        %swap3A_738 = arith.constant 400 : index
        %swap3A_739 = tpu.vector_load %arg8[%swap3A_738] {strides = array<i32>} : memref<640xi32, #tpu.memory_space<vmem>>, vector<16xi32>,
        %swap3A_740 = vector.shape_cast %swap3A_739 : vector<16xi32> to vector<16xi32>
        %swap3A_741 = vector.shape_cast %sub3A_737 : vector<16xi32> to vector<16xi32>
        tpu.vector_store %arg8[%swap3A_738], %swap3A_741 {strides = array<i32>} : memref<640xi32, #tpu.memory_space<vmem>>, vector<16xi32>,
        %get3A_742 = arith.constant 10 : i32
        %get3A_743 = arith.index_cast %get3A_742 : i32 to index
        %get3A_744 = arith.constant 16 : index
        %get3A_745 = tpu.vector_load %arg6[%get3A_743, %get3A_744] {strides = array<i32>} : memref<16x40xi32, #tpu.memory_space<vmem>>, vector<1x16xi32>,
        %get3A_746 = vector.shape_cast %get3A_745 : vector<1x16xi32> to vector<16xi32>
        %add3A_747 = arith.addi %get3A_746, %broadcast_in_dim3A : vector<16xi32>
        %add3A_748 = arith.addi %add3A_747, %add3A_747 : vector<16xi32>
        %ge3A_749 = arith.cmpi sge, %add3A_747, %broadcast_in_dim3A_305 : vector<16xi32>
        %select_n3A_750 = arith.select %ge3A_749, %broadcast_in_dim3A_307, %broadcast_in_dim3A_309 : vector<16xi1>, vector<16xi32>
        %sub3A_751 = arith.subi %add3A_748, %select_n3A_750 : vector<16xi32>
        %swap3A_752 = arith.constant 416 : index
        %swap3A_753 = tpu.vector_load %arg8[%swap3A_752] {strides = array<i32>} : memref<640xi32, #tpu.memory_space<vmem>>, vector<16xi32>,
        %swap3A_754 = vector.shape_cast %swap3A_753 : vector<16xi32> to vector<16xi32>
        %swap3A_755 = vector.shape_cast %sub3A_751 : vector<16xi32> to vector<16xi32>
        tpu.vector_store %arg8[%swap3A_752], %swap3A_755 {strides = array<i32>} : memref<640xi32, #tpu.memory_space<vmem>>, vector<16xi32>,
        %get3A_756 = arith.constant 10 : i32
        %get3A_757 = arith.index_cast %get3A_756 : i32 to index
        %get3A_758 = arith.constant 24 : index
        %get3A_759 = tpu.vector_load %arg6[%get3A_757, %get3A_758] {strides = array<i32>} : memref<16x40xi32, #tpu.memory_space<vmem>>, vector<1x16xi32>,
        %get3A_760 = vector.shape_cast %get3A_759 : vector<1x16xi32> to vector<16xi32>
        %add3A_761 = arith.addi %get3A_760, %broadcast_in_dim3A : vector<16xi32>
        %add3A_762 = arith.addi %add3A_761, %add3A_761 : vector<16xi32>
        %ge3A_763 = arith.cmpi sge, %add3A_761, %broadcast_in_dim3A_305 : vector<16xi32>
        %select_n3A_764 = arith.select %ge3A_763, %broadcast_in_dim3A_307, %broadcast_in_dim3A_309 : vector<16xi1>, vector<16xi32>
        %sub3A_765 = arith.subi %add3A_762, %select_n3A_764 : vector<16xi32>
        %swap3A_766 = arith.constant 424 : index
        %swap3A_767 = tpu.vector_load %arg8[%swap3A_766] {strides = array<i32>} : memref<640xi32, #tpu.memory_space<vmem>>, vector<16xi32>,
        %swap3A_768 = vector.shape_cast %swap3A_767 : vector<16xi32> to vector<16xi32>
        %swap3A_769 = vector.shape_cast %sub3A_765 : vector<16xi32> to vector<16xi32>
        tpu.vector_store %arg8[%swap3A_766], %swap3A_769 {strides = array<i32>} : memref<640xi32, #tpu.memory_space<vmem>>, vector<16xi32>,
        %get3A_770 = arith.constant 11 : i32
        %get3A_771 = arith.index_cast %get3A_770 : i32 to index
        %get3A_772 = arith.constant 0 : index
        %get3A_773 = tpu.vector_load %arg6[%get3A_771, %get3A_772] {strides = array<i32>} : memref<16x40xi32, #tpu.memory_space<vmem>>, vector<1x16xi32>,
        %get3A_774 = vector.shape_cast %get3A_773 : vector<1x16xi32> to vector<16xi32>
        %add3A_775 = arith.addi %get3A_774, %broadcast_in_dim3A : vector<16xi32>
        %add3A_776 = arith.addi %add3A_775, %add3A_775 : vector<16xi32>
        %ge3A_777 = arith.cmpi sge, %add3A_775, %broadcast_in_dim3A_305 : vector<16xi32>
        %select_n3A_778 = arith.select %ge3A_777, %broadcast_in_dim3A_307, %broadcast_in_dim3A_309 : vector<16xi1>, vector<16xi32>
        %sub3A_779 = arith.subi %add3A_776, %select_n3A_778 : vector<16xi32>
        %swap3A_780 = arith.constant 440 : index
        %swap3A_781 = tpu.vector_load %arg8[%swap3A_780] {strides = array<i32>} : memref<640xi32, #tpu.memory_space<vmem>>, vector<16xi32>,
        %swap3A_782 = vector.shape_cast %swap3A_781 : vector<16xi32> to vector<16xi32>
        %swap3A_783 = vector.shape_cast %sub3A_779 : vector<16xi32> to vector<16xi32>
        tpu.vector_store %arg8[%swap3A_780], %swap3A_783 {strides = array<i32>} : memref<640xi32, #tpu.memory_space<vmem>>, vector<16xi32>,
        %get3A_784 = arith.constant 11 : i32
        %get3A_785 = arith.index_cast %get3A_784 : i32 to index
        %get3A_786 = arith.constant 16 : index
        %get3A_787 = tpu.vector_load %arg6[%get3A_785, %get3A_786] {strides = array<i32>} : memref<16x40xi32, #tpu.memory_space<vmem>>, vector<1x16xi32>,
        %get3A_788 = vector.shape_cast %get3A_787 : vector<1x16xi32> to vector<16xi32>
        %add3A_789 = arith.addi %get3A_788, %broadcast_in_dim3A : vector<16xi32>
        %add3A_790 = arith.addi %add3A_789, %add3A_789 : vector<16xi32>
        %ge3A_791 = arith.cmpi sge, %add3A_789, %broadcast_in_dim3A_305 : vector<16xi32>
        %select_n3A_792 = arith.select %ge3A_791, %broadcast_in_dim3A_307, %broadcast_in_dim3A_309 : vector<16xi1>, vector<16xi32>
        %sub3A_793 = arith.subi %add3A_790, %select_n3A_792 : vector<16xi32>
        %swap3A_794 = arith.constant 456 : index
        %swap3A_795 = tpu.vector_load %arg8[%swap3A_794] {strides = array<i32>} : memref<640xi32, #tpu.memory_space<vmem>>, vector<16xi32>,
        %swap3A_796 = vector.shape_cast %swap3A_795 : vector<16xi32> to vector<16xi32>
        %swap3A_797 = vector.shape_cast %sub3A_793 : vector<16xi32> to vector<16xi32>
        tpu.vector_store %arg8[%swap3A_794], %swap3A_797 {strides = array<i32>} : memref<640xi32, #tpu.memory_space<vmem>>, vector<16xi32>,
        %get3A_798 = arith.constant 11 : i32
        %get3A_799 = arith.index_cast %get3A_798 : i32 to index
        %get3A_800 = arith.constant 24 : index
        %get3A_801 = tpu.vector_load %arg6[%get3A_799, %get3A_800] {strides = array<i32>} : memref<16x40xi32, #tpu.memory_space<vmem>>, vector<1x16xi32>,
        %get3A_802 = vector.shape_cast %get3A_801 : vector<1x16xi32> to vector<16xi32>
        %add3A_803 = arith.addi %get3A_802, %broadcast_in_dim3A : vector<16xi32>
        %add3A_804 = arith.addi %add3A_803, %add3A_803 : vector<16xi32>
        %ge3A_805 = arith.cmpi sge, %add3A_803, %broadcast_in_dim3A_305 : vector<16xi32>
        %select_n3A_806 = arith.select %ge3A_805, %broadcast_in_dim3A_307, %broadcast_in_dim3A_309 : vector<16xi1>, vector<16xi32>
        %sub3A_807 = arith.subi %add3A_804, %select_n3A_806 : vector<16xi32>
        %swap3A_808 = arith.constant 464 : index
        %swap3A_809 = tpu.vector_load %arg8[%swap3A_808] {strides = array<i32>} : memref<640xi32, #tpu.memory_space<vmem>>, vector<16xi32>,
        %swap3A_810 = vector.shape_cast %swap3A_809 : vector<16xi32> to vector<16xi32>
        %swap3A_811 = vector.shape_cast %sub3A_807 : vector<16xi32> to vector<16xi32>
        tpu.vector_store %arg8[%swap3A_808], %swap3A_811 {strides = array<i32>} : memref<640xi32, #tpu.memory_space<vmem>>, vector<16xi32>,
        %get3A_812 = arith.constant 12 : i32
        %get3A_813 = arith.index_cast %get3A_812 : i32 to index
        %get3A_814 = arith.constant 0 : index
        %get3A_815 = tpu.vector_load %arg6[%get3A_813, %get3A_814] {strides = array<i32>} : memref<16x40xi32, #tpu.memory_space<vmem>>, vector<1x16xi32>,
        %get3A_816 = vector.shape_cast %get3A_815 : vector<1x16xi32> to vector<16xi32>
        %add3A_817 = arith.addi %get3A_816, %broadcast_in_dim3A : vector<16xi32>
        %add3A_818 = arith.addi %add3A_817, %add3A_817 : vector<16xi32>
        %ge3A_819 = arith.cmpi sge, %add3A_817, %broadcast_in_dim3A_305 : vector<16xi32>
        %select_n3A_820 = arith.select %ge3A_819, %broadcast_in_dim3A_307, %broadcast_in_dim3A_309 : vector<16xi1>, vector<16xi32>
        %sub3A_821 = arith.subi %add3A_818, %select_n3A_820 : vector<16xi32>
        %swap3A_822 = arith.constant 480 : index
        %swap3A_823 = tpu.vector_load %arg8[%swap3A_822] {strides = array<i32>} : memref<640xi32, #tpu.memory_space<vmem>>, vector<16xi32>,
        %swap3A_824 = vector.shape_cast %swap3A_823 : vector<16xi32> to vector<16xi32>
        %swap3A_825 = vector.shape_cast %sub3A_821 : vector<16xi32> to vector<16xi32>
        tpu.vector_store %arg8[%swap3A_822], %swap3A_825 {strides = array<i32>} : memref<640xi32, #tpu.memory_space<vmem>>, vector<16xi32>,
        %get3A_826 = arith.constant 12 : i32
        %get3A_827 = arith.index_cast %get3A_826 : i32 to index
        %get3A_828 = arith.constant 16 : index
        %get3A_829 = tpu.vector_load %arg6[%get3A_827, %get3A_828] {strides = array<i32>} : memref<16x40xi32, #tpu.memory_space<vmem>>, vector<1x16xi32>,
        %get3A_830 = vector.shape_cast %get3A_829 : vector<1x16xi32> to vector<16xi32>
        %add3A_831 = arith.addi %get3A_830, %broadcast_in_dim3A : vector<16xi32>
        %add3A_832 = arith.addi %add3A_831, %add3A_831 : vector<16xi32>
        %ge3A_833 = arith.cmpi sge, %add3A_831, %broadcast_in_dim3A_305 : vector<16xi32>
        %select_n3A_834 = arith.select %ge3A_833, %broadcast_in_dim3A_307, %broadcast_in_dim3A_309 : vector<16xi1>, vector<16xi32>
        %sub3A_835 = arith.subi %add3A_832, %select_n3A_834 : vector<16xi32>
        %swap3A_836 = arith.constant 496 : index
        %swap3A_837 = tpu.vector_load %arg8[%swap3A_836] {strides = array<i32>} : memref<640xi32, #tpu.memory_space<vmem>>, vector<16xi32>,
        %swap3A_838 = vector.shape_cast %swap3A_837 : vector<16xi32> to vector<16xi32>
        %swap3A_839 = vector.shape_cast %sub3A_835 : vector<16xi32> to vector<16xi32>
        tpu.vector_store %arg8[%swap3A_836], %swap3A_839 {strides = array<i32>} : memref<640xi32, #tpu.memory_space<vmem>>, vector<16xi32>,
        %get3A_840 = arith.constant 12 : i32
        %get3A_841 = arith.index_cast %get3A_840 : i32 to index
        %get3A_842 = arith.constant 24 : index
        %get3A_843 = tpu.vector_load %arg6[%get3A_841, %get3A_842] {strides = array<i32>} : memref<16x40xi32, #tpu.memory_space<vmem>>, vector<1x16xi32>,
        %get3A_844 = vector.shape_cast %get3A_843 : vector<1x16xi32> to vector<16xi32>
        %add3A_845 = arith.addi %get3A_844, %broadcast_in_dim3A : vector<16xi32>
        %add3A_846 = arith.addi %add3A_845, %add3A_845 : vector<16xi32>
        %ge3A_847 = arith.cmpi sge, %add3A_845, %broadcast_in_dim3A_305 : vector<16xi32>
        %select_n3A_848 = arith.select %ge3A_847, %broadcast_in_dim3A_307, %broadcast_in_dim3A_309 : vector<16xi1>, vector<16xi32>
        %sub3A_849 = arith.subi %add3A_846, %select_n3A_848 : vector<16xi32>
        %swap3A_850 = arith.constant 504 : index
        %swap3A_851 = tpu.vector_load %arg8[%swap3A_850] {strides = array<i32>} : memref<640xi32, #tpu.memory_space<vmem>>, vector<16xi32>,
        %swap3A_852 = vector.shape_cast %swap3A_851 : vector<16xi32> to vector<16xi32>
        %swap3A_853 = vector.shape_cast %sub3A_849 : vector<16xi32> to vector<16xi32>
        tpu.vector_store %arg8[%swap3A_850], %swap3A_853 {strides = array<i32>} : memref<640xi32, #tpu.memory_space<vmem>>, vector<16xi32>,
        %get3A_854 = arith.constant 13 : i32
        %get3A_855 = arith.index_cast %get3A_854 : i32 to index
        %get3A_856 = arith.constant 0 : index
        %get3A_857 = tpu.vector_load %arg6[%get3A_855, %get3A_856] {strides = array<i32>} : memref<16x40xi32, #tpu.memory_space<vmem>>, vector<1x16xi32>,
        %get3A_858 = vector.shape_cast %get3A_857 : vector<1x16xi32> to vector<16xi32>
        %add3A_859 = arith.addi %get3A_858, %broadcast_in_dim3A : vector<16xi32>
        %add3A_860 = arith.addi %add3A_859, %add3A_859 : vector<16xi32>
        %ge3A_861 = arith.cmpi sge, %add3A_859, %broadcast_in_dim3A_305 : vector<16xi32>
        %select_n3A_862 = arith.select %ge3A_861, %broadcast_in_dim3A_307, %broadcast_in_dim3A_309 : vector<16xi1>, vector<16xi32>
        %sub3A_863 = arith.subi %add3A_860, %select_n3A_862 : vector<16xi32>
        %swap3A_864 = arith.constant 520 : index
        %swap3A_865 = tpu.vector_load %arg8[%swap3A_864] {strides = array<i32>} : memref<640xi32, #tpu.memory_space<vmem>>, vector<16xi32>,
        %swap3A_866 = vector.shape_cast %swap3A_865 : vector<16xi32> to vector<16xi32>
        %swap3A_867 = vector.shape_cast %sub3A_863 : vector<16xi32> to vector<16xi32>
        tpu.vector_store %arg8[%swap3A_864], %swap3A_867 {strides = array<i32>} : memref<640xi32, #tpu.memory_space<vmem>>, vector<16xi32>,
        %get3A_868 = arith.constant 13 : i32
        %get3A_869 = arith.index_cast %get3A_868 : i32 to index
        %get3A_870 = arith.constant 16 : index
        %get3A_871 = tpu.vector_load %arg6[%get3A_869, %get3A_870] {strides = array<i32>} : memref<16x40xi32, #tpu.memory_space<vmem>>, vector<1x16xi32>,
        %get3A_872 = vector.shape_cast %get3A_871 : vector<1x16xi32> to vector<16xi32>
        %add3A_873 = arith.addi %get3A_872, %broadcast_in_dim3A : vector<16xi32>
        %add3A_874 = arith.addi %add3A_873, %add3A_873 : vector<16xi32>
        %ge3A_875 = arith.cmpi sge, %add3A_873, %broadcast_in_dim3A_305 : vector<16xi32>
        %select_n3A_876 = arith.select %ge3A_875, %broadcast_in_dim3A_307, %broadcast_in_dim3A_309 : vector<16xi1>, vector<16xi32>
        %sub3A_877 = arith.subi %add3A_874, %select_n3A_876 : vector<16xi32>
        %swap3A_878 = arith.constant 536 : index
        %swap3A_879 = tpu.vector_load %arg8[%swap3A_878] {strides = array<i32>} : memref<640xi32, #tpu.memory_space<vmem>>, vector<16xi32>,
        %swap3A_880 = vector.shape_cast %swap3A_879 : vector<16xi32> to vector<16xi32>
        %swap3A_881 = vector.shape_cast %sub3A_877 : vector<16xi32> to vector<16xi32>
        tpu.vector_store %arg8[%swap3A_878], %swap3A_881 {strides = array<i32>} : memref<640xi32, #tpu.memory_space<vmem>>, vector<16xi32>,
        %get3A_882 = arith.constant 13 : i32
        %get3A_883 = arith.index_cast %get3A_882 : i32 to index
        %get3A_884 = arith.constant 24 : index
        %get3A_885 = tpu.vector_load %arg6[%get3A_883, %get3A_884] {strides = array<i32>} : memref<16x40xi32, #tpu.memory_space<vmem>>, vector<1x16xi32>,
        %get3A_886 = vector.shape_cast %get3A_885 : vector<1x16xi32> to vector<16xi32>
        %add3A_887 = arith.addi %get3A_886, %broadcast_in_dim3A : vector<16xi32>
        %add3A_888 = arith.addi %add3A_887, %add3A_887 : vector<16xi32>
        %ge3A_889 = arith.cmpi sge, %add3A_887, %broadcast_in_dim3A_305 : vector<16xi32>
        %select_n3A_890 = arith.select %ge3A_889, %broadcast_in_dim3A_307, %broadcast_in_dim3A_309 : vector<16xi1>, vector<16xi32>
        %sub3A_891 = arith.subi %add3A_888, %select_n3A_890 : vector<16xi32>
        %swap3A_892 = arith.constant 544 : index
        %swap3A_893 = tpu.vector_load %arg8[%swap3A_892] {strides = array<i32>} : memref<640xi32, #tpu.memory_space<vmem>>, vector<16xi32>,
        %swap3A_894 = vector.shape_cast %swap3A_893 : vector<16xi32> to vector<16xi32>
        %swap3A_895 = vector.shape_cast %sub3A_891 : vector<16xi32> to vector<16xi32>
        tpu.vector_store %arg8[%swap3A_892], %swap3A_895 {strides = array<i32>} : memref<640xi32, #tpu.memory_space<vmem>>, vector<16xi32>,
        %get3A_896 = arith.constant 14 : i32
        %get3A_897 = arith.index_cast %get3A_896 : i32 to index
        %get3A_898 = arith.constant 0 : index
        %get3A_899 = tpu.vector_load %arg6[%get3A_897, %get3A_898] {strides = array<i32>} : memref<16x40xi32, #tpu.memory_space<vmem>>, vector<1x16xi32>,
        %get3A_900 = vector.shape_cast %get3A_899 : vector<1x16xi32> to vector<16xi32>
        %add3A_901 = arith.addi %get3A_900, %broadcast_in_dim3A : vector<16xi32>
        %add3A_902 = arith.addi %add3A_901, %add3A_901 : vector<16xi32>
        %ge3A_903 = arith.cmpi sge, %add3A_901, %broadcast_in_dim3A_305 : vector<16xi32>
        %select_n3A_904 = arith.select %ge3A_903, %broadcast_in_dim3A_307, %broadcast_in_dim3A_309 : vector<16xi1>, vector<16xi32>
        %sub3A_905 = arith.subi %add3A_902, %select_n3A_904 : vector<16xi32>
        %swap3A_906 = arith.constant 560 : index
        %swap3A_907 = tpu.vector_load %arg8[%swap3A_906] {strides = array<i32>} : memref<640xi32, #tpu.memory_space<vmem>>, vector<16xi32>,
        %swap3A_908 = vector.shape_cast %swap3A_907 : vector<16xi32> to vector<16xi32>
        %swap3A_909 = vector.shape_cast %sub3A_905 : vector<16xi32> to vector<16xi32>
        tpu.vector_store %arg8[%swap3A_906], %swap3A_909 {strides = array<i32>} : memref<640xi32, #tpu.memory_space<vmem>>, vector<16xi32>,
        %get3A_910 = arith.constant 14 : i32
        %get3A_911 = arith.index_cast %get3A_910 : i32 to index
        %get3A_912 = arith.constant 16 : index
        %get3A_913 = tpu.vector_load %arg6[%get3A_911, %get3A_912] {strides = array<i32>} : memref<16x40xi32, #tpu.memory_space<vmem>>, vector<1x16xi32>,
        %get3A_914 = vector.shape_cast %get3A_913 : vector<1x16xi32> to vector<16xi32>
        %add3A_915 = arith.addi %get3A_914, %broadcast_in_dim3A : vector<16xi32>
        %add3A_916 = arith.addi %add3A_915, %add3A_915 : vector<16xi32>
        %ge3A_917 = arith.cmpi sge, %add3A_915, %broadcast_in_dim3A_305 : vector<16xi32>
        %select_n3A_918 = arith.select %ge3A_917, %broadcast_in_dim3A_307, %broadcast_in_dim3A_309 : vector<16xi1>, vector<16xi32>
        %sub3A_919 = arith.subi %add3A_916, %select_n3A_918 : vector<16xi32>
        %swap3A_920 = arith.constant 576 : index
        %swap3A_921 = tpu.vector_load %arg8[%swap3A_920] {strides = array<i32>} : memref<640xi32, #tpu.memory_space<vmem>>, vector<16xi32>,
        %swap3A_922 = vector.shape_cast %swap3A_921 : vector<16xi32> to vector<16xi32>
        %swap3A_923 = vector.shape_cast %sub3A_919 : vector<16xi32> to vector<16xi32>
        tpu.vector_store %arg8[%swap3A_920], %swap3A_923 {strides = array<i32>} : memref<640xi32, #tpu.memory_space<vmem>>, vector<16xi32>,
        %get3A_924 = arith.constant 14 : i32
        %get3A_925 = arith.index_cast %get3A_924 : i32 to index
        %get3A_926 = arith.constant 24 : index
        %get3A_927 = tpu.vector_load %arg6[%get3A_925, %get3A_926] {strides = array<i32>} : memref<16x40xi32, #tpu.memory_space<vmem>>, vector<1x16xi32>,
        %get3A_928 = vector.shape_cast %get3A_927 : vector<1x16xi32> to vector<16xi32>
        %add3A_929 = arith.addi %get3A_928, %broadcast_in_dim3A : vector<16xi32>
        %add3A_930 = arith.addi %add3A_929, %add3A_929 : vector<16xi32>
        %ge3A_931 = arith.cmpi sge, %add3A_929, %broadcast_in_dim3A_305 : vector<16xi32>
        %select_n3A_932 = arith.select %ge3A_931, %broadcast_in_dim3A_307, %broadcast_in_dim3A_309 : vector<16xi1>, vector<16xi32>
        %sub3A_933 = arith.subi %add3A_930, %select_n3A_932 : vector<16xi32>
        %swap3A_934 = arith.constant 584 : index
        %swap3A_935 = tpu.vector_load %arg8[%swap3A_934] {strides = array<i32>} : memref<640xi32, #tpu.memory_space<vmem>>, vector<16xi32>,
        %swap3A_936 = vector.shape_cast %swap3A_935 : vector<16xi32> to vector<16xi32>
        %swap3A_937 = vector.shape_cast %sub3A_933 : vector<16xi32> to vector<16xi32>
        tpu.vector_store %arg8[%swap3A_934], %swap3A_937 {strides = array<i32>} : memref<640xi32, #tpu.memory_space<vmem>>, vector<16xi32>,
        %get3A_938 = arith.constant 15 : i32
        %get3A_939 = arith.index_cast %get3A_938 : i32 to index
        %get3A_940 = arith.constant 0 : index
        %get3A_941 = tpu.vector_load %arg6[%get3A_939, %get3A_940] {strides = array<i32>} : memref<16x40xi32, #tpu.memory_space<vmem>>, vector<1x16xi32>,
        %get3A_942 = vector.shape_cast %get3A_941 : vector<1x16xi32> to vector<16xi32>
        %add3A_943 = arith.addi %get3A_942, %broadcast_in_dim3A : vector<16xi32>
        %add3A_944 = arith.addi %add3A_943, %add3A_943 : vector<16xi32>
        %ge3A_945 = arith.cmpi sge, %add3A_943, %broadcast_in_dim3A_305 : vector<16xi32>
        %select_n3A_946 = arith.select %ge3A_945, %broadcast_in_dim3A_307, %broadcast_in_dim3A_309 : vector<16xi1>, vector<16xi32>
        %sub3A_947 = arith.subi %add3A_944, %select_n3A_946 : vector<16xi32>
        %swap3A_948 = arith.constant 600 : index
        %swap3A_949 = tpu.vector_load %arg8[%swap3A_948] {strides = array<i32>} : memref<640xi32, #tpu.memory_space<vmem>>, vector<16xi32>,
        %swap3A_950 = vector.shape_cast %swap3A_949 : vector<16xi32> to vector<16xi32>
        %swap3A_951 = vector.shape_cast %sub3A_947 : vector<16xi32> to vector<16xi32>
        tpu.vector_store %arg8[%swap3A_948], %swap3A_951 {strides = array<i32>} : memref<640xi32, #tpu.memory_space<vmem>>, vector<16xi32>,
        %get3A_952 = arith.constant 15 : i32
        %get3A_953 = arith.index_cast %get3A_952 : i32 to index
        %get3A_954 = arith.constant 16 : index
        %get3A_955 = tpu.vector_load %arg6[%get3A_953, %get3A_954] {strides = array<i32>} : memref<16x40xi32, #tpu.memory_space<vmem>>, vector<1x16xi32>,
        %get3A_956 = vector.shape_cast %get3A_955 : vector<1x16xi32> to vector<16xi32>
        %add3A_957 = arith.addi %get3A_956, %broadcast_in_dim3A : vector<16xi32>
        %add3A_958 = arith.addi %add3A_957, %add3A_957 : vector<16xi32>
        %ge3A_959 = arith.cmpi sge, %add3A_957, %broadcast_in_dim3A_305 : vector<16xi32>
        %select_n3A_960 = arith.select %ge3A_959, %broadcast_in_dim3A_307, %broadcast_in_dim3A_309 : vector<16xi1>, vector<16xi32>
        %sub3A_961 = arith.subi %add3A_958, %select_n3A_960 : vector<16xi32>
        %swap3A_962 = arith.constant 616 : index
        %swap3A_963 = tpu.vector_load %arg8[%swap3A_962] {strides = array<i32>} : memref<640xi32, #tpu.memory_space<vmem>>, vector<16xi32>,
        %swap3A_964 = vector.shape_cast %swap3A_963 : vector<16xi32> to vector<16xi32>
        %swap3A_965 = vector.shape_cast %sub3A_961 : vector<16xi32> to vector<16xi32>
        tpu.vector_store %arg8[%swap3A_962], %swap3A_965 {strides = array<i32>} : memref<640xi32, #tpu.memory_space<vmem>>, vector<16xi32>,
        %get3A_966 = arith.constant 15 : i32
        %get3A_967 = arith.index_cast %get3A_966 : i32 to index
        %get3A_968 = arith.constant 24 : index
        %get3A_969 = tpu.vector_load %arg6[%get3A_967, %get3A_968] {strides = array<i32>} : memref<16x40xi32, #tpu.memory_space<vmem>>, vector<1x16xi32>,
        %get3A_970 = vector.shape_cast %get3A_969 : vector<1x16xi32> to vector<16xi32>
        %add3A_971 = arith.addi %get3A_970, %broadcast_in_dim3A : vector<16xi32>
        %add3A_972 = arith.addi %add3A_971, %add3A_971 : vector<16xi32>
        %ge3A_973 = arith.cmpi sge, %add3A_971, %broadcast_in_dim3A_305 : vector<16xi32>
        %select_n3A_974 = arith.select %ge3A_973, %broadcast_in_dim3A_307, %broadcast_in_dim3A_309 : vector<16xi1>, vector<16xi32>
        %sub3A_975 = arith.subi %add3A_972, %select_n3A_974 : vector<16xi32>
        %swap3A_976 = arith.constant 624 : index
        %swap3A_977 = tpu.vector_load %arg8[%swap3A_976] {strides = array<i32>} : memref<640xi32, #tpu.memory_space<vmem>>, vector<16xi32>,
        %swap3A_978 = vector.shape_cast %swap3A_977 : vector<16xi32> to vector<16xi32>
        %swap3A_979 = vector.shape_cast %sub3A_975 : vector<16xi32> to vector<16xi32>
        tpu.vector_store %arg8[%swap3A_976], %swap3A_979 {strides = array<i32>} : memref<640xi32, #tpu.memory_space<vmem>>, vector<16xi32>,
        %dma_start3A = arith.constant 0 : i32
        %dma_start3A_980 = arith.constant 0 : i32
        %dma_start3A_981 = tpu.memref_slice %arg10[%dma_start3A, %dma_start3A_980] : memref<640x64xi32, #tpu.memory_space<vmem>> -> memref<128x64xi32, #tpu.memory_space<vmem>>
        %dma_start3A_982 = arith.constant 0 : i32
        %dma_start3A_983 = tpu.memref_slice %arg8[%dma_start3A_982] : memref<640xi32, #tpu.memory_space<vmem>> -> memref<128xi32, #tpu.memory_space<vmem>>
        %dma_start3A_984 = arith.constant 0 : i32
        %dma_start3A_985 = arith.constant 0 : i32
        %dma_start3A_986 = tpu.memref_slice %arg2[%dma_start3A_984, %dma_start3A_985] : memref<80000x64xi32, #tpu.memory_space<hbm>> -> memref<80000x64xi32, #tpu.memory_space<hbm>>
        tpu.enqueue_indirect_dma source(%dma_start3A_986 : memref<80000x64xi32, #tpu.memory_space<hbm>>) target(%dma_start3A_981 : memref<128x64xi32, #tpu.memory_space<vmem>>) offsets(%dma_start3A_983 : memref<128xi32, #tpu.memory_space<vmem>>) semaphore(%arg14 : memref<!tpu.dma_semaphore, #tpu.memory_space<semaphore_mem>>)
        %dma_start3A_987 = arith.constant 128 : i32
        %dma_start3A_988 = arith.constant 0 : i32
        %dma_start3A_989 = tpu.memref_slice %arg10[%dma_start3A_987, %dma_start3A_988] : memref<640x64xi32, #tpu.memory_space<vmem>> -> memref<128x64xi32, #tpu.memory_space<vmem>>
        %dma_start3A_990 = arith.constant 128 : i32
        %dma_start3A_991 = tpu.memref_slice %arg8[%dma_start3A_990] : memref<640xi32, #tpu.memory_space<vmem>> -> memref<128xi32, #tpu.memory_space<vmem>>
        %dma_start3A_992 = arith.constant 0 : i32
        %dma_start3A_993 = arith.constant 0 : i32
        %dma_start3A_994 = tpu.memref_slice %arg2[%dma_start3A_992, %dma_start3A_993] : memref<80000x64xi32, #tpu.memory_space<hbm>> -> memref<80000x64xi32, #tpu.memory_space<hbm>>
        tpu.enqueue_indirect_dma source(%dma_start3A_994 : memref<80000x64xi32, #tpu.memory_space<hbm>>) target(%dma_start3A_989 : memref<128x64xi32, #tpu.memory_space<vmem>>) offsets(%dma_start3A_991 : memref<128xi32, #tpu.memory_space<vmem>>) semaphore(%arg14 : memref<!tpu.dma_semaphore, #tpu.memory_space<semaphore_mem>>)
        %dma_start3A_995 = arith.constant 256 : i32
        %dma_start3A_996 = arith.constant 0 : i32
        %dma_start3A_997 = tpu.memref_slice %arg10[%dma_start3A_995, %dma_start3A_996] : memref<640x64xi32, #tpu.memory_space<vmem>> -> memref<128x64xi32, #tpu.memory_space<vmem>>
        %dma_start3A_998 = arith.constant 256 : i32
        %dma_start3A_999 = tpu.memref_slice %arg8[%dma_start3A_998] : memref<640xi32, #tpu.memory_space<vmem>> -> memref<128xi32, #tpu.memory_space<vmem>>
        %dma_start3A_1000 = arith.constant 0 : i32
        %dma_start3A_1001 = arith.constant 0 : i32
        %dma_start3A_1002 = tpu.memref_slice %arg2[%dma_start3A_1000, %dma_start3A_1001] : memref<80000x64xi32, #tpu.memory_space<hbm>> -> memref<80000x64xi32, #tpu.memory_space<hbm>>
        tpu.enqueue_indirect_dma source(%dma_start3A_1002 : memref<80000x64xi32, #tpu.memory_space<hbm>>) target(%dma_start3A_997 : memref<128x64xi32, #tpu.memory_space<vmem>>) offsets(%dma_start3A_999 : memref<128xi32, #tpu.memory_space<vmem>>) semaphore(%arg14 : memref<!tpu.dma_semaphore, #tpu.memory_space<semaphore_mem>>)
        %dma_start3A_1003 = arith.constant 384 : i32
        %dma_start3A_1004 = arith.constant 0 : i32
        %dma_start3A_1005 = tpu.memref_slice %arg10[%dma_start3A_1003, %dma_start3A_1004] : memref<640x64xi32, #tpu.memory_space<vmem>> -> memref<128x64xi32, #tpu.memory_space<vmem>>
        %dma_start3A_1006 = arith.constant 384 : i32
        %dma_start3A_1007 = tpu.memref_slice %arg8[%dma_start3A_1006] : memref<640xi32, #tpu.memory_space<vmem>> -> memref<128xi32, #tpu.memory_space<vmem>>
        %dma_start3A_1008 = arith.constant 0 : i32
        %dma_start3A_1009 = arith.constant 0 : i32
        %dma_start3A_1010 = tpu.memref_slice %arg2[%dma_start3A_1008, %dma_start3A_1009] : memref<80000x64xi32, #tpu.memory_space<hbm>> -> memref<80000x64xi32, #tpu.memory_space<hbm>>
        tpu.enqueue_indirect_dma source(%dma_start3A_1010 : memref<80000x64xi32, #tpu.memory_space<hbm>>) target(%dma_start3A_1005 : memref<128x64xi32, #tpu.memory_space<vmem>>) offsets(%dma_start3A_1007 : memref<128xi32, #tpu.memory_space<vmem>>) semaphore(%arg14 : memref<!tpu.dma_semaphore, #tpu.memory_space<semaphore_mem>>)
        %dma_start3A_1011 = arith.constant 512 : i32
        %dma_start3A_1012 = arith.constant 0 : i32
        %dma_start3A_1013 = tpu.memref_slice %arg10[%dma_start3A_1011, %dma_start3A_1012] : memref<640x64xi32, #tpu.memory_space<vmem>> -> memref<128x64xi32, #tpu.memory_space<vmem>>
        %dma_start3A_1014 = arith.constant 512 : i32
        %dma_start3A_1015 = tpu.memref_slice %arg8[%dma_start3A_1014] : memref<640xi32, #tpu.memory_space<vmem>> -> memref<128xi32, #tpu.memory_space<vmem>>
        %dma_start3A_1016 = arith.constant 0 : i32
        %dma_start3A_1017 = arith.constant 0 : i32
        %dma_start3A_1018 = tpu.memref_slice %arg2[%dma_start3A_1016, %dma_start3A_1017] : memref<80000x64xi32, #tpu.memory_space<hbm>> -> memref<80000x64xi32, #tpu.memory_space<hbm>>
        tpu.enqueue_indirect_dma source(%dma_start3A_1018 : memref<80000x64xi32, #tpu.memory_space<hbm>>) target(%dma_start3A_1013 : memref<128x64xi32, #tpu.memory_space<vmem>>) offsets(%dma_start3A_1015 : memref<128xi32, #tpu.memory_space<vmem>>) semaphore(%arg14 : memref<!tpu.dma_semaphore, #tpu.memory_space<semaphore_mem>>)
      } else {
      }
      %mul3A_181 = arith.constant 32 : i32
      %mul3A_182 = arith.muli %mul3A_152, %mul3A_181 : i32
      %add3A_183 = arith.addi %add3A, %mul3A_182 : i32
      %lt3A_184 = arith.constant 2000 : i32
      %lt3A_185 = arith.cmpi slt, %add3A_183, %lt3A_184 : i32
      %convert_element_type3A_186 = arith.extui %lt3A_185 : i1 to i32
      %cond3A_187 = arith.constant 0 : i32
      %cond3A_188 = arith.cmpi ne, %convert_element_type3A_186, %cond3A_187 : i32
      scf.if %cond3A_188 {
        %ge3A_228 = arith.constant 64 : i32
        %ge3A_229 = arith.cmpi sge, %add3A_183, %ge3A_228 : i32
        %convert_element_type3A_230 = arith.extui %ge3A_229 : i1 to i32
        %cond3A_231 = arith.constant 0 : i32
        %cond3A_232 = arith.cmpi ne, %convert_element_type3A_230, %cond3A_231 : i32
        scf.if %cond3A_232 {
          %sub3A_248 = arith.constant 2 : i32
          %sub3A_249 = arith.subi %mul3A_152, %sub3A_248 : i32
          %mul3A_250 = arith.constant 32 : i32
          %mul3A_251 = arith.muli %sub3A_249, %mul3A_250 : i32
          %add3A_252 = arith.addi %add3A, %mul3A_251 : i32
          %mul3A_253 = arith.constant 40 : i32
          %mul3A_254 = arith.muli %add3A_252, %mul3A_253 : i32
          %dma_wait3A = arith.constant 0 : i32
          %dma_wait3A_255 = tpu.memref_slice %arg4[%mul3A_254, %dma_wait3A] : memref<80000x128xf32, #tpu.memory_space<hbm>> -> memref<40x128xf32, #tpu.memory_space<hbm>>
          %dma_wait3A_256 = arith.constant 0 : i32
          %dma_wait3A_257 = tpu.memref_slice %arg4[%mul3A_254, %dma_wait3A_256] : memref<80000x128xf32, #tpu.memory_space<hbm>> -> memref<40x128xf32, #tpu.memory_space<hbm>>
          tpu.wait_dma2 semaphore(%arg15 : memref<!tpu.dma_semaphore, #tpu.memory_space<semaphore_mem>>) src(%arg11 : memref<40x128xf32, #tpu.memory_space<vmem>>) dst(%dma_wait3A_257 : memref<40x128xf32, #tpu.memory_space<hbm>>)
        } else {
        }
        %scan3A_233 = arith.constant 0 : i32
        %scan3A_234 = arith.constant 0 : i32
        %scan3A_235 = arith.constant 40 : i32
        %scan3A_236 = arith.addi %scan3A_234, %scan3A_235 : i32
        %scan3A_237 = arith.constant 1 : i32
        %scan3A_238 = scf.for %scan3A_248 = %scan3A_234 to %scan3A_236 step %scan3A_237 iter_args(%scan3A_249 = %scan3A_233) -> (i32)  : i32 {
          %get3A = arith.index_cast %scan3A_248 : i32 to index
          %get3A_250 = arith.constant 0 : index
          %get3A_251 = tpu.vector_load %arg9[%get3A, %get3A_250] {strides = array<i32>} : memref<640x64xi32, #tpu.memory_space<vmem>>, vector<1x16xi32>,
          %get3A_252 = vector.shape_cast %get3A_251 : vector<1x16xi32> to vector<16xi32>
          %shift_left3A = arith.constant 16 : i32
          %shift_left3A_253 = vector.broadcast %shift_left3A : i32 to vector<16xi32>
          %shift_left3A_254 = arith.shli %get3A_252, %shift_left3A_253 : vector<16xi32>
          %bitcast_convert_type3A = tpu.bitcast %shift_left3A_254 : vector<16xi32> -> vector<16xf32>
          %bitcast_convert_type3A_255 = tpu.bitcast %get3A_252 : vector<16xi32> -> vector<16xf32>
          %add3A_256 = arith.constant 40 : i32
          %add3A_257 = arith.addi %add3A_256, %scan3A_248 : i32
          %get3A_258 = arith.index_cast %add3A_257 : i32 to index
          %get3A_259 = arith.constant 0 : index
          %get3A_260 = tpu.vector_load %arg9[%get3A_258, %get3A_259] {strides = array<i32>} : memref<640x64xi32, #tpu.memory_space<vmem>>, vector<1x16xi32>,
          %get3A_261 = vector.shape_cast %get3A_260 : vector<1x16xi32> to vector<16xi32>
          %shift_left3A_262 = arith.constant 16 : i32
          %shift_left3A_263 = vector.broadcast %shift_left3A_262 : i32 to vector<16xi32>
          %shift_left3A_264 = arith.shli %get3A_261, %shift_left3A_263 : vector<16xi32>
          %bitcast_convert_type3A_265 = tpu.bitcast %shift_left3A_264 : vector<16xi32> -> vector<16xf32>
          %bitcast_convert_type3A_266 = tpu.bitcast %get3A_261 : vector<16xi32> -> vector<16xf32>
          %add3A_267 = arith.addf %bitcast_convert_type3A, %bitcast_convert_type3A_265 : vector<16xf32>
          %add3A_268 = arith.addf %bitcast_convert_type3A_255, %bitcast_convert_type3A_266 : vector<16xf32>
          %add3A_269 = arith.constant 80 : i32
          %add3A_270 = arith.addi %add3A_269, %scan3A_248 : i32
          %get3A_271 = arith.index_cast %add3A_270 : i32 to index
          %get3A_272 = arith.constant 0 : index
          %get3A_273 = tpu.vector_load %arg9[%get3A_271, %get3A_272] {strides = array<i32>} : memref<640x64xi32, #tpu.memory_space<vmem>>, vector<1x16xi32>,
          %get3A_274 = vector.shape_cast %get3A_273 : vector<1x16xi32> to vector<16xi32>
          %shift_left3A_275 = arith.constant 16 : i32
          %shift_left3A_276 = vector.broadcast %shift_left3A_275 : i32 to vector<16xi32>
          %shift_left3A_277 = arith.shli %get3A_274, %shift_left3A_276 : vector<16xi32>
          %bitcast_convert_type3A_278 = tpu.bitcast %shift_left3A_277 : vector<16xi32> -> vector<16xf32>
          %bitcast_convert_type3A_279 = tpu.bitcast %get3A_274 : vector<16xi32> -> vector<16xf32>
          %add3A_280 = arith.addf %add3A_267, %bitcast_convert_type3A_278 : vector<16xf32>
          %add3A_281 = arith.addf %add3A_268, %bitcast_convert_type3A_279 : vector<16xf32>
          %add3A_282 = arith.constant 120 : i32
          %add3A_283 = arith.addi %add3A_282, %scan3A_248 : i32
          %get3A_284 = arith.index_cast %add3A_283 : i32 to index
          %get3A_285 = arith.constant 0 : index
          %get3A_286 = tpu.vector_load %arg9[%get3A_284, %get3A_285] {strides = array<i32>} : memref<640x64xi32, #tpu.memory_space<vmem>>, vector<1x16xi32>,
          %get3A_287 = vector.shape_cast %get3A_286 : vector<1x16xi32> to vector<16xi32>
          %shift_left3A_288 = arith.constant 16 : i32
          %shift_left3A_289 = vector.broadcast %shift_left3A_288 : i32 to vector<16xi32>
          %shift_left3A_290 = arith.shli %get3A_287, %shift_left3A_289 : vector<16xi32>
          %bitcast_convert_type3A_291 = tpu.bitcast %shift_left3A_290 : vector<16xi32> -> vector<16xf32>
          %bitcast_convert_type3A_292 = tpu.bitcast %get3A_287 : vector<16xi32> -> vector<16xf32>
          %add3A_293 = arith.addf %add3A_280, %bitcast_convert_type3A_291 : vector<16xf32>
          %add3A_294 = arith.addf %add3A_281, %bitcast_convert_type3A_292 : vector<16xf32>
          %add3A_295 = arith.constant 160 : i32
          %add3A_296 = arith.addi %add3A_295, %scan3A_248 : i32
          %get3A_297 = arith.index_cast %add3A_296 : i32 to index
          %get3A_298 = arith.constant 0 : index
          %get3A_299 = tpu.vector_load %arg9[%get3A_297, %get3A_298] {strides = array<i32>} : memref<640x64xi32, #tpu.memory_space<vmem>>, vector<1x16xi32>,
          %get3A_300 = vector.shape_cast %get3A_299 : vector<1x16xi32> to vector<16xi32>
          %shift_left3A_301 = arith.constant 16 : i32
          %shift_left3A_302 = vector.broadcast %shift_left3A_301 : i32 to vector<16xi32>
          %shift_left3A_303 = arith.shli %get3A_300, %shift_left3A_302 : vector<16xi32>
          %bitcast_convert_type3A_304 = tpu.bitcast %shift_left3A_303 : vector<16xi32> -> vector<16xf32>
          %bitcast_convert_type3A_305 = tpu.bitcast %get3A_300 : vector<16xi32> -> vector<16xf32>
          %add3A_306 = arith.addf %add3A_293, %bitcast_convert_type3A_304 : vector<16xf32>
          %add3A_307 = arith.addf %add3A_294, %bitcast_convert_type3A_305 : vector<16xf32>
          %add3A_308 = arith.constant 200 : i32
          %add3A_309 = arith.addi %add3A_308, %scan3A_248 : i32
          %get3A_310 = arith.index_cast %add3A_309 : i32 to index
          %get3A_311 = arith.constant 0 : index
          %get3A_312 = tpu.vector_load %arg9[%get3A_310, %get3A_311] {strides = array<i32>} : memref<640x64xi32, #tpu.memory_space<vmem>>, vector<1x16xi32>,
          %get3A_313 = vector.shape_cast %get3A_312 : vector<1x16xi32> to vector<16xi32>
          %shift_left3A_314 = arith.constant 16 : i32
          %shift_left3A_315 = vector.broadcast %shift_left3A_314 : i32 to vector<16xi32>
          %shift_left3A_316 = arith.shli %get3A_313, %shift_left3A_315 : vector<16xi32>
          %bitcast_convert_type3A_317 = tpu.bitcast %shift_left3A_316 : vector<16xi32> -> vector<16xf32>
          %bitcast_convert_type3A_318 = tpu.bitcast %get3A_313 : vector<16xi32> -> vector<16xf32>
          %add3A_319 = arith.addf %add3A_306, %bitcast_convert_type3A_317 : vector<16xf32>
          %add3A_320 = arith.addf %add3A_307, %bitcast_convert_type3A_318 : vector<16xf32>
          %add3A_321 = arith.constant 240 : i32
          %add3A_322 = arith.addi %add3A_321, %scan3A_248 : i32
          %get3A_323 = arith.index_cast %add3A_322 : i32 to index
          %get3A_324 = arith.constant 0 : index
          %get3A_325 = tpu.vector_load %arg9[%get3A_323, %get3A_324] {strides = array<i32>} : memref<640x64xi32, #tpu.memory_space<vmem>>, vector<1x16xi32>,
          %get3A_326 = vector.shape_cast %get3A_325 : vector<1x16xi32> to vector<16xi32>
          %shift_left3A_327 = arith.constant 16 : i32
          %shift_left3A_328 = vector.broadcast %shift_left3A_327 : i32 to vector<16xi32>
          %shift_left3A_329 = arith.shli %get3A_326, %shift_left3A_328 : vector<16xi32>
          %bitcast_convert_type3A_330 = tpu.bitcast %shift_left3A_329 : vector<16xi32> -> vector<16xf32>
          %bitcast_convert_type3A_331 = tpu.bitcast %get3A_326 : vector<16xi32> -> vector<16xf32>
          %add3A_332 = arith.addf %add3A_319, %bitcast_convert_type3A_330 : vector<16xf32>
          %add3A_333 = arith.addf %add3A_320, %bitcast_convert_type3A_331 : vector<16xf32>
          %add3A_334 = arith.constant 280 : i32
          %add3A_335 = arith.addi %add3A_334, %scan3A_248 : i32
          %get3A_336 = arith.index_cast %add3A_335 : i32 to index
          %get3A_337 = arith.constant 0 : index
          %get3A_338 = tpu.vector_load %arg9[%get3A_336, %get3A_337] {strides = array<i32>} : memref<640x64xi32, #tpu.memory_space<vmem>>, vector<1x16xi32>,
          %get3A_339 = vector.shape_cast %get3A_338 : vector<1x16xi32> to vector<16xi32>
          %shift_left3A_340 = arith.constant 16 : i32
          %shift_left3A_341 = vector.broadcast %shift_left3A_340 : i32 to vector<16xi32>
          %shift_left3A_342 = arith.shli %get3A_339, %shift_left3A_341 : vector<16xi32>
          %bitcast_convert_type3A_343 = tpu.bitcast %shift_left3A_342 : vector<16xi32> -> vector<16xf32>
          %bitcast_convert_type3A_344 = tpu.bitcast %get3A_339 : vector<16xi32> -> vector<16xf32>
          %add3A_345 = arith.addf %add3A_332, %bitcast_convert_type3A_343 : vector<16xf32>
          %add3A_346 = arith.addf %add3A_333, %bitcast_convert_type3A_344 : vector<16xf32>
          %add3A_347 = arith.constant 320 : i32
          %add3A_348 = arith.addi %add3A_347, %scan3A_248 : i32
          %get3A_349 = arith.index_cast %add3A_348 : i32 to index
          %get3A_350 = arith.constant 0 : index
          %get3A_351 = tpu.vector_load %arg9[%get3A_349, %get3A_350] {strides = array<i32>} : memref<640x64xi32, #tpu.memory_space<vmem>>, vector<1x16xi32>,
          %get3A_352 = vector.shape_cast %get3A_351 : vector<1x16xi32> to vector<16xi32>
          %shift_left3A_353 = arith.constant 16 : i32
          %shift_left3A_354 = vector.broadcast %shift_left3A_353 : i32 to vector<16xi32>
          %shift_left3A_355 = arith.shli %get3A_352, %shift_left3A_354 : vector<16xi32>
          %bitcast_convert_type3A_356 = tpu.bitcast %shift_left3A_355 : vector<16xi32> -> vector<16xf32>
          %bitcast_convert_type3A_357 = tpu.bitcast %get3A_352 : vector<16xi32> -> vector<16xf32>
          %add3A_358 = arith.addf %add3A_345, %bitcast_convert_type3A_356 : vector<16xf32>
          %add3A_359 = arith.addf %add3A_346, %bitcast_convert_type3A_357 : vector<16xf32>
          %add3A_360 = arith.constant 360 : i32
          %add3A_361 = arith.addi %add3A_360, %scan3A_248 : i32
          %get3A_362 = arith.index_cast %add3A_361 : i32 to index
          %get3A_363 = arith.constant 0 : index
          %get3A_364 = tpu.vector_load %arg9[%get3A_362, %get3A_363] {strides = array<i32>} : memref<640x64xi32, #tpu.memory_space<vmem>>, vector<1x16xi32>,
          %get3A_365 = vector.shape_cast %get3A_364 : vector<1x16xi32> to vector<16xi32>
          %shift_left3A_366 = arith.constant 16 : i32
          %shift_left3A_367 = vector.broadcast %shift_left3A_366 : i32 to vector<16xi32>
          %shift_left3A_368 = arith.shli %get3A_365, %shift_left3A_367 : vector<16xi32>
          %bitcast_convert_type3A_369 = tpu.bitcast %shift_left3A_368 : vector<16xi32> -> vector<16xf32>
          %bitcast_convert_type3A_370 = tpu.bitcast %get3A_365 : vector<16xi32> -> vector<16xf32>
          %add3A_371 = arith.addf %add3A_358, %bitcast_convert_type3A_369 : vector<16xf32>
          %add3A_372 = arith.addf %add3A_359, %bitcast_convert_type3A_370 : vector<16xf32>
          %add3A_373 = arith.constant 400 : i32
          %add3A_374 = arith.addi %add3A_373, %scan3A_248 : i32
          %get3A_375 = arith.index_cast %add3A_374 : i32 to index
          %get3A_376 = arith.constant 0 : index
          %get3A_377 = tpu.vector_load %arg9[%get3A_375, %get3A_376] {strides = array<i32>} : memref<640x64xi32, #tpu.memory_space<vmem>>, vector<1x16xi32>,
          %get3A_378 = vector.shape_cast %get3A_377 : vector<1x16xi32> to vector<16xi32>
          %shift_left3A_379 = arith.constant 16 : i32
          %shift_left3A_380 = vector.broadcast %shift_left3A_379 : i32 to vector<16xi32>
          %shift_left3A_381 = arith.shli %get3A_378, %shift_left3A_380 : vector<16xi32>
          %bitcast_convert_type3A_382 = tpu.bitcast %shift_left3A_381 : vector<16xi32> -> vector<16xf32>
          %bitcast_convert_type3A_383 = tpu.bitcast %get3A_378 : vector<16xi32> -> vector<16xf32>
          %add3A_384 = arith.addf %add3A_371, %bitcast_convert_type3A_382 : vector<16xf32>
          %add3A_385 = arith.addf %add3A_372, %bitcast_convert_type3A_383 : vector<16xf32>
          %add3A_386 = arith.constant 440 : i32
          %add3A_387 = arith.addi %add3A_386, %scan3A_248 : i32
          %get3A_388 = arith.index_cast %add3A_387 : i32 to index
          %get3A_389 = arith.constant 0 : index
          %get3A_390 = tpu.vector_load %arg9[%get3A_388, %get3A_389] {strides = array<i32>} : memref<640x64xi32, #tpu.memory_space<vmem>>, vector<1x16xi32>,
          %get3A_391 = vector.shape_cast %get3A_390 : vector<1x16xi32> to vector<16xi32>
          %shift_left3A_392 = arith.constant 16 : i32
          %shift_left3A_393 = vector.broadcast %shift_left3A_392 : i32 to vector<16xi32>
          %shift_left3A_394 = arith.shli %get3A_391, %shift_left3A_393 : vector<16xi32>
          %bitcast_convert_type3A_395 = tpu.bitcast %shift_left3A_394 : vector<16xi32> -> vector<16xf32>
          %bitcast_convert_type3A_396 = tpu.bitcast %get3A_391 : vector<16xi32> -> vector<16xf32>
          %add3A_397 = arith.addf %add3A_384, %bitcast_convert_type3A_395 : vector<16xf32>
          %add3A_398 = arith.addf %add3A_385, %bitcast_convert_type3A_396 : vector<16xf32>
          %add3A_399 = arith.constant 480 : i32
          %add3A_400 = arith.addi %add3A_399, %scan3A_248 : i32
          %get3A_401 = arith.index_cast %add3A_400 : i32 to index
          %get3A_402 = arith.constant 0 : index
          %get3A_403 = tpu.vector_load %arg9[%get3A_401, %get3A_402] {strides = array<i32>} : memref<640x64xi32, #tpu.memory_space<vmem>>, vector<1x16xi32>,
          %get3A_404 = vector.shape_cast %get3A_403 : vector<1x16xi32> to vector<16xi32>
          %shift_left3A_405 = arith.constant 16 : i32
          %shift_left3A_406 = vector.broadcast %shift_left3A_405 : i32 to vector<16xi32>
          %shift_left3A_407 = arith.shli %get3A_404, %shift_left3A_406 : vector<16xi32>
          %bitcast_convert_type3A_408 = tpu.bitcast %shift_left3A_407 : vector<16xi32> -> vector<16xf32>
          %bitcast_convert_type3A_409 = tpu.bitcast %get3A_404 : vector<16xi32> -> vector<16xf32>
          %add3A_410 = arith.addf %add3A_397, %bitcast_convert_type3A_408 : vector<16xf32>
          %add3A_411 = arith.addf %add3A_398, %bitcast_convert_type3A_409 : vector<16xf32>
          %add3A_412 = arith.constant 520 : i32
          %add3A_413 = arith.addi %add3A_412, %scan3A_248 : i32
          %get3A_414 = arith.index_cast %add3A_413 : i32 to index
          %get3A_415 = arith.constant 0 : index
          %get3A_416 = tpu.vector_load %arg9[%get3A_414, %get3A_415] {strides = array<i32>} : memref<640x64xi32, #tpu.memory_space<vmem>>, vector<1x16xi32>,
          %get3A_417 = vector.shape_cast %get3A_416 : vector<1x16xi32> to vector<16xi32>
          %shift_left3A_418 = arith.constant 16 : i32
          %shift_left3A_419 = vector.broadcast %shift_left3A_418 : i32 to vector<16xi32>
          %shift_left3A_420 = arith.shli %get3A_417, %shift_left3A_419 : vector<16xi32>
          %bitcast_convert_type3A_421 = tpu.bitcast %shift_left3A_420 : vector<16xi32> -> vector<16xf32>
          %bitcast_convert_type3A_422 = tpu.bitcast %get3A_417 : vector<16xi32> -> vector<16xf32>
          %add3A_423 = arith.addf %add3A_410, %bitcast_convert_type3A_421 : vector<16xf32>
          %add3A_424 = arith.addf %add3A_411, %bitcast_convert_type3A_422 : vector<16xf32>
          %add3A_425 = arith.constant 560 : i32
          %add3A_426 = arith.addi %add3A_425, %scan3A_248 : i32
          %get3A_427 = arith.index_cast %add3A_426 : i32 to index
          %get3A_428 = arith.constant 0 : index
          %get3A_429 = tpu.vector_load %arg9[%get3A_427, %get3A_428] {strides = array<i32>} : memref<640x64xi32, #tpu.memory_space<vmem>>, vector<1x16xi32>,
          %get3A_430 = vector.shape_cast %get3A_429 : vector<1x16xi32> to vector<16xi32>
          %shift_left3A_431 = arith.constant 16 : i32
          %shift_left3A_432 = vector.broadcast %shift_left3A_431 : i32 to vector<16xi32>
          %shift_left3A_433 = arith.shli %get3A_430, %shift_left3A_432 : vector<16xi32>
          %bitcast_convert_type3A_434 = tpu.bitcast %shift_left3A_433 : vector<16xi32> -> vector<16xf32>
          %bitcast_convert_type3A_435 = tpu.bitcast %get3A_430 : vector<16xi32> -> vector<16xf32>
          %add3A_436 = arith.addf %add3A_423, %bitcast_convert_type3A_434 : vector<16xf32>
          %add3A_437 = arith.addf %add3A_424, %bitcast_convert_type3A_435 : vector<16xf32>
          %add3A_438 = arith.constant 600 : i32
          %add3A_439 = arith.addi %add3A_438, %scan3A_248 : i32
          %get3A_440 = arith.index_cast %add3A_439 : i32 to index
          %get3A_441 = arith.constant 0 : index
          %get3A_442 = tpu.vector_load %arg9[%get3A_440, %get3A_441] {strides = array<i32>} : memref<640x64xi32, #tpu.memory_space<vmem>>, vector<1x16xi32>,
          %get3A_443 = vector.shape_cast %get3A_442 : vector<1x16xi32> to vector<16xi32>
          %shift_left3A_444 = arith.constant 16 : i32
          %shift_left3A_445 = vector.broadcast %shift_left3A_444 : i32 to vector<16xi32>
          %shift_left3A_446 = arith.shli %get3A_443, %shift_left3A_445 : vector<16xi32>
          %bitcast_convert_type3A_447 = tpu.bitcast %shift_left3A_446 : vector<16xi32> -> vector<16xf32>
          %bitcast_convert_type3A_448 = tpu.bitcast %get3A_443 : vector<16xi32> -> vector<16xf32>
          %add3A_449 = arith.addf %add3A_436, %bitcast_convert_type3A_447 : vector<16xf32>
          %add3A_450 = arith.addf %add3A_437, %bitcast_convert_type3A_448 : vector<16xf32>
          %swap3A = arith.index_cast %scan3A_248 : i32 to index
          %swap3A_451 = arith.constant 0 : index
          %swap3A_452 = tpu.vector_load %arg11[%swap3A, %swap3A_451] {strides = array<i32>} : memref<40x128xf32, #tpu.memory_space<vmem>>, vector<1x16xf32>,
          %swap3A_453 = vector.shape_cast %swap3A_452 : vector<1x16xf32> to vector<16xf32>
          %swap3A_454 = vector.shape_cast %add3A_449 : vector<16xf32> to vector<1x16xf32>
          tpu.vector_store %arg11[%swap3A, %swap3A_451], %swap3A_454 {strides = array<i32>} : memref<40x128xf32, #tpu.memory_space<vmem>>, vector<1x16xf32>,
          %swap3A_455 = arith.index_cast %scan3A_248 : i32 to index
          %swap3A_456 = arith.constant 16 : index
          %swap3A_457 = tpu.vector_load %arg11[%swap3A_455, %swap3A_456] {strides = array<i32>} : memref<40x128xf32, #tpu.memory_space<vmem>>, vector<1x16xf32>,
          %swap3A_458 = vector.shape_cast %swap3A_457 : vector<1x16xf32> to vector<16xf32>
          %swap3A_459 = vector.shape_cast %add3A_450 : vector<16xf32> to vector<1x16xf32>
          tpu.vector_store %arg11[%swap3A_455, %swap3A_456], %swap3A_459 {strides = array<i32>} : memref<40x128xf32, #tpu.memory_space<vmem>>, vector<1x16xf32>,
          %get3A_460 = arith.index_cast %scan3A_248 : i32 to index
          %get3A_461 = arith.constant 16 : index
          %get3A_462 = tpu.vector_load %arg9[%get3A_460, %get3A_461] {strides = array<i32>} : memref<640x64xi32, #tpu.memory_space<vmem>>, vector<1x16xi32>,
          %get3A_463 = vector.shape_cast %get3A_462 : vector<1x16xi32> to vector<16xi32>
          %shift_left3A_464 = arith.constant 16 : i32
          %shift_left3A_465 = vector.broadcast %shift_left3A_464 : i32 to vector<16xi32>
          %shift_left3A_466 = arith.shli %get3A_463, %shift_left3A_465 : vector<16xi32>
          %bitcast_convert_type3A_467 = tpu.bitcast %shift_left3A_466 : vector<16xi32> -> vector<16xf32>
          %bitcast_convert_type3A_468 = tpu.bitcast %get3A_463 : vector<16xi32> -> vector<16xf32>
          %add3A_469 = arith.constant 40 : i32
          %add3A_470 = arith.addi %add3A_469, %scan3A_248 : i32
          %get3A_471 = arith.index_cast %add3A_470 : i32 to index
          %get3A_472 = arith.constant 16 : index
          %get3A_473 = tpu.vector_load %arg9[%get3A_471, %get3A_472] {strides = array<i32>} : memref<640x64xi32, #tpu.memory_space<vmem>>, vector<1x16xi32>,
          %get3A_474 = vector.shape_cast %get3A_473 : vector<1x16xi32> to vector<16xi32>
          %shift_left3A_475 = arith.constant 16 : i32
          %shift_left3A_476 = vector.broadcast %shift_left3A_475 : i32 to vector<16xi32>
          %shift_left3A_477 = arith.shli %get3A_474, %shift_left3A_476 : vector<16xi32>
          %bitcast_convert_type3A_478 = tpu.bitcast %shift_left3A_477 : vector<16xi32> -> vector<16xf32>
          %bitcast_convert_type3A_479 = tpu.bitcast %get3A_474 : vector<16xi32> -> vector<16xf32>
          %add3A_480 = arith.addf %bitcast_convert_type3A_467, %bitcast_convert_type3A_478 : vector<16xf32>
          %add3A_481 = arith.addf %bitcast_convert_type3A_468, %bitcast_convert_type3A_479 : vector<16xf32>
          %add3A_482 = arith.constant 80 : i32
          %add3A_483 = arith.addi %add3A_482, %scan3A_248 : i32
          %get3A_484 = arith.index_cast %add3A_483 : i32 to index
          %get3A_485 = arith.constant 16 : index
          %get3A_486 = tpu.vector_load %arg9[%get3A_484, %get3A_485] {strides = array<i32>} : memref<640x64xi32, #tpu.memory_space<vmem>>, vector<1x16xi32>,
          %get3A_487 = vector.shape_cast %get3A_486 : vector<1x16xi32> to vector<16xi32>
          %shift_left3A_488 = arith.constant 16 : i32
          %shift_left3A_489 = vector.broadcast %shift_left3A_488 : i32 to vector<16xi32>
          %shift_left3A_490 = arith.shli %get3A_487, %shift_left3A_489 : vector<16xi32>
          %bitcast_convert_type3A_491 = tpu.bitcast %shift_left3A_490 : vector<16xi32> -> vector<16xf32>
          %bitcast_convert_type3A_492 = tpu.bitcast %get3A_487 : vector<16xi32> -> vector<16xf32>
          %add3A_493 = arith.addf %add3A_480, %bitcast_convert_type3A_491 : vector<16xf32>
          %add3A_494 = arith.addf %add3A_481, %bitcast_convert_type3A_492 : vector<16xf32>
          %add3A_495 = arith.constant 120 : i32
          %add3A_496 = arith.addi %add3A_495, %scan3A_248 : i32
          %get3A_497 = arith.index_cast %add3A_496 : i32 to index
          %get3A_498 = arith.constant 16 : index
          %get3A_499 = tpu.vector_load %arg9[%get3A_497, %get3A_498] {strides = array<i32>} : memref<640x64xi32, #tpu.memory_space<vmem>>, vector<1x16xi32>,
          %get3A_500 = vector.shape_cast %get3A_499 : vector<1x16xi32> to vector<16xi32>
          %shift_left3A_501 = arith.constant 16 : i32
          %shift_left3A_502 = vector.broadcast %shift_left3A_501 : i32 to vector<16xi32>
          %shift_left3A_503 = arith.shli %get3A_500, %shift_left3A_502 : vector<16xi32>
          %bitcast_convert_type3A_504 = tpu.bitcast %shift_left3A_503 : vector<16xi32> -> vector<16xf32>
          %bitcast_convert_type3A_505 = tpu.bitcast %get3A_500 : vector<16xi32> -> vector<16xf32>
          %add3A_506 = arith.addf %add3A_493, %bitcast_convert_type3A_504 : vector<16xf32>
          %add3A_507 = arith.addf %add3A_494, %bitcast_convert_type3A_505 : vector<16xf32>
          %add3A_508 = arith.constant 160 : i32
          %add3A_509 = arith.addi %add3A_508, %scan3A_248 : i32
          %get3A_510 = arith.index_cast %add3A_509 : i32 to index
          %get3A_511 = arith.constant 16 : index
          %get3A_512 = tpu.vector_load %arg9[%get3A_510, %get3A_511] {strides = array<i32>} : memref<640x64xi32, #tpu.memory_space<vmem>>, vector<1x16xi32>,
          %get3A_513 = vector.shape_cast %get3A_512 : vector<1x16xi32> to vector<16xi32>
          %shift_left3A_514 = arith.constant 16 : i32
          %shift_left3A_515 = vector.broadcast %shift_left3A_514 : i32 to vector<16xi32>
          %shift_left3A_516 = arith.shli %get3A_513, %shift_left3A_515 : vector<16xi32>
          %bitcast_convert_type3A_517 = tpu.bitcast %shift_left3A_516 : vector<16xi32> -> vector<16xf32>
          %bitcast_convert_type3A_518 = tpu.bitcast %get3A_513 : vector<16xi32> -> vector<16xf32>
          %add3A_519 = arith.addf %add3A_506, %bitcast_convert_type3A_517 : vector<16xf32>
          %add3A_520 = arith.addf %add3A_507, %bitcast_convert_type3A_518 : vector<16xf32>
          %add3A_521 = arith.constant 200 : i32
          %add3A_522 = arith.addi %add3A_521, %scan3A_248 : i32
          %get3A_523 = arith.index_cast %add3A_522 : i32 to index
          %get3A_524 = arith.constant 16 : index
          %get3A_525 = tpu.vector_load %arg9[%get3A_523, %get3A_524] {strides = array<i32>} : memref<640x64xi32, #tpu.memory_space<vmem>>, vector<1x16xi32>,
          %get3A_526 = vector.shape_cast %get3A_525 : vector<1x16xi32> to vector<16xi32>
          %shift_left3A_527 = arith.constant 16 : i32
          %shift_left3A_528 = vector.broadcast %shift_left3A_527 : i32 to vector<16xi32>
          %shift_left3A_529 = arith.shli %get3A_526, %shift_left3A_528 : vector<16xi32>
          %bitcast_convert_type3A_530 = tpu.bitcast %shift_left3A_529 : vector<16xi32> -> vector<16xf32>
          %bitcast_convert_type3A_531 = tpu.bitcast %get3A_526 : vector<16xi32> -> vector<16xf32>
          %add3A_532 = arith.addf %add3A_519, %bitcast_convert_type3A_530 : vector<16xf32>
          %add3A_533 = arith.addf %add3A_520, %bitcast_convert_type3A_531 : vector<16xf32>
          %add3A_534 = arith.constant 240 : i32
          %add3A_535 = arith.addi %add3A_534, %scan3A_248 : i32
          %get3A_536 = arith.index_cast %add3A_535 : i32 to index
          %get3A_537 = arith.constant 16 : index
          %get3A_538 = tpu.vector_load %arg9[%get3A_536, %get3A_537] {strides = array<i32>} : memref<640x64xi32, #tpu.memory_space<vmem>>, vector<1x16xi32>,
          %get3A_539 = vector.shape_cast %get3A_538 : vector<1x16xi32> to vector<16xi32>
          %shift_left3A_540 = arith.constant 16 : i32
          %shift_left3A_541 = vector.broadcast %shift_left3A_540 : i32 to vector<16xi32>
          %shift_left3A_542 = arith.shli %get3A_539, %shift_left3A_541 : vector<16xi32>
          %bitcast_convert_type3A_543 = tpu.bitcast %shift_left3A_542 : vector<16xi32> -> vector<16xf32>
          %bitcast_convert_type3A_544 = tpu.bitcast %get3A_539 : vector<16xi32> -> vector<16xf32>
          %add3A_545 = arith.addf %add3A_532, %bitcast_convert_type3A_543 : vector<16xf32>
          %add3A_546 = arith.addf %add3A_533, %bitcast_convert_type3A_544 : vector<16xf32>
          %add3A_547 = arith.constant 280 : i32
          %add3A_548 = arith.addi %add3A_547, %scan3A_248 : i32
          %get3A_549 = arith.index_cast %add3A_548 : i32 to index
          %get3A_550 = arith.constant 16 : index
          %get3A_551 = tpu.vector_load %arg9[%get3A_549, %get3A_550] {strides = array<i32>} : memref<640x64xi32, #tpu.memory_space<vmem>>, vector<1x16xi32>,
          %get3A_552 = vector.shape_cast %get3A_551 : vector<1x16xi32> to vector<16xi32>
          %shift_left3A_553 = arith.constant 16 : i32
          %shift_left3A_554 = vector.broadcast %shift_left3A_553 : i32 to vector<16xi32>
          %shift_left3A_555 = arith.shli %get3A_552, %shift_left3A_554 : vector<16xi32>
          %bitcast_convert_type3A_556 = tpu.bitcast %shift_left3A_555 : vector<16xi32> -> vector<16xf32>
          %bitcast_convert_type3A_557 = tpu.bitcast %get3A_552 : vector<16xi32> -> vector<16xf32>
          %add3A_558 = arith.addf %add3A_545, %bitcast_convert_type3A_556 : vector<16xf32>
          %add3A_559 = arith.addf %add3A_546, %bitcast_convert_type3A_557 : vector<16xf32>
          %add3A_560 = arith.constant 320 : i32
          %add3A_561 = arith.addi %add3A_560, %scan3A_248 : i32
          %get3A_562 = arith.index_cast %add3A_561 : i32 to index
          %get3A_563 = arith.constant 16 : index
          %get3A_564 = tpu.vector_load %arg9[%get3A_562, %get3A_563] {strides = array<i32>} : memref<640x64xi32, #tpu.memory_space<vmem>>, vector<1x16xi32>,
          %get3A_565 = vector.shape_cast %get3A_564 : vector<1x16xi32> to vector<16xi32>
          %shift_left3A_566 = arith.constant 16 : i32
          %shift_left3A_567 = vector.broadcast %shift_left3A_566 : i32 to vector<16xi32>
          %shift_left3A_568 = arith.shli %get3A_565, %shift_left3A_567 : vector<16xi32>
          %bitcast_convert_type3A_569 = tpu.bitcast %shift_left3A_568 : vector<16xi32> -> vector<16xf32>
          %bitcast_convert_type3A_570 = tpu.bitcast %get3A_565 : vector<16xi32> -> vector<16xf32>
          %add3A_571 = arith.addf %add3A_558, %bitcast_convert_type3A_569 : vector<16xf32>
          %add3A_572 = arith.addf %add3A_559, %bitcast_convert_type3A_570 : vector<16xf32>
          %add3A_573 = arith.constant 360 : i32
          %add3A_574 = arith.addi %add3A_573, %scan3A_248 : i32
          %get3A_575 = arith.index_cast %add3A_574 : i32 to index
          %get3A_576 = arith.constant 16 : index
          %get3A_577 = tpu.vector_load %arg9[%get3A_575, %get3A_576] {strides = array<i32>} : memref<640x64xi32, #tpu.memory_space<vmem>>, vector<1x16xi32>,
          %get3A_578 = vector.shape_cast %get3A_577 : vector<1x16xi32> to vector<16xi32>
          %shift_left3A_579 = arith.constant 16 : i32
          %shift_left3A_580 = vector.broadcast %shift_left3A_579 : i32 to vector<16xi32>
          %shift_left3A_581 = arith.shli %get3A_578, %shift_left3A_580 : vector<16xi32>
          %bitcast_convert_type3A_582 = tpu.bitcast %shift_left3A_581 : vector<16xi32> -> vector<16xf32>
          %bitcast_convert_type3A_583 = tpu.bitcast %get3A_578 : vector<16xi32> -> vector<16xf32>
          %add3A_584 = arith.addf %add3A_571, %bitcast_convert_type3A_582 : vector<16xf32>
          %add3A_585 = arith.addf %add3A_572, %bitcast_convert_type3A_583 : vector<16xf32>
          %add3A_586 = arith.constant 400 : i32
          %add3A_587 = arith.addi %add3A_586, %scan3A_248 : i32
          %get3A_588 = arith.index_cast %add3A_587 : i32 to index
          %get3A_589 = arith.constant 16 : index
          %get3A_590 = tpu.vector_load %arg9[%get3A_588, %get3A_589] {strides = array<i32>} : memref<640x64xi32, #tpu.memory_space<vmem>>, vector<1x16xi32>,
          %get3A_591 = vector.shape_cast %get3A_590 : vector<1x16xi32> to vector<16xi32>
          %shift_left3A_592 = arith.constant 16 : i32
          %shift_left3A_593 = vector.broadcast %shift_left3A_592 : i32 to vector<16xi32>
          %shift_left3A_594 = arith.shli %get3A_591, %shift_left3A_593 : vector<16xi32>
          %bitcast_convert_type3A_595 = tpu.bitcast %shift_left3A_594 : vector<16xi32> -> vector<16xf32>
          %bitcast_convert_type3A_596 = tpu.bitcast %get3A_591 : vector<16xi32> -> vector<16xf32>
          %add3A_597 = arith.addf %add3A_584, %bitcast_convert_type3A_595 : vector<16xf32>
          %add3A_598 = arith.addf %add3A_585, %bitcast_convert_type3A_596 : vector<16xf32>
          %add3A_599 = arith.constant 440 : i32
          %add3A_600 = arith.addi %add3A_599, %scan3A_248 : i32
          %get3A_601 = arith.index_cast %add3A_600 : i32 to index
          %get3A_602 = arith.constant 16 : index
          %get3A_603 = tpu.vector_load %arg9[%get3A_601, %get3A_602] {strides = array<i32>} : memref<640x64xi32, #tpu.memory_space<vmem>>, vector<1x16xi32>,
          %get3A_604 = vector.shape_cast %get3A_603 : vector<1x16xi32> to vector<16xi32>
          %shift_left3A_605 = arith.constant 16 : i32
          %shift_left3A_606 = vector.broadcast %shift_left3A_605 : i32 to vector<16xi32>
          %shift_left3A_607 = arith.shli %get3A_604, %shift_left3A_606 : vector<16xi32>
          %bitcast_convert_type3A_608 = tpu.bitcast %shift_left3A_607 : vector<16xi32> -> vector<16xf32>
          %bitcast_convert_type3A_609 = tpu.bitcast %get3A_604 : vector<16xi32> -> vector<16xf32>
          %add3A_610 = arith.addf %add3A_597, %bitcast_convert_type3A_608 : vector<16xf32>
          %add3A_611 = arith.addf %add3A_598, %bitcast_convert_type3A_609 : vector<16xf32>
          %add3A_612 = arith.constant 480 : i32
          %add3A_613 = arith.addi %add3A_612, %scan3A_248 : i32
          %get3A_614 = arith.index_cast %add3A_613 : i32 to index
          %get3A_615 = arith.constant 16 : index
          %get3A_616 = tpu.vector_load %arg9[%get3A_614, %get3A_615] {strides = array<i32>} : memref<640x64xi32, #tpu.memory_space<vmem>>, vector<1x16xi32>,
          %get3A_617 = vector.shape_cast %get3A_616 : vector<1x16xi32> to vector<16xi32>
          %shift_left3A_618 = arith.constant 16 : i32
          %shift_left3A_619 = vector.broadcast %shift_left3A_618 : i32 to vector<16xi32>
          %shift_left3A_620 = arith.shli %get3A_617, %shift_left3A_619 : vector<16xi32>
          %bitcast_convert_type3A_621 = tpu.bitcast %shift_left3A_620 : vector<16xi32> -> vector<16xf32>
          %bitcast_convert_type3A_622 = tpu.bitcast %get3A_617 : vector<16xi32> -> vector<16xf32>
          %add3A_623 = arith.addf %add3A_610, %bitcast_convert_type3A_621 : vector<16xf32>
          %add3A_624 = arith.addf %add3A_611, %bitcast_convert_type3A_622 : vector<16xf32>
          %add3A_625 = arith.constant 520 : i32
          %add3A_626 = arith.addi %add3A_625, %scan3A_248 : i32
          %get3A_627 = arith.index_cast %add3A_626 : i32 to index
          %get3A_628 = arith.constant 16 : index
          %get3A_629 = tpu.vector_load %arg9[%get3A_627, %get3A_628] {strides = array<i32>} : memref<640x64xi32, #tpu.memory_space<vmem>>, vector<1x16xi32>,
          %get3A_630 = vector.shape_cast %get3A_629 : vector<1x16xi32> to vector<16xi32>
          %shift_left3A_631 = arith.constant 16 : i32
          %shift_left3A_632 = vector.broadcast %shift_left3A_631 : i32 to vector<16xi32>
          %shift_left3A_633 = arith.shli %get3A_630, %shift_left3A_632 : vector<16xi32>
          %bitcast_convert_type3A_634 = tpu.bitcast %shift_left3A_633 : vector<16xi32> -> vector<16xf32>
          %bitcast_convert_type3A_635 = tpu.bitcast %get3A_630 : vector<16xi32> -> vector<16xf32>
          %add3A_636 = arith.addf %add3A_623, %bitcast_convert_type3A_634 : vector<16xf32>
          %add3A_637 = arith.addf %add3A_624, %bitcast_convert_type3A_635 : vector<16xf32>
          %add3A_638 = arith.constant 560 : i32
          %add3A_639 = arith.addi %add3A_638, %scan3A_248 : i32
          %get3A_640 = arith.index_cast %add3A_639 : i32 to index
          %get3A_641 = arith.constant 16 : index
          %get3A_642 = tpu.vector_load %arg9[%get3A_640, %get3A_641] {strides = array<i32>} : memref<640x64xi32, #tpu.memory_space<vmem>>, vector<1x16xi32>,
          %get3A_643 = vector.shape_cast %get3A_642 : vector<1x16xi32> to vector<16xi32>
          %shift_left3A_644 = arith.constant 16 : i32
          %shift_left3A_645 = vector.broadcast %shift_left3A_644 : i32 to vector<16xi32>
          %shift_left3A_646 = arith.shli %get3A_643, %shift_left3A_645 : vector<16xi32>
          %bitcast_convert_type3A_647 = tpu.bitcast %shift_left3A_646 : vector<16xi32> -> vector<16xf32>
          %bitcast_convert_type3A_648 = tpu.bitcast %get3A_643 : vector<16xi32> -> vector<16xf32>
          %add3A_649 = arith.addf %add3A_636, %bitcast_convert_type3A_647 : vector<16xf32>
          %add3A_650 = arith.addf %add3A_637, %bitcast_convert_type3A_648 : vector<16xf32>
          %add3A_651 = arith.constant 600 : i32
          %add3A_652 = arith.addi %add3A_651, %scan3A_248 : i32
          %get3A_653 = arith.index_cast %add3A_652 : i32 to index
          %get3A_654 = arith.constant 16 : index
          %get3A_655 = tpu.vector_load %arg9[%get3A_653, %get3A_654] {strides = array<i32>} : memref<640x64xi32, #tpu.memory_space<vmem>>, vector<1x16xi32>,
          %get3A_656 = vector.shape_cast %get3A_655 : vector<1x16xi32> to vector<16xi32>
          %shift_left3A_657 = arith.constant 16 : i32
          %shift_left3A_658 = vector.broadcast %shift_left3A_657 : i32 to vector<16xi32>
          %shift_left3A_659 = arith.shli %get3A_656, %shift_left3A_658 : vector<16xi32>
          %bitcast_convert_type3A_660 = tpu.bitcast %shift_left3A_659 : vector<16xi32> -> vector<16xf32>
          %bitcast_convert_type3A_661 = tpu.bitcast %get3A_656 : vector<16xi32> -> vector<16xf32>
          %add3A_662 = arith.addf %add3A_649, %bitcast_convert_type3A_660 : vector<16xf32>
          %add3A_663 = arith.addf %add3A_650, %bitcast_convert_type3A_661 : vector<16xf32>
          %swap3A_664 = arith.index_cast %scan3A_248 : i32 to index
          %swap3A_665 = arith.constant 32 : index
          %swap3A_666 = tpu.vector_load %arg11[%swap3A_664, %swap3A_665] {strides = array<i32>} : memref<40x128xf32, #tpu.memory_space<vmem>>, vector<1x16xf32>,
          %swap3A_667 = vector.shape_cast %swap3A_666 : vector<1x16xf32> to vector<16xf32>
          %swap3A_668 = vector.shape_cast %add3A_662 : vector<16xf32> to vector<1x16xf32>
          tpu.vector_store %arg11[%swap3A_664, %swap3A_665], %swap3A_668 {strides = array<i32>} : memref<40x128xf32, #tpu.memory_space<vmem>>, vector<1x16xf32>,
          %swap3A_669 = arith.index_cast %scan3A_248 : i32 to index
          %swap3A_670 = arith.constant 48 : index
          %swap3A_671 = tpu.vector_load %arg11[%swap3A_669, %swap3A_670] {strides = array<i32>} : memref<40x128xf32, #tpu.memory_space<vmem>>, vector<1x16xf32>,
          %swap3A_672 = vector.shape_cast %swap3A_671 : vector<1x16xf32> to vector<16xf32>
          %swap3A_673 = vector.shape_cast %add3A_663 : vector<16xf32> to vector<1x16xf32>
          tpu.vector_store %arg11[%swap3A_669, %swap3A_670], %swap3A_673 {strides = array<i32>} : memref<40x128xf32, #tpu.memory_space<vmem>>, vector<1x16xf32>,
          %get3A_674 = arith.index_cast %scan3A_248 : i32 to index
          %get3A_675 = arith.constant 32 : index
          %get3A_676 = tpu.vector_load %arg9[%get3A_674, %get3A_675] {strides = array<i32>} : memref<640x64xi32, #tpu.memory_space<vmem>>, vector<1x16xi32>,
          %get3A_677 = vector.shape_cast %get3A_676 : vector<1x16xi32> to vector<16xi32>
          %shift_left3A_678 = arith.constant 16 : i32
          %shift_left3A_679 = vector.broadcast %shift_left3A_678 : i32 to vector<16xi32>
          %shift_left3A_680 = arith.shli %get3A_677, %shift_left3A_679 : vector<16xi32>
          %bitcast_convert_type3A_681 = tpu.bitcast %shift_left3A_680 : vector<16xi32> -> vector<16xf32>
          %bitcast_convert_type3A_682 = tpu.bitcast %get3A_677 : vector<16xi32> -> vector<16xf32>
          %add3A_683 = arith.constant 40 : i32
          %add3A_684 = arith.addi %add3A_683, %scan3A_248 : i32
          %get3A_685 = arith.index_cast %add3A_684 : i32 to index
          %get3A_686 = arith.constant 32 : index
          %get3A_687 = tpu.vector_load %arg9[%get3A_685, %get3A_686] {strides = array<i32>} : memref<640x64xi32, #tpu.memory_space<vmem>>, vector<1x16xi32>,
          %get3A_688 = vector.shape_cast %get3A_687 : vector<1x16xi32> to vector<16xi32>
          %shift_left3A_689 = arith.constant 16 : i32
          %shift_left3A_690 = vector.broadcast %shift_left3A_689 : i32 to vector<16xi32>
          %shift_left3A_691 = arith.shli %get3A_688, %shift_left3A_690 : vector<16xi32>
          %bitcast_convert_type3A_692 = tpu.bitcast %shift_left3A_691 : vector<16xi32> -> vector<16xf32>
          %bitcast_convert_type3A_693 = tpu.bitcast %get3A_688 : vector<16xi32> -> vector<16xf32>
          %add3A_694 = arith.addf %bitcast_convert_type3A_681, %bitcast_convert_type3A_692 : vector<16xf32>
          %add3A_695 = arith.addf %bitcast_convert_type3A_682, %bitcast_convert_type3A_693 : vector<16xf32>
          %add3A_696 = arith.constant 80 : i32
          %add3A_697 = arith.addi %add3A_696, %scan3A_248 : i32
          %get3A_698 = arith.index_cast %add3A_697 : i32 to index
          %get3A_699 = arith.constant 32 : index
          %get3A_700 = tpu.vector_load %arg9[%get3A_698, %get3A_699] {strides = array<i32>} : memref<640x64xi32, #tpu.memory_space<vmem>>, vector<1x16xi32>,
          %get3A_701 = vector.shape_cast %get3A_700 : vector<1x16xi32> to vector<16xi32>
          %shift_left3A_702 = arith.constant 16 : i32
          %shift_left3A_703 = vector.broadcast %shift_left3A_702 : i32 to vector<16xi32>
          %shift_left3A_704 = arith.shli %get3A_701, %shift_left3A_703 : vector<16xi32>
          %bitcast_convert_type3A_705 = tpu.bitcast %shift_left3A_704 : vector<16xi32> -> vector<16xf32>
          %bitcast_convert_type3A_706 = tpu.bitcast %get3A_701 : vector<16xi32> -> vector<16xf32>
          %add3A_707 = arith.addf %add3A_694, %bitcast_convert_type3A_705 : vector<16xf32>
          %add3A_708 = arith.addf %add3A_695, %bitcast_convert_type3A_706 : vector<16xf32>
          %add3A_709 = arith.constant 120 : i32
          %add3A_710 = arith.addi %add3A_709, %scan3A_248 : i32
          %get3A_711 = arith.index_cast %add3A_710 : i32 to index
          %get3A_712 = arith.constant 32 : index
          %get3A_713 = tpu.vector_load %arg9[%get3A_711, %get3A_712] {strides = array<i32>} : memref<640x64xi32, #tpu.memory_space<vmem>>, vector<1x16xi32>,
          %get3A_714 = vector.shape_cast %get3A_713 : vector<1x16xi32> to vector<16xi32>
          %shift_left3A_715 = arith.constant 16 : i32
          %shift_left3A_716 = vector.broadcast %shift_left3A_715 : i32 to vector<16xi32>
          %shift_left3A_717 = arith.shli %get3A_714, %shift_left3A_716 : vector<16xi32>
          %bitcast_convert_type3A_718 = tpu.bitcast %shift_left3A_717 : vector<16xi32> -> vector<16xf32>
          %bitcast_convert_type3A_719 = tpu.bitcast %get3A_714 : vector<16xi32> -> vector<16xf32>
          %add3A_720 = arith.addf %add3A_707, %bitcast_convert_type3A_718 : vector<16xf32>
          %add3A_721 = arith.addf %add3A_708, %bitcast_convert_type3A_719 : vector<16xf32>
          %add3A_722 = arith.constant 160 : i32
          %add3A_723 = arith.addi %add3A_722, %scan3A_248 : i32
          %get3A_724 = arith.index_cast %add3A_723 : i32 to index
          %get3A_725 = arith.constant 32 : index
          %get3A_726 = tpu.vector_load %arg9[%get3A_724, %get3A_725] {strides = array<i32>} : memref<640x64xi32, #tpu.memory_space<vmem>>, vector<1x16xi32>,
          %get3A_727 = vector.shape_cast %get3A_726 : vector<1x16xi32> to vector<16xi32>
          %shift_left3A_728 = arith.constant 16 : i32
          %shift_left3A_729 = vector.broadcast %shift_left3A_728 : i32 to vector<16xi32>
          %shift_left3A_730 = arith.shli %get3A_727, %shift_left3A_729 : vector<16xi32>
          %bitcast_convert_type3A_731 = tpu.bitcast %shift_left3A_730 : vector<16xi32> -> vector<16xf32>
          %bitcast_convert_type3A_732 = tpu.bitcast %get3A_727 : vector<16xi32> -> vector<16xf32>
          %add3A_733 = arith.addf %add3A_720, %bitcast_convert_type3A_731 : vector<16xf32>
          %add3A_734 = arith.addf %add3A_721, %bitcast_convert_type3A_732 : vector<16xf32>
          %add3A_735 = arith.constant 200 : i32
          %add3A_736 = arith.addi %add3A_735, %scan3A_248 : i32
          %get3A_737 = arith.index_cast %add3A_736 : i32 to index
          %get3A_738 = arith.constant 32 : index
          %get3A_739 = tpu.vector_load %arg9[%get3A_737, %get3A_738] {strides = array<i32>} : memref<640x64xi32, #tpu.memory_space<vmem>>, vector<1x16xi32>,
          %get3A_740 = vector.shape_cast %get3A_739 : vector<1x16xi32> to vector<16xi32>
          %shift_left3A_741 = arith.constant 16 : i32
          %shift_left3A_742 = vector.broadcast %shift_left3A_741 : i32 to vector<16xi32>
          %shift_left3A_743 = arith.shli %get3A_740, %shift_left3A_742 : vector<16xi32>
          %bitcast_convert_type3A_744 = tpu.bitcast %shift_left3A_743 : vector<16xi32> -> vector<16xf32>
          %bitcast_convert_type3A_745 = tpu.bitcast %get3A_740 : vector<16xi32> -> vector<16xf32>
          %add3A_746 = arith.addf %add3A_733, %bitcast_convert_type3A_744 : vector<16xf32>
          %add3A_747 = arith.addf %add3A_734, %bitcast_convert_type3A_745 : vector<16xf32>
          %add3A_748 = arith.constant 240 : i32
          %add3A_749 = arith.addi %add3A_748, %scan3A_248 : i32
          %get3A_750 = arith.index_cast %add3A_749 : i32 to index
          %get3A_751 = arith.constant 32 : index
          %get3A_752 = tpu.vector_load %arg9[%get3A_750, %get3A_751] {strides = array<i32>} : memref<640x64xi32, #tpu.memory_space<vmem>>, vector<1x16xi32>,
          %get3A_753 = vector.shape_cast %get3A_752 : vector<1x16xi32> to vector<16xi32>
          %shift_left3A_754 = arith.constant 16 : i32
          %shift_left3A_755 = vector.broadcast %shift_left3A_754 : i32 to vector<16xi32>
          %shift_left3A_756 = arith.shli %get3A_753, %shift_left3A_755 : vector<16xi32>
          %bitcast_convert_type3A_757 = tpu.bitcast %shift_left3A_756 : vector<16xi32> -> vector<16xf32>
          %bitcast_convert_type3A_758 = tpu.bitcast %get3A_753 : vector<16xi32> -> vector<16xf32>
          %add3A_759 = arith.addf %add3A_746, %bitcast_convert_type3A_757 : vector<16xf32>
          %add3A_760 = arith.addf %add3A_747, %bitcast_convert_type3A_758 : vector<16xf32>
          %add3A_761 = arith.constant 280 : i32
          %add3A_762 = arith.addi %add3A_761, %scan3A_248 : i32
          %get3A_763 = arith.index_cast %add3A_762 : i32 to index
          %get3A_764 = arith.constant 32 : index
          %get3A_765 = tpu.vector_load %arg9[%get3A_763, %get3A_764] {strides = array<i32>} : memref<640x64xi32, #tpu.memory_space<vmem>>, vector<1x16xi32>,
          %get3A_766 = vector.shape_cast %get3A_765 : vector<1x16xi32> to vector<16xi32>
          %shift_left3A_767 = arith.constant 16 : i32
          %shift_left3A_768 = vector.broadcast %shift_left3A_767 : i32 to vector<16xi32>
          %shift_left3A_769 = arith.shli %get3A_766, %shift_left3A_768 : vector<16xi32>
          %bitcast_convert_type3A_770 = tpu.bitcast %shift_left3A_769 : vector<16xi32> -> vector<16xf32>
          %bitcast_convert_type3A_771 = tpu.bitcast %get3A_766 : vector<16xi32> -> vector<16xf32>
          %add3A_772 = arith.addf %add3A_759, %bitcast_convert_type3A_770 : vector<16xf32>
          %add3A_773 = arith.addf %add3A_760, %bitcast_convert_type3A_771 : vector<16xf32>
          %add3A_774 = arith.constant 320 : i32
          %add3A_775 = arith.addi %add3A_774, %scan3A_248 : i32
          %get3A_776 = arith.index_cast %add3A_775 : i32 to index
          %get3A_777 = arith.constant 32 : index
          %get3A_778 = tpu.vector_load %arg9[%get3A_776, %get3A_777] {strides = array<i32>} : memref<640x64xi32, #tpu.memory_space<vmem>>, vector<1x16xi32>,
          %get3A_779 = vector.shape_cast %get3A_778 : vector<1x16xi32> to vector<16xi32>
          %shift_left3A_780 = arith.constant 16 : i32
          %shift_left3A_781 = vector.broadcast %shift_left3A_780 : i32 to vector<16xi32>
          %shift_left3A_782 = arith.shli %get3A_779, %shift_left3A_781 : vector<16xi32>
          %bitcast_convert_type3A_783 = tpu.bitcast %shift_left3A_782 : vector<16xi32> -> vector<16xf32>
          %bitcast_convert_type3A_784 = tpu.bitcast %get3A_779 : vector<16xi32> -> vector<16xf32>
          %add3A_785 = arith.addf %add3A_772, %bitcast_convert_type3A_783 : vector<16xf32>
          %add3A_786 = arith.addf %add3A_773, %bitcast_convert_type3A_784 : vector<16xf32>
          %add3A_787 = arith.constant 360 : i32
          %add3A_788 = arith.addi %add3A_787, %scan3A_248 : i32
          %get3A_789 = arith.index_cast %add3A_788 : i32 to index
          %get3A_790 = arith.constant 32 : index
          %get3A_791 = tpu.vector_load %arg9[%get3A_789, %get3A_790] {strides = array<i32>} : memref<640x64xi32, #tpu.memory_space<vmem>>, vector<1x16xi32>,
          %get3A_792 = vector.shape_cast %get3A_791 : vector<1x16xi32> to vector<16xi32>
          %shift_left3A_793 = arith.constant 16 : i32
          %shift_left3A_794 = vector.broadcast %shift_left3A_793 : i32 to vector<16xi32>
          %shift_left3A_795 = arith.shli %get3A_792, %shift_left3A_794 : vector<16xi32>
          %bitcast_convert_type3A_796 = tpu.bitcast %shift_left3A_795 : vector<16xi32> -> vector<16xf32>
          %bitcast_convert_type3A_797 = tpu.bitcast %get3A_792 : vector<16xi32> -> vector<16xf32>
          %add3A_798 = arith.addf %add3A_785, %bitcast_convert_type3A_796 : vector<16xf32>
          %add3A_799 = arith.addf %add3A_786, %bitcast_convert_type3A_797 : vector<16xf32>
          %add3A_800 = arith.constant 400 : i32
          %add3A_801 = arith.addi %add3A_800, %scan3A_248 : i32
          %get3A_802 = arith.index_cast %add3A_801 : i32 to index
          %get3A_803 = arith.constant 32 : index
          %get3A_804 = tpu.vector_load %arg9[%get3A_802, %get3A_803] {strides = array<i32>} : memref<640x64xi32, #tpu.memory_space<vmem>>, vector<1x16xi32>,
          %get3A_805 = vector.shape_cast %get3A_804 : vector<1x16xi32> to vector<16xi32>
          %shift_left3A_806 = arith.constant 16 : i32
          %shift_left3A_807 = vector.broadcast %shift_left3A_806 : i32 to vector<16xi32>
          %shift_left3A_808 = arith.shli %get3A_805, %shift_left3A_807 : vector<16xi32>
          %bitcast_convert_type3A_809 = tpu.bitcast %shift_left3A_808 : vector<16xi32> -> vector<16xf32>
          %bitcast_convert_type3A_810 = tpu.bitcast %get3A_805 : vector<16xi32> -> vector<16xf32>
          %add3A_811 = arith.addf %add3A_798, %bitcast_convert_type3A_809 : vector<16xf32>
          %add3A_812 = arith.addf %add3A_799, %bitcast_convert_type3A_810 : vector<16xf32>
          %add3A_813 = arith.constant 440 : i32
          %add3A_814 = arith.addi %add3A_813, %scan3A_248 : i32
          %get3A_815 = arith.index_cast %add3A_814 : i32 to index
          %get3A_816 = arith.constant 32 : index
          %get3A_817 = tpu.vector_load %arg9[%get3A_815, %get3A_816] {strides = array<i32>} : memref<640x64xi32, #tpu.memory_space<vmem>>, vector<1x16xi32>,
          %get3A_818 = vector.shape_cast %get3A_817 : vector<1x16xi32> to vector<16xi32>
          %shift_left3A_819 = arith.constant 16 : i32
          %shift_left3A_820 = vector.broadcast %shift_left3A_819 : i32 to vector<16xi32>
          %shift_left3A_821 = arith.shli %get3A_818, %shift_left3A_820 : vector<16xi32>
          %bitcast_convert_type3A_822 = tpu.bitcast %shift_left3A_821 : vector<16xi32> -> vector<16xf32>
          %bitcast_convert_type3A_823 = tpu.bitcast %get3A_818 : vector<16xi32> -> vector<16xf32>
          %add3A_824 = arith.addf %add3A_811, %bitcast_convert_type3A_822 : vector<16xf32>
          %add3A_825 = arith.addf %add3A_812, %bitcast_convert_type3A_823 : vector<16xf32>
          %add3A_826 = arith.constant 480 : i32
          %add3A_827 = arith.addi %add3A_826, %scan3A_248 : i32
          %get3A_828 = arith.index_cast %add3A_827 : i32 to index
          %get3A_829 = arith.constant 32 : index
          %get3A_830 = tpu.vector_load %arg9[%get3A_828, %get3A_829] {strides = array<i32>} : memref<640x64xi32, #tpu.memory_space<vmem>>, vector<1x16xi32>,
          %get3A_831 = vector.shape_cast %get3A_830 : vector<1x16xi32> to vector<16xi32>
          %shift_left3A_832 = arith.constant 16 : i32
          %shift_left3A_833 = vector.broadcast %shift_left3A_832 : i32 to vector<16xi32>
          %shift_left3A_834 = arith.shli %get3A_831, %shift_left3A_833 : vector<16xi32>
          %bitcast_convert_type3A_835 = tpu.bitcast %shift_left3A_834 : vector<16xi32> -> vector<16xf32>
          %bitcast_convert_type3A_836 = tpu.bitcast %get3A_831 : vector<16xi32> -> vector<16xf32>
          %add3A_837 = arith.addf %add3A_824, %bitcast_convert_type3A_835 : vector<16xf32>
          %add3A_838 = arith.addf %add3A_825, %bitcast_convert_type3A_836 : vector<16xf32>
          %add3A_839 = arith.constant 520 : i32
          %add3A_840 = arith.addi %add3A_839, %scan3A_248 : i32
          %get3A_841 = arith.index_cast %add3A_840 : i32 to index
          %get3A_842 = arith.constant 32 : index
          %get3A_843 = tpu.vector_load %arg9[%get3A_841, %get3A_842] {strides = array<i32>} : memref<640x64xi32, #tpu.memory_space<vmem>>, vector<1x16xi32>,
          %get3A_844 = vector.shape_cast %get3A_843 : vector<1x16xi32> to vector<16xi32>
          %shift_left3A_845 = arith.constant 16 : i32
          %shift_left3A_846 = vector.broadcast %shift_left3A_845 : i32 to vector<16xi32>
          %shift_left3A_847 = arith.shli %get3A_844, %shift_left3A_846 : vector<16xi32>
          %bitcast_convert_type3A_848 = tpu.bitcast %shift_left3A_847 : vector<16xi32> -> vector<16xf32>
          %bitcast_convert_type3A_849 = tpu.bitcast %get3A_844 : vector<16xi32> -> vector<16xf32>
          %add3A_850 = arith.addf %add3A_837, %bitcast_convert_type3A_848 : vector<16xf32>
          %add3A_851 = arith.addf %add3A_838, %bitcast_convert_type3A_849 : vector<16xf32>
          %add3A_852 = arith.constant 560 : i32
          %add3A_853 = arith.addi %add3A_852, %scan3A_248 : i32
          %get3A_854 = arith.index_cast %add3A_853 : i32 to index
          %get3A_855 = arith.constant 32 : index
          %get3A_856 = tpu.vector_load %arg9[%get3A_854, %get3A_855] {strides = array<i32>} : memref<640x64xi32, #tpu.memory_space<vmem>>, vector<1x16xi32>,
          %get3A_857 = vector.shape_cast %get3A_856 : vector<1x16xi32> to vector<16xi32>
          %shift_left3A_858 = arith.constant 16 : i32
          %shift_left3A_859 = vector.broadcast %shift_left3A_858 : i32 to vector<16xi32>
          %shift_left3A_860 = arith.shli %get3A_857, %shift_left3A_859 : vector<16xi32>
          %bitcast_convert_type3A_861 = tpu.bitcast %shift_left3A_860 : vector<16xi32> -> vector<16xf32>
          %bitcast_convert_type3A_862 = tpu.bitcast %get3A_857 : vector<16xi32> -> vector<16xf32>
          %add3A_863 = arith.addf %add3A_850, %bitcast_convert_type3A_861 : vector<16xf32>
          %add3A_864 = arith.addf %add3A_851, %bitcast_convert_type3A_862 : vector<16xf32>
          %add3A_865 = arith.constant 600 : i32
          %add3A_866 = arith.addi %add3A_865, %scan3A_248 : i32
          %get3A_867 = arith.index_cast %add3A_866 : i32 to index
          %get3A_868 = arith.constant 32 : index
          %get3A_869 = tpu.vector_load %arg9[%get3A_867, %get3A_868] {strides = array<i32>} : memref<640x64xi32, #tpu.memory_space<vmem>>, vector<1x16xi32>,
          %get3A_870 = vector.shape_cast %get3A_869 : vector<1x16xi32> to vector<16xi32>
          %shift_left3A_871 = arith.constant 16 : i32
          %shift_left3A_872 = vector.broadcast %shift_left3A_871 : i32 to vector<16xi32>
          %shift_left3A_873 = arith.shli %get3A_870, %shift_left3A_872 : vector<16xi32>
          %bitcast_convert_type3A_874 = tpu.bitcast %shift_left3A_873 : vector<16xi32> -> vector<16xf32>
          %bitcast_convert_type3A_875 = tpu.bitcast %get3A_870 : vector<16xi32> -> vector<16xf32>
          %add3A_876 = arith.addf %add3A_863, %bitcast_convert_type3A_874 : vector<16xf32>
          %add3A_877 = arith.addf %add3A_864, %bitcast_convert_type3A_875 : vector<16xf32>
          %swap3A_878 = arith.index_cast %scan3A_248 : i32 to index
          %swap3A_879 = arith.constant 64 : index
          %swap3A_880 = tpu.vector_load %arg11[%swap3A_878, %swap3A_879] {strides = array<i32>} : memref<40x128xf32, #tpu.memory_space<vmem>>, vector<1x16xf32>,
          %swap3A_881 = vector.shape_cast %swap3A_880 : vector<1x16xf32> to vector<16xf32>
          %swap3A_882 = vector.shape_cast %add3A_876 : vector<16xf32> to vector<1x16xf32>
          tpu.vector_store %arg11[%swap3A_878, %swap3A_879], %swap3A_882 {strides = array<i32>} : memref<40x128xf32, #tpu.memory_space<vmem>>, vector<1x16xf32>,
          %swap3A_883 = arith.index_cast %scan3A_248 : i32 to index
          %swap3A_884 = arith.constant 80 : index
          %swap3A_885 = tpu.vector_load %arg11[%swap3A_883, %swap3A_884] {strides = array<i32>} : memref<40x128xf32, #tpu.memory_space<vmem>>, vector<1x16xf32>,
          %swap3A_886 = vector.shape_cast %swap3A_885 : vector<1x16xf32> to vector<16xf32>
          %swap3A_887 = vector.shape_cast %add3A_877 : vector<16xf32> to vector<1x16xf32>
          tpu.vector_store %arg11[%swap3A_883, %swap3A_884], %swap3A_887 {strides = array<i32>} : memref<40x128xf32, #tpu.memory_space<vmem>>, vector<1x16xf32>,
          %get3A_888 = arith.index_cast %scan3A_248 : i32 to index
          %get3A_889 = arith.constant 48 : index
          %get3A_890 = tpu.vector_load %arg9[%get3A_888, %get3A_889] {strides = array<i32>} : memref<640x64xi32, #tpu.memory_space<vmem>>, vector<1x16xi32>,
          %get3A_891 = vector.shape_cast %get3A_890 : vector<1x16xi32> to vector<16xi32>
          %shift_left3A_892 = arith.constant 16 : i32
          %shift_left3A_893 = vector.broadcast %shift_left3A_892 : i32 to vector<16xi32>
          %shift_left3A_894 = arith.shli %get3A_891, %shift_left3A_893 : vector<16xi32>
          %bitcast_convert_type3A_895 = tpu.bitcast %shift_left3A_894 : vector<16xi32> -> vector<16xf32>
          %bitcast_convert_type3A_896 = tpu.bitcast %get3A_891 : vector<16xi32> -> vector<16xf32>
          %add3A_897 = arith.constant 40 : i32
          %add3A_898 = arith.addi %add3A_897, %scan3A_248 : i32
          %get3A_899 = arith.index_cast %add3A_898 : i32 to index
          %get3A_900 = arith.constant 48 : index
          %get3A_901 = tpu.vector_load %arg9[%get3A_899, %get3A_900] {strides = array<i32>} : memref<640x64xi32, #tpu.memory_space<vmem>>, vector<1x16xi32>,
          %get3A_902 = vector.shape_cast %get3A_901 : vector<1x16xi32> to vector<16xi32>
          %shift_left3A_903 = arith.constant 16 : i32
          %shift_left3A_904 = vector.broadcast %shift_left3A_903 : i32 to vector<16xi32>
          %shift_left3A_905 = arith.shli %get3A_902, %shift_left3A_904 : vector<16xi32>
          %bitcast_convert_type3A_906 = tpu.bitcast %shift_left3A_905 : vector<16xi32> -> vector<16xf32>
          %bitcast_convert_type3A_907 = tpu.bitcast %get3A_902 : vector<16xi32> -> vector<16xf32>
          %add3A_908 = arith.addf %bitcast_convert_type3A_895, %bitcast_convert_type3A_906 : vector<16xf32>
          %add3A_909 = arith.addf %bitcast_convert_type3A_896, %bitcast_convert_type3A_907 : vector<16xf32>
          %add3A_910 = arith.constant 80 : i32
          %add3A_911 = arith.addi %add3A_910, %scan3A_248 : i32
          %get3A_912 = arith.index_cast %add3A_911 : i32 to index
          %get3A_913 = arith.constant 48 : index
          %get3A_914 = tpu.vector_load %arg9[%get3A_912, %get3A_913] {strides = array<i32>} : memref<640x64xi32, #tpu.memory_space<vmem>>, vector<1x16xi32>,
          %get3A_915 = vector.shape_cast %get3A_914 : vector<1x16xi32> to vector<16xi32>
          %shift_left3A_916 = arith.constant 16 : i32
          %shift_left3A_917 = vector.broadcast %shift_left3A_916 : i32 to vector<16xi32>
          %shift_left3A_918 = arith.shli %get3A_915, %shift_left3A_917 : vector<16xi32>
          %bitcast_convert_type3A_919 = tpu.bitcast %shift_left3A_918 : vector<16xi32> -> vector<16xf32>
          %bitcast_convert_type3A_920 = tpu.bitcast %get3A_915 : vector<16xi32> -> vector<16xf32>
          %add3A_921 = arith.addf %add3A_908, %bitcast_convert_type3A_919 : vector<16xf32>
          %add3A_922 = arith.addf %add3A_909, %bitcast_convert_type3A_920 : vector<16xf32>
          %add3A_923 = arith.constant 120 : i32
          %add3A_924 = arith.addi %add3A_923, %scan3A_248 : i32
          %get3A_925 = arith.index_cast %add3A_924 : i32 to index
          %get3A_926 = arith.constant 48 : index
          %get3A_927 = tpu.vector_load %arg9[%get3A_925, %get3A_926] {strides = array<i32>} : memref<640x64xi32, #tpu.memory_space<vmem>>, vector<1x16xi32>,
          %get3A_928 = vector.shape_cast %get3A_927 : vector<1x16xi32> to vector<16xi32>
          %shift_left3A_929 = arith.constant 16 : i32
          %shift_left3A_930 = vector.broadcast %shift_left3A_929 : i32 to vector<16xi32>
          %shift_left3A_931 = arith.shli %get3A_928, %shift_left3A_930 : vector<16xi32>
          %bitcast_convert_type3A_932 = tpu.bitcast %shift_left3A_931 : vector<16xi32> -> vector<16xf32>
          %bitcast_convert_type3A_933 = tpu.bitcast %get3A_928 : vector<16xi32> -> vector<16xf32>
          %add3A_934 = arith.addf %add3A_921, %bitcast_convert_type3A_932 : vector<16xf32>
          %add3A_935 = arith.addf %add3A_922, %bitcast_convert_type3A_933 : vector<16xf32>
          %add3A_936 = arith.constant 160 : i32
          %add3A_937 = arith.addi %add3A_936, %scan3A_248 : i32
          %get3A_938 = arith.index_cast %add3A_937 : i32 to index
          %get3A_939 = arith.constant 48 : index
          %get3A_940 = tpu.vector_load %arg9[%get3A_938, %get3A_939] {strides = array<i32>} : memref<640x64xi32, #tpu.memory_space<vmem>>, vector<1x16xi32>,
          %get3A_941 = vector.shape_cast %get3A_940 : vector<1x16xi32> to vector<16xi32>
          %shift_left3A_942 = arith.constant 16 : i32
          %shift_left3A_943 = vector.broadcast %shift_left3A_942 : i32 to vector<16xi32>
          %shift_left3A_944 = arith.shli %get3A_941, %shift_left3A_943 : vector<16xi32>
          %bitcast_convert_type3A_945 = tpu.bitcast %shift_left3A_944 : vector<16xi32> -> vector<16xf32>
          %bitcast_convert_type3A_946 = tpu.bitcast %get3A_941 : vector<16xi32> -> vector<16xf32>
          %add3A_947 = arith.addf %add3A_934, %bitcast_convert_type3A_945 : vector<16xf32>
          %add3A_948 = arith.addf %add3A_935, %bitcast_convert_type3A_946 : vector<16xf32>
          %add3A_949 = arith.constant 200 : i32
          %add3A_950 = arith.addi %add3A_949, %scan3A_248 : i32
          %get3A_951 = arith.index_cast %add3A_950 : i32 to index
          %get3A_952 = arith.constant 48 : index
          %get3A_953 = tpu.vector_load %arg9[%get3A_951, %get3A_952] {strides = array<i32>} : memref<640x64xi32, #tpu.memory_space<vmem>>, vector<1x16xi32>,
          %get3A_954 = vector.shape_cast %get3A_953 : vector<1x16xi32> to vector<16xi32>
          %shift_left3A_955 = arith.constant 16 : i32
          %shift_left3A_956 = vector.broadcast %shift_left3A_955 : i32 to vector<16xi32>
          %shift_left3A_957 = arith.shli %get3A_954, %shift_left3A_956 : vector<16xi32>
          %bitcast_convert_type3A_958 = tpu.bitcast %shift_left3A_957 : vector<16xi32> -> vector<16xf32>
          %bitcast_convert_type3A_959 = tpu.bitcast %get3A_954 : vector<16xi32> -> vector<16xf32>
          %add3A_960 = arith.addf %add3A_947, %bitcast_convert_type3A_958 : vector<16xf32>
          %add3A_961 = arith.addf %add3A_948, %bitcast_convert_type3A_959 : vector<16xf32>
          %add3A_962 = arith.constant 240 : i32
          %add3A_963 = arith.addi %add3A_962, %scan3A_248 : i32
          %get3A_964 = arith.index_cast %add3A_963 : i32 to index
          %get3A_965 = arith.constant 48 : index
          %get3A_966 = tpu.vector_load %arg9[%get3A_964, %get3A_965] {strides = array<i32>} : memref<640x64xi32, #tpu.memory_space<vmem>>, vector<1x16xi32>,
          %get3A_967 = vector.shape_cast %get3A_966 : vector<1x16xi32> to vector<16xi32>
          %shift_left3A_968 = arith.constant 16 : i32
          %shift_left3A_969 = vector.broadcast %shift_left3A_968 : i32 to vector<16xi32>
          %shift_left3A_970 = arith.shli %get3A_967, %shift_left3A_969 : vector<16xi32>
          %bitcast_convert_type3A_971 = tpu.bitcast %shift_left3A_970 : vector<16xi32> -> vector<16xf32>
          %bitcast_convert_type3A_972 = tpu.bitcast %get3A_967 : vector<16xi32> -> vector<16xf32>
          %add3A_973 = arith.addf %add3A_960, %bitcast_convert_type3A_971 : vector<16xf32>
          %add3A_974 = arith.addf %add3A_961, %bitcast_convert_type3A_972 : vector<16xf32>
          %add3A_975 = arith.constant 280 : i32
          %add3A_976 = arith.addi %add3A_975, %scan3A_248 : i32
          %get3A_977 = arith.index_cast %add3A_976 : i32 to index
          %get3A_978 = arith.constant 48 : index
          %get3A_979 = tpu.vector_load %arg9[%get3A_977, %get3A_978] {strides = array<i32>} : memref<640x64xi32, #tpu.memory_space<vmem>>, vector<1x16xi32>,
          %get3A_980 = vector.shape_cast %get3A_979 : vector<1x16xi32> to vector<16xi32>
          %shift_left3A_981 = arith.constant 16 : i32
          %shift_left3A_982 = vector.broadcast %shift_left3A_981 : i32 to vector<16xi32>
          %shift_left3A_983 = arith.shli %get3A_980, %shift_left3A_982 : vector<16xi32>
          %bitcast_convert_type3A_984 = tpu.bitcast %shift_left3A_983 : vector<16xi32> -> vector<16xf32>
          %bitcast_convert_type3A_985 = tpu.bitcast %get3A_980 : vector<16xi32> -> vector<16xf32>
          %add3A_986 = arith.addf %add3A_973, %bitcast_convert_type3A_984 : vector<16xf32>
          %add3A_987 = arith.addf %add3A_974, %bitcast_convert_type3A_985 : vector<16xf32>
          %add3A_988 = arith.constant 320 : i32
          %add3A_989 = arith.addi %add3A_988, %scan3A_248 : i32
          %get3A_990 = arith.index_cast %add3A_989 : i32 to index
          %get3A_991 = arith.constant 48 : index
          %get3A_992 = tpu.vector_load %arg9[%get3A_990, %get3A_991] {strides = array<i32>} : memref<640x64xi32, #tpu.memory_space<vmem>>, vector<1x16xi32>,
          %get3A_993 = vector.shape_cast %get3A_992 : vector<1x16xi32> to vector<16xi32>
          %shift_left3A_994 = arith.constant 16 : i32
          %shift_left3A_995 = vector.broadcast %shift_left3A_994 : i32 to vector<16xi32>
          %shift_left3A_996 = arith.shli %get3A_993, %shift_left3A_995 : vector<16xi32>
          %bitcast_convert_type3A_997 = tpu.bitcast %shift_left3A_996 : vector<16xi32> -> vector<16xf32>
          %bitcast_convert_type3A_998 = tpu.bitcast %get3A_993 : vector<16xi32> -> vector<16xf32>
          %add3A_999 = arith.addf %add3A_986, %bitcast_convert_type3A_997 : vector<16xf32>
          %add3A_1000 = arith.addf %add3A_987, %bitcast_convert_type3A_998 : vector<16xf32>
          %add3A_1001 = arith.constant 360 : i32
          %add3A_1002 = arith.addi %add3A_1001, %scan3A_248 : i32
          %get3A_1003 = arith.index_cast %add3A_1002 : i32 to index
          %get3A_1004 = arith.constant 48 : index
          %get3A_1005 = tpu.vector_load %arg9[%get3A_1003, %get3A_1004] {strides = array<i32>} : memref<640x64xi32, #tpu.memory_space<vmem>>, vector<1x16xi32>,
          %get3A_1006 = vector.shape_cast %get3A_1005 : vector<1x16xi32> to vector<16xi32>
          %shift_left3A_1007 = arith.constant 16 : i32
          %shift_left3A_1008 = vector.broadcast %shift_left3A_1007 : i32 to vector<16xi32>
          %shift_left3A_1009 = arith.shli %get3A_1006, %shift_left3A_1008 : vector<16xi32>
          %bitcast_convert_type3A_1010 = tpu.bitcast %shift_left3A_1009 : vector<16xi32> -> vector<16xf32>
          %bitcast_convert_type3A_1011 = tpu.bitcast %get3A_1006 : vector<16xi32> -> vector<16xf32>
          %add3A_1012 = arith.addf %add3A_999, %bitcast_convert_type3A_1010 : vector<16xf32>
          %add3A_1013 = arith.addf %add3A_1000, %bitcast_convert_type3A_1011 : vector<16xf32>
          %add3A_1014 = arith.constant 400 : i32
          %add3A_1015 = arith.addi %add3A_1014, %scan3A_248 : i32
          %get3A_1016 = arith.index_cast %add3A_1015 : i32 to index
          %get3A_1017 = arith.constant 48 : index
          %get3A_1018 = tpu.vector_load %arg9[%get3A_1016, %get3A_1017] {strides = array<i32>} : memref<640x64xi32, #tpu.memory_space<vmem>>, vector<1x16xi32>,
          %get3A_1019 = vector.shape_cast %get3A_1018 : vector<1x16xi32> to vector<16xi32>
          %shift_left3A_1020 = arith.constant 16 : i32
          %shift_left3A_1021 = vector.broadcast %shift_left3A_1020 : i32 to vector<16xi32>
          %shift_left3A_1022 = arith.shli %get3A_1019, %shift_left3A_1021 : vector<16xi32>
          %bitcast_convert_type3A_1023 = tpu.bitcast %shift_left3A_1022 : vector<16xi32> -> vector<16xf32>
          %bitcast_convert_type3A_1024 = tpu.bitcast %get3A_1019 : vector<16xi32> -> vector<16xf32>
          %add3A_1025 = arith.addf %add3A_1012, %bitcast_convert_type3A_1023 : vector<16xf32>
          %add3A_1026 = arith.addf %add3A_1013, %bitcast_convert_type3A_1024 : vector<16xf32>
          %add3A_1027 = arith.constant 440 : i32
          %add3A_1028 = arith.addi %add3A_1027, %scan3A_248 : i32
          %get3A_1029 = arith.index_cast %add3A_1028 : i32 to index
          %get3A_1030 = arith.constant 48 : index
          %get3A_1031 = tpu.vector_load %arg9[%get3A_1029, %get3A_1030] {strides = array<i32>} : memref<640x64xi32, #tpu.memory_space<vmem>>, vector<1x16xi32>,
          %get3A_1032 = vector.shape_cast %get3A_1031 : vector<1x16xi32> to vector<16xi32>
          %shift_left3A_1033 = arith.constant 16 : i32
          %shift_left3A_1034 = vector.broadcast %shift_left3A_1033 : i32 to vector<16xi32>
          %shift_left3A_1035 = arith.shli %get3A_1032, %shift_left3A_1034 : vector<16xi32>
          %bitcast_convert_type3A_1036 = tpu.bitcast %shift_left3A_1035 : vector<16xi32> -> vector<16xf32>
          %bitcast_convert_type3A_1037 = tpu.bitcast %get3A_1032 : vector<16xi32> -> vector<16xf32>
          %add3A_1038 = arith.addf %add3A_1025, %bitcast_convert_type3A_1036 : vector<16xf32>
          %add3A_1039 = arith.addf %add3A_1026, %bitcast_convert_type3A_1037 : vector<16xf32>
          %add3A_1040 = arith.constant 480 : i32
          %add3A_1041 = arith.addi %add3A_1040, %scan3A_248 : i32
          %get3A_1042 = arith.index_cast %add3A_1041 : i32 to index
          %get3A_1043 = arith.constant 48 : index
          %get3A_1044 = tpu.vector_load %arg9[%get3A_1042, %get3A_1043] {strides = array<i32>} : memref<640x64xi32, #tpu.memory_space<vmem>>, vector<1x16xi32>,
          %get3A_1045 = vector.shape_cast %get3A_1044 : vector<1x16xi32> to vector<16xi32>
          %shift_left3A_1046 = arith.constant 16 : i32
          %shift_left3A_1047 = vector.broadcast %shift_left3A_1046 : i32 to vector<16xi32>
          %shift_left3A_1048 = arith.shli %get3A_1045, %shift_left3A_1047 : vector<16xi32>
          %bitcast_convert_type3A_1049 = tpu.bitcast %shift_left3A_1048 : vector<16xi32> -> vector<16xf32>
          %bitcast_convert_type3A_1050 = tpu.bitcast %get3A_1045 : vector<16xi32> -> vector<16xf32>
          %add3A_1051 = arith.addf %add3A_1038, %bitcast_convert_type3A_1049 : vector<16xf32>
          %add3A_1052 = arith.addf %add3A_1039, %bitcast_convert_type3A_1050 : vector<16xf32>
          %add3A_1053 = arith.constant 520 : i32
          %add3A_1054 = arith.addi %add3A_1053, %scan3A_248 : i32
          %get3A_1055 = arith.index_cast %add3A_1054 : i32 to index
          %get3A_1056 = arith.constant 48 : index
          %get3A_1057 = tpu.vector_load %arg9[%get3A_1055, %get3A_1056] {strides = array<i32>} : memref<640x64xi32, #tpu.memory_space<vmem>>, vector<1x16xi32>,
          %get3A_1058 = vector.shape_cast %get3A_1057 : vector<1x16xi32> to vector<16xi32>
          %shift_left3A_1059 = arith.constant 16 : i32
          %shift_left3A_1060 = vector.broadcast %shift_left3A_1059 : i32 to vector<16xi32>
          %shift_left3A_1061 = arith.shli %get3A_1058, %shift_left3A_1060 : vector<16xi32>
          %bitcast_convert_type3A_1062 = tpu.bitcast %shift_left3A_1061 : vector<16xi32> -> vector<16xf32>
          %bitcast_convert_type3A_1063 = tpu.bitcast %get3A_1058 : vector<16xi32> -> vector<16xf32>
          %add3A_1064 = arith.addf %add3A_1051, %bitcast_convert_type3A_1062 : vector<16xf32>
          %add3A_1065 = arith.addf %add3A_1052, %bitcast_convert_type3A_1063 : vector<16xf32>
          %add3A_1066 = arith.constant 560 : i32
          %add3A_1067 = arith.addi %add3A_1066, %scan3A_248 : i32
          %get3A_1068 = arith.index_cast %add3A_1067 : i32 to index
          %get3A_1069 = arith.constant 48 : index
          %get3A_1070 = tpu.vector_load %arg9[%get3A_1068, %get3A_1069] {strides = array<i32>} : memref<640x64xi32, #tpu.memory_space<vmem>>, vector<1x16xi32>,
          %get3A_1071 = vector.shape_cast %get3A_1070 : vector<1x16xi32> to vector<16xi32>
          %shift_left3A_1072 = arith.constant 16 : i32
          %shift_left3A_1073 = vector.broadcast %shift_left3A_1072 : i32 to vector<16xi32>
          %shift_left3A_1074 = arith.shli %get3A_1071, %shift_left3A_1073 : vector<16xi32>
          %bitcast_convert_type3A_1075 = tpu.bitcast %shift_left3A_1074 : vector<16xi32> -> vector<16xf32>
          %bitcast_convert_type3A_1076 = tpu.bitcast %get3A_1071 : vector<16xi32> -> vector<16xf32>
          %add3A_1077 = arith.addf %add3A_1064, %bitcast_convert_type3A_1075 : vector<16xf32>
          %add3A_1078 = arith.addf %add3A_1065, %bitcast_convert_type3A_1076 : vector<16xf32>
          %add3A_1079 = arith.constant 600 : i32
          %add3A_1080 = arith.addi %add3A_1079, %scan3A_248 : i32
          %get3A_1081 = arith.index_cast %add3A_1080 : i32 to index
          %get3A_1082 = arith.constant 48 : index
          %get3A_1083 = tpu.vector_load %arg9[%get3A_1081, %get3A_1082] {strides = array<i32>} : memref<640x64xi32, #tpu.memory_space<vmem>>, vector<1x16xi32>,
          %get3A_1084 = vector.shape_cast %get3A_1083 : vector<1x16xi32> to vector<16xi32>
          %shift_left3A_1085 = arith.constant 16 : i32
          %shift_left3A_1086 = vector.broadcast %shift_left3A_1085 : i32 to vector<16xi32>
          %shift_left3A_1087 = arith.shli %get3A_1084, %shift_left3A_1086 : vector<16xi32>
          %bitcast_convert_type3A_1088 = tpu.bitcast %shift_left3A_1087 : vector<16xi32> -> vector<16xf32>
          %bitcast_convert_type3A_1089 = tpu.bitcast %get3A_1084 : vector<16xi32> -> vector<16xf32>
          %add3A_1090 = arith.addf %add3A_1077, %bitcast_convert_type3A_1088 : vector<16xf32>
          %add3A_1091 = arith.addf %add3A_1078, %bitcast_convert_type3A_1089 : vector<16xf32>
          %swap3A_1092 = arith.index_cast %scan3A_248 : i32 to index
          %swap3A_1093 = arith.constant 96 : index
          %swap3A_1094 = tpu.vector_load %arg11[%swap3A_1092, %swap3A_1093] {strides = array<i32>} : memref<40x128xf32, #tpu.memory_space<vmem>>, vector<1x16xf32>,
          %swap3A_1095 = vector.shape_cast %swap3A_1094 : vector<1x16xf32> to vector<16xf32>
          %swap3A_1096 = vector.shape_cast %add3A_1090 : vector<16xf32> to vector<1x16xf32>
          tpu.vector_store %arg11[%swap3A_1092, %swap3A_1093], %swap3A_1096 {strides = array<i32>} : memref<40x128xf32, #tpu.memory_space<vmem>>, vector<1x16xf32>,
          %swap3A_1097 = arith.index_cast %scan3A_248 : i32 to index
          %swap3A_1098 = arith.constant 112 : index
          %swap3A_1099 = tpu.vector_load %arg11[%swap3A_1097, %swap3A_1098] {strides = array<i32>} : memref<40x128xf32, #tpu.memory_space<vmem>>, vector<1x16xf32>,
          %swap3A_1100 = vector.shape_cast %swap3A_1099 : vector<1x16xf32> to vector<16xf32>
          %swap3A_1101 = vector.shape_cast %add3A_1091 : vector<16xf32> to vector<1x16xf32>
          tpu.vector_store %arg11[%swap3A_1097, %swap3A_1098], %swap3A_1101 {strides = array<i32>} : memref<40x128xf32, #tpu.memory_space<vmem>>, vector<1x16xf32>,
          %scan3A_1102 = arith.constant 0 : i32
          scf.yield %scan3A_1102 : i32
        }
        %scan3A_239 = arith.constant 40 : i32
        %mul3A_240 = arith.constant 32 : i32
        %mul3A_241 = arith.muli %mul3A_152, %mul3A_240 : i32
        %add3A_242 = arith.addi %add3A, %mul3A_241 : i32
        %mul3A_243 = arith.constant 40 : i32
        %mul3A_244 = arith.muli %add3A_242, %mul3A_243 : i32
        %dma_start3A = arith.constant 0 : i32
        %dma_start3A_245 = tpu.memref_slice %arg4[%mul3A_244, %dma_start3A] : memref<80000x128xf32, #tpu.memory_space<hbm>> -> memref<40x128xf32, #tpu.memory_space<hbm>>
        %dma_start3A_246 = arith.constant 0 : i32
        %dma_start3A_247 = tpu.memref_slice %arg4[%mul3A_244, %dma_start3A_246] : memref<80000x128xf32, #tpu.memory_space<hbm>> -> memref<40x128xf32, #tpu.memory_space<hbm>>
        tpu.enqueue_dma source(%arg11 : memref<40x128xf32, #tpu.memory_space<vmem>>) target(%dma_start3A_247 : memref<40x128xf32, #tpu.memory_space<hbm>>) target_semaphore(%arg15 : memref<!tpu.dma_semaphore, #tpu.memory_space<semaphore_mem>>)
      } else {
      }
      %add3A_189 = arith.constant 1 : i32
      %add3A_190 = arith.addi %mul3A_152, %add3A_189 : i32
      %mul3A_191 = arith.constant 32 : i32
      %mul3A_192 = arith.muli %add3A_190, %mul3A_191 : i32
      %add3A_193 = arith.addi %add3A, %mul3A_192 : i32
      %lt3A_194 = arith.constant 2000 : i32
      %lt3A_195 = arith.cmpi slt, %add3A_193, %lt3A_194 : i32
      %convert_element_type3A_196 = arith.extui %lt3A_195 : i1 to i32
      %cond3A_197 = arith.constant 0 : i32
      %cond3A_198 = arith.cmpi ne, %convert_element_type3A_196, %cond3A_197 : i32
      scf.if %cond3A_198 {
        %dma_wait3A = arith.constant 0 : i32
        %dma_wait3A_228 = arith.constant 0 : i32
        %dma_wait3A_229 = tpu.memref_slice %arg10[%dma_wait3A, %dma_wait3A_228] : memref<640x64xi32, #tpu.memory_space<vmem>> -> memref<128x64xi32, #tpu.memory_space<vmem>>
        %dma_wait3A_230 = arith.constant 0 : i32
        %dma_wait3A_231 = tpu.memref_slice %arg8[%dma_wait3A_230] : memref<640xi32, #tpu.memory_space<vmem>> -> memref<128xi32, #tpu.memory_space<vmem>>
        %dma_wait3A_232 = arith.constant 0 : i32
        %dma_wait3A_233 = arith.constant 0 : i32
        %dma_wait3A_234 = tpu.memref_slice %arg2[%dma_wait3A_232, %dma_wait3A_233] : memref<80000x64xi32, #tpu.memory_space<hbm>> -> memref<80000x64xi32, #tpu.memory_space<hbm>>
        tpu.wait_indirect_dma semaphore(%arg14 : memref<!tpu.dma_semaphore, #tpu.memory_space<semaphore_mem>>) src(%dma_wait3A_234 : memref<80000x64xi32, #tpu.memory_space<hbm>>) dst(%dma_wait3A_229 : memref<128x64xi32, #tpu.memory_space<vmem>>)
        %dma_wait3A_235 = arith.constant 128 : i32
        %dma_wait3A_236 = arith.constant 0 : i32
        %dma_wait3A_237 = tpu.memref_slice %arg10[%dma_wait3A_235, %dma_wait3A_236] : memref<640x64xi32, #tpu.memory_space<vmem>> -> memref<128x64xi32, #tpu.memory_space<vmem>>
        %dma_wait3A_238 = arith.constant 128 : i32
        %dma_wait3A_239 = tpu.memref_slice %arg8[%dma_wait3A_238] : memref<640xi32, #tpu.memory_space<vmem>> -> memref<128xi32, #tpu.memory_space<vmem>>
        %dma_wait3A_240 = arith.constant 0 : i32
        %dma_wait3A_241 = arith.constant 0 : i32
        %dma_wait3A_242 = tpu.memref_slice %arg2[%dma_wait3A_240, %dma_wait3A_241] : memref<80000x64xi32, #tpu.memory_space<hbm>> -> memref<80000x64xi32, #tpu.memory_space<hbm>>
        tpu.wait_indirect_dma semaphore(%arg14 : memref<!tpu.dma_semaphore, #tpu.memory_space<semaphore_mem>>) src(%dma_wait3A_242 : memref<80000x64xi32, #tpu.memory_space<hbm>>) dst(%dma_wait3A_237 : memref<128x64xi32, #tpu.memory_space<vmem>>)
        %dma_wait3A_243 = arith.constant 256 : i32
        %dma_wait3A_244 = arith.constant 0 : i32
        %dma_wait3A_245 = tpu.memref_slice %arg10[%dma_wait3A_243, %dma_wait3A_244] : memref<640x64xi32, #tpu.memory_space<vmem>> -> memref<128x64xi32, #tpu.memory_space<vmem>>
        %dma_wait3A_246 = arith.constant 256 : i32
        %dma_wait3A_247 = tpu.memref_slice %arg8[%dma_wait3A_246] : memref<640xi32, #tpu.memory_space<vmem>> -> memref<128xi32, #tpu.memory_space<vmem>>
        %dma_wait3A_248 = arith.constant 0 : i32
        %dma_wait3A_249 = arith.constant 0 : i32
        %dma_wait3A_250 = tpu.memref_slice %arg2[%dma_wait3A_248, %dma_wait3A_249] : memref<80000x64xi32, #tpu.memory_space<hbm>> -> memref<80000x64xi32, #tpu.memory_space<hbm>>
        tpu.wait_indirect_dma semaphore(%arg14 : memref<!tpu.dma_semaphore, #tpu.memory_space<semaphore_mem>>) src(%dma_wait3A_250 : memref<80000x64xi32, #tpu.memory_space<hbm>>) dst(%dma_wait3A_245 : memref<128x64xi32, #tpu.memory_space<vmem>>)
        %dma_wait3A_251 = arith.constant 384 : i32
        %dma_wait3A_252 = arith.constant 0 : i32
        %dma_wait3A_253 = tpu.memref_slice %arg10[%dma_wait3A_251, %dma_wait3A_252] : memref<640x64xi32, #tpu.memory_space<vmem>> -> memref<128x64xi32, #tpu.memory_space<vmem>>
        %dma_wait3A_254 = arith.constant 384 : i32
        %dma_wait3A_255 = tpu.memref_slice %arg8[%dma_wait3A_254] : memref<640xi32, #tpu.memory_space<vmem>> -> memref<128xi32, #tpu.memory_space<vmem>>
        %dma_wait3A_256 = arith.constant 0 : i32
        %dma_wait3A_257 = arith.constant 0 : i32
        %dma_wait3A_258 = tpu.memref_slice %arg2[%dma_wait3A_256, %dma_wait3A_257] : memref<80000x64xi32, #tpu.memory_space<hbm>> -> memref<80000x64xi32, #tpu.memory_space<hbm>>
        tpu.wait_indirect_dma semaphore(%arg14 : memref<!tpu.dma_semaphore, #tpu.memory_space<semaphore_mem>>) src(%dma_wait3A_258 : memref<80000x64xi32, #tpu.memory_space<hbm>>) dst(%dma_wait3A_253 : memref<128x64xi32, #tpu.memory_space<vmem>>)
        %dma_wait3A_259 = arith.constant 512 : i32
        %dma_wait3A_260 = arith.constant 0 : i32
        %dma_wait3A_261 = tpu.memref_slice %arg10[%dma_wait3A_259, %dma_wait3A_260] : memref<640x64xi32, #tpu.memory_space<vmem>> -> memref<128x64xi32, #tpu.memory_space<vmem>>
        %dma_wait3A_262 = arith.constant 512 : i32
        %dma_wait3A_263 = tpu.memref_slice %arg8[%dma_wait3A_262] : memref<640xi32, #tpu.memory_space<vmem>> -> memref<128xi32, #tpu.memory_space<vmem>>
        %dma_wait3A_264 = arith.constant 0 : i32
        %dma_wait3A_265 = arith.constant 0 : i32
        %dma_wait3A_266 = tpu.memref_slice %arg2[%dma_wait3A_264, %dma_wait3A_265] : memref<80000x64xi32, #tpu.memory_space<hbm>> -> memref<80000x64xi32, #tpu.memory_space<hbm>>
        tpu.wait_indirect_dma semaphore(%arg14 : memref<!tpu.dma_semaphore, #tpu.memory_space<semaphore_mem>>) src(%dma_wait3A_266 : memref<80000x64xi32, #tpu.memory_space<hbm>>) dst(%dma_wait3A_261 : memref<128x64xi32, #tpu.memory_space<vmem>>)
      } else {
      }
      %add3A_199 = arith.constant 2 : i32
      %add3A_200 = arith.addi %add3A_190, %add3A_199 : i32
      %mul3A_201 = arith.constant 32 : i32
      %mul3A_202 = arith.muli %add3A_200, %mul3A_201 : i32
      %add3A_203 = arith.addi %add3A, %mul3A_202 : i32
      %lt3A_204 = arith.constant 2000 : i32
      %lt3A_205 = arith.cmpi slt, %add3A_203, %lt3A_204 : i32
      %convert_element_type3A_206 = arith.extui %lt3A_205 : i1 to i32
      %cond3A_207 = arith.constant 0 : i32
      %cond3A_208 = arith.cmpi ne, %convert_element_type3A_206, %cond3A_207 : i32
      scf.if %cond3A_208 {
        %mul3A_228 = arith.constant 32 : i32
        %mul3A_229 = arith.muli %add3A_200, %mul3A_228 : i32
        %add3A_230 = arith.addi %add3A, %mul3A_229 : i32
        %jit3A_231 = arith.constant 250 : i32
        %div3A_232 = arith.divsi %add3A_230, %jit3A_231 : i32
        %sign3A_233 = arith.constant 0 : i32
        %sign3A_234 = arith.cmpi sgt, %add3A_230, %sign3A_233 : i32
        %sign3A_235 = arith.extui %sign3A_234 : i1 to i32
        %sign3A_236 = arith.constant 0 : i32
        %sign3A_237 = arith.cmpi slt, %add3A_230, %sign3A_236 : i32
        %sign3A_238 = arith.extui %sign3A_237 : i1 to i32
        %sign3A_239 = arith.subi %sign3A_235, %sign3A_238 : i32
        %sign3A_240 = arith.constant 0 : i32
        %sign3A_241 = arith.cmpi sgt, %jit3A_231, %sign3A_240 : i32
        %sign3A_242 = arith.extui %sign3A_241 : i1 to i32
        %sign3A_243 = arith.constant 0 : i32
        %sign3A_244 = arith.cmpi slt, %jit3A_231, %sign3A_243 : i32
        %sign3A_245 = arith.extui %sign3A_244 : i1 to i32
        %sign3A_246 = arith.subi %sign3A_242, %sign3A_245 : i32
        %ne3A_247 = arith.cmpi ne, %sign3A_239, %sign3A_246 : i32
        %rem3A_248 = arith.remsi %add3A_230, %jit3A_231 : i32
        %ne3A_249 = arith.constant 0 : i32
        %ne3A_250 = arith.cmpi ne, %rem3A_248, %ne3A_249 : i32
        %and3A_251 = arith.andi %ne3A_247, %ne3A_250 : i1
        %sub3A_252 = arith.constant 1 : i32
        %sub3A_253 = arith.subi %div3A_232, %sub3A_252 : i32
        %select_n3A_254 = arith.select %and3A_251, %sub3A_253, %div3A_232 : i32
        %jit3A_255 = arith.constant 250 : i32
        %eq3A_256 = arith.constant 0 : i32
        %eq3A_257 = arith.cmpi eq, %jit3A_255, %eq3A_256 : i32
        %jit3A_258 = arith.constant 1 : i32
        %select_n3A_259 = arith.select %eq3A_257, %jit3A_258, %jit3A_255 : i32
        %rem3A_260 = arith.remsi %add3A_230, %select_n3A_259 : i32
        %ne3A_261 = arith.constant 0 : i32
        %ne3A_262 = arith.cmpi ne, %rem3A_260, %ne3A_261 : i32
        %lt3A_263 = arith.constant 0 : i32
        %lt3A_264 = arith.cmpi slt, %rem3A_260, %lt3A_263 : i32
        %lt3A_265 = arith.constant 0 : i32
        %lt3A_266 = arith.cmpi slt, %select_n3A_259, %lt3A_265 : i32
        %ne3A_267 = arith.xori %lt3A_264, %lt3A_266 : i1
        %and3A_268 = arith.andi %ne3A_267, %ne3A_262 : i1
        %add3A_269 = arith.addi %rem3A_260, %select_n3A_259 : i32
        %select_n3A_270 = arith.select %and3A_268, %add3A_269, %rem3A_260 : i32
        %mul3A_271 = arith.constant 40 : i32
        %mul3A_272 = arith.muli %select_n3A_270, %mul3A_271 : i32
        %dma_start3A = arith.constant 0 : i32
        %dma_start3A_273 = tpu.memref_slice %arg3[%select_n3A_254, %dma_start3A, %mul3A_272] : memref<8x16x10000xi32, #tpu.memory_space<hbm>> -> memref<1x16x40xi32, #tpu.memory_space<hbm>>
        %dma_start3A_274 = tpu.memref_squeeze %dma_start3A_273 : memref<1x16x40xi32, #tpu.memory_space<hbm>> -> memref<16x40xi32, #tpu.memory_space<hbm>>
        %dma_start3A_275 = arith.constant 0 : i32
        %dma_start3A_276 = tpu.memref_slice %arg3[%select_n3A_254, %dma_start3A_275, %mul3A_272] : memref<8x16x10000xi32, #tpu.memory_space<hbm>> -> memref<1x16x40xi32, #tpu.memory_space<hbm>>
        %dma_start3A_277 = tpu.memref_squeeze %dma_start3A_276 : memref<1x16x40xi32, #tpu.memory_space<hbm>> -> memref<16x40xi32, #tpu.memory_space<hbm>>
        tpu.enqueue_dma source(%dma_start3A_277 : memref<16x40xi32, #tpu.memory_space<hbm>>) target(%arg6 : memref<16x40xi32, #tpu.memory_space<vmem>>) target_semaphore(%arg18 : memref<!tpu.dma_semaphore, #tpu.memory_space<semaphore_mem>>)
      } else {
      }
      %add3A_209 = arith.constant 1 : i32
      %add3A_210 = arith.addi %add3A_190, %add3A_209 : i32
      %mul3A_211 = arith.constant 32 : i32
      %mul3A_212 = arith.muli %add3A_210, %mul3A_211 : i32
      %add3A_213 = arith.addi %add3A, %mul3A_212 : i32
      %lt3A_214 = arith.constant 2000 : i32
      %lt3A_215 = arith.cmpi slt, %add3A_213, %lt3A_214 : i32
      %convert_element_type3A_216 = arith.extui %lt3A_215 : i1 to i32
      %cond3A_217 = arith.constant 0 : i32
      %cond3A_218 = arith.cmpi ne, %convert_element_type3A_216, %cond3A_217 : i32
      scf.if %cond3A_218 {
        %mul3A_228 = arith.constant 32 : i32
        %mul3A_229 = arith.muli %add3A_210, %mul3A_228 : i32
        %add3A_230 = arith.addi %add3A, %mul3A_229 : i32
        %jit3A_231 = arith.constant 250 : i32
        %div3A_232 = arith.divsi %add3A_230, %jit3A_231 : i32
        %sign3A_233 = arith.constant 0 : i32
        %sign3A_234 = arith.cmpi sgt, %add3A_230, %sign3A_233 : i32
        %sign3A_235 = arith.extui %sign3A_234 : i1 to i32
        %sign3A_236 = arith.constant 0 : i32
        %sign3A_237 = arith.cmpi slt, %add3A_230, %sign3A_236 : i32
        %sign3A_238 = arith.extui %sign3A_237 : i1 to i32
        %sign3A_239 = arith.subi %sign3A_235, %sign3A_238 : i32
        %sign3A_240 = arith.constant 0 : i32
        %sign3A_241 = arith.cmpi sgt, %jit3A_231, %sign3A_240 : i32
        %sign3A_242 = arith.extui %sign3A_241 : i1 to i32
        %sign3A_243 = arith.constant 0 : i32
        %sign3A_244 = arith.cmpi slt, %jit3A_231, %sign3A_243 : i32
        %sign3A_245 = arith.extui %sign3A_244 : i1 to i32
        %sign3A_246 = arith.subi %sign3A_242, %sign3A_245 : i32
        %ne3A_247 = arith.cmpi ne, %sign3A_239, %sign3A_246 : i32
        %rem3A_248 = arith.remsi %add3A_230, %jit3A_231 : i32
        %ne3A_249 = arith.constant 0 : i32
        %ne3A_250 = arith.cmpi ne, %rem3A_248, %ne3A_249 : i32
        %and3A_251 = arith.andi %ne3A_247, %ne3A_250 : i1
        %sub3A_252 = arith.constant 1 : i32
        %sub3A_253 = arith.subi %div3A_232, %sub3A_252 : i32
        %select_n3A_254 = arith.select %and3A_251, %sub3A_253, %div3A_232 : i32
        %jit3A_255 = arith.constant 250 : i32
        %eq3A_256 = arith.constant 0 : i32
        %eq3A_257 = arith.cmpi eq, %jit3A_255, %eq3A_256 : i32
        %jit3A_258 = arith.constant 1 : i32
        %select_n3A_259 = arith.select %eq3A_257, %jit3A_258, %jit3A_255 : i32
        %rem3A_260 = arith.remsi %add3A_230, %select_n3A_259 : i32
        %ne3A_261 = arith.constant 0 : i32
        %ne3A_262 = arith.cmpi ne, %rem3A_260, %ne3A_261 : i32
        %lt3A_263 = arith.constant 0 : i32
        %lt3A_264 = arith.cmpi slt, %rem3A_260, %lt3A_263 : i32
        %lt3A_265 = arith.constant 0 : i32
        %lt3A_266 = arith.cmpi slt, %select_n3A_259, %lt3A_265 : i32
        %ne3A_267 = arith.xori %lt3A_264, %lt3A_266 : i1
        %and3A_268 = arith.andi %ne3A_267, %ne3A_262 : i1
        %add3A_269 = arith.addi %rem3A_260, %select_n3A_259 : i32
        %select_n3A_270 = arith.select %and3A_268, %add3A_269, %rem3A_260 : i32
        %mul3A_271 = arith.constant 40 : i32
        %mul3A_272 = arith.muli %select_n3A_270, %mul3A_271 : i32
        %dma_wait3A = arith.constant 0 : i32
        %dma_wait3A_273 = tpu.memref_slice %arg3[%select_n3A_254, %dma_wait3A, %mul3A_272] : memref<8x16x10000xi32, #tpu.memory_space<hbm>> -> memref<1x16x40xi32, #tpu.memory_space<hbm>>
        %dma_wait3A_274 = tpu.memref_squeeze %dma_wait3A_273 : memref<1x16x40xi32, #tpu.memory_space<hbm>> -> memref<16x40xi32, #tpu.memory_space<hbm>>
        %dma_wait3A_275 = arith.constant 0 : i32
        %dma_wait3A_276 = tpu.memref_slice %arg3[%select_n3A_254, %dma_wait3A_275, %mul3A_272] : memref<8x16x10000xi32, #tpu.memory_space<hbm>> -> memref<1x16x40xi32, #tpu.memory_space<hbm>>
        %dma_wait3A_277 = tpu.memref_squeeze %dma_wait3A_276 : memref<1x16x40xi32, #tpu.memory_space<hbm>> -> memref<16x40xi32, #tpu.memory_space<hbm>>
        tpu.wait_dma2 semaphore(%arg17 : memref<!tpu.dma_semaphore, #tpu.memory_space<semaphore_mem>>) src(%dma_wait3A_277 : memref<16x40xi32, #tpu.memory_space<hbm>>) dst(%arg5 : memref<16x40xi32, #tpu.memory_space<vmem>>)
        %jit3A_278 = arith.constant 250 : i32
        %div3A_279 = arith.divsi %add3A_213, %jit3A_278 : i32
        %sign3A_280 = arith.constant 0 : i32
        %sign3A_281 = arith.cmpi sgt, %add3A_213, %sign3A_280 : i32
        %sign3A_282 = arith.extui %sign3A_281 : i1 to i32
        %sign3A_283 = arith.constant 0 : i32
        %sign3A_284 = arith.cmpi slt, %add3A_213, %sign3A_283 : i32
        %sign3A_285 = arith.extui %sign3A_284 : i1 to i32
        %sign3A_286 = arith.subi %sign3A_282, %sign3A_285 : i32
        %sign3A_287 = arith.constant 0 : i32
        %sign3A_288 = arith.cmpi sgt, %jit3A_278, %sign3A_287 : i32
        %sign3A_289 = arith.extui %sign3A_288 : i1 to i32
        %sign3A_290 = arith.constant 0 : i32
        %sign3A_291 = arith.cmpi slt, %jit3A_278, %sign3A_290 : i32
        %sign3A_292 = arith.extui %sign3A_291 : i1 to i32
        %sign3A_293 = arith.subi %sign3A_289, %sign3A_292 : i32
        %ne3A_294 = arith.cmpi ne, %sign3A_286, %sign3A_293 : i32
        %rem3A_295 = arith.remsi %add3A_213, %jit3A_278 : i32
        %ne3A_296 = arith.constant 0 : i32
        %ne3A_297 = arith.cmpi ne, %rem3A_295, %ne3A_296 : i32
        %and3A_298 = arith.andi %ne3A_294, %ne3A_297 : i1
        %sub3A_299 = arith.constant 1 : i32
        %sub3A_300 = arith.subi %div3A_279, %sub3A_299 : i32
        %select_n3A_301 = arith.select %and3A_298, %sub3A_300, %div3A_279 : i32
        %mul3A_302 = arith.constant 10000 : i32
        %mul3A_303 = arith.muli %select_n3A_301, %mul3A_302 : i32
        %broadcast_in_dim3A = vector.broadcast %mul3A_303 : i32 to vector<16xi32>
        %broadcast_in_dim3A_304 = arith.constant 40000 : i32
        %broadcast_in_dim3A_305 = vector.broadcast %broadcast_in_dim3A_304 : i32 to vector<16xi32>
        %broadcast_in_dim3A_306 = arith.constant 79999 : i32
        %broadcast_in_dim3A_307 = vector.broadcast %broadcast_in_dim3A_306 : i32 to vector<16xi32>
        %broadcast_in_dim3A_308 = arith.constant 0 : i32
        %broadcast_in_dim3A_309 = vector.broadcast %broadcast_in_dim3A_308 : i32 to vector<16xi32>
        %get3A = arith.constant 0 : i32
        %get3A_310 = arith.index_cast %get3A : i32 to index
        %get3A_311 = arith.constant 0 : index
        %get3A_312 = tpu.vector_load %arg5[%get3A_310, %get3A_311] {strides = array<i32>} : memref<16x40xi32, #tpu.memory_space<vmem>>, vector<1x16xi32>,
        %get3A_313 = vector.shape_cast %get3A_312 : vector<1x16xi32> to vector<16xi32>
        %add3A_314 = arith.addi %get3A_313, %broadcast_in_dim3A : vector<16xi32>
        %add3A_315 = arith.addi %add3A_314, %add3A_314 : vector<16xi32>
        %ge3A_316 = arith.cmpi sge, %add3A_314, %broadcast_in_dim3A_305 : vector<16xi32>
        %select_n3A_317 = arith.select %ge3A_316, %broadcast_in_dim3A_307, %broadcast_in_dim3A_309 : vector<16xi1>, vector<16xi32>
        %sub3A_318 = arith.subi %add3A_315, %select_n3A_317 : vector<16xi32>
        %swap3A = arith.constant 0 : index
        %swap3A_319 = tpu.vector_load %arg7[%swap3A] {strides = array<i32>} : memref<640xi32, #tpu.memory_space<vmem>>, vector<16xi32>,
        %swap3A_320 = vector.shape_cast %swap3A_319 : vector<16xi32> to vector<16xi32>
        %swap3A_321 = vector.shape_cast %sub3A_318 : vector<16xi32> to vector<16xi32>
        tpu.vector_store %arg7[%swap3A], %swap3A_321 {strides = array<i32>} : memref<640xi32, #tpu.memory_space<vmem>>, vector<16xi32>,
        %get3A_322 = arith.constant 0 : i32
        %get3A_323 = arith.index_cast %get3A_322 : i32 to index
        %get3A_324 = arith.constant 16 : index
        %get3A_325 = tpu.vector_load %arg5[%get3A_323, %get3A_324] {strides = array<i32>} : memref<16x40xi32, #tpu.memory_space<vmem>>, vector<1x16xi32>,
        %get3A_326 = vector.shape_cast %get3A_325 : vector<1x16xi32> to vector<16xi32>
        %add3A_327 = arith.addi %get3A_326, %broadcast_in_dim3A : vector<16xi32>
        %add3A_328 = arith.addi %add3A_327, %add3A_327 : vector<16xi32>
        %ge3A_329 = arith.cmpi sge, %add3A_327, %broadcast_in_dim3A_305 : vector<16xi32>
        %select_n3A_330 = arith.select %ge3A_329, %broadcast_in_dim3A_307, %broadcast_in_dim3A_309 : vector<16xi1>, vector<16xi32>
        %sub3A_331 = arith.subi %add3A_328, %select_n3A_330 : vector<16xi32>
        %swap3A_332 = arith.constant 16 : index
        %swap3A_333 = tpu.vector_load %arg7[%swap3A_332] {strides = array<i32>} : memref<640xi32, #tpu.memory_space<vmem>>, vector<16xi32>,
        %swap3A_334 = vector.shape_cast %swap3A_333 : vector<16xi32> to vector<16xi32>
        %swap3A_335 = vector.shape_cast %sub3A_331 : vector<16xi32> to vector<16xi32>
        tpu.vector_store %arg7[%swap3A_332], %swap3A_335 {strides = array<i32>} : memref<640xi32, #tpu.memory_space<vmem>>, vector<16xi32>,
        %get3A_336 = arith.constant 0 : i32
        %get3A_337 = arith.index_cast %get3A_336 : i32 to index
        %get3A_338 = arith.constant 24 : index
        %get3A_339 = tpu.vector_load %arg5[%get3A_337, %get3A_338] {strides = array<i32>} : memref<16x40xi32, #tpu.memory_space<vmem>>, vector<1x16xi32>,
        %get3A_340 = vector.shape_cast %get3A_339 : vector<1x16xi32> to vector<16xi32>
        %add3A_341 = arith.addi %get3A_340, %broadcast_in_dim3A : vector<16xi32>
        %add3A_342 = arith.addi %add3A_341, %add3A_341 : vector<16xi32>
        %ge3A_343 = arith.cmpi sge, %add3A_341, %broadcast_in_dim3A_305 : vector<16xi32>
        %select_n3A_344 = arith.select %ge3A_343, %broadcast_in_dim3A_307, %broadcast_in_dim3A_309 : vector<16xi1>, vector<16xi32>
        %sub3A_345 = arith.subi %add3A_342, %select_n3A_344 : vector<16xi32>
        %swap3A_346 = arith.constant 24 : index
        %swap3A_347 = tpu.vector_load %arg7[%swap3A_346] {strides = array<i32>} : memref<640xi32, #tpu.memory_space<vmem>>, vector<16xi32>,
        %swap3A_348 = vector.shape_cast %swap3A_347 : vector<16xi32> to vector<16xi32>
        %swap3A_349 = vector.shape_cast %sub3A_345 : vector<16xi32> to vector<16xi32>
        tpu.vector_store %arg7[%swap3A_346], %swap3A_349 {strides = array<i32>} : memref<640xi32, #tpu.memory_space<vmem>>, vector<16xi32>,
        %get3A_350 = arith.constant 1 : i32
        %get3A_351 = arith.index_cast %get3A_350 : i32 to index
        %get3A_352 = arith.constant 0 : index
        %get3A_353 = tpu.vector_load %arg5[%get3A_351, %get3A_352] {strides = array<i32>} : memref<16x40xi32, #tpu.memory_space<vmem>>, vector<1x16xi32>,
        %get3A_354 = vector.shape_cast %get3A_353 : vector<1x16xi32> to vector<16xi32>
        %add3A_355 = arith.addi %get3A_354, %broadcast_in_dim3A : vector<16xi32>
        %add3A_356 = arith.addi %add3A_355, %add3A_355 : vector<16xi32>
        %ge3A_357 = arith.cmpi sge, %add3A_355, %broadcast_in_dim3A_305 : vector<16xi32>
        %select_n3A_358 = arith.select %ge3A_357, %broadcast_in_dim3A_307, %broadcast_in_dim3A_309 : vector<16xi1>, vector<16xi32>
        %sub3A_359 = arith.subi %add3A_356, %select_n3A_358 : vector<16xi32>
        %swap3A_360 = arith.constant 40 : index
        %swap3A_361 = tpu.vector_load %arg7[%swap3A_360] {strides = array<i32>} : memref<640xi32, #tpu.memory_space<vmem>>, vector<16xi32>,
        %swap3A_362 = vector.shape_cast %swap3A_361 : vector<16xi32> to vector<16xi32>
        %swap3A_363 = vector.shape_cast %sub3A_359 : vector<16xi32> to vector<16xi32>
        tpu.vector_store %arg7[%swap3A_360], %swap3A_363 {strides = array<i32>} : memref<640xi32, #tpu.memory_space<vmem>>, vector<16xi32>,
        %get3A_364 = arith.constant 1 : i32
        %get3A_365 = arith.index_cast %get3A_364 : i32 to index
        %get3A_366 = arith.constant 16 : index
        %get3A_367 = tpu.vector_load %arg5[%get3A_365, %get3A_366] {strides = array<i32>} : memref<16x40xi32, #tpu.memory_space<vmem>>, vector<1x16xi32>,
        %get3A_368 = vector.shape_cast %get3A_367 : vector<1x16xi32> to vector<16xi32>
        %add3A_369 = arith.addi %get3A_368, %broadcast_in_dim3A : vector<16xi32>
        %add3A_370 = arith.addi %add3A_369, %add3A_369 : vector<16xi32>
        %ge3A_371 = arith.cmpi sge, %add3A_369, %broadcast_in_dim3A_305 : vector<16xi32>
        %select_n3A_372 = arith.select %ge3A_371, %broadcast_in_dim3A_307, %broadcast_in_dim3A_309 : vector<16xi1>, vector<16xi32>
        %sub3A_373 = arith.subi %add3A_370, %select_n3A_372 : vector<16xi32>
        %swap3A_374 = arith.constant 56 : index
        %swap3A_375 = tpu.vector_load %arg7[%swap3A_374] {strides = array<i32>} : memref<640xi32, #tpu.memory_space<vmem>>, vector<16xi32>,
        %swap3A_376 = vector.shape_cast %swap3A_375 : vector<16xi32> to vector<16xi32>
        %swap3A_377 = vector.shape_cast %sub3A_373 : vector<16xi32> to vector<16xi32>
        tpu.vector_store %arg7[%swap3A_374], %swap3A_377 {strides = array<i32>} : memref<640xi32, #tpu.memory_space<vmem>>, vector<16xi32>,
        %get3A_378 = arith.constant 1 : i32
        %get3A_379 = arith.index_cast %get3A_378 : i32 to index
        %get3A_380 = arith.constant 24 : index
        %get3A_381 = tpu.vector_load %arg5[%get3A_379, %get3A_380] {strides = array<i32>} : memref<16x40xi32, #tpu.memory_space<vmem>>, vector<1x16xi32>,
        %get3A_382 = vector.shape_cast %get3A_381 : vector<1x16xi32> to vector<16xi32>
        %add3A_383 = arith.addi %get3A_382, %broadcast_in_dim3A : vector<16xi32>
        %add3A_384 = arith.addi %add3A_383, %add3A_383 : vector<16xi32>
        %ge3A_385 = arith.cmpi sge, %add3A_383, %broadcast_in_dim3A_305 : vector<16xi32>
        %select_n3A_386 = arith.select %ge3A_385, %broadcast_in_dim3A_307, %broadcast_in_dim3A_309 : vector<16xi1>, vector<16xi32>
        %sub3A_387 = arith.subi %add3A_384, %select_n3A_386 : vector<16xi32>
        %swap3A_388 = arith.constant 64 : index
        %swap3A_389 = tpu.vector_load %arg7[%swap3A_388] {strides = array<i32>} : memref<640xi32, #tpu.memory_space<vmem>>, vector<16xi32>,
        %swap3A_390 = vector.shape_cast %swap3A_389 : vector<16xi32> to vector<16xi32>
        %swap3A_391 = vector.shape_cast %sub3A_387 : vector<16xi32> to vector<16xi32>
        tpu.vector_store %arg7[%swap3A_388], %swap3A_391 {strides = array<i32>} : memref<640xi32, #tpu.memory_space<vmem>>, vector<16xi32>,
        %get3A_392 = arith.constant 2 : i32
        %get3A_393 = arith.index_cast %get3A_392 : i32 to index
        %get3A_394 = arith.constant 0 : index
        %get3A_395 = tpu.vector_load %arg5[%get3A_393, %get3A_394] {strides = array<i32>} : memref<16x40xi32, #tpu.memory_space<vmem>>, vector<1x16xi32>,
        %get3A_396 = vector.shape_cast %get3A_395 : vector<1x16xi32> to vector<16xi32>
        %add3A_397 = arith.addi %get3A_396, %broadcast_in_dim3A : vector<16xi32>
        %add3A_398 = arith.addi %add3A_397, %add3A_397 : vector<16xi32>
        %ge3A_399 = arith.cmpi sge, %add3A_397, %broadcast_in_dim3A_305 : vector<16xi32>
        %select_n3A_400 = arith.select %ge3A_399, %broadcast_in_dim3A_307, %broadcast_in_dim3A_309 : vector<16xi1>, vector<16xi32>
        %sub3A_401 = arith.subi %add3A_398, %select_n3A_400 : vector<16xi32>
        %swap3A_402 = arith.constant 80 : index
        %swap3A_403 = tpu.vector_load %arg7[%swap3A_402] {strides = array<i32>} : memref<640xi32, #tpu.memory_space<vmem>>, vector<16xi32>,
        %swap3A_404 = vector.shape_cast %swap3A_403 : vector<16xi32> to vector<16xi32>
        %swap3A_405 = vector.shape_cast %sub3A_401 : vector<16xi32> to vector<16xi32>
        tpu.vector_store %arg7[%swap3A_402], %swap3A_405 {strides = array<i32>} : memref<640xi32, #tpu.memory_space<vmem>>, vector<16xi32>,
        %get3A_406 = arith.constant 2 : i32
        %get3A_407 = arith.index_cast %get3A_406 : i32 to index
        %get3A_408 = arith.constant 16 : index
        %get3A_409 = tpu.vector_load %arg5[%get3A_407, %get3A_408] {strides = array<i32>} : memref<16x40xi32, #tpu.memory_space<vmem>>, vector<1x16xi32>,
        %get3A_410 = vector.shape_cast %get3A_409 : vector<1x16xi32> to vector<16xi32>
        %add3A_411 = arith.addi %get3A_410, %broadcast_in_dim3A : vector<16xi32>
        %add3A_412 = arith.addi %add3A_411, %add3A_411 : vector<16xi32>
        %ge3A_413 = arith.cmpi sge, %add3A_411, %broadcast_in_dim3A_305 : vector<16xi32>
        %select_n3A_414 = arith.select %ge3A_413, %broadcast_in_dim3A_307, %broadcast_in_dim3A_309 : vector<16xi1>, vector<16xi32>
        %sub3A_415 = arith.subi %add3A_412, %select_n3A_414 : vector<16xi32>
        %swap3A_416 = arith.constant 96 : index
        %swap3A_417 = tpu.vector_load %arg7[%swap3A_416] {strides = array<i32>} : memref<640xi32, #tpu.memory_space<vmem>>, vector<16xi32>,
        %swap3A_418 = vector.shape_cast %swap3A_417 : vector<16xi32> to vector<16xi32>
        %swap3A_419 = vector.shape_cast %sub3A_415 : vector<16xi32> to vector<16xi32>
        tpu.vector_store %arg7[%swap3A_416], %swap3A_419 {strides = array<i32>} : memref<640xi32, #tpu.memory_space<vmem>>, vector<16xi32>,
        %get3A_420 = arith.constant 2 : i32
        %get3A_421 = arith.index_cast %get3A_420 : i32 to index
        %get3A_422 = arith.constant 24 : index
        %get3A_423 = tpu.vector_load %arg5[%get3A_421, %get3A_422] {strides = array<i32>} : memref<16x40xi32, #tpu.memory_space<vmem>>, vector<1x16xi32>,
        %get3A_424 = vector.shape_cast %get3A_423 : vector<1x16xi32> to vector<16xi32>
        %add3A_425 = arith.addi %get3A_424, %broadcast_in_dim3A : vector<16xi32>
        %add3A_426 = arith.addi %add3A_425, %add3A_425 : vector<16xi32>
        %ge3A_427 = arith.cmpi sge, %add3A_425, %broadcast_in_dim3A_305 : vector<16xi32>
        %select_n3A_428 = arith.select %ge3A_427, %broadcast_in_dim3A_307, %broadcast_in_dim3A_309 : vector<16xi1>, vector<16xi32>
        %sub3A_429 = arith.subi %add3A_426, %select_n3A_428 : vector<16xi32>
        %swap3A_430 = arith.constant 104 : index
        %swap3A_431 = tpu.vector_load %arg7[%swap3A_430] {strides = array<i32>} : memref<640xi32, #tpu.memory_space<vmem>>, vector<16xi32>,
        %swap3A_432 = vector.shape_cast %swap3A_431 : vector<16xi32> to vector<16xi32>
        %swap3A_433 = vector.shape_cast %sub3A_429 : vector<16xi32> to vector<16xi32>
        tpu.vector_store %arg7[%swap3A_430], %swap3A_433 {strides = array<i32>} : memref<640xi32, #tpu.memory_space<vmem>>, vector<16xi32>,
        %get3A_434 = arith.constant 3 : i32
        %get3A_435 = arith.index_cast %get3A_434 : i32 to index
        %get3A_436 = arith.constant 0 : index
        %get3A_437 = tpu.vector_load %arg5[%get3A_435, %get3A_436] {strides = array<i32>} : memref<16x40xi32, #tpu.memory_space<vmem>>, vector<1x16xi32>,
        %get3A_438 = vector.shape_cast %get3A_437 : vector<1x16xi32> to vector<16xi32>
        %add3A_439 = arith.addi %get3A_438, %broadcast_in_dim3A : vector<16xi32>
        %add3A_440 = arith.addi %add3A_439, %add3A_439 : vector<16xi32>
        %ge3A_441 = arith.cmpi sge, %add3A_439, %broadcast_in_dim3A_305 : vector<16xi32>
        %select_n3A_442 = arith.select %ge3A_441, %broadcast_in_dim3A_307, %broadcast_in_dim3A_309 : vector<16xi1>, vector<16xi32>
        %sub3A_443 = arith.subi %add3A_440, %select_n3A_442 : vector<16xi32>
        %swap3A_444 = arith.constant 120 : index
        %swap3A_445 = tpu.vector_load %arg7[%swap3A_444] {strides = array<i32>} : memref<640xi32, #tpu.memory_space<vmem>>, vector<16xi32>,
        %swap3A_446 = vector.shape_cast %swap3A_445 : vector<16xi32> to vector<16xi32>
        %swap3A_447 = vector.shape_cast %sub3A_443 : vector<16xi32> to vector<16xi32>
        tpu.vector_store %arg7[%swap3A_444], %swap3A_447 {strides = array<i32>} : memref<640xi32, #tpu.memory_space<vmem>>, vector<16xi32>,
        %get3A_448 = arith.constant 3 : i32
        %get3A_449 = arith.index_cast %get3A_448 : i32 to index
        %get3A_450 = arith.constant 16 : index
        %get3A_451 = tpu.vector_load %arg5[%get3A_449, %get3A_450] {strides = array<i32>} : memref<16x40xi32, #tpu.memory_space<vmem>>, vector<1x16xi32>,
        %get3A_452 = vector.shape_cast %get3A_451 : vector<1x16xi32> to vector<16xi32>
        %add3A_453 = arith.addi %get3A_452, %broadcast_in_dim3A : vector<16xi32>
        %add3A_454 = arith.addi %add3A_453, %add3A_453 : vector<16xi32>
        %ge3A_455 = arith.cmpi sge, %add3A_453, %broadcast_in_dim3A_305 : vector<16xi32>
        %select_n3A_456 = arith.select %ge3A_455, %broadcast_in_dim3A_307, %broadcast_in_dim3A_309 : vector<16xi1>, vector<16xi32>
        %sub3A_457 = arith.subi %add3A_454, %select_n3A_456 : vector<16xi32>
        %swap3A_458 = arith.constant 136 : index
        %swap3A_459 = tpu.vector_load %arg7[%swap3A_458] {strides = array<i32>} : memref<640xi32, #tpu.memory_space<vmem>>, vector<16xi32>,
        %swap3A_460 = vector.shape_cast %swap3A_459 : vector<16xi32> to vector<16xi32>
        %swap3A_461 = vector.shape_cast %sub3A_457 : vector<16xi32> to vector<16xi32>
        tpu.vector_store %arg7[%swap3A_458], %swap3A_461 {strides = array<i32>} : memref<640xi32, #tpu.memory_space<vmem>>, vector<16xi32>,
        %get3A_462 = arith.constant 3 : i32
        %get3A_463 = arith.index_cast %get3A_462 : i32 to index
        %get3A_464 = arith.constant 24 : index
        %get3A_465 = tpu.vector_load %arg5[%get3A_463, %get3A_464] {strides = array<i32>} : memref<16x40xi32, #tpu.memory_space<vmem>>, vector<1x16xi32>,
        %get3A_466 = vector.shape_cast %get3A_465 : vector<1x16xi32> to vector<16xi32>
        %add3A_467 = arith.addi %get3A_466, %broadcast_in_dim3A : vector<16xi32>
        %add3A_468 = arith.addi %add3A_467, %add3A_467 : vector<16xi32>
        %ge3A_469 = arith.cmpi sge, %add3A_467, %broadcast_in_dim3A_305 : vector<16xi32>
        %select_n3A_470 = arith.select %ge3A_469, %broadcast_in_dim3A_307, %broadcast_in_dim3A_309 : vector<16xi1>, vector<16xi32>
        %sub3A_471 = arith.subi %add3A_468, %select_n3A_470 : vector<16xi32>
        %swap3A_472 = arith.constant 144 : index
        %swap3A_473 = tpu.vector_load %arg7[%swap3A_472] {strides = array<i32>} : memref<640xi32, #tpu.memory_space<vmem>>, vector<16xi32>,
        %swap3A_474 = vector.shape_cast %swap3A_473 : vector<16xi32> to vector<16xi32>
        %swap3A_475 = vector.shape_cast %sub3A_471 : vector<16xi32> to vector<16xi32>
        tpu.vector_store %arg7[%swap3A_472], %swap3A_475 {strides = array<i32>} : memref<640xi32, #tpu.memory_space<vmem>>, vector<16xi32>,
        %get3A_476 = arith.constant 4 : i32
        %get3A_477 = arith.index_cast %get3A_476 : i32 to index
        %get3A_478 = arith.constant 0 : index
        %get3A_479 = tpu.vector_load %arg5[%get3A_477, %get3A_478] {strides = array<i32>} : memref<16x40xi32, #tpu.memory_space<vmem>>, vector<1x16xi32>,
        %get3A_480 = vector.shape_cast %get3A_479 : vector<1x16xi32> to vector<16xi32>
        %add3A_481 = arith.addi %get3A_480, %broadcast_in_dim3A : vector<16xi32>
        %add3A_482 = arith.addi %add3A_481, %add3A_481 : vector<16xi32>
        %ge3A_483 = arith.cmpi sge, %add3A_481, %broadcast_in_dim3A_305 : vector<16xi32>
        %select_n3A_484 = arith.select %ge3A_483, %broadcast_in_dim3A_307, %broadcast_in_dim3A_309 : vector<16xi1>, vector<16xi32>
        %sub3A_485 = arith.subi %add3A_482, %select_n3A_484 : vector<16xi32>
        %swap3A_486 = arith.constant 160 : index
        %swap3A_487 = tpu.vector_load %arg7[%swap3A_486] {strides = array<i32>} : memref<640xi32, #tpu.memory_space<vmem>>, vector<16xi32>,
        %swap3A_488 = vector.shape_cast %swap3A_487 : vector<16xi32> to vector<16xi32>
        %swap3A_489 = vector.shape_cast %sub3A_485 : vector<16xi32> to vector<16xi32>
        tpu.vector_store %arg7[%swap3A_486], %swap3A_489 {strides = array<i32>} : memref<640xi32, #tpu.memory_space<vmem>>, vector<16xi32>,
        %get3A_490 = arith.constant 4 : i32
        %get3A_491 = arith.index_cast %get3A_490 : i32 to index
        %get3A_492 = arith.constant 16 : index
        %get3A_493 = tpu.vector_load %arg5[%get3A_491, %get3A_492] {strides = array<i32>} : memref<16x40xi32, #tpu.memory_space<vmem>>, vector<1x16xi32>,
        %get3A_494 = vector.shape_cast %get3A_493 : vector<1x16xi32> to vector<16xi32>
        %add3A_495 = arith.addi %get3A_494, %broadcast_in_dim3A : vector<16xi32>
        %add3A_496 = arith.addi %add3A_495, %add3A_495 : vector<16xi32>
        %ge3A_497 = arith.cmpi sge, %add3A_495, %broadcast_in_dim3A_305 : vector<16xi32>
        %select_n3A_498 = arith.select %ge3A_497, %broadcast_in_dim3A_307, %broadcast_in_dim3A_309 : vector<16xi1>, vector<16xi32>
        %sub3A_499 = arith.subi %add3A_496, %select_n3A_498 : vector<16xi32>
        %swap3A_500 = arith.constant 176 : index
        %swap3A_501 = tpu.vector_load %arg7[%swap3A_500] {strides = array<i32>} : memref<640xi32, #tpu.memory_space<vmem>>, vector<16xi32>,
        %swap3A_502 = vector.shape_cast %swap3A_501 : vector<16xi32> to vector<16xi32>
        %swap3A_503 = vector.shape_cast %sub3A_499 : vector<16xi32> to vector<16xi32>
        tpu.vector_store %arg7[%swap3A_500], %swap3A_503 {strides = array<i32>} : memref<640xi32, #tpu.memory_space<vmem>>, vector<16xi32>,
        %get3A_504 = arith.constant 4 : i32
        %get3A_505 = arith.index_cast %get3A_504 : i32 to index
        %get3A_506 = arith.constant 24 : index
        %get3A_507 = tpu.vector_load %arg5[%get3A_505, %get3A_506] {strides = array<i32>} : memref<16x40xi32, #tpu.memory_space<vmem>>, vector<1x16xi32>,
        %get3A_508 = vector.shape_cast %get3A_507 : vector<1x16xi32> to vector<16xi32>
        %add3A_509 = arith.addi %get3A_508, %broadcast_in_dim3A : vector<16xi32>
        %add3A_510 = arith.addi %add3A_509, %add3A_509 : vector<16xi32>
        %ge3A_511 = arith.cmpi sge, %add3A_509, %broadcast_in_dim3A_305 : vector<16xi32>
        %select_n3A_512 = arith.select %ge3A_511, %broadcast_in_dim3A_307, %broadcast_in_dim3A_309 : vector<16xi1>, vector<16xi32>
        %sub3A_513 = arith.subi %add3A_510, %select_n3A_512 : vector<16xi32>
        %swap3A_514 = arith.constant 184 : index
        %swap3A_515 = tpu.vector_load %arg7[%swap3A_514] {strides = array<i32>} : memref<640xi32, #tpu.memory_space<vmem>>, vector<16xi32>,
        %swap3A_516 = vector.shape_cast %swap3A_515 : vector<16xi32> to vector<16xi32>
        %swap3A_517 = vector.shape_cast %sub3A_513 : vector<16xi32> to vector<16xi32>
        tpu.vector_store %arg7[%swap3A_514], %swap3A_517 {strides = array<i32>} : memref<640xi32, #tpu.memory_space<vmem>>, vector<16xi32>,
        %get3A_518 = arith.constant 5 : i32
        %get3A_519 = arith.index_cast %get3A_518 : i32 to index
        %get3A_520 = arith.constant 0 : index
        %get3A_521 = tpu.vector_load %arg5[%get3A_519, %get3A_520] {strides = array<i32>} : memref<16x40xi32, #tpu.memory_space<vmem>>, vector<1x16xi32>,
        %get3A_522 = vector.shape_cast %get3A_521 : vector<1x16xi32> to vector<16xi32>
        %add3A_523 = arith.addi %get3A_522, %broadcast_in_dim3A : vector<16xi32>
        %add3A_524 = arith.addi %add3A_523, %add3A_523 : vector<16xi32>
        %ge3A_525 = arith.cmpi sge, %add3A_523, %broadcast_in_dim3A_305 : vector<16xi32>
        %select_n3A_526 = arith.select %ge3A_525, %broadcast_in_dim3A_307, %broadcast_in_dim3A_309 : vector<16xi1>, vector<16xi32>
        %sub3A_527 = arith.subi %add3A_524, %select_n3A_526 : vector<16xi32>
        %swap3A_528 = arith.constant 200 : index
        %swap3A_529 = tpu.vector_load %arg7[%swap3A_528] {strides = array<i32>} : memref<640xi32, #tpu.memory_space<vmem>>, vector<16xi32>,
        %swap3A_530 = vector.shape_cast %swap3A_529 : vector<16xi32> to vector<16xi32>
        %swap3A_531 = vector.shape_cast %sub3A_527 : vector<16xi32> to vector<16xi32>
        tpu.vector_store %arg7[%swap3A_528], %swap3A_531 {strides = array<i32>} : memref<640xi32, #tpu.memory_space<vmem>>, vector<16xi32>,
        %get3A_532 = arith.constant 5 : i32
        %get3A_533 = arith.index_cast %get3A_532 : i32 to index
        %get3A_534 = arith.constant 16 : index
        %get3A_535 = tpu.vector_load %arg5[%get3A_533, %get3A_534] {strides = array<i32>} : memref<16x40xi32, #tpu.memory_space<vmem>>, vector<1x16xi32>,
        %get3A_536 = vector.shape_cast %get3A_535 : vector<1x16xi32> to vector<16xi32>
        %add3A_537 = arith.addi %get3A_536, %broadcast_in_dim3A : vector<16xi32>
        %add3A_538 = arith.addi %add3A_537, %add3A_537 : vector<16xi32>
        %ge3A_539 = arith.cmpi sge, %add3A_537, %broadcast_in_dim3A_305 : vector<16xi32>
        %select_n3A_540 = arith.select %ge3A_539, %broadcast_in_dim3A_307, %broadcast_in_dim3A_309 : vector<16xi1>, vector<16xi32>
        %sub3A_541 = arith.subi %add3A_538, %select_n3A_540 : vector<16xi32>
        %swap3A_542 = arith.constant 216 : index
        %swap3A_543 = tpu.vector_load %arg7[%swap3A_542] {strides = array<i32>} : memref<640xi32, #tpu.memory_space<vmem>>, vector<16xi32>,
        %swap3A_544 = vector.shape_cast %swap3A_543 : vector<16xi32> to vector<16xi32>
        %swap3A_545 = vector.shape_cast %sub3A_541 : vector<16xi32> to vector<16xi32>
        tpu.vector_store %arg7[%swap3A_542], %swap3A_545 {strides = array<i32>} : memref<640xi32, #tpu.memory_space<vmem>>, vector<16xi32>,
        %get3A_546 = arith.constant 5 : i32
        %get3A_547 = arith.index_cast %get3A_546 : i32 to index
        %get3A_548 = arith.constant 24 : index
        %get3A_549 = tpu.vector_load %arg5[%get3A_547, %get3A_548] {strides = array<i32>} : memref<16x40xi32, #tpu.memory_space<vmem>>, vector<1x16xi32>,
        %get3A_550 = vector.shape_cast %get3A_549 : vector<1x16xi32> to vector<16xi32>
        %add3A_551 = arith.addi %get3A_550, %broadcast_in_dim3A : vector<16xi32>
        %add3A_552 = arith.addi %add3A_551, %add3A_551 : vector<16xi32>
        %ge3A_553 = arith.cmpi sge, %add3A_551, %broadcast_in_dim3A_305 : vector<16xi32>
        %select_n3A_554 = arith.select %ge3A_553, %broadcast_in_dim3A_307, %broadcast_in_dim3A_309 : vector<16xi1>, vector<16xi32>
        %sub3A_555 = arith.subi %add3A_552, %select_n3A_554 : vector<16xi32>
        %swap3A_556 = arith.constant 224 : index
        %swap3A_557 = tpu.vector_load %arg7[%swap3A_556] {strides = array<i32>} : memref<640xi32, #tpu.memory_space<vmem>>, vector<16xi32>,
        %swap3A_558 = vector.shape_cast %swap3A_557 : vector<16xi32> to vector<16xi32>
        %swap3A_559 = vector.shape_cast %sub3A_555 : vector<16xi32> to vector<16xi32>
        tpu.vector_store %arg7[%swap3A_556], %swap3A_559 {strides = array<i32>} : memref<640xi32, #tpu.memory_space<vmem>>, vector<16xi32>,
        %get3A_560 = arith.constant 6 : i32
        %get3A_561 = arith.index_cast %get3A_560 : i32 to index
        %get3A_562 = arith.constant 0 : index
        %get3A_563 = tpu.vector_load %arg5[%get3A_561, %get3A_562] {strides = array<i32>} : memref<16x40xi32, #tpu.memory_space<vmem>>, vector<1x16xi32>,
        %get3A_564 = vector.shape_cast %get3A_563 : vector<1x16xi32> to vector<16xi32>
        %add3A_565 = arith.addi %get3A_564, %broadcast_in_dim3A : vector<16xi32>
        %add3A_566 = arith.addi %add3A_565, %add3A_565 : vector<16xi32>
        %ge3A_567 = arith.cmpi sge, %add3A_565, %broadcast_in_dim3A_305 : vector<16xi32>
        %select_n3A_568 = arith.select %ge3A_567, %broadcast_in_dim3A_307, %broadcast_in_dim3A_309 : vector<16xi1>, vector<16xi32>
        %sub3A_569 = arith.subi %add3A_566, %select_n3A_568 : vector<16xi32>
        %swap3A_570 = arith.constant 240 : index
        %swap3A_571 = tpu.vector_load %arg7[%swap3A_570] {strides = array<i32>} : memref<640xi32, #tpu.memory_space<vmem>>, vector<16xi32>,
        %swap3A_572 = vector.shape_cast %swap3A_571 : vector<16xi32> to vector<16xi32>
        %swap3A_573 = vector.shape_cast %sub3A_569 : vector<16xi32> to vector<16xi32>
        tpu.vector_store %arg7[%swap3A_570], %swap3A_573 {strides = array<i32>} : memref<640xi32, #tpu.memory_space<vmem>>, vector<16xi32>,
        %get3A_574 = arith.constant 6 : i32
        %get3A_575 = arith.index_cast %get3A_574 : i32 to index
        %get3A_576 = arith.constant 16 : index
        %get3A_577 = tpu.vector_load %arg5[%get3A_575, %get3A_576] {strides = array<i32>} : memref<16x40xi32, #tpu.memory_space<vmem>>, vector<1x16xi32>,
        %get3A_578 = vector.shape_cast %get3A_577 : vector<1x16xi32> to vector<16xi32>
        %add3A_579 = arith.addi %get3A_578, %broadcast_in_dim3A : vector<16xi32>
        %add3A_580 = arith.addi %add3A_579, %add3A_579 : vector<16xi32>
        %ge3A_581 = arith.cmpi sge, %add3A_579, %broadcast_in_dim3A_305 : vector<16xi32>
        %select_n3A_582 = arith.select %ge3A_581, %broadcast_in_dim3A_307, %broadcast_in_dim3A_309 : vector<16xi1>, vector<16xi32>
        %sub3A_583 = arith.subi %add3A_580, %select_n3A_582 : vector<16xi32>
        %swap3A_584 = arith.constant 256 : index
        %swap3A_585 = tpu.vector_load %arg7[%swap3A_584] {strides = array<i32>} : memref<640xi32, #tpu.memory_space<vmem>>, vector<16xi32>,
        %swap3A_586 = vector.shape_cast %swap3A_585 : vector<16xi32> to vector<16xi32>
        %swap3A_587 = vector.shape_cast %sub3A_583 : vector<16xi32> to vector<16xi32>
        tpu.vector_store %arg7[%swap3A_584], %swap3A_587 {strides = array<i32>} : memref<640xi32, #tpu.memory_space<vmem>>, vector<16xi32>,
        %get3A_588 = arith.constant 6 : i32
        %get3A_589 = arith.index_cast %get3A_588 : i32 to index
        %get3A_590 = arith.constant 24 : index
        %get3A_591 = tpu.vector_load %arg5[%get3A_589, %get3A_590] {strides = array<i32>} : memref<16x40xi32, #tpu.memory_space<vmem>>, vector<1x16xi32>,
        %get3A_592 = vector.shape_cast %get3A_591 : vector<1x16xi32> to vector<16xi32>
        %add3A_593 = arith.addi %get3A_592, %broadcast_in_dim3A : vector<16xi32>
        %add3A_594 = arith.addi %add3A_593, %add3A_593 : vector<16xi32>
        %ge3A_595 = arith.cmpi sge, %add3A_593, %broadcast_in_dim3A_305 : vector<16xi32>
        %select_n3A_596 = arith.select %ge3A_595, %broadcast_in_dim3A_307, %broadcast_in_dim3A_309 : vector<16xi1>, vector<16xi32>
        %sub3A_597 = arith.subi %add3A_594, %select_n3A_596 : vector<16xi32>
        %swap3A_598 = arith.constant 264 : index
        %swap3A_599 = tpu.vector_load %arg7[%swap3A_598] {strides = array<i32>} : memref<640xi32, #tpu.memory_space<vmem>>, vector<16xi32>,
        %swap3A_600 = vector.shape_cast %swap3A_599 : vector<16xi32> to vector<16xi32>
        %swap3A_601 = vector.shape_cast %sub3A_597 : vector<16xi32> to vector<16xi32>
        tpu.vector_store %arg7[%swap3A_598], %swap3A_601 {strides = array<i32>} : memref<640xi32, #tpu.memory_space<vmem>>, vector<16xi32>,
        %get3A_602 = arith.constant 7 : i32
        %get3A_603 = arith.index_cast %get3A_602 : i32 to index
        %get3A_604 = arith.constant 0 : index
        %get3A_605 = tpu.vector_load %arg5[%get3A_603, %get3A_604] {strides = array<i32>} : memref<16x40xi32, #tpu.memory_space<vmem>>, vector<1x16xi32>,
        %get3A_606 = vector.shape_cast %get3A_605 : vector<1x16xi32> to vector<16xi32>
        %add3A_607 = arith.addi %get3A_606, %broadcast_in_dim3A : vector<16xi32>
        %add3A_608 = arith.addi %add3A_607, %add3A_607 : vector<16xi32>
        %ge3A_609 = arith.cmpi sge, %add3A_607, %broadcast_in_dim3A_305 : vector<16xi32>
        %select_n3A_610 = arith.select %ge3A_609, %broadcast_in_dim3A_307, %broadcast_in_dim3A_309 : vector<16xi1>, vector<16xi32>
        %sub3A_611 = arith.subi %add3A_608, %select_n3A_610 : vector<16xi32>
        %swap3A_612 = arith.constant 280 : index
        %swap3A_613 = tpu.vector_load %arg7[%swap3A_612] {strides = array<i32>} : memref<640xi32, #tpu.memory_space<vmem>>, vector<16xi32>,
        %swap3A_614 = vector.shape_cast %swap3A_613 : vector<16xi32> to vector<16xi32>
        %swap3A_615 = vector.shape_cast %sub3A_611 : vector<16xi32> to vector<16xi32>
        tpu.vector_store %arg7[%swap3A_612], %swap3A_615 {strides = array<i32>} : memref<640xi32, #tpu.memory_space<vmem>>, vector<16xi32>,
        %get3A_616 = arith.constant 7 : i32
        %get3A_617 = arith.index_cast %get3A_616 : i32 to index
        %get3A_618 = arith.constant 16 : index
        %get3A_619 = tpu.vector_load %arg5[%get3A_617, %get3A_618] {strides = array<i32>} : memref<16x40xi32, #tpu.memory_space<vmem>>, vector<1x16xi32>,
        %get3A_620 = vector.shape_cast %get3A_619 : vector<1x16xi32> to vector<16xi32>
        %add3A_621 = arith.addi %get3A_620, %broadcast_in_dim3A : vector<16xi32>
        %add3A_622 = arith.addi %add3A_621, %add3A_621 : vector<16xi32>
        %ge3A_623 = arith.cmpi sge, %add3A_621, %broadcast_in_dim3A_305 : vector<16xi32>
        %select_n3A_624 = arith.select %ge3A_623, %broadcast_in_dim3A_307, %broadcast_in_dim3A_309 : vector<16xi1>, vector<16xi32>
        %sub3A_625 = arith.subi %add3A_622, %select_n3A_624 : vector<16xi32>
        %swap3A_626 = arith.constant 296 : index
        %swap3A_627 = tpu.vector_load %arg7[%swap3A_626] {strides = array<i32>} : memref<640xi32, #tpu.memory_space<vmem>>, vector<16xi32>,
        %swap3A_628 = vector.shape_cast %swap3A_627 : vector<16xi32> to vector<16xi32>
        %swap3A_629 = vector.shape_cast %sub3A_625 : vector<16xi32> to vector<16xi32>
        tpu.vector_store %arg7[%swap3A_626], %swap3A_629 {strides = array<i32>} : memref<640xi32, #tpu.memory_space<vmem>>, vector<16xi32>,
        %get3A_630 = arith.constant 7 : i32
        %get3A_631 = arith.index_cast %get3A_630 : i32 to index
        %get3A_632 = arith.constant 24 : index
        %get3A_633 = tpu.vector_load %arg5[%get3A_631, %get3A_632] {strides = array<i32>} : memref<16x40xi32, #tpu.memory_space<vmem>>, vector<1x16xi32>,
        %get3A_634 = vector.shape_cast %get3A_633 : vector<1x16xi32> to vector<16xi32>
        %add3A_635 = arith.addi %get3A_634, %broadcast_in_dim3A : vector<16xi32>
        %add3A_636 = arith.addi %add3A_635, %add3A_635 : vector<16xi32>
        %ge3A_637 = arith.cmpi sge, %add3A_635, %broadcast_in_dim3A_305 : vector<16xi32>
        %select_n3A_638 = arith.select %ge3A_637, %broadcast_in_dim3A_307, %broadcast_in_dim3A_309 : vector<16xi1>, vector<16xi32>
        %sub3A_639 = arith.subi %add3A_636, %select_n3A_638 : vector<16xi32>
        %swap3A_640 = arith.constant 304 : index
        %swap3A_641 = tpu.vector_load %arg7[%swap3A_640] {strides = array<i32>} : memref<640xi32, #tpu.memory_space<vmem>>, vector<16xi32>,
        %swap3A_642 = vector.shape_cast %swap3A_641 : vector<16xi32> to vector<16xi32>
        %swap3A_643 = vector.shape_cast %sub3A_639 : vector<16xi32> to vector<16xi32>
        tpu.vector_store %arg7[%swap3A_640], %swap3A_643 {strides = array<i32>} : memref<640xi32, #tpu.memory_space<vmem>>, vector<16xi32>,
        %get3A_644 = arith.constant 8 : i32
        %get3A_645 = arith.index_cast %get3A_644 : i32 to index
        %get3A_646 = arith.constant 0 : index
        %get3A_647 = tpu.vector_load %arg5[%get3A_645, %get3A_646] {strides = array<i32>} : memref<16x40xi32, #tpu.memory_space<vmem>>, vector<1x16xi32>,
        %get3A_648 = vector.shape_cast %get3A_647 : vector<1x16xi32> to vector<16xi32>
        %add3A_649 = arith.addi %get3A_648, %broadcast_in_dim3A : vector<16xi32>
        %add3A_650 = arith.addi %add3A_649, %add3A_649 : vector<16xi32>
        %ge3A_651 = arith.cmpi sge, %add3A_649, %broadcast_in_dim3A_305 : vector<16xi32>
        %select_n3A_652 = arith.select %ge3A_651, %broadcast_in_dim3A_307, %broadcast_in_dim3A_309 : vector<16xi1>, vector<16xi32>
        %sub3A_653 = arith.subi %add3A_650, %select_n3A_652 : vector<16xi32>
        %swap3A_654 = arith.constant 320 : index
        %swap3A_655 = tpu.vector_load %arg7[%swap3A_654] {strides = array<i32>} : memref<640xi32, #tpu.memory_space<vmem>>, vector<16xi32>,
        %swap3A_656 = vector.shape_cast %swap3A_655 : vector<16xi32> to vector<16xi32>
        %swap3A_657 = vector.shape_cast %sub3A_653 : vector<16xi32> to vector<16xi32>
        tpu.vector_store %arg7[%swap3A_654], %swap3A_657 {strides = array<i32>} : memref<640xi32, #tpu.memory_space<vmem>>, vector<16xi32>,
        %get3A_658 = arith.constant 8 : i32
        %get3A_659 = arith.index_cast %get3A_658 : i32 to index
        %get3A_660 = arith.constant 16 : index
        %get3A_661 = tpu.vector_load %arg5[%get3A_659, %get3A_660] {strides = array<i32>} : memref<16x40xi32, #tpu.memory_space<vmem>>, vector<1x16xi32>,
        %get3A_662 = vector.shape_cast %get3A_661 : vector<1x16xi32> to vector<16xi32>
        %add3A_663 = arith.addi %get3A_662, %broadcast_in_dim3A : vector<16xi32>
        %add3A_664 = arith.addi %add3A_663, %add3A_663 : vector<16xi32>
        %ge3A_665 = arith.cmpi sge, %add3A_663, %broadcast_in_dim3A_305 : vector<16xi32>
        %select_n3A_666 = arith.select %ge3A_665, %broadcast_in_dim3A_307, %broadcast_in_dim3A_309 : vector<16xi1>, vector<16xi32>
        %sub3A_667 = arith.subi %add3A_664, %select_n3A_666 : vector<16xi32>
        %swap3A_668 = arith.constant 336 : index
        %swap3A_669 = tpu.vector_load %arg7[%swap3A_668] {strides = array<i32>} : memref<640xi32, #tpu.memory_space<vmem>>, vector<16xi32>,
        %swap3A_670 = vector.shape_cast %swap3A_669 : vector<16xi32> to vector<16xi32>
        %swap3A_671 = vector.shape_cast %sub3A_667 : vector<16xi32> to vector<16xi32>
        tpu.vector_store %arg7[%swap3A_668], %swap3A_671 {strides = array<i32>} : memref<640xi32, #tpu.memory_space<vmem>>, vector<16xi32>,
        %get3A_672 = arith.constant 8 : i32
        %get3A_673 = arith.index_cast %get3A_672 : i32 to index
        %get3A_674 = arith.constant 24 : index
        %get3A_675 = tpu.vector_load %arg5[%get3A_673, %get3A_674] {strides = array<i32>} : memref<16x40xi32, #tpu.memory_space<vmem>>, vector<1x16xi32>,
        %get3A_676 = vector.shape_cast %get3A_675 : vector<1x16xi32> to vector<16xi32>
        %add3A_677 = arith.addi %get3A_676, %broadcast_in_dim3A : vector<16xi32>
        %add3A_678 = arith.addi %add3A_677, %add3A_677 : vector<16xi32>
        %ge3A_679 = arith.cmpi sge, %add3A_677, %broadcast_in_dim3A_305 : vector<16xi32>
        %select_n3A_680 = arith.select %ge3A_679, %broadcast_in_dim3A_307, %broadcast_in_dim3A_309 : vector<16xi1>, vector<16xi32>
        %sub3A_681 = arith.subi %add3A_678, %select_n3A_680 : vector<16xi32>
        %swap3A_682 = arith.constant 344 : index
        %swap3A_683 = tpu.vector_load %arg7[%swap3A_682] {strides = array<i32>} : memref<640xi32, #tpu.memory_space<vmem>>, vector<16xi32>,
        %swap3A_684 = vector.shape_cast %swap3A_683 : vector<16xi32> to vector<16xi32>
        %swap3A_685 = vector.shape_cast %sub3A_681 : vector<16xi32> to vector<16xi32>
        tpu.vector_store %arg7[%swap3A_682], %swap3A_685 {strides = array<i32>} : memref<640xi32, #tpu.memory_space<vmem>>, vector<16xi32>,
        %get3A_686 = arith.constant 9 : i32
        %get3A_687 = arith.index_cast %get3A_686 : i32 to index
        %get3A_688 = arith.constant 0 : index
        %get3A_689 = tpu.vector_load %arg5[%get3A_687, %get3A_688] {strides = array<i32>} : memref<16x40xi32, #tpu.memory_space<vmem>>, vector<1x16xi32>,
        %get3A_690 = vector.shape_cast %get3A_689 : vector<1x16xi32> to vector<16xi32>
        %add3A_691 = arith.addi %get3A_690, %broadcast_in_dim3A : vector<16xi32>
        %add3A_692 = arith.addi %add3A_691, %add3A_691 : vector<16xi32>
        %ge3A_693 = arith.cmpi sge, %add3A_691, %broadcast_in_dim3A_305 : vector<16xi32>
        %select_n3A_694 = arith.select %ge3A_693, %broadcast_in_dim3A_307, %broadcast_in_dim3A_309 : vector<16xi1>, vector<16xi32>
        %sub3A_695 = arith.subi %add3A_692, %select_n3A_694 : vector<16xi32>
        %swap3A_696 = arith.constant 360 : index
        %swap3A_697 = tpu.vector_load %arg7[%swap3A_696] {strides = array<i32>} : memref<640xi32, #tpu.memory_space<vmem>>, vector<16xi32>,
        %swap3A_698 = vector.shape_cast %swap3A_697 : vector<16xi32> to vector<16xi32>
        %swap3A_699 = vector.shape_cast %sub3A_695 : vector<16xi32> to vector<16xi32>
        tpu.vector_store %arg7[%swap3A_696], %swap3A_699 {strides = array<i32>} : memref<640xi32, #tpu.memory_space<vmem>>, vector<16xi32>,
        %get3A_700 = arith.constant 9 : i32
        %get3A_701 = arith.index_cast %get3A_700 : i32 to index
        %get3A_702 = arith.constant 16 : index
        %get3A_703 = tpu.vector_load %arg5[%get3A_701, %get3A_702] {strides = array<i32>} : memref<16x40xi32, #tpu.memory_space<vmem>>, vector<1x16xi32>,
        %get3A_704 = vector.shape_cast %get3A_703 : vector<1x16xi32> to vector<16xi32>
        %add3A_705 = arith.addi %get3A_704, %broadcast_in_dim3A : vector<16xi32>
        %add3A_706 = arith.addi %add3A_705, %add3A_705 : vector<16xi32>
        %ge3A_707 = arith.cmpi sge, %add3A_705, %broadcast_in_dim3A_305 : vector<16xi32>
        %select_n3A_708 = arith.select %ge3A_707, %broadcast_in_dim3A_307, %broadcast_in_dim3A_309 : vector<16xi1>, vector<16xi32>
        %sub3A_709 = arith.subi %add3A_706, %select_n3A_708 : vector<16xi32>
        %swap3A_710 = arith.constant 376 : index
        %swap3A_711 = tpu.vector_load %arg7[%swap3A_710] {strides = array<i32>} : memref<640xi32, #tpu.memory_space<vmem>>, vector<16xi32>,
        %swap3A_712 = vector.shape_cast %swap3A_711 : vector<16xi32> to vector<16xi32>
        %swap3A_713 = vector.shape_cast %sub3A_709 : vector<16xi32> to vector<16xi32>
        tpu.vector_store %arg7[%swap3A_710], %swap3A_713 {strides = array<i32>} : memref<640xi32, #tpu.memory_space<vmem>>, vector<16xi32>,
        %get3A_714 = arith.constant 9 : i32
        %get3A_715 = arith.index_cast %get3A_714 : i32 to index
        %get3A_716 = arith.constant 24 : index
        %get3A_717 = tpu.vector_load %arg5[%get3A_715, %get3A_716] {strides = array<i32>} : memref<16x40xi32, #tpu.memory_space<vmem>>, vector<1x16xi32>,
        %get3A_718 = vector.shape_cast %get3A_717 : vector<1x16xi32> to vector<16xi32>
        %add3A_719 = arith.addi %get3A_718, %broadcast_in_dim3A : vector<16xi32>
        %add3A_720 = arith.addi %add3A_719, %add3A_719 : vector<16xi32>
        %ge3A_721 = arith.cmpi sge, %add3A_719, %broadcast_in_dim3A_305 : vector<16xi32>
        %select_n3A_722 = arith.select %ge3A_721, %broadcast_in_dim3A_307, %broadcast_in_dim3A_309 : vector<16xi1>, vector<16xi32>
        %sub3A_723 = arith.subi %add3A_720, %select_n3A_722 : vector<16xi32>
        %swap3A_724 = arith.constant 384 : index
        %swap3A_725 = tpu.vector_load %arg7[%swap3A_724] {strides = array<i32>} : memref<640xi32, #tpu.memory_space<vmem>>, vector<16xi32>,
        %swap3A_726 = vector.shape_cast %swap3A_725 : vector<16xi32> to vector<16xi32>
        %swap3A_727 = vector.shape_cast %sub3A_723 : vector<16xi32> to vector<16xi32>
        tpu.vector_store %arg7[%swap3A_724], %swap3A_727 {strides = array<i32>} : memref<640xi32, #tpu.memory_space<vmem>>, vector<16xi32>,
        %get3A_728 = arith.constant 10 : i32
        %get3A_729 = arith.index_cast %get3A_728 : i32 to index
        %get3A_730 = arith.constant 0 : index
        %get3A_731 = tpu.vector_load %arg5[%get3A_729, %get3A_730] {strides = array<i32>} : memref<16x40xi32, #tpu.memory_space<vmem>>, vector<1x16xi32>,
        %get3A_732 = vector.shape_cast %get3A_731 : vector<1x16xi32> to vector<16xi32>
        %add3A_733 = arith.addi %get3A_732, %broadcast_in_dim3A : vector<16xi32>
        %add3A_734 = arith.addi %add3A_733, %add3A_733 : vector<16xi32>
        %ge3A_735 = arith.cmpi sge, %add3A_733, %broadcast_in_dim3A_305 : vector<16xi32>
        %select_n3A_736 = arith.select %ge3A_735, %broadcast_in_dim3A_307, %broadcast_in_dim3A_309 : vector<16xi1>, vector<16xi32>
        %sub3A_737 = arith.subi %add3A_734, %select_n3A_736 : vector<16xi32>
        %swap3A_738 = arith.constant 400 : index
        %swap3A_739 = tpu.vector_load %arg7[%swap3A_738] {strides = array<i32>} : memref<640xi32, #tpu.memory_space<vmem>>, vector<16xi32>,
        %swap3A_740 = vector.shape_cast %swap3A_739 : vector<16xi32> to vector<16xi32>
        %swap3A_741 = vector.shape_cast %sub3A_737 : vector<16xi32> to vector<16xi32>
        tpu.vector_store %arg7[%swap3A_738], %swap3A_741 {strides = array<i32>} : memref<640xi32, #tpu.memory_space<vmem>>, vector<16xi32>,
        %get3A_742 = arith.constant 10 : i32
        %get3A_743 = arith.index_cast %get3A_742 : i32 to index
        %get3A_744 = arith.constant 16 : index
        %get3A_745 = tpu.vector_load %arg5[%get3A_743, %get3A_744] {strides = array<i32>} : memref<16x40xi32, #tpu.memory_space<vmem>>, vector<1x16xi32>,
        %get3A_746 = vector.shape_cast %get3A_745 : vector<1x16xi32> to vector<16xi32>
        %add3A_747 = arith.addi %get3A_746, %broadcast_in_dim3A : vector<16xi32>
        %add3A_748 = arith.addi %add3A_747, %add3A_747 : vector<16xi32>
        %ge3A_749 = arith.cmpi sge, %add3A_747, %broadcast_in_dim3A_305 : vector<16xi32>
        %select_n3A_750 = arith.select %ge3A_749, %broadcast_in_dim3A_307, %broadcast_in_dim3A_309 : vector<16xi1>, vector<16xi32>
        %sub3A_751 = arith.subi %add3A_748, %select_n3A_750 : vector<16xi32>
        %swap3A_752 = arith.constant 416 : index
        %swap3A_753 = tpu.vector_load %arg7[%swap3A_752] {strides = array<i32>} : memref<640xi32, #tpu.memory_space<vmem>>, vector<16xi32>,
        %swap3A_754 = vector.shape_cast %swap3A_753 : vector<16xi32> to vector<16xi32>
        %swap3A_755 = vector.shape_cast %sub3A_751 : vector<16xi32> to vector<16xi32>
        tpu.vector_store %arg7[%swap3A_752], %swap3A_755 {strides = array<i32>} : memref<640xi32, #tpu.memory_space<vmem>>, vector<16xi32>,
        %get3A_756 = arith.constant 10 : i32
        %get3A_757 = arith.index_cast %get3A_756 : i32 to index
        %get3A_758 = arith.constant 24 : index
        %get3A_759 = tpu.vector_load %arg5[%get3A_757, %get3A_758] {strides = array<i32>} : memref<16x40xi32, #tpu.memory_space<vmem>>, vector<1x16xi32>,
        %get3A_760 = vector.shape_cast %get3A_759 : vector<1x16xi32> to vector<16xi32>
        %add3A_761 = arith.addi %get3A_760, %broadcast_in_dim3A : vector<16xi32>
        %add3A_762 = arith.addi %add3A_761, %add3A_761 : vector<16xi32>
        %ge3A_763 = arith.cmpi sge, %add3A_761, %broadcast_in_dim3A_305 : vector<16xi32>
        %select_n3A_764 = arith.select %ge3A_763, %broadcast_in_dim3A_307, %broadcast_in_dim3A_309 : vector<16xi1>, vector<16xi32>
        %sub3A_765 = arith.subi %add3A_762, %select_n3A_764 : vector<16xi32>
        %swap3A_766 = arith.constant 424 : index
        %swap3A_767 = tpu.vector_load %arg7[%swap3A_766] {strides = array<i32>} : memref<640xi32, #tpu.memory_space<vmem>>, vector<16xi32>,
        %swap3A_768 = vector.shape_cast %swap3A_767 : vector<16xi32> to vector<16xi32>
        %swap3A_769 = vector.shape_cast %sub3A_765 : vector<16xi32> to vector<16xi32>
        tpu.vector_store %arg7[%swap3A_766], %swap3A_769 {strides = array<i32>} : memref<640xi32, #tpu.memory_space<vmem>>, vector<16xi32>,
        %get3A_770 = arith.constant 11 : i32
        %get3A_771 = arith.index_cast %get3A_770 : i32 to index
        %get3A_772 = arith.constant 0 : index
        %get3A_773 = tpu.vector_load %arg5[%get3A_771, %get3A_772] {strides = array<i32>} : memref<16x40xi32, #tpu.memory_space<vmem>>, vector<1x16xi32>,
        %get3A_774 = vector.shape_cast %get3A_773 : vector<1x16xi32> to vector<16xi32>
        %add3A_775 = arith.addi %get3A_774, %broadcast_in_dim3A : vector<16xi32>
        %add3A_776 = arith.addi %add3A_775, %add3A_775 : vector<16xi32>
        %ge3A_777 = arith.cmpi sge, %add3A_775, %broadcast_in_dim3A_305 : vector<16xi32>
        %select_n3A_778 = arith.select %ge3A_777, %broadcast_in_dim3A_307, %broadcast_in_dim3A_309 : vector<16xi1>, vector<16xi32>
        %sub3A_779 = arith.subi %add3A_776, %select_n3A_778 : vector<16xi32>
        %swap3A_780 = arith.constant 440 : index
        %swap3A_781 = tpu.vector_load %arg7[%swap3A_780] {strides = array<i32>} : memref<640xi32, #tpu.memory_space<vmem>>, vector<16xi32>,
        %swap3A_782 = vector.shape_cast %swap3A_781 : vector<16xi32> to vector<16xi32>
        %swap3A_783 = vector.shape_cast %sub3A_779 : vector<16xi32> to vector<16xi32>
        tpu.vector_store %arg7[%swap3A_780], %swap3A_783 {strides = array<i32>} : memref<640xi32, #tpu.memory_space<vmem>>, vector<16xi32>,
        %get3A_784 = arith.constant 11 : i32
        %get3A_785 = arith.index_cast %get3A_784 : i32 to index
        %get3A_786 = arith.constant 16 : index
        %get3A_787 = tpu.vector_load %arg5[%get3A_785, %get3A_786] {strides = array<i32>} : memref<16x40xi32, #tpu.memory_space<vmem>>, vector<1x16xi32>,
        %get3A_788 = vector.shape_cast %get3A_787 : vector<1x16xi32> to vector<16xi32>
        %add3A_789 = arith.addi %get3A_788, %broadcast_in_dim3A : vector<16xi32>
        %add3A_790 = arith.addi %add3A_789, %add3A_789 : vector<16xi32>
        %ge3A_791 = arith.cmpi sge, %add3A_789, %broadcast_in_dim3A_305 : vector<16xi32>
        %select_n3A_792 = arith.select %ge3A_791, %broadcast_in_dim3A_307, %broadcast_in_dim3A_309 : vector<16xi1>, vector<16xi32>
        %sub3A_793 = arith.subi %add3A_790, %select_n3A_792 : vector<16xi32>
        %swap3A_794 = arith.constant 456 : index
        %swap3A_795 = tpu.vector_load %arg7[%swap3A_794] {strides = array<i32>} : memref<640xi32, #tpu.memory_space<vmem>>, vector<16xi32>,
        %swap3A_796 = vector.shape_cast %swap3A_795 : vector<16xi32> to vector<16xi32>
        %swap3A_797 = vector.shape_cast %sub3A_793 : vector<16xi32> to vector<16xi32>
        tpu.vector_store %arg7[%swap3A_794], %swap3A_797 {strides = array<i32>} : memref<640xi32, #tpu.memory_space<vmem>>, vector<16xi32>,
        %get3A_798 = arith.constant 11 : i32
        %get3A_799 = arith.index_cast %get3A_798 : i32 to index
        %get3A_800 = arith.constant 24 : index
        %get3A_801 = tpu.vector_load %arg5[%get3A_799, %get3A_800] {strides = array<i32>} : memref<16x40xi32, #tpu.memory_space<vmem>>, vector<1x16xi32>,
        %get3A_802 = vector.shape_cast %get3A_801 : vector<1x16xi32> to vector<16xi32>
        %add3A_803 = arith.addi %get3A_802, %broadcast_in_dim3A : vector<16xi32>
        %add3A_804 = arith.addi %add3A_803, %add3A_803 : vector<16xi32>
        %ge3A_805 = arith.cmpi sge, %add3A_803, %broadcast_in_dim3A_305 : vector<16xi32>
        %select_n3A_806 = arith.select %ge3A_805, %broadcast_in_dim3A_307, %broadcast_in_dim3A_309 : vector<16xi1>, vector<16xi32>
        %sub3A_807 = arith.subi %add3A_804, %select_n3A_806 : vector<16xi32>
        %swap3A_808 = arith.constant 464 : index
        %swap3A_809 = tpu.vector_load %arg7[%swap3A_808] {strides = array<i32>} : memref<640xi32, #tpu.memory_space<vmem>>, vector<16xi32>,
        %swap3A_810 = vector.shape_cast %swap3A_809 : vector<16xi32> to vector<16xi32>
        %swap3A_811 = vector.shape_cast %sub3A_807 : vector<16xi32> to vector<16xi32>
        tpu.vector_store %arg7[%swap3A_808], %swap3A_811 {strides = array<i32>} : memref<640xi32, #tpu.memory_space<vmem>>, vector<16xi32>,
        %get3A_812 = arith.constant 12 : i32
        %get3A_813 = arith.index_cast %get3A_812 : i32 to index
        %get3A_814 = arith.constant 0 : index
        %get3A_815 = tpu.vector_load %arg5[%get3A_813, %get3A_814] {strides = array<i32>} : memref<16x40xi32, #tpu.memory_space<vmem>>, vector<1x16xi32>,
        %get3A_816 = vector.shape_cast %get3A_815 : vector<1x16xi32> to vector<16xi32>
        %add3A_817 = arith.addi %get3A_816, %broadcast_in_dim3A : vector<16xi32>
        %add3A_818 = arith.addi %add3A_817, %add3A_817 : vector<16xi32>
        %ge3A_819 = arith.cmpi sge, %add3A_817, %broadcast_in_dim3A_305 : vector<16xi32>
        %select_n3A_820 = arith.select %ge3A_819, %broadcast_in_dim3A_307, %broadcast_in_dim3A_309 : vector<16xi1>, vector<16xi32>
        %sub3A_821 = arith.subi %add3A_818, %select_n3A_820 : vector<16xi32>
        %swap3A_822 = arith.constant 480 : index
        %swap3A_823 = tpu.vector_load %arg7[%swap3A_822] {strides = array<i32>} : memref<640xi32, #tpu.memory_space<vmem>>, vector<16xi32>,
        %swap3A_824 = vector.shape_cast %swap3A_823 : vector<16xi32> to vector<16xi32>
        %swap3A_825 = vector.shape_cast %sub3A_821 : vector<16xi32> to vector<16xi32>
        tpu.vector_store %arg7[%swap3A_822], %swap3A_825 {strides = array<i32>} : memref<640xi32, #tpu.memory_space<vmem>>, vector<16xi32>,
        %get3A_826 = arith.constant 12 : i32
        %get3A_827 = arith.index_cast %get3A_826 : i32 to index
        %get3A_828 = arith.constant 16 : index
        %get3A_829 = tpu.vector_load %arg5[%get3A_827, %get3A_828] {strides = array<i32>} : memref<16x40xi32, #tpu.memory_space<vmem>>, vector<1x16xi32>,
        %get3A_830 = vector.shape_cast %get3A_829 : vector<1x16xi32> to vector<16xi32>
        %add3A_831 = arith.addi %get3A_830, %broadcast_in_dim3A : vector<16xi32>
        %add3A_832 = arith.addi %add3A_831, %add3A_831 : vector<16xi32>
        %ge3A_833 = arith.cmpi sge, %add3A_831, %broadcast_in_dim3A_305 : vector<16xi32>
        %select_n3A_834 = arith.select %ge3A_833, %broadcast_in_dim3A_307, %broadcast_in_dim3A_309 : vector<16xi1>, vector<16xi32>
        %sub3A_835 = arith.subi %add3A_832, %select_n3A_834 : vector<16xi32>
        %swap3A_836 = arith.constant 496 : index
        %swap3A_837 = tpu.vector_load %arg7[%swap3A_836] {strides = array<i32>} : memref<640xi32, #tpu.memory_space<vmem>>, vector<16xi32>,
        %swap3A_838 = vector.shape_cast %swap3A_837 : vector<16xi32> to vector<16xi32>
        %swap3A_839 = vector.shape_cast %sub3A_835 : vector<16xi32> to vector<16xi32>
        tpu.vector_store %arg7[%swap3A_836], %swap3A_839 {strides = array<i32>} : memref<640xi32, #tpu.memory_space<vmem>>, vector<16xi32>,
        %get3A_840 = arith.constant 12 : i32
        %get3A_841 = arith.index_cast %get3A_840 : i32 to index
        %get3A_842 = arith.constant 24 : index
        %get3A_843 = tpu.vector_load %arg5[%get3A_841, %get3A_842] {strides = array<i32>} : memref<16x40xi32, #tpu.memory_space<vmem>>, vector<1x16xi32>,
        %get3A_844 = vector.shape_cast %get3A_843 : vector<1x16xi32> to vector<16xi32>
        %add3A_845 = arith.addi %get3A_844, %broadcast_in_dim3A : vector<16xi32>
        %add3A_846 = arith.addi %add3A_845, %add3A_845 : vector<16xi32>
        %ge3A_847 = arith.cmpi sge, %add3A_845, %broadcast_in_dim3A_305 : vector<16xi32>
        %select_n3A_848 = arith.select %ge3A_847, %broadcast_in_dim3A_307, %broadcast_in_dim3A_309 : vector<16xi1>, vector<16xi32>
        %sub3A_849 = arith.subi %add3A_846, %select_n3A_848 : vector<16xi32>
        %swap3A_850 = arith.constant 504 : index
        %swap3A_851 = tpu.vector_load %arg7[%swap3A_850] {strides = array<i32>} : memref<640xi32, #tpu.memory_space<vmem>>, vector<16xi32>,
        %swap3A_852 = vector.shape_cast %swap3A_851 : vector<16xi32> to vector<16xi32>
        %swap3A_853 = vector.shape_cast %sub3A_849 : vector<16xi32> to vector<16xi32>
        tpu.vector_store %arg7[%swap3A_850], %swap3A_853 {strides = array<i32>} : memref<640xi32, #tpu.memory_space<vmem>>, vector<16xi32>,
        %get3A_854 = arith.constant 13 : i32
        %get3A_855 = arith.index_cast %get3A_854 : i32 to index
        %get3A_856 = arith.constant 0 : index
        %get3A_857 = tpu.vector_load %arg5[%get3A_855, %get3A_856] {strides = array<i32>} : memref<16x40xi32, #tpu.memory_space<vmem>>, vector<1x16xi32>,
        %get3A_858 = vector.shape_cast %get3A_857 : vector<1x16xi32> to vector<16xi32>
        %add3A_859 = arith.addi %get3A_858, %broadcast_in_dim3A : vector<16xi32>
        %add3A_860 = arith.addi %add3A_859, %add3A_859 : vector<16xi32>
        %ge3A_861 = arith.cmpi sge, %add3A_859, %broadcast_in_dim3A_305 : vector<16xi32>
        %select_n3A_862 = arith.select %ge3A_861, %broadcast_in_dim3A_307, %broadcast_in_dim3A_309 : vector<16xi1>, vector<16xi32>
        %sub3A_863 = arith.subi %add3A_860, %select_n3A_862 : vector<16xi32>
        %swap3A_864 = arith.constant 520 : index
        %swap3A_865 = tpu.vector_load %arg7[%swap3A_864] {strides = array<i32>} : memref<640xi32, #tpu.memory_space<vmem>>, vector<16xi32>,
        %swap3A_866 = vector.shape_cast %swap3A_865 : vector<16xi32> to vector<16xi32>
        %swap3A_867 = vector.shape_cast %sub3A_863 : vector<16xi32> to vector<16xi32>
        tpu.vector_store %arg7[%swap3A_864], %swap3A_867 {strides = array<i32>} : memref<640xi32, #tpu.memory_space<vmem>>, vector<16xi32>,
        %get3A_868 = arith.constant 13 : i32
        %get3A_869 = arith.index_cast %get3A_868 : i32 to index
        %get3A_870 = arith.constant 16 : index
        %get3A_871 = tpu.vector_load %arg5[%get3A_869, %get3A_870] {strides = array<i32>} : memref<16x40xi32, #tpu.memory_space<vmem>>, vector<1x16xi32>,
        %get3A_872 = vector.shape_cast %get3A_871 : vector<1x16xi32> to vector<16xi32>
        %add3A_873 = arith.addi %get3A_872, %broadcast_in_dim3A : vector<16xi32>
        %add3A_874 = arith.addi %add3A_873, %add3A_873 : vector<16xi32>
        %ge3A_875 = arith.cmpi sge, %add3A_873, %broadcast_in_dim3A_305 : vector<16xi32>
        %select_n3A_876 = arith.select %ge3A_875, %broadcast_in_dim3A_307, %broadcast_in_dim3A_309 : vector<16xi1>, vector<16xi32>
        %sub3A_877 = arith.subi %add3A_874, %select_n3A_876 : vector<16xi32>
        %swap3A_878 = arith.constant 536 : index
        %swap3A_879 = tpu.vector_load %arg7[%swap3A_878] {strides = array<i32>} : memref<640xi32, #tpu.memory_space<vmem>>, vector<16xi32>,
        %swap3A_880 = vector.shape_cast %swap3A_879 : vector<16xi32> to vector<16xi32>
        %swap3A_881 = vector.shape_cast %sub3A_877 : vector<16xi32> to vector<16xi32>
        tpu.vector_store %arg7[%swap3A_878], %swap3A_881 {strides = array<i32>} : memref<640xi32, #tpu.memory_space<vmem>>, vector<16xi32>,
        %get3A_882 = arith.constant 13 : i32
        %get3A_883 = arith.index_cast %get3A_882 : i32 to index
        %get3A_884 = arith.constant 24 : index
        %get3A_885 = tpu.vector_load %arg5[%get3A_883, %get3A_884] {strides = array<i32>} : memref<16x40xi32, #tpu.memory_space<vmem>>, vector<1x16xi32>,
        %get3A_886 = vector.shape_cast %get3A_885 : vector<1x16xi32> to vector<16xi32>
        %add3A_887 = arith.addi %get3A_886, %broadcast_in_dim3A : vector<16xi32>
        %add3A_888 = arith.addi %add3A_887, %add3A_887 : vector<16xi32>
        %ge3A_889 = arith.cmpi sge, %add3A_887, %broadcast_in_dim3A_305 : vector<16xi32>
        %select_n3A_890 = arith.select %ge3A_889, %broadcast_in_dim3A_307, %broadcast_in_dim3A_309 : vector<16xi1>, vector<16xi32>
        %sub3A_891 = arith.subi %add3A_888, %select_n3A_890 : vector<16xi32>
        %swap3A_892 = arith.constant 544 : index
        %swap3A_893 = tpu.vector_load %arg7[%swap3A_892] {strides = array<i32>} : memref<640xi32, #tpu.memory_space<vmem>>, vector<16xi32>,
        %swap3A_894 = vector.shape_cast %swap3A_893 : vector<16xi32> to vector<16xi32>
        %swap3A_895 = vector.shape_cast %sub3A_891 : vector<16xi32> to vector<16xi32>
        tpu.vector_store %arg7[%swap3A_892], %swap3A_895 {strides = array<i32>} : memref<640xi32, #tpu.memory_space<vmem>>, vector<16xi32>,
        %get3A_896 = arith.constant 14 : i32
        %get3A_897 = arith.index_cast %get3A_896 : i32 to index
        %get3A_898 = arith.constant 0 : index
        %get3A_899 = tpu.vector_load %arg5[%get3A_897, %get3A_898] {strides = array<i32>} : memref<16x40xi32, #tpu.memory_space<vmem>>, vector<1x16xi32>,
        %get3A_900 = vector.shape_cast %get3A_899 : vector<1x16xi32> to vector<16xi32>
        %add3A_901 = arith.addi %get3A_900, %broadcast_in_dim3A : vector<16xi32>
        %add3A_902 = arith.addi %add3A_901, %add3A_901 : vector<16xi32>
        %ge3A_903 = arith.cmpi sge, %add3A_901, %broadcast_in_dim3A_305 : vector<16xi32>
        %select_n3A_904 = arith.select %ge3A_903, %broadcast_in_dim3A_307, %broadcast_in_dim3A_309 : vector<16xi1>, vector<16xi32>
        %sub3A_905 = arith.subi %add3A_902, %select_n3A_904 : vector<16xi32>
        %swap3A_906 = arith.constant 560 : index
        %swap3A_907 = tpu.vector_load %arg7[%swap3A_906] {strides = array<i32>} : memref<640xi32, #tpu.memory_space<vmem>>, vector<16xi32>,
        %swap3A_908 = vector.shape_cast %swap3A_907 : vector<16xi32> to vector<16xi32>
        %swap3A_909 = vector.shape_cast %sub3A_905 : vector<16xi32> to vector<16xi32>
        tpu.vector_store %arg7[%swap3A_906], %swap3A_909 {strides = array<i32>} : memref<640xi32, #tpu.memory_space<vmem>>, vector<16xi32>,
        %get3A_910 = arith.constant 14 : i32
        %get3A_911 = arith.index_cast %get3A_910 : i32 to index
        %get3A_912 = arith.constant 16 : index
        %get3A_913 = tpu.vector_load %arg5[%get3A_911, %get3A_912] {strides = array<i32>} : memref<16x40xi32, #tpu.memory_space<vmem>>, vector<1x16xi32>,
        %get3A_914 = vector.shape_cast %get3A_913 : vector<1x16xi32> to vector<16xi32>
        %add3A_915 = arith.addi %get3A_914, %broadcast_in_dim3A : vector<16xi32>
        %add3A_916 = arith.addi %add3A_915, %add3A_915 : vector<16xi32>
        %ge3A_917 = arith.cmpi sge, %add3A_915, %broadcast_in_dim3A_305 : vector<16xi32>
        %select_n3A_918 = arith.select %ge3A_917, %broadcast_in_dim3A_307, %broadcast_in_dim3A_309 : vector<16xi1>, vector<16xi32>
        %sub3A_919 = arith.subi %add3A_916, %select_n3A_918 : vector<16xi32>
        %swap3A_920 = arith.constant 576 : index
        %swap3A_921 = tpu.vector_load %arg7[%swap3A_920] {strides = array<i32>} : memref<640xi32, #tpu.memory_space<vmem>>, vector<16xi32>,
        %swap3A_922 = vector.shape_cast %swap3A_921 : vector<16xi32> to vector<16xi32>
        %swap3A_923 = vector.shape_cast %sub3A_919 : vector<16xi32> to vector<16xi32>
        tpu.vector_store %arg7[%swap3A_920], %swap3A_923 {strides = array<i32>} : memref<640xi32, #tpu.memory_space<vmem>>, vector<16xi32>,
        %get3A_924 = arith.constant 14 : i32
        %get3A_925 = arith.index_cast %get3A_924 : i32 to index
        %get3A_926 = arith.constant 24 : index
        %get3A_927 = tpu.vector_load %arg5[%get3A_925, %get3A_926] {strides = array<i32>} : memref<16x40xi32, #tpu.memory_space<vmem>>, vector<1x16xi32>,
        %get3A_928 = vector.shape_cast %get3A_927 : vector<1x16xi32> to vector<16xi32>
        %add3A_929 = arith.addi %get3A_928, %broadcast_in_dim3A : vector<16xi32>
        %add3A_930 = arith.addi %add3A_929, %add3A_929 : vector<16xi32>
        %ge3A_931 = arith.cmpi sge, %add3A_929, %broadcast_in_dim3A_305 : vector<16xi32>
        %select_n3A_932 = arith.select %ge3A_931, %broadcast_in_dim3A_307, %broadcast_in_dim3A_309 : vector<16xi1>, vector<16xi32>
        %sub3A_933 = arith.subi %add3A_930, %select_n3A_932 : vector<16xi32>
        %swap3A_934 = arith.constant 584 : index
        %swap3A_935 = tpu.vector_load %arg7[%swap3A_934] {strides = array<i32>} : memref<640xi32, #tpu.memory_space<vmem>>, vector<16xi32>,
        %swap3A_936 = vector.shape_cast %swap3A_935 : vector<16xi32> to vector<16xi32>
        %swap3A_937 = vector.shape_cast %sub3A_933 : vector<16xi32> to vector<16xi32>
        tpu.vector_store %arg7[%swap3A_934], %swap3A_937 {strides = array<i32>} : memref<640xi32, #tpu.memory_space<vmem>>, vector<16xi32>,
        %get3A_938 = arith.constant 15 : i32
        %get3A_939 = arith.index_cast %get3A_938 : i32 to index
        %get3A_940 = arith.constant 0 : index
        %get3A_941 = tpu.vector_load %arg5[%get3A_939, %get3A_940] {strides = array<i32>} : memref<16x40xi32, #tpu.memory_space<vmem>>, vector<1x16xi32>,
        %get3A_942 = vector.shape_cast %get3A_941 : vector<1x16xi32> to vector<16xi32>
        %add3A_943 = arith.addi %get3A_942, %broadcast_in_dim3A : vector<16xi32>
        %add3A_944 = arith.addi %add3A_943, %add3A_943 : vector<16xi32>
        %ge3A_945 = arith.cmpi sge, %add3A_943, %broadcast_in_dim3A_305 : vector<16xi32>
        %select_n3A_946 = arith.select %ge3A_945, %broadcast_in_dim3A_307, %broadcast_in_dim3A_309 : vector<16xi1>, vector<16xi32>
        %sub3A_947 = arith.subi %add3A_944, %select_n3A_946 : vector<16xi32>
        %swap3A_948 = arith.constant 600 : index
        %swap3A_949 = tpu.vector_load %arg7[%swap3A_948] {strides = array<i32>} : memref<640xi32, #tpu.memory_space<vmem>>, vector<16xi32>,
        %swap3A_950 = vector.shape_cast %swap3A_949 : vector<16xi32> to vector<16xi32>
        %swap3A_951 = vector.shape_cast %sub3A_947 : vector<16xi32> to vector<16xi32>
        tpu.vector_store %arg7[%swap3A_948], %swap3A_951 {strides = array<i32>} : memref<640xi32, #tpu.memory_space<vmem>>, vector<16xi32>,
        %get3A_952 = arith.constant 15 : i32
        %get3A_953 = arith.index_cast %get3A_952 : i32 to index
        %get3A_954 = arith.constant 16 : index
        %get3A_955 = tpu.vector_load %arg5[%get3A_953, %get3A_954] {strides = array<i32>} : memref<16x40xi32, #tpu.memory_space<vmem>>, vector<1x16xi32>,
        %get3A_956 = vector.shape_cast %get3A_955 : vector<1x16xi32> to vector<16xi32>
        %add3A_957 = arith.addi %get3A_956, %broadcast_in_dim3A : vector<16xi32>
        %add3A_958 = arith.addi %add3A_957, %add3A_957 : vector<16xi32>
        %ge3A_959 = arith.cmpi sge, %add3A_957, %broadcast_in_dim3A_305 : vector<16xi32>
        %select_n3A_960 = arith.select %ge3A_959, %broadcast_in_dim3A_307, %broadcast_in_dim3A_309 : vector<16xi1>, vector<16xi32>
        %sub3A_961 = arith.subi %add3A_958, %select_n3A_960 : vector<16xi32>
        %swap3A_962 = arith.constant 616 : index
        %swap3A_963 = tpu.vector_load %arg7[%swap3A_962] {strides = array<i32>} : memref<640xi32, #tpu.memory_space<vmem>>, vector<16xi32>,
        %swap3A_964 = vector.shape_cast %swap3A_963 : vector<16xi32> to vector<16xi32>
        %swap3A_965 = vector.shape_cast %sub3A_961 : vector<16xi32> to vector<16xi32>
        tpu.vector_store %arg7[%swap3A_962], %swap3A_965 {strides = array<i32>} : memref<640xi32, #tpu.memory_space<vmem>>, vector<16xi32>,
        %get3A_966 = arith.constant 15 : i32
        %get3A_967 = arith.index_cast %get3A_966 : i32 to index
        %get3A_968 = arith.constant 24 : index
        %get3A_969 = tpu.vector_load %arg5[%get3A_967, %get3A_968] {strides = array<i32>} : memref<16x40xi32, #tpu.memory_space<vmem>>, vector<1x16xi32>,
        %get3A_970 = vector.shape_cast %get3A_969 : vector<1x16xi32> to vector<16xi32>
        %add3A_971 = arith.addi %get3A_970, %broadcast_in_dim3A : vector<16xi32>
        %add3A_972 = arith.addi %add3A_971, %add3A_971 : vector<16xi32>
        %ge3A_973 = arith.cmpi sge, %add3A_971, %broadcast_in_dim3A_305 : vector<16xi32>
        %select_n3A_974 = arith.select %ge3A_973, %broadcast_in_dim3A_307, %broadcast_in_dim3A_309 : vector<16xi1>, vector<16xi32>
        %sub3A_975 = arith.subi %add3A_972, %select_n3A_974 : vector<16xi32>
        %swap3A_976 = arith.constant 624 : index
        %swap3A_977 = tpu.vector_load %arg7[%swap3A_976] {strides = array<i32>} : memref<640xi32, #tpu.memory_space<vmem>>, vector<16xi32>,
        %swap3A_978 = vector.shape_cast %swap3A_977 : vector<16xi32> to vector<16xi32>
        %swap3A_979 = vector.shape_cast %sub3A_975 : vector<16xi32> to vector<16xi32>
        tpu.vector_store %arg7[%swap3A_976], %swap3A_979 {strides = array<i32>} : memref<640xi32, #tpu.memory_space<vmem>>, vector<16xi32>,
        %dma_start3A = arith.constant 0 : i32
        %dma_start3A_980 = arith.constant 0 : i32
        %dma_start3A_981 = tpu.memref_slice %arg9[%dma_start3A, %dma_start3A_980] : memref<640x64xi32, #tpu.memory_space<vmem>> -> memref<128x64xi32, #tpu.memory_space<vmem>>
        %dma_start3A_982 = arith.constant 0 : i32
        %dma_start3A_983 = tpu.memref_slice %arg7[%dma_start3A_982] : memref<640xi32, #tpu.memory_space<vmem>> -> memref<128xi32, #tpu.memory_space<vmem>>
        %dma_start3A_984 = arith.constant 0 : i32
        %dma_start3A_985 = arith.constant 0 : i32
        %dma_start3A_986 = tpu.memref_slice %arg2[%dma_start3A_984, %dma_start3A_985] : memref<80000x64xi32, #tpu.memory_space<hbm>> -> memref<80000x64xi32, #tpu.memory_space<hbm>>
        tpu.enqueue_indirect_dma source(%dma_start3A_986 : memref<80000x64xi32, #tpu.memory_space<hbm>>) target(%dma_start3A_981 : memref<128x64xi32, #tpu.memory_space<vmem>>) offsets(%dma_start3A_983 : memref<128xi32, #tpu.memory_space<vmem>>) semaphore(%arg13 : memref<!tpu.dma_semaphore, #tpu.memory_space<semaphore_mem>>)
        %dma_start3A_987 = arith.constant 128 : i32
        %dma_start3A_988 = arith.constant 0 : i32
        %dma_start3A_989 = tpu.memref_slice %arg9[%dma_start3A_987, %dma_start3A_988] : memref<640x64xi32, #tpu.memory_space<vmem>> -> memref<128x64xi32, #tpu.memory_space<vmem>>
        %dma_start3A_990 = arith.constant 128 : i32
        %dma_start3A_991 = tpu.memref_slice %arg7[%dma_start3A_990] : memref<640xi32, #tpu.memory_space<vmem>> -> memref<128xi32, #tpu.memory_space<vmem>>
        %dma_start3A_992 = arith.constant 0 : i32
        %dma_start3A_993 = arith.constant 0 : i32
        %dma_start3A_994 = tpu.memref_slice %arg2[%dma_start3A_992, %dma_start3A_993] : memref<80000x64xi32, #tpu.memory_space<hbm>> -> memref<80000x64xi32, #tpu.memory_space<hbm>>
        tpu.enqueue_indirect_dma source(%dma_start3A_994 : memref<80000x64xi32, #tpu.memory_space<hbm>>) target(%dma_start3A_989 : memref<128x64xi32, #tpu.memory_space<vmem>>) offsets(%dma_start3A_991 : memref<128xi32, #tpu.memory_space<vmem>>) semaphore(%arg13 : memref<!tpu.dma_semaphore, #tpu.memory_space<semaphore_mem>>)
        %dma_start3A_995 = arith.constant 256 : i32
        %dma_start3A_996 = arith.constant 0 : i32
        %dma_start3A_997 = tpu.memref_slice %arg9[%dma_start3A_995, %dma_start3A_996] : memref<640x64xi32, #tpu.memory_space<vmem>> -> memref<128x64xi32, #tpu.memory_space<vmem>>
        %dma_start3A_998 = arith.constant 256 : i32
        %dma_start3A_999 = tpu.memref_slice %arg7[%dma_start3A_998] : memref<640xi32, #tpu.memory_space<vmem>> -> memref<128xi32, #tpu.memory_space<vmem>>
        %dma_start3A_1000 = arith.constant 0 : i32
        %dma_start3A_1001 = arith.constant 0 : i32
        %dma_start3A_1002 = tpu.memref_slice %arg2[%dma_start3A_1000, %dma_start3A_1001] : memref<80000x64xi32, #tpu.memory_space<hbm>> -> memref<80000x64xi32, #tpu.memory_space<hbm>>
        tpu.enqueue_indirect_dma source(%dma_start3A_1002 : memref<80000x64xi32, #tpu.memory_space<hbm>>) target(%dma_start3A_997 : memref<128x64xi32, #tpu.memory_space<vmem>>) offsets(%dma_start3A_999 : memref<128xi32, #tpu.memory_space<vmem>>) semaphore(%arg13 : memref<!tpu.dma_semaphore, #tpu.memory_space<semaphore_mem>>)
        %dma_start3A_1003 = arith.constant 384 : i32
        %dma_start3A_1004 = arith.constant 0 : i32
        %dma_start3A_1005 = tpu.memref_slice %arg9[%dma_start3A_1003, %dma_start3A_1004] : memref<640x64xi32, #tpu.memory_space<vmem>> -> memref<128x64xi32, #tpu.memory_space<vmem>>
        %dma_start3A_1006 = arith.constant 384 : i32
        %dma_start3A_1007 = tpu.memref_slice %arg7[%dma_start3A_1006] : memref<640xi32, #tpu.memory_space<vmem>> -> memref<128xi32, #tpu.memory_space<vmem>>
        %dma_start3A_1008 = arith.constant 0 : i32
        %dma_start3A_1009 = arith.constant 0 : i32
        %dma_start3A_1010 = tpu.memref_slice %arg2[%dma_start3A_1008, %dma_start3A_1009] : memref<80000x64xi32, #tpu.memory_space<hbm>> -> memref<80000x64xi32, #tpu.memory_space<hbm>>
        tpu.enqueue_indirect_dma source(%dma_start3A_1010 : memref<80000x64xi32, #tpu.memory_space<hbm>>) target(%dma_start3A_1005 : memref<128x64xi32, #tpu.memory_space<vmem>>) offsets(%dma_start3A_1007 : memref<128xi32, #tpu.memory_space<vmem>>) semaphore(%arg13 : memref<!tpu.dma_semaphore, #tpu.memory_space<semaphore_mem>>)
        %dma_start3A_1011 = arith.constant 512 : i32
        %dma_start3A_1012 = arith.constant 0 : i32
        %dma_start3A_1013 = tpu.memref_slice %arg9[%dma_start3A_1011, %dma_start3A_1012] : memref<640x64xi32, #tpu.memory_space<vmem>> -> memref<128x64xi32, #tpu.memory_space<vmem>>
        %dma_start3A_1014 = arith.constant 512 : i32
        %dma_start3A_1015 = tpu.memref_slice %arg7[%dma_start3A_1014] : memref<640xi32, #tpu.memory_space<vmem>> -> memref<128xi32, #tpu.memory_space<vmem>>
        %dma_start3A_1016 = arith.constant 0 : i32
        %dma_start3A_1017 = arith.constant 0 : i32
        %dma_start3A_1018 = tpu.memref_slice %arg2[%dma_start3A_1016, %dma_start3A_1017] : memref<80000x64xi32, #tpu.memory_space<hbm>> -> memref<80000x64xi32, #tpu.memory_space<hbm>>
        tpu.enqueue_indirect_dma source(%dma_start3A_1018 : memref<80000x64xi32, #tpu.memory_space<hbm>>) target(%dma_start3A_1013 : memref<128x64xi32, #tpu.memory_space<vmem>>) offsets(%dma_start3A_1015 : memref<128xi32, #tpu.memory_space<vmem>>) semaphore(%arg13 : memref<!tpu.dma_semaphore, #tpu.memory_space<semaphore_mem>>)
      } else {
      }
      %mul3A_219 = arith.constant 32 : i32
      %mul3A_220 = arith.muli %add3A_190, %mul3A_219 : i32
      %add3A_221 = arith.addi %add3A, %mul3A_220 : i32
      %lt3A_222 = arith.constant 2000 : i32
      %lt3A_223 = arith.cmpi slt, %add3A_221, %lt3A_222 : i32
      %convert_element_type3A_224 = arith.extui %lt3A_223 : i1 to i32
      %cond3A_225 = arith.constant 0 : i32
      %cond3A_226 = arith.cmpi ne, %convert_element_type3A_224, %cond3A_225 : i32
      scf.if %cond3A_226 {
        %ge3A_228 = arith.constant 64 : i32
        %ge3A_229 = arith.cmpi sge, %add3A_221, %ge3A_228 : i32
        %convert_element_type3A_230 = arith.extui %ge3A_229 : i1 to i32
        %cond3A_231 = arith.constant 0 : i32
        %cond3A_232 = arith.cmpi ne, %convert_element_type3A_230, %cond3A_231 : i32
        scf.if %cond3A_232 {
          %sub3A_248 = arith.constant 2 : i32
          %sub3A_249 = arith.subi %add3A_190, %sub3A_248 : i32
          %mul3A_250 = arith.constant 32 : i32
          %mul3A_251 = arith.muli %sub3A_249, %mul3A_250 : i32
          %add3A_252 = arith.addi %add3A, %mul3A_251 : i32
          %mul3A_253 = arith.constant 40 : i32
          %mul3A_254 = arith.muli %add3A_252, %mul3A_253 : i32
          %dma_wait3A = arith.constant 0 : i32
          %dma_wait3A_255 = tpu.memref_slice %arg4[%mul3A_254, %dma_wait3A] : memref<80000x128xf32, #tpu.memory_space<hbm>> -> memref<40x128xf32, #tpu.memory_space<hbm>>
          %dma_wait3A_256 = arith.constant 0 : i32
          %dma_wait3A_257 = tpu.memref_slice %arg4[%mul3A_254, %dma_wait3A_256] : memref<80000x128xf32, #tpu.memory_space<hbm>> -> memref<40x128xf32, #tpu.memory_space<hbm>>
          tpu.wait_dma2 semaphore(%arg16 : memref<!tpu.dma_semaphore, #tpu.memory_space<semaphore_mem>>) src(%arg12 : memref<40x128xf32, #tpu.memory_space<vmem>>) dst(%dma_wait3A_257 : memref<40x128xf32, #tpu.memory_space<hbm>>)
        } else {
        }
        %scan3A_233 = arith.constant 0 : i32
        %scan3A_234 = arith.constant 0 : i32
        %scan3A_235 = arith.constant 40 : i32
        %scan3A_236 = arith.addi %scan3A_234, %scan3A_235 : i32
        %scan3A_237 = arith.constant 1 : i32
        %scan3A_238 = scf.for %scan3A_248 = %scan3A_234 to %scan3A_236 step %scan3A_237 iter_args(%scan3A_249 = %scan3A_233) -> (i32)  : i32 {
          %get3A = arith.index_cast %scan3A_248 : i32 to index
          %get3A_250 = arith.constant 0 : index
          %get3A_251 = tpu.vector_load %arg10[%get3A, %get3A_250] {strides = array<i32>} : memref<640x64xi32, #tpu.memory_space<vmem>>, vector<1x16xi32>,
          %get3A_252 = vector.shape_cast %get3A_251 : vector<1x16xi32> to vector<16xi32>
          %shift_left3A = arith.constant 16 : i32
          %shift_left3A_253 = vector.broadcast %shift_left3A : i32 to vector<16xi32>
          %shift_left3A_254 = arith.shli %get3A_252, %shift_left3A_253 : vector<16xi32>
          %bitcast_convert_type3A = tpu.bitcast %shift_left3A_254 : vector<16xi32> -> vector<16xf32>
          %bitcast_convert_type3A_255 = tpu.bitcast %get3A_252 : vector<16xi32> -> vector<16xf32>
          %add3A_256 = arith.constant 40 : i32
          %add3A_257 = arith.addi %add3A_256, %scan3A_248 : i32
          %get3A_258 = arith.index_cast %add3A_257 : i32 to index
          %get3A_259 = arith.constant 0 : index
          %get3A_260 = tpu.vector_load %arg10[%get3A_258, %get3A_259] {strides = array<i32>} : memref<640x64xi32, #tpu.memory_space<vmem>>, vector<1x16xi32>,
          %get3A_261 = vector.shape_cast %get3A_260 : vector<1x16xi32> to vector<16xi32>
          %shift_left3A_262 = arith.constant 16 : i32
          %shift_left3A_263 = vector.broadcast %shift_left3A_262 : i32 to vector<16xi32>
          %shift_left3A_264 = arith.shli %get3A_261, %shift_left3A_263 : vector<16xi32>
          %bitcast_convert_type3A_265 = tpu.bitcast %shift_left3A_264 : vector<16xi32> -> vector<16xf32>
          %bitcast_convert_type3A_266 = tpu.bitcast %get3A_261 : vector<16xi32> -> vector<16xf32>
          %add3A_267 = arith.addf %bitcast_convert_type3A, %bitcast_convert_type3A_265 : vector<16xf32>
          %add3A_268 = arith.addf %bitcast_convert_type3A_255, %bitcast_convert_type3A_266 : vector<16xf32>
          %add3A_269 = arith.constant 80 : i32
          %add3A_270 = arith.addi %add3A_269, %scan3A_248 : i32
          %get3A_271 = arith.index_cast %add3A_270 : i32 to index
          %get3A_272 = arith.constant 0 : index
          %get3A_273 = tpu.vector_load %arg10[%get3A_271, %get3A_272] {strides = array<i32>} : memref<640x64xi32, #tpu.memory_space<vmem>>, vector<1x16xi32>,
          %get3A_274 = vector.shape_cast %get3A_273 : vector<1x16xi32> to vector<16xi32>
          %shift_left3A_275 = arith.constant 16 : i32
          %shift_left3A_276 = vector.broadcast %shift_left3A_275 : i32 to vector<16xi32>
          %shift_left3A_277 = arith.shli %get3A_274, %shift_left3A_276 : vector<16xi32>
          %bitcast_convert_type3A_278 = tpu.bitcast %shift_left3A_277 : vector<16xi32> -> vector<16xf32>
          %bitcast_convert_type3A_279 = tpu.bitcast %get3A_274 : vector<16xi32> -> vector<16xf32>
          %add3A_280 = arith.addf %add3A_267, %bitcast_convert_type3A_278 : vector<16xf32>
          %add3A_281 = arith.addf %add3A_268, %bitcast_convert_type3A_279 : vector<16xf32>
          %add3A_282 = arith.constant 120 : i32
          %add3A_283 = arith.addi %add3A_282, %scan3A_248 : i32
          %get3A_284 = arith.index_cast %add3A_283 : i32 to index
          %get3A_285 = arith.constant 0 : index
          %get3A_286 = tpu.vector_load %arg10[%get3A_284, %get3A_285] {strides = array<i32>} : memref<640x64xi32, #tpu.memory_space<vmem>>, vector<1x16xi32>,
          %get3A_287 = vector.shape_cast %get3A_286 : vector<1x16xi32> to vector<16xi32>
          %shift_left3A_288 = arith.constant 16 : i32
          %shift_left3A_289 = vector.broadcast %shift_left3A_288 : i32 to vector<16xi32>
          %shift_left3A_290 = arith.shli %get3A_287, %shift_left3A_289 : vector<16xi32>
          %bitcast_convert_type3A_291 = tpu.bitcast %shift_left3A_290 : vector<16xi32> -> vector<16xf32>
          %bitcast_convert_type3A_292 = tpu.bitcast %get3A_287 : vector<16xi32> -> vector<16xf32>
          %add3A_293 = arith.addf %add3A_280, %bitcast_convert_type3A_291 : vector<16xf32>
          %add3A_294 = arith.addf %add3A_281, %bitcast_convert_type3A_292 : vector<16xf32>
          %add3A_295 = arith.constant 160 : i32
          %add3A_296 = arith.addi %add3A_295, %scan3A_248 : i32
          %get3A_297 = arith.index_cast %add3A_296 : i32 to index
          %get3A_298 = arith.constant 0 : index
          %get3A_299 = tpu.vector_load %arg10[%get3A_297, %get3A_298] {strides = array<i32>} : memref<640x64xi32, #tpu.memory_space<vmem>>, vector<1x16xi32>,
          %get3A_300 = vector.shape_cast %get3A_299 : vector<1x16xi32> to vector<16xi32>
          %shift_left3A_301 = arith.constant 16 : i32
          %shift_left3A_302 = vector.broadcast %shift_left3A_301 : i32 to vector<16xi32>
          %shift_left3A_303 = arith.shli %get3A_300, %shift_left3A_302 : vector<16xi32>
          %bitcast_convert_type3A_304 = tpu.bitcast %shift_left3A_303 : vector<16xi32> -> vector<16xf32>
          %bitcast_convert_type3A_305 = tpu.bitcast %get3A_300 : vector<16xi32> -> vector<16xf32>
          %add3A_306 = arith.addf %add3A_293, %bitcast_convert_type3A_304 : vector<16xf32>
          %add3A_307 = arith.addf %add3A_294, %bitcast_convert_type3A_305 : vector<16xf32>
          %add3A_308 = arith.constant 200 : i32
          %add3A_309 = arith.addi %add3A_308, %scan3A_248 : i32
          %get3A_310 = arith.index_cast %add3A_309 : i32 to index
          %get3A_311 = arith.constant 0 : index
          %get3A_312 = tpu.vector_load %arg10[%get3A_310, %get3A_311] {strides = array<i32>} : memref<640x64xi32, #tpu.memory_space<vmem>>, vector<1x16xi32>,
          %get3A_313 = vector.shape_cast %get3A_312 : vector<1x16xi32> to vector<16xi32>
          %shift_left3A_314 = arith.constant 16 : i32
          %shift_left3A_315 = vector.broadcast %shift_left3A_314 : i32 to vector<16xi32>
          %shift_left3A_316 = arith.shli %get3A_313, %shift_left3A_315 : vector<16xi32>
          %bitcast_convert_type3A_317 = tpu.bitcast %shift_left3A_316 : vector<16xi32> -> vector<16xf32>
          %bitcast_convert_type3A_318 = tpu.bitcast %get3A_313 : vector<16xi32> -> vector<16xf32>
          %add3A_319 = arith.addf %add3A_306, %bitcast_convert_type3A_317 : vector<16xf32>
          %add3A_320 = arith.addf %add3A_307, %bitcast_convert_type3A_318 : vector<16xf32>
          %add3A_321 = arith.constant 240 : i32
          %add3A_322 = arith.addi %add3A_321, %scan3A_248 : i32
          %get3A_323 = arith.index_cast %add3A_322 : i32 to index
          %get3A_324 = arith.constant 0 : index
          %get3A_325 = tpu.vector_load %arg10[%get3A_323, %get3A_324] {strides = array<i32>} : memref<640x64xi32, #tpu.memory_space<vmem>>, vector<1x16xi32>,
          %get3A_326 = vector.shape_cast %get3A_325 : vector<1x16xi32> to vector<16xi32>
          %shift_left3A_327 = arith.constant 16 : i32
          %shift_left3A_328 = vector.broadcast %shift_left3A_327 : i32 to vector<16xi32>
          %shift_left3A_329 = arith.shli %get3A_326, %shift_left3A_328 : vector<16xi32>
          %bitcast_convert_type3A_330 = tpu.bitcast %shift_left3A_329 : vector<16xi32> -> vector<16xf32>
          %bitcast_convert_type3A_331 = tpu.bitcast %get3A_326 : vector<16xi32> -> vector<16xf32>
          %add3A_332 = arith.addf %add3A_319, %bitcast_convert_type3A_330 : vector<16xf32>
          %add3A_333 = arith.addf %add3A_320, %bitcast_convert_type3A_331 : vector<16xf32>
          %add3A_334 = arith.constant 280 : i32
          %add3A_335 = arith.addi %add3A_334, %scan3A_248 : i32
          %get3A_336 = arith.index_cast %add3A_335 : i32 to index
          %get3A_337 = arith.constant 0 : index
          %get3A_338 = tpu.vector_load %arg10[%get3A_336, %get3A_337] {strides = array<i32>} : memref<640x64xi32, #tpu.memory_space<vmem>>, vector<1x16xi32>,
          %get3A_339 = vector.shape_cast %get3A_338 : vector<1x16xi32> to vector<16xi32>
          %shift_left3A_340 = arith.constant 16 : i32
          %shift_left3A_341 = vector.broadcast %shift_left3A_340 : i32 to vector<16xi32>
          %shift_left3A_342 = arith.shli %get3A_339, %shift_left3A_341 : vector<16xi32>
          %bitcast_convert_type3A_343 = tpu.bitcast %shift_left3A_342 : vector<16xi32> -> vector<16xf32>
          %bitcast_convert_type3A_344 = tpu.bitcast %get3A_339 : vector<16xi32> -> vector<16xf32>
          %add3A_345 = arith.addf %add3A_332, %bitcast_convert_type3A_343 : vector<16xf32>
          %add3A_346 = arith.addf %add3A_333, %bitcast_convert_type3A_344 : vector<16xf32>
          %add3A_347 = arith.constant 320 : i32
          %add3A_348 = arith.addi %add3A_347, %scan3A_248 : i32
          %get3A_349 = arith.index_cast %add3A_348 : i32 to index
          %get3A_350 = arith.constant 0 : index
          %get3A_351 = tpu.vector_load %arg10[%get3A_349, %get3A_350] {strides = array<i32>} : memref<640x64xi32, #tpu.memory_space<vmem>>, vector<1x16xi32>,
          %get3A_352 = vector.shape_cast %get3A_351 : vector<1x16xi32> to vector<16xi32>
          %shift_left3A_353 = arith.constant 16 : i32
          %shift_left3A_354 = vector.broadcast %shift_left3A_353 : i32 to vector<16xi32>
          %shift_left3A_355 = arith.shli %get3A_352, %shift_left3A_354 : vector<16xi32>
          %bitcast_convert_type3A_356 = tpu.bitcast %shift_left3A_355 : vector<16xi32> -> vector<16xf32>
          %bitcast_convert_type3A_357 = tpu.bitcast %get3A_352 : vector<16xi32> -> vector<16xf32>
          %add3A_358 = arith.addf %add3A_345, %bitcast_convert_type3A_356 : vector<16xf32>
          %add3A_359 = arith.addf %add3A_346, %bitcast_convert_type3A_357 : vector<16xf32>
          %add3A_360 = arith.constant 360 : i32
          %add3A_361 = arith.addi %add3A_360, %scan3A_248 : i32
          %get3A_362 = arith.index_cast %add3A_361 : i32 to index
          %get3A_363 = arith.constant 0 : index
          %get3A_364 = tpu.vector_load %arg10[%get3A_362, %get3A_363] {strides = array<i32>} : memref<640x64xi32, #tpu.memory_space<vmem>>, vector<1x16xi32>,
          %get3A_365 = vector.shape_cast %get3A_364 : vector<1x16xi32> to vector<16xi32>
          %shift_left3A_366 = arith.constant 16 : i32
          %shift_left3A_367 = vector.broadcast %shift_left3A_366 : i32 to vector<16xi32>
          %shift_left3A_368 = arith.shli %get3A_365, %shift_left3A_367 : vector<16xi32>
          %bitcast_convert_type3A_369 = tpu.bitcast %shift_left3A_368 : vector<16xi32> -> vector<16xf32>
          %bitcast_convert_type3A_370 = tpu.bitcast %get3A_365 : vector<16xi32> -> vector<16xf32>
          %add3A_371 = arith.addf %add3A_358, %bitcast_convert_type3A_369 : vector<16xf32>
          %add3A_372 = arith.addf %add3A_359, %bitcast_convert_type3A_370 : vector<16xf32>
          %add3A_373 = arith.constant 400 : i32
          %add3A_374 = arith.addi %add3A_373, %scan3A_248 : i32
          %get3A_375 = arith.index_cast %add3A_374 : i32 to index
          %get3A_376 = arith.constant 0 : index
          %get3A_377 = tpu.vector_load %arg10[%get3A_375, %get3A_376] {strides = array<i32>} : memref<640x64xi32, #tpu.memory_space<vmem>>, vector<1x16xi32>,
          %get3A_378 = vector.shape_cast %get3A_377 : vector<1x16xi32> to vector<16xi32>
          %shift_left3A_379 = arith.constant 16 : i32
          %shift_left3A_380 = vector.broadcast %shift_left3A_379 : i32 to vector<16xi32>
          %shift_left3A_381 = arith.shli %get3A_378, %shift_left3A_380 : vector<16xi32>
          %bitcast_convert_type3A_382 = tpu.bitcast %shift_left3A_381 : vector<16xi32> -> vector<16xf32>
          %bitcast_convert_type3A_383 = tpu.bitcast %get3A_378 : vector<16xi32> -> vector<16xf32>
          %add3A_384 = arith.addf %add3A_371, %bitcast_convert_type3A_382 : vector<16xf32>
          %add3A_385 = arith.addf %add3A_372, %bitcast_convert_type3A_383 : vector<16xf32>
          %add3A_386 = arith.constant 440 : i32
          %add3A_387 = arith.addi %add3A_386, %scan3A_248 : i32
          %get3A_388 = arith.index_cast %add3A_387 : i32 to index
          %get3A_389 = arith.constant 0 : index
          %get3A_390 = tpu.vector_load %arg10[%get3A_388, %get3A_389] {strides = array<i32>} : memref<640x64xi32, #tpu.memory_space<vmem>>, vector<1x16xi32>,
          %get3A_391 = vector.shape_cast %get3A_390 : vector<1x16xi32> to vector<16xi32>
          %shift_left3A_392 = arith.constant 16 : i32
          %shift_left3A_393 = vector.broadcast %shift_left3A_392 : i32 to vector<16xi32>
          %shift_left3A_394 = arith.shli %get3A_391, %shift_left3A_393 : vector<16xi32>
          %bitcast_convert_type3A_395 = tpu.bitcast %shift_left3A_394 : vector<16xi32> -> vector<16xf32>
          %bitcast_convert_type3A_396 = tpu.bitcast %get3A_391 : vector<16xi32> -> vector<16xf32>
          %add3A_397 = arith.addf %add3A_384, %bitcast_convert_type3A_395 : vector<16xf32>
          %add3A_398 = arith.addf %add3A_385, %bitcast_convert_type3A_396 : vector<16xf32>
          %add3A_399 = arith.constant 480 : i32
          %add3A_400 = arith.addi %add3A_399, %scan3A_248 : i32
          %get3A_401 = arith.index_cast %add3A_400 : i32 to index
          %get3A_402 = arith.constant 0 : index
          %get3A_403 = tpu.vector_load %arg10[%get3A_401, %get3A_402] {strides = array<i32>} : memref<640x64xi32, #tpu.memory_space<vmem>>, vector<1x16xi32>,
          %get3A_404 = vector.shape_cast %get3A_403 : vector<1x16xi32> to vector<16xi32>
          %shift_left3A_405 = arith.constant 16 : i32
          %shift_left3A_406 = vector.broadcast %shift_left3A_405 : i32 to vector<16xi32>
          %shift_left3A_407 = arith.shli %get3A_404, %shift_left3A_406 : vector<16xi32>
          %bitcast_convert_type3A_408 = tpu.bitcast %shift_left3A_407 : vector<16xi32> -> vector<16xf32>
          %bitcast_convert_type3A_409 = tpu.bitcast %get3A_404 : vector<16xi32> -> vector<16xf32>
          %add3A_410 = arith.addf %add3A_397, %bitcast_convert_type3A_408 : vector<16xf32>
          %add3A_411 = arith.addf %add3A_398, %bitcast_convert_type3A_409 : vector<16xf32>
          %add3A_412 = arith.constant 520 : i32
          %add3A_413 = arith.addi %add3A_412, %scan3A_248 : i32
          %get3A_414 = arith.index_cast %add3A_413 : i32 to index
          %get3A_415 = arith.constant 0 : index
          %get3A_416 = tpu.vector_load %arg10[%get3A_414, %get3A_415] {strides = array<i32>} : memref<640x64xi32, #tpu.memory_space<vmem>>, vector<1x16xi32>,
          %get3A_417 = vector.shape_cast %get3A_416 : vector<1x16xi32> to vector<16xi32>
          %shift_left3A_418 = arith.constant 16 : i32
          %shift_left3A_419 = vector.broadcast %shift_left3A_418 : i32 to vector<16xi32>
          %shift_left3A_420 = arith.shli %get3A_417, %shift_left3A_419 : vector<16xi32>
          %bitcast_convert_type3A_421 = tpu.bitcast %shift_left3A_420 : vector<16xi32> -> vector<16xf32>
          %bitcast_convert_type3A_422 = tpu.bitcast %get3A_417 : vector<16xi32> -> vector<16xf32>
          %add3A_423 = arith.addf %add3A_410, %bitcast_convert_type3A_421 : vector<16xf32>
          %add3A_424 = arith.addf %add3A_411, %bitcast_convert_type3A_422 : vector<16xf32>
          %add3A_425 = arith.constant 560 : i32
          %add3A_426 = arith.addi %add3A_425, %scan3A_248 : i32
          %get3A_427 = arith.index_cast %add3A_426 : i32 to index
          %get3A_428 = arith.constant 0 : index
          %get3A_429 = tpu.vector_load %arg10[%get3A_427, %get3A_428] {strides = array<i32>} : memref<640x64xi32, #tpu.memory_space<vmem>>, vector<1x16xi32>,
          %get3A_430 = vector.shape_cast %get3A_429 : vector<1x16xi32> to vector<16xi32>
          %shift_left3A_431 = arith.constant 16 : i32
          %shift_left3A_432 = vector.broadcast %shift_left3A_431 : i32 to vector<16xi32>
          %shift_left3A_433 = arith.shli %get3A_430, %shift_left3A_432 : vector<16xi32>
          %bitcast_convert_type3A_434 = tpu.bitcast %shift_left3A_433 : vector<16xi32> -> vector<16xf32>
          %bitcast_convert_type3A_435 = tpu.bitcast %get3A_430 : vector<16xi32> -> vector<16xf32>
          %add3A_436 = arith.addf %add3A_423, %bitcast_convert_type3A_434 : vector<16xf32>
          %add3A_437 = arith.addf %add3A_424, %bitcast_convert_type3A_435 : vector<16xf32>
          %add3A_438 = arith.constant 600 : i32
          %add3A_439 = arith.addi %add3A_438, %scan3A_248 : i32
          %get3A_440 = arith.index_cast %add3A_439 : i32 to index
          %get3A_441 = arith.constant 0 : index
          %get3A_442 = tpu.vector_load %arg10[%get3A_440, %get3A_441] {strides = array<i32>} : memref<640x64xi32, #tpu.memory_space<vmem>>, vector<1x16xi32>,
          %get3A_443 = vector.shape_cast %get3A_442 : vector<1x16xi32> to vector<16xi32>
          %shift_left3A_444 = arith.constant 16 : i32
          %shift_left3A_445 = vector.broadcast %shift_left3A_444 : i32 to vector<16xi32>
          %shift_left3A_446 = arith.shli %get3A_443, %shift_left3A_445 : vector<16xi32>
          %bitcast_convert_type3A_447 = tpu.bitcast %shift_left3A_446 : vector<16xi32> -> vector<16xf32>
          %bitcast_convert_type3A_448 = tpu.bitcast %get3A_443 : vector<16xi32> -> vector<16xf32>
          %add3A_449 = arith.addf %add3A_436, %bitcast_convert_type3A_447 : vector<16xf32>
          %add3A_450 = arith.addf %add3A_437, %bitcast_convert_type3A_448 : vector<16xf32>
          %swap3A = arith.index_cast %scan3A_248 : i32 to index
          %swap3A_451 = arith.constant 0 : index
          %swap3A_452 = tpu.vector_load %arg12[%swap3A, %swap3A_451] {strides = array<i32>} : memref<40x128xf32, #tpu.memory_space<vmem>>, vector<1x16xf32>,
          %swap3A_453 = vector.shape_cast %swap3A_452 : vector<1x16xf32> to vector<16xf32>
          %swap3A_454 = vector.shape_cast %add3A_449 : vector<16xf32> to vector<1x16xf32>
          tpu.vector_store %arg12[%swap3A, %swap3A_451], %swap3A_454 {strides = array<i32>} : memref<40x128xf32, #tpu.memory_space<vmem>>, vector<1x16xf32>,
          %swap3A_455 = arith.index_cast %scan3A_248 : i32 to index
          %swap3A_456 = arith.constant 16 : index
          %swap3A_457 = tpu.vector_load %arg12[%swap3A_455, %swap3A_456] {strides = array<i32>} : memref<40x128xf32, #tpu.memory_space<vmem>>, vector<1x16xf32>,
          %swap3A_458 = vector.shape_cast %swap3A_457 : vector<1x16xf32> to vector<16xf32>
          %swap3A_459 = vector.shape_cast %add3A_450 : vector<16xf32> to vector<1x16xf32>
          tpu.vector_store %arg12[%swap3A_455, %swap3A_456], %swap3A_459 {strides = array<i32>} : memref<40x128xf32, #tpu.memory_space<vmem>>, vector<1x16xf32>,
          %get3A_460 = arith.index_cast %scan3A_248 : i32 to index
          %get3A_461 = arith.constant 16 : index
          %get3A_462 = tpu.vector_load %arg10[%get3A_460, %get3A_461] {strides = array<i32>} : memref<640x64xi32, #tpu.memory_space<vmem>>, vector<1x16xi32>,
          %get3A_463 = vector.shape_cast %get3A_462 : vector<1x16xi32> to vector<16xi32>
          %shift_left3A_464 = arith.constant 16 : i32
          %shift_left3A_465 = vector.broadcast %shift_left3A_464 : i32 to vector<16xi32>
          %shift_left3A_466 = arith.shli %get3A_463, %shift_left3A_465 : vector<16xi32>
          %bitcast_convert_type3A_467 = tpu.bitcast %shift_left3A_466 : vector<16xi32> -> vector<16xf32>
          %bitcast_convert_type3A_468 = tpu.bitcast %get3A_463 : vector<16xi32> -> vector<16xf32>
          %add3A_469 = arith.constant 40 : i32
          %add3A_470 = arith.addi %add3A_469, %scan3A_248 : i32
          %get3A_471 = arith.index_cast %add3A_470 : i32 to index
          %get3A_472 = arith.constant 16 : index
          %get3A_473 = tpu.vector_load %arg10[%get3A_471, %get3A_472] {strides = array<i32>} : memref<640x64xi32, #tpu.memory_space<vmem>>, vector<1x16xi32>,
          %get3A_474 = vector.shape_cast %get3A_473 : vector<1x16xi32> to vector<16xi32>
          %shift_left3A_475 = arith.constant 16 : i32
          %shift_left3A_476 = vector.broadcast %shift_left3A_475 : i32 to vector<16xi32>
          %shift_left3A_477 = arith.shli %get3A_474, %shift_left3A_476 : vector<16xi32>
          %bitcast_convert_type3A_478 = tpu.bitcast %shift_left3A_477 : vector<16xi32> -> vector<16xf32>
          %bitcast_convert_type3A_479 = tpu.bitcast %get3A_474 : vector<16xi32> -> vector<16xf32>
          %add3A_480 = arith.addf %bitcast_convert_type3A_467, %bitcast_convert_type3A_478 : vector<16xf32>
          %add3A_481 = arith.addf %bitcast_convert_type3A_468, %bitcast_convert_type3A_479 : vector<16xf32>
          %add3A_482 = arith.constant 80 : i32
          %add3A_483 = arith.addi %add3A_482, %scan3A_248 : i32
          %get3A_484 = arith.index_cast %add3A_483 : i32 to index
          %get3A_485 = arith.constant 16 : index
          %get3A_486 = tpu.vector_load %arg10[%get3A_484, %get3A_485] {strides = array<i32>} : memref<640x64xi32, #tpu.memory_space<vmem>>, vector<1x16xi32>,
          %get3A_487 = vector.shape_cast %get3A_486 : vector<1x16xi32> to vector<16xi32>
          %shift_left3A_488 = arith.constant 16 : i32
          %shift_left3A_489 = vector.broadcast %shift_left3A_488 : i32 to vector<16xi32>
          %shift_left3A_490 = arith.shli %get3A_487, %shift_left3A_489 : vector<16xi32>
          %bitcast_convert_type3A_491 = tpu.bitcast %shift_left3A_490 : vector<16xi32> -> vector<16xf32>
          %bitcast_convert_type3A_492 = tpu.bitcast %get3A_487 : vector<16xi32> -> vector<16xf32>
          %add3A_493 = arith.addf %add3A_480, %bitcast_convert_type3A_491 : vector<16xf32>
          %add3A_494 = arith.addf %add3A_481, %bitcast_convert_type3A_492 : vector<16xf32>
          %add3A_495 = arith.constant 120 : i32
          %add3A_496 = arith.addi %add3A_495, %scan3A_248 : i32
          %get3A_497 = arith.index_cast %add3A_496 : i32 to index
          %get3A_498 = arith.constant 16 : index
          %get3A_499 = tpu.vector_load %arg10[%get3A_497, %get3A_498] {strides = array<i32>} : memref<640x64xi32, #tpu.memory_space<vmem>>, vector<1x16xi32>,
          %get3A_500 = vector.shape_cast %get3A_499 : vector<1x16xi32> to vector<16xi32>
          %shift_left3A_501 = arith.constant 16 : i32
          %shift_left3A_502 = vector.broadcast %shift_left3A_501 : i32 to vector<16xi32>
          %shift_left3A_503 = arith.shli %get3A_500, %shift_left3A_502 : vector<16xi32>
          %bitcast_convert_type3A_504 = tpu.bitcast %shift_left3A_503 : vector<16xi32> -> vector<16xf32>
          %bitcast_convert_type3A_505 = tpu.bitcast %get3A_500 : vector<16xi32> -> vector<16xf32>
          %add3A_506 = arith.addf %add3A_493, %bitcast_convert_type3A_504 : vector<16xf32>
          %add3A_507 = arith.addf %add3A_494, %bitcast_convert_type3A_505 : vector<16xf32>
          %add3A_508 = arith.constant 160 : i32
          %add3A_509 = arith.addi %add3A_508, %scan3A_248 : i32
          %get3A_510 = arith.index_cast %add3A_509 : i32 to index
          %get3A_511 = arith.constant 16 : index
          %get3A_512 = tpu.vector_load %arg10[%get3A_510, %get3A_511] {strides = array<i32>} : memref<640x64xi32, #tpu.memory_space<vmem>>, vector<1x16xi32>,
          %get3A_513 = vector.shape_cast %get3A_512 : vector<1x16xi32> to vector<16xi32>
          %shift_left3A_514 = arith.constant 16 : i32
          %shift_left3A_515 = vector.broadcast %shift_left3A_514 : i32 to vector<16xi32>
          %shift_left3A_516 = arith.shli %get3A_513, %shift_left3A_515 : vector<16xi32>
          %bitcast_convert_type3A_517 = tpu.bitcast %shift_left3A_516 : vector<16xi32> -> vector<16xf32>
          %bitcast_convert_type3A_518 = tpu.bitcast %get3A_513 : vector<16xi32> -> vector<16xf32>
          %add3A_519 = arith.addf %add3A_506, %bitcast_convert_type3A_517 : vector<16xf32>
          %add3A_520 = arith.addf %add3A_507, %bitcast_convert_type3A_518 : vector<16xf32>
          %add3A_521 = arith.constant 200 : i32
          %add3A_522 = arith.addi %add3A_521, %scan3A_248 : i32
          %get3A_523 = arith.index_cast %add3A_522 : i32 to index
          %get3A_524 = arith.constant 16 : index
          %get3A_525 = tpu.vector_load %arg10[%get3A_523, %get3A_524] {strides = array<i32>} : memref<640x64xi32, #tpu.memory_space<vmem>>, vector<1x16xi32>,
          %get3A_526 = vector.shape_cast %get3A_525 : vector<1x16xi32> to vector<16xi32>
          %shift_left3A_527 = arith.constant 16 : i32
          %shift_left3A_528 = vector.broadcast %shift_left3A_527 : i32 to vector<16xi32>
          %shift_left3A_529 = arith.shli %get3A_526, %shift_left3A_528 : vector<16xi32>
          %bitcast_convert_type3A_530 = tpu.bitcast %shift_left3A_529 : vector<16xi32> -> vector<16xf32>
          %bitcast_convert_type3A_531 = tpu.bitcast %get3A_526 : vector<16xi32> -> vector<16xf32>
          %add3A_532 = arith.addf %add3A_519, %bitcast_convert_type3A_530 : vector<16xf32>
          %add3A_533 = arith.addf %add3A_520, %bitcast_convert_type3A_531 : vector<16xf32>
          %add3A_534 = arith.constant 240 : i32
          %add3A_535 = arith.addi %add3A_534, %scan3A_248 : i32
          %get3A_536 = arith.index_cast %add3A_535 : i32 to index
          %get3A_537 = arith.constant 16 : index
          %get3A_538 = tpu.vector_load %arg10[%get3A_536, %get3A_537] {strides = array<i32>} : memref<640x64xi32, #tpu.memory_space<vmem>>, vector<1x16xi32>,
          %get3A_539 = vector.shape_cast %get3A_538 : vector<1x16xi32> to vector<16xi32>
          %shift_left3A_540 = arith.constant 16 : i32
          %shift_left3A_541 = vector.broadcast %shift_left3A_540 : i32 to vector<16xi32>
          %shift_left3A_542 = arith.shli %get3A_539, %shift_left3A_541 : vector<16xi32>
          %bitcast_convert_type3A_543 = tpu.bitcast %shift_left3A_542 : vector<16xi32> -> vector<16xf32>
          %bitcast_convert_type3A_544 = tpu.bitcast %get3A_539 : vector<16xi32> -> vector<16xf32>
          %add3A_545 = arith.addf %add3A_532, %bitcast_convert_type3A_543 : vector<16xf32>
          %add3A_546 = arith.addf %add3A_533, %bitcast_convert_type3A_544 : vector<16xf32>
          %add3A_547 = arith.constant 280 : i32
          %add3A_548 = arith.addi %add3A_547, %scan3A_248 : i32
          %get3A_549 = arith.index_cast %add3A_548 : i32 to index
          %get3A_550 = arith.constant 16 : index
          %get3A_551 = tpu.vector_load %arg10[%get3A_549, %get3A_550] {strides = array<i32>} : memref<640x64xi32, #tpu.memory_space<vmem>>, vector<1x16xi32>,
          %get3A_552 = vector.shape_cast %get3A_551 : vector<1x16xi32> to vector<16xi32>
          %shift_left3A_553 = arith.constant 16 : i32
          %shift_left3A_554 = vector.broadcast %shift_left3A_553 : i32 to vector<16xi32>
          %shift_left3A_555 = arith.shli %get3A_552, %shift_left3A_554 : vector<16xi32>
          %bitcast_convert_type3A_556 = tpu.bitcast %shift_left3A_555 : vector<16xi32> -> vector<16xf32>
          %bitcast_convert_type3A_557 = tpu.bitcast %get3A_552 : vector<16xi32> -> vector<16xf32>
          %add3A_558 = arith.addf %add3A_545, %bitcast_convert_type3A_556 : vector<16xf32>
          %add3A_559 = arith.addf %add3A_546, %bitcast_convert_type3A_557 : vector<16xf32>
          %add3A_560 = arith.constant 320 : i32
          %add3A_561 = arith.addi %add3A_560, %scan3A_248 : i32
          %get3A_562 = arith.index_cast %add3A_561 : i32 to index
          %get3A_563 = arith.constant 16 : index
          %get3A_564 = tpu.vector_load %arg10[%get3A_562, %get3A_563] {strides = array<i32>} : memref<640x64xi32, #tpu.memory_space<vmem>>, vector<1x16xi32>,
          %get3A_565 = vector.shape_cast %get3A_564 : vector<1x16xi32> to vector<16xi32>
          %shift_left3A_566 = arith.constant 16 : i32
          %shift_left3A_567 = vector.broadcast %shift_left3A_566 : i32 to vector<16xi32>
          %shift_left3A_568 = arith.shli %get3A_565, %shift_left3A_567 : vector<16xi32>
          %bitcast_convert_type3A_569 = tpu.bitcast %shift_left3A_568 : vector<16xi32> -> vector<16xf32>
          %bitcast_convert_type3A_570 = tpu.bitcast %get3A_565 : vector<16xi32> -> vector<16xf32>
          %add3A_571 = arith.addf %add3A_558, %bitcast_convert_type3A_569 : vector<16xf32>
          %add3A_572 = arith.addf %add3A_559, %bitcast_convert_type3A_570 : vector<16xf32>
          %add3A_573 = arith.constant 360 : i32
          %add3A_574 = arith.addi %add3A_573, %scan3A_248 : i32
          %get3A_575 = arith.index_cast %add3A_574 : i32 to index
          %get3A_576 = arith.constant 16 : index
          %get3A_577 = tpu.vector_load %arg10[%get3A_575, %get3A_576] {strides = array<i32>} : memref<640x64xi32, #tpu.memory_space<vmem>>, vector<1x16xi32>,
          %get3A_578 = vector.shape_cast %get3A_577 : vector<1x16xi32> to vector<16xi32>
          %shift_left3A_579 = arith.constant 16 : i32
          %shift_left3A_580 = vector.broadcast %shift_left3A_579 : i32 to vector<16xi32>
          %shift_left3A_581 = arith.shli %get3A_578, %shift_left3A_580 : vector<16xi32>
          %bitcast_convert_type3A_582 = tpu.bitcast %shift_left3A_581 : vector<16xi32> -> vector<16xf32>
          %bitcast_convert_type3A_583 = tpu.bitcast %get3A_578 : vector<16xi32> -> vector<16xf32>
          %add3A_584 = arith.addf %add3A_571, %bitcast_convert_type3A_582 : vector<16xf32>
          %add3A_585 = arith.addf %add3A_572, %bitcast_convert_type3A_583 : vector<16xf32>
          %add3A_586 = arith.constant 400 : i32
          %add3A_587 = arith.addi %add3A_586, %scan3A_248 : i32
          %get3A_588 = arith.index_cast %add3A_587 : i32 to index
          %get3A_589 = arith.constant 16 : index
          %get3A_590 = tpu.vector_load %arg10[%get3A_588, %get3A_589] {strides = array<i32>} : memref<640x64xi32, #tpu.memory_space<vmem>>, vector<1x16xi32>,
          %get3A_591 = vector.shape_cast %get3A_590 : vector<1x16xi32> to vector<16xi32>
          %shift_left3A_592 = arith.constant 16 : i32
          %shift_left3A_593 = vector.broadcast %shift_left3A_592 : i32 to vector<16xi32>
          %shift_left3A_594 = arith.shli %get3A_591, %shift_left3A_593 : vector<16xi32>
          %bitcast_convert_type3A_595 = tpu.bitcast %shift_left3A_594 : vector<16xi32> -> vector<16xf32>
          %bitcast_convert_type3A_596 = tpu.bitcast %get3A_591 : vector<16xi32> -> vector<16xf32>
          %add3A_597 = arith.addf %add3A_584, %bitcast_convert_type3A_595 : vector<16xf32>
          %add3A_598 = arith.addf %add3A_585, %bitcast_convert_type3A_596 : vector<16xf32>
          %add3A_599 = arith.constant 440 : i32
          %add3A_600 = arith.addi %add3A_599, %scan3A_248 : i32
          %get3A_601 = arith.index_cast %add3A_600 : i32 to index
          %get3A_602 = arith.constant 16 : index
          %get3A_603 = tpu.vector_load %arg10[%get3A_601, %get3A_602] {strides = array<i32>} : memref<640x64xi32, #tpu.memory_space<vmem>>, vector<1x16xi32>,
          %get3A_604 = vector.shape_cast %get3A_603 : vector<1x16xi32> to vector<16xi32>
          %shift_left3A_605 = arith.constant 16 : i32
          %shift_left3A_606 = vector.broadcast %shift_left3A_605 : i32 to vector<16xi32>
          %shift_left3A_607 = arith.shli %get3A_604, %shift_left3A_606 : vector<16xi32>
          %bitcast_convert_type3A_608 = tpu.bitcast %shift_left3A_607 : vector<16xi32> -> vector<16xf32>
          %bitcast_convert_type3A_609 = tpu.bitcast %get3A_604 : vector<16xi32> -> vector<16xf32>
          %add3A_610 = arith.addf %add3A_597, %bitcast_convert_type3A_608 : vector<16xf32>
          %add3A_611 = arith.addf %add3A_598, %bitcast_convert_type3A_609 : vector<16xf32>
          %add3A_612 = arith.constant 480 : i32
          %add3A_613 = arith.addi %add3A_612, %scan3A_248 : i32
          %get3A_614 = arith.index_cast %add3A_613 : i32 to index
          %get3A_615 = arith.constant 16 : index
          %get3A_616 = tpu.vector_load %arg10[%get3A_614, %get3A_615] {strides = array<i32>} : memref<640x64xi32, #tpu.memory_space<vmem>>, vector<1x16xi32>,
          %get3A_617 = vector.shape_cast %get3A_616 : vector<1x16xi32> to vector<16xi32>
          %shift_left3A_618 = arith.constant 16 : i32
          %shift_left3A_619 = vector.broadcast %shift_left3A_618 : i32 to vector<16xi32>
          %shift_left3A_620 = arith.shli %get3A_617, %shift_left3A_619 : vector<16xi32>
          %bitcast_convert_type3A_621 = tpu.bitcast %shift_left3A_620 : vector<16xi32> -> vector<16xf32>
          %bitcast_convert_type3A_622 = tpu.bitcast %get3A_617 : vector<16xi32> -> vector<16xf32>
          %add3A_623 = arith.addf %add3A_610, %bitcast_convert_type3A_621 : vector<16xf32>
          %add3A_624 = arith.addf %add3A_611, %bitcast_convert_type3A_622 : vector<16xf32>
          %add3A_625 = arith.constant 520 : i32
          %add3A_626 = arith.addi %add3A_625, %scan3A_248 : i32
          %get3A_627 = arith.index_cast %add3A_626 : i32 to index
          %get3A_628 = arith.constant 16 : index
          %get3A_629 = tpu.vector_load %arg10[%get3A_627, %get3A_628] {strides = array<i32>} : memref<640x64xi32, #tpu.memory_space<vmem>>, vector<1x16xi32>,
          %get3A_630 = vector.shape_cast %get3A_629 : vector<1x16xi32> to vector<16xi32>
          %shift_left3A_631 = arith.constant 16 : i32
          %shift_left3A_632 = vector.broadcast %shift_left3A_631 : i32 to vector<16xi32>
          %shift_left3A_633 = arith.shli %get3A_630, %shift_left3A_632 : vector<16xi32>
          %bitcast_convert_type3A_634 = tpu.bitcast %shift_left3A_633 : vector<16xi32> -> vector<16xf32>
          %bitcast_convert_type3A_635 = tpu.bitcast %get3A_630 : vector<16xi32> -> vector<16xf32>
          %add3A_636 = arith.addf %add3A_623, %bitcast_convert_type3A_634 : vector<16xf32>
          %add3A_637 = arith.addf %add3A_624, %bitcast_convert_type3A_635 : vector<16xf32>
          %add3A_638 = arith.constant 560 : i32
          %add3A_639 = arith.addi %add3A_638, %scan3A_248 : i32
          %get3A_640 = arith.index_cast %add3A_639 : i32 to index
          %get3A_641 = arith.constant 16 : index
          %get3A_642 = tpu.vector_load %arg10[%get3A_640, %get3A_641] {strides = array<i32>} : memref<640x64xi32, #tpu.memory_space<vmem>>, vector<1x16xi32>,
          %get3A_643 = vector.shape_cast %get3A_642 : vector<1x16xi32> to vector<16xi32>
          %shift_left3A_644 = arith.constant 16 : i32
          %shift_left3A_645 = vector.broadcast %shift_left3A_644 : i32 to vector<16xi32>
          %shift_left3A_646 = arith.shli %get3A_643, %shift_left3A_645 : vector<16xi32>
          %bitcast_convert_type3A_647 = tpu.bitcast %shift_left3A_646 : vector<16xi32> -> vector<16xf32>
          %bitcast_convert_type3A_648 = tpu.bitcast %get3A_643 : vector<16xi32> -> vector<16xf32>
          %add3A_649 = arith.addf %add3A_636, %bitcast_convert_type3A_647 : vector<16xf32>
          %add3A_650 = arith.addf %add3A_637, %bitcast_convert_type3A_648 : vector<16xf32>
          %add3A_651 = arith.constant 600 : i32
          %add3A_652 = arith.addi %add3A_651, %scan3A_248 : i32
          %get3A_653 = arith.index_cast %add3A_652 : i32 to index
          %get3A_654 = arith.constant 16 : index
          %get3A_655 = tpu.vector_load %arg10[%get3A_653, %get3A_654] {strides = array<i32>} : memref<640x64xi32, #tpu.memory_space<vmem>>, vector<1x16xi32>,
          %get3A_656 = vector.shape_cast %get3A_655 : vector<1x16xi32> to vector<16xi32>
          %shift_left3A_657 = arith.constant 16 : i32
          %shift_left3A_658 = vector.broadcast %shift_left3A_657 : i32 to vector<16xi32>
          %shift_left3A_659 = arith.shli %get3A_656, %shift_left3A_658 : vector<16xi32>
          %bitcast_convert_type3A_660 = tpu.bitcast %shift_left3A_659 : vector<16xi32> -> vector<16xf32>
          %bitcast_convert_type3A_661 = tpu.bitcast %get3A_656 : vector<16xi32> -> vector<16xf32>
          %add3A_662 = arith.addf %add3A_649, %bitcast_convert_type3A_660 : vector<16xf32>
          %add3A_663 = arith.addf %add3A_650, %bitcast_convert_type3A_661 : vector<16xf32>
          %swap3A_664 = arith.index_cast %scan3A_248 : i32 to index
          %swap3A_665 = arith.constant 32 : index
          %swap3A_666 = tpu.vector_load %arg12[%swap3A_664, %swap3A_665] {strides = array<i32>} : memref<40x128xf32, #tpu.memory_space<vmem>>, vector<1x16xf32>,
          %swap3A_667 = vector.shape_cast %swap3A_666 : vector<1x16xf32> to vector<16xf32>
          %swap3A_668 = vector.shape_cast %add3A_662 : vector<16xf32> to vector<1x16xf32>
          tpu.vector_store %arg12[%swap3A_664, %swap3A_665], %swap3A_668 {strides = array<i32>} : memref<40x128xf32, #tpu.memory_space<vmem>>, vector<1x16xf32>,
          %swap3A_669 = arith.index_cast %scan3A_248 : i32 to index
          %swap3A_670 = arith.constant 48 : index
          %swap3A_671 = tpu.vector_load %arg12[%swap3A_669, %swap3A_670] {strides = array<i32>} : memref<40x128xf32, #tpu.memory_space<vmem>>, vector<1x16xf32>,
          %swap3A_672 = vector.shape_cast %swap3A_671 : vector<1x16xf32> to vector<16xf32>
          %swap3A_673 = vector.shape_cast %add3A_663 : vector<16xf32> to vector<1x16xf32>
          tpu.vector_store %arg12[%swap3A_669, %swap3A_670], %swap3A_673 {strides = array<i32>} : memref<40x128xf32, #tpu.memory_space<vmem>>, vector<1x16xf32>,
          %get3A_674 = arith.index_cast %scan3A_248 : i32 to index
          %get3A_675 = arith.constant 32 : index
          %get3A_676 = tpu.vector_load %arg10[%get3A_674, %get3A_675] {strides = array<i32>} : memref<640x64xi32, #tpu.memory_space<vmem>>, vector<1x16xi32>,
          %get3A_677 = vector.shape_cast %get3A_676 : vector<1x16xi32> to vector<16xi32>
          %shift_left3A_678 = arith.constant 16 : i32
          %shift_left3A_679 = vector.broadcast %shift_left3A_678 : i32 to vector<16xi32>
          %shift_left3A_680 = arith.shli %get3A_677, %shift_left3A_679 : vector<16xi32>
          %bitcast_convert_type3A_681 = tpu.bitcast %shift_left3A_680 : vector<16xi32> -> vector<16xf32>
          %bitcast_convert_type3A_682 = tpu.bitcast %get3A_677 : vector<16xi32> -> vector<16xf32>
          %add3A_683 = arith.constant 40 : i32
          %add3A_684 = arith.addi %add3A_683, %scan3A_248 : i32
          %get3A_685 = arith.index_cast %add3A_684 : i32 to index
          %get3A_686 = arith.constant 32 : index
          %get3A_687 = tpu.vector_load %arg10[%get3A_685, %get3A_686] {strides = array<i32>} : memref<640x64xi32, #tpu.memory_space<vmem>>, vector<1x16xi32>,
          %get3A_688 = vector.shape_cast %get3A_687 : vector<1x16xi32> to vector<16xi32>
          %shift_left3A_689 = arith.constant 16 : i32
          %shift_left3A_690 = vector.broadcast %shift_left3A_689 : i32 to vector<16xi32>
          %shift_left3A_691 = arith.shli %get3A_688, %shift_left3A_690 : vector<16xi32>
          %bitcast_convert_type3A_692 = tpu.bitcast %shift_left3A_691 : vector<16xi32> -> vector<16xf32>
          %bitcast_convert_type3A_693 = tpu.bitcast %get3A_688 : vector<16xi32> -> vector<16xf32>
          %add3A_694 = arith.addf %bitcast_convert_type3A_681, %bitcast_convert_type3A_692 : vector<16xf32>
          %add3A_695 = arith.addf %bitcast_convert_type3A_682, %bitcast_convert_type3A_693 : vector<16xf32>
          %add3A_696 = arith.constant 80 : i32
          %add3A_697 = arith.addi %add3A_696, %scan3A_248 : i32
          %get3A_698 = arith.index_cast %add3A_697 : i32 to index
          %get3A_699 = arith.constant 32 : index
          %get3A_700 = tpu.vector_load %arg10[%get3A_698, %get3A_699] {strides = array<i32>} : memref<640x64xi32, #tpu.memory_space<vmem>>, vector<1x16xi32>,
          %get3A_701 = vector.shape_cast %get3A_700 : vector<1x16xi32> to vector<16xi32>
          %shift_left3A_702 = arith.constant 16 : i32
          %shift_left3A_703 = vector.broadcast %shift_left3A_702 : i32 to vector<16xi32>
          %shift_left3A_704 = arith.shli %get3A_701, %shift_left3A_703 : vector<16xi32>
          %bitcast_convert_type3A_705 = tpu.bitcast %shift_left3A_704 : vector<16xi32> -> vector<16xf32>
          %bitcast_convert_type3A_706 = tpu.bitcast %get3A_701 : vector<16xi32> -> vector<16xf32>
          %add3A_707 = arith.addf %add3A_694, %bitcast_convert_type3A_705 : vector<16xf32>
          %add3A_708 = arith.addf %add3A_695, %bitcast_convert_type3A_706 : vector<16xf32>
          %add3A_709 = arith.constant 120 : i32
          %add3A_710 = arith.addi %add3A_709, %scan3A_248 : i32
          %get3A_711 = arith.index_cast %add3A_710 : i32 to index
          %get3A_712 = arith.constant 32 : index
          %get3A_713 = tpu.vector_load %arg10[%get3A_711, %get3A_712] {strides = array<i32>} : memref<640x64xi32, #tpu.memory_space<vmem>>, vector<1x16xi32>,
          %get3A_714 = vector.shape_cast %get3A_713 : vector<1x16xi32> to vector<16xi32>
          %shift_left3A_715 = arith.constant 16 : i32
          %shift_left3A_716 = vector.broadcast %shift_left3A_715 : i32 to vector<16xi32>
          %shift_left3A_717 = arith.shli %get3A_714, %shift_left3A_716 : vector<16xi32>
          %bitcast_convert_type3A_718 = tpu.bitcast %shift_left3A_717 : vector<16xi32> -> vector<16xf32>
          %bitcast_convert_type3A_719 = tpu.bitcast %get3A_714 : vector<16xi32> -> vector<16xf32>
          %add3A_720 = arith.addf %add3A_707, %bitcast_convert_type3A_718 : vector<16xf32>
          %add3A_721 = arith.addf %add3A_708, %bitcast_convert_type3A_719 : vector<16xf32>
          %add3A_722 = arith.constant 160 : i32
          %add3A_723 = arith.addi %add3A_722, %scan3A_248 : i32
          %get3A_724 = arith.index_cast %add3A_723 : i32 to index
          %get3A_725 = arith.constant 32 : index
          %get3A_726 = tpu.vector_load %arg10[%get3A_724, %get3A_725] {strides = array<i32>} : memref<640x64xi32, #tpu.memory_space<vmem>>, vector<1x16xi32>,
          %get3A_727 = vector.shape_cast %get3A_726 : vector<1x16xi32> to vector<16xi32>
          %shift_left3A_728 = arith.constant 16 : i32
          %shift_left3A_729 = vector.broadcast %shift_left3A_728 : i32 to vector<16xi32>
          %shift_left3A_730 = arith.shli %get3A_727, %shift_left3A_729 : vector<16xi32>
          %bitcast_convert_type3A_731 = tpu.bitcast %shift_left3A_730 : vector<16xi32> -> vector<16xf32>
          %bitcast_convert_type3A_732 = tpu.bitcast %get3A_727 : vector<16xi32> -> vector<16xf32>
          %add3A_733 = arith.addf %add3A_720, %bitcast_convert_type3A_731 : vector<16xf32>
          %add3A_734 = arith.addf %add3A_721, %bitcast_convert_type3A_732 : vector<16xf32>
          %add3A_735 = arith.constant 200 : i32
          %add3A_736 = arith.addi %add3A_735, %scan3A_248 : i32
          %get3A_737 = arith.index_cast %add3A_736 : i32 to index
          %get3A_738 = arith.constant 32 : index
          %get3A_739 = tpu.vector_load %arg10[%get3A_737, %get3A_738] {strides = array<i32>} : memref<640x64xi32, #tpu.memory_space<vmem>>, vector<1x16xi32>,
          %get3A_740 = vector.shape_cast %get3A_739 : vector<1x16xi32> to vector<16xi32>
          %shift_left3A_741 = arith.constant 16 : i32
          %shift_left3A_742 = vector.broadcast %shift_left3A_741 : i32 to vector<16xi32>
          %shift_left3A_743 = arith.shli %get3A_740, %shift_left3A_742 : vector<16xi32>
          %bitcast_convert_type3A_744 = tpu.bitcast %shift_left3A_743 : vector<16xi32> -> vector<16xf32>
          %bitcast_convert_type3A_745 = tpu.bitcast %get3A_740 : vector<16xi32> -> vector<16xf32>
          %add3A_746 = arith.addf %add3A_733, %bitcast_convert_type3A_744 : vector<16xf32>
          %add3A_747 = arith.addf %add3A_734, %bitcast_convert_type3A_745 : vector<16xf32>
          %add3A_748 = arith.constant 240 : i32
          %add3A_749 = arith.addi %add3A_748, %scan3A_248 : i32
          %get3A_750 = arith.index_cast %add3A_749 : i32 to index
          %get3A_751 = arith.constant 32 : index
          %get3A_752 = tpu.vector_load %arg10[%get3A_750, %get3A_751] {strides = array<i32>} : memref<640x64xi32, #tpu.memory_space<vmem>>, vector<1x16xi32>,
          %get3A_753 = vector.shape_cast %get3A_752 : vector<1x16xi32> to vector<16xi32>
          %shift_left3A_754 = arith.constant 16 : i32
          %shift_left3A_755 = vector.broadcast %shift_left3A_754 : i32 to vector<16xi32>
          %shift_left3A_756 = arith.shli %get3A_753, %shift_left3A_755 : vector<16xi32>
          %bitcast_convert_type3A_757 = tpu.bitcast %shift_left3A_756 : vector<16xi32> -> vector<16xf32>
          %bitcast_convert_type3A_758 = tpu.bitcast %get3A_753 : vector<16xi32> -> vector<16xf32>
          %add3A_759 = arith.addf %add3A_746, %bitcast_convert_type3A_757 : vector<16xf32>
          %add3A_760 = arith.addf %add3A_747, %bitcast_convert_type3A_758 : vector<16xf32>
          %add3A_761 = arith.constant 280 : i32
          %add3A_762 = arith.addi %add3A_761, %scan3A_248 : i32
          %get3A_763 = arith.index_cast %add3A_762 : i32 to index
          %get3A_764 = arith.constant 32 : index
          %get3A_765 = tpu.vector_load %arg10[%get3A_763, %get3A_764] {strides = array<i32>} : memref<640x64xi32, #tpu.memory_space<vmem>>, vector<1x16xi32>,
          %get3A_766 = vector.shape_cast %get3A_765 : vector<1x16xi32> to vector<16xi32>
          %shift_left3A_767 = arith.constant 16 : i32
          %shift_left3A_768 = vector.broadcast %shift_left3A_767 : i32 to vector<16xi32>
          %shift_left3A_769 = arith.shli %get3A_766, %shift_left3A_768 : vector<16xi32>
          %bitcast_convert_type3A_770 = tpu.bitcast %shift_left3A_769 : vector<16xi32> -> vector<16xf32>
          %bitcast_convert_type3A_771 = tpu.bitcast %get3A_766 : vector<16xi32> -> vector<16xf32>
          %add3A_772 = arith.addf %add3A_759, %bitcast_convert_type3A_770 : vector<16xf32>
          %add3A_773 = arith.addf %add3A_760, %bitcast_convert_type3A_771 : vector<16xf32>
          %add3A_774 = arith.constant 320 : i32
          %add3A_775 = arith.addi %add3A_774, %scan3A_248 : i32
          %get3A_776 = arith.index_cast %add3A_775 : i32 to index
          %get3A_777 = arith.constant 32 : index
          %get3A_778 = tpu.vector_load %arg10[%get3A_776, %get3A_777] {strides = array<i32>} : memref<640x64xi32, #tpu.memory_space<vmem>>, vector<1x16xi32>,
          %get3A_779 = vector.shape_cast %get3A_778 : vector<1x16xi32> to vector<16xi32>
          %shift_left3A_780 = arith.constant 16 : i32
          %shift_left3A_781 = vector.broadcast %shift_left3A_780 : i32 to vector<16xi32>
          %shift_left3A_782 = arith.shli %get3A_779, %shift_left3A_781 : vector<16xi32>
          %bitcast_convert_type3A_783 = tpu.bitcast %shift_left3A_782 : vector<16xi32> -> vector<16xf32>
          %bitcast_convert_type3A_784 = tpu.bitcast %get3A_779 : vector<16xi32> -> vector<16xf32>
          %add3A_785 = arith.addf %add3A_772, %bitcast_convert_type3A_783 : vector<16xf32>
          %add3A_786 = arith.addf %add3A_773, %bitcast_convert_type3A_784 : vector<16xf32>
          %add3A_787 = arith.constant 360 : i32
          %add3A_788 = arith.addi %add3A_787, %scan3A_248 : i32
          %get3A_789 = arith.index_cast %add3A_788 : i32 to index
          %get3A_790 = arith.constant 32 : index
          %get3A_791 = tpu.vector_load %arg10[%get3A_789, %get3A_790] {strides = array<i32>} : memref<640x64xi32, #tpu.memory_space<vmem>>, vector<1x16xi32>,
          %get3A_792 = vector.shape_cast %get3A_791 : vector<1x16xi32> to vector<16xi32>
          %shift_left3A_793 = arith.constant 16 : i32
          %shift_left3A_794 = vector.broadcast %shift_left3A_793 : i32 to vector<16xi32>
          %shift_left3A_795 = arith.shli %get3A_792, %shift_left3A_794 : vector<16xi32>
          %bitcast_convert_type3A_796 = tpu.bitcast %shift_left3A_795 : vector<16xi32> -> vector<16xf32>
          %bitcast_convert_type3A_797 = tpu.bitcast %get3A_792 : vector<16xi32> -> vector<16xf32>
          %add3A_798 = arith.addf %add3A_785, %bitcast_convert_type3A_796 : vector<16xf32>
          %add3A_799 = arith.addf %add3A_786, %bitcast_convert_type3A_797 : vector<16xf32>
          %add3A_800 = arith.constant 400 : i32
          %add3A_801 = arith.addi %add3A_800, %scan3A_248 : i32
          %get3A_802 = arith.index_cast %add3A_801 : i32 to index
          %get3A_803 = arith.constant 32 : index
          %get3A_804 = tpu.vector_load %arg10[%get3A_802, %get3A_803] {strides = array<i32>} : memref<640x64xi32, #tpu.memory_space<vmem>>, vector<1x16xi32>,
          %get3A_805 = vector.shape_cast %get3A_804 : vector<1x16xi32> to vector<16xi32>
          %shift_left3A_806 = arith.constant 16 : i32
          %shift_left3A_807 = vector.broadcast %shift_left3A_806 : i32 to vector<16xi32>
          %shift_left3A_808 = arith.shli %get3A_805, %shift_left3A_807 : vector<16xi32>
          %bitcast_convert_type3A_809 = tpu.bitcast %shift_left3A_808 : vector<16xi32> -> vector<16xf32>
          %bitcast_convert_type3A_810 = tpu.bitcast %get3A_805 : vector<16xi32> -> vector<16xf32>
          %add3A_811 = arith.addf %add3A_798, %bitcast_convert_type3A_809 : vector<16xf32>
          %add3A_812 = arith.addf %add3A_799, %bitcast_convert_type3A_810 : vector<16xf32>
          %add3A_813 = arith.constant 440 : i32
          %add3A_814 = arith.addi %add3A_813, %scan3A_248 : i32
          %get3A_815 = arith.index_cast %add3A_814 : i32 to index
          %get3A_816 = arith.constant 32 : index
          %get3A_817 = tpu.vector_load %arg10[%get3A_815, %get3A_816] {strides = array<i32>} : memref<640x64xi32, #tpu.memory_space<vmem>>, vector<1x16xi32>,
          %get3A_818 = vector.shape_cast %get3A_817 : vector<1x16xi32> to vector<16xi32>
          %shift_left3A_819 = arith.constant 16 : i32
          %shift_left3A_820 = vector.broadcast %shift_left3A_819 : i32 to vector<16xi32>
          %shift_left3A_821 = arith.shli %get3A_818, %shift_left3A_820 : vector<16xi32>
          %bitcast_convert_type3A_822 = tpu.bitcast %shift_left3A_821 : vector<16xi32> -> vector<16xf32>
          %bitcast_convert_type3A_823 = tpu.bitcast %get3A_818 : vector<16xi32> -> vector<16xf32>
          %add3A_824 = arith.addf %add3A_811, %bitcast_convert_type3A_822 : vector<16xf32>
          %add3A_825 = arith.addf %add3A_812, %bitcast_convert_type3A_823 : vector<16xf32>
          %add3A_826 = arith.constant 480 : i32
          %add3A_827 = arith.addi %add3A_826, %scan3A_248 : i32
          %get3A_828 = arith.index_cast %add3A_827 : i32 to index
          %get3A_829 = arith.constant 32 : index
          %get3A_830 = tpu.vector_load %arg10[%get3A_828, %get3A_829] {strides = array<i32>} : memref<640x64xi32, #tpu.memory_space<vmem>>, vector<1x16xi32>,
          %get3A_831 = vector.shape_cast %get3A_830 : vector<1x16xi32> to vector<16xi32>
          %shift_left3A_832 = arith.constant 16 : i32
          %shift_left3A_833 = vector.broadcast %shift_left3A_832 : i32 to vector<16xi32>
          %shift_left3A_834 = arith.shli %get3A_831, %shift_left3A_833 : vector<16xi32>
          %bitcast_convert_type3A_835 = tpu.bitcast %shift_left3A_834 : vector<16xi32> -> vector<16xf32>
          %bitcast_convert_type3A_836 = tpu.bitcast %get3A_831 : vector<16xi32> -> vector<16xf32>
          %add3A_837 = arith.addf %add3A_824, %bitcast_convert_type3A_835 : vector<16xf32>
          %add3A_838 = arith.addf %add3A_825, %bitcast_convert_type3A_836 : vector<16xf32>
          %add3A_839 = arith.constant 520 : i32
          %add3A_840 = arith.addi %add3A_839, %scan3A_248 : i32
          %get3A_841 = arith.index_cast %add3A_840 : i32 to index
          %get3A_842 = arith.constant 32 : index
          %get3A_843 = tpu.vector_load %arg10[%get3A_841, %get3A_842] {strides = array<i32>} : memref<640x64xi32, #tpu.memory_space<vmem>>, vector<1x16xi32>,
          %get3A_844 = vector.shape_cast %get3A_843 : vector<1x16xi32> to vector<16xi32>
          %shift_left3A_845 = arith.constant 16 : i32
          %shift_left3A_846 = vector.broadcast %shift_left3A_845 : i32 to vector<16xi32>
          %shift_left3A_847 = arith.shli %get3A_844, %shift_left3A_846 : vector<16xi32>
          %bitcast_convert_type3A_848 = tpu.bitcast %shift_left3A_847 : vector<16xi32> -> vector<16xf32>
          %bitcast_convert_type3A_849 = tpu.bitcast %get3A_844 : vector<16xi32> -> vector<16xf32>
          %add3A_850 = arith.addf %add3A_837, %bitcast_convert_type3A_848 : vector<16xf32>
          %add3A_851 = arith.addf %add3A_838, %bitcast_convert_type3A_849 : vector<16xf32>
          %add3A_852 = arith.constant 560 : i32
          %add3A_853 = arith.addi %add3A_852, %scan3A_248 : i32
          %get3A_854 = arith.index_cast %add3A_853 : i32 to index
          %get3A_855 = arith.constant 32 : index
          %get3A_856 = tpu.vector_load %arg10[%get3A_854, %get3A_855] {strides = array<i32>} : memref<640x64xi32, #tpu.memory_space<vmem>>, vector<1x16xi32>,
          %get3A_857 = vector.shape_cast %get3A_856 : vector<1x16xi32> to vector<16xi32>
          %shift_left3A_858 = arith.constant 16 : i32
          %shift_left3A_859 = vector.broadcast %shift_left3A_858 : i32 to vector<16xi32>
          %shift_left3A_860 = arith.shli %get3A_857, %shift_left3A_859 : vector<16xi32>
          %bitcast_convert_type3A_861 = tpu.bitcast %shift_left3A_860 : vector<16xi32> -> vector<16xf32>
          %bitcast_convert_type3A_862 = tpu.bitcast %get3A_857 : vector<16xi32> -> vector<16xf32>
          %add3A_863 = arith.addf %add3A_850, %bitcast_convert_type3A_861 : vector<16xf32>
          %add3A_864 = arith.addf %add3A_851, %bitcast_convert_type3A_862 : vector<16xf32>
          %add3A_865 = arith.constant 600 : i32
          %add3A_866 = arith.addi %add3A_865, %scan3A_248 : i32
          %get3A_867 = arith.index_cast %add3A_866 : i32 to index
          %get3A_868 = arith.constant 32 : index
          %get3A_869 = tpu.vector_load %arg10[%get3A_867, %get3A_868] {strides = array<i32>} : memref<640x64xi32, #tpu.memory_space<vmem>>, vector<1x16xi32>,
          %get3A_870 = vector.shape_cast %get3A_869 : vector<1x16xi32> to vector<16xi32>
          %shift_left3A_871 = arith.constant 16 : i32
          %shift_left3A_872 = vector.broadcast %shift_left3A_871 : i32 to vector<16xi32>
          %shift_left3A_873 = arith.shli %get3A_870, %shift_left3A_872 : vector<16xi32>
          %bitcast_convert_type3A_874 = tpu.bitcast %shift_left3A_873 : vector<16xi32> -> vector<16xf32>
          %bitcast_convert_type3A_875 = tpu.bitcast %get3A_870 : vector<16xi32> -> vector<16xf32>
          %add3A_876 = arith.addf %add3A_863, %bitcast_convert_type3A_874 : vector<16xf32>
          %add3A_877 = arith.addf %add3A_864, %bitcast_convert_type3A_875 : vector<16xf32>
          %swap3A_878 = arith.index_cast %scan3A_248 : i32 to index
          %swap3A_879 = arith.constant 64 : index
          %swap3A_880 = tpu.vector_load %arg12[%swap3A_878, %swap3A_879] {strides = array<i32>} : memref<40x128xf32, #tpu.memory_space<vmem>>, vector<1x16xf32>,
          %swap3A_881 = vector.shape_cast %swap3A_880 : vector<1x16xf32> to vector<16xf32>
          %swap3A_882 = vector.shape_cast %add3A_876 : vector<16xf32> to vector<1x16xf32>
          tpu.vector_store %arg12[%swap3A_878, %swap3A_879], %swap3A_882 {strides = array<i32>} : memref<40x128xf32, #tpu.memory_space<vmem>>, vector<1x16xf32>,
          %swap3A_883 = arith.index_cast %scan3A_248 : i32 to index
          %swap3A_884 = arith.constant 80 : index
          %swap3A_885 = tpu.vector_load %arg12[%swap3A_883, %swap3A_884] {strides = array<i32>} : memref<40x128xf32, #tpu.memory_space<vmem>>, vector<1x16xf32>,
          %swap3A_886 = vector.shape_cast %swap3A_885 : vector<1x16xf32> to vector<16xf32>
          %swap3A_887 = vector.shape_cast %add3A_877 : vector<16xf32> to vector<1x16xf32>
          tpu.vector_store %arg12[%swap3A_883, %swap3A_884], %swap3A_887 {strides = array<i32>} : memref<40x128xf32, #tpu.memory_space<vmem>>, vector<1x16xf32>,
          %get3A_888 = arith.index_cast %scan3A_248 : i32 to index
          %get3A_889 = arith.constant 48 : index
          %get3A_890 = tpu.vector_load %arg10[%get3A_888, %get3A_889] {strides = array<i32>} : memref<640x64xi32, #tpu.memory_space<vmem>>, vector<1x16xi32>,
          %get3A_891 = vector.shape_cast %get3A_890 : vector<1x16xi32> to vector<16xi32>
          %shift_left3A_892 = arith.constant 16 : i32
          %shift_left3A_893 = vector.broadcast %shift_left3A_892 : i32 to vector<16xi32>
          %shift_left3A_894 = arith.shli %get3A_891, %shift_left3A_893 : vector<16xi32>
          %bitcast_convert_type3A_895 = tpu.bitcast %shift_left3A_894 : vector<16xi32> -> vector<16xf32>
          %bitcast_convert_type3A_896 = tpu.bitcast %get3A_891 : vector<16xi32> -> vector<16xf32>
          %add3A_897 = arith.constant 40 : i32
          %add3A_898 = arith.addi %add3A_897, %scan3A_248 : i32
          %get3A_899 = arith.index_cast %add3A_898 : i32 to index
          %get3A_900 = arith.constant 48 : index
          %get3A_901 = tpu.vector_load %arg10[%get3A_899, %get3A_900] {strides = array<i32>} : memref<640x64xi32, #tpu.memory_space<vmem>>, vector<1x16xi32>,
          %get3A_902 = vector.shape_cast %get3A_901 : vector<1x16xi32> to vector<16xi32>
          %shift_left3A_903 = arith.constant 16 : i32
          %shift_left3A_904 = vector.broadcast %shift_left3A_903 : i32 to vector<16xi32>
          %shift_left3A_905 = arith.shli %get3A_902, %shift_left3A_904 : vector<16xi32>
          %bitcast_convert_type3A_906 = tpu.bitcast %shift_left3A_905 : vector<16xi32> -> vector<16xf32>
          %bitcast_convert_type3A_907 = tpu.bitcast %get3A_902 : vector<16xi32> -> vector<16xf32>
          %add3A_908 = arith.addf %bitcast_convert_type3A_895, %bitcast_convert_type3A_906 : vector<16xf32>
          %add3A_909 = arith.addf %bitcast_convert_type3A_896, %bitcast_convert_type3A_907 : vector<16xf32>
          %add3A_910 = arith.constant 80 : i32
          %add3A_911 = arith.addi %add3A_910, %scan3A_248 : i32
          %get3A_912 = arith.index_cast %add3A_911 : i32 to index
          %get3A_913 = arith.constant 48 : index
          %get3A_914 = tpu.vector_load %arg10[%get3A_912, %get3A_913] {strides = array<i32>} : memref<640x64xi32, #tpu.memory_space<vmem>>, vector<1x16xi32>,
          %get3A_915 = vector.shape_cast %get3A_914 : vector<1x16xi32> to vector<16xi32>
          %shift_left3A_916 = arith.constant 16 : i32
          %shift_left3A_917 = vector.broadcast %shift_left3A_916 : i32 to vector<16xi32>
          %shift_left3A_918 = arith.shli %get3A_915, %shift_left3A_917 : vector<16xi32>
          %bitcast_convert_type3A_919 = tpu.bitcast %shift_left3A_918 : vector<16xi32> -> vector<16xf32>
          %bitcast_convert_type3A_920 = tpu.bitcast %get3A_915 : vector<16xi32> -> vector<16xf32>
          %add3A_921 = arith.addf %add3A_908, %bitcast_convert_type3A_919 : vector<16xf32>
          %add3A_922 = arith.addf %add3A_909, %bitcast_convert_type3A_920 : vector<16xf32>
          %add3A_923 = arith.constant 120 : i32
          %add3A_924 = arith.addi %add3A_923, %scan3A_248 : i32
          %get3A_925 = arith.index_cast %add3A_924 : i32 to index
          %get3A_926 = arith.constant 48 : index
          %get3A_927 = tpu.vector_load %arg10[%get3A_925, %get3A_926] {strides = array<i32>} : memref<640x64xi32, #tpu.memory_space<vmem>>, vector<1x16xi32>,
          %get3A_928 = vector.shape_cast %get3A_927 : vector<1x16xi32> to vector<16xi32>
          %shift_left3A_929 = arith.constant 16 : i32
          %shift_left3A_930 = vector.broadcast %shift_left3A_929 : i32 to vector<16xi32>
          %shift_left3A_931 = arith.shli %get3A_928, %shift_left3A_930 : vector<16xi32>
          %bitcast_convert_type3A_932 = tpu.bitcast %shift_left3A_931 : vector<16xi32> -> vector<16xf32>
          %bitcast_convert_type3A_933 = tpu.bitcast %get3A_928 : vector<16xi32> -> vector<16xf32>
          %add3A_934 = arith.addf %add3A_921, %bitcast_convert_type3A_932 : vector<16xf32>
          %add3A_935 = arith.addf %add3A_922, %bitcast_convert_type3A_933 : vector<16xf32>
          %add3A_936 = arith.constant 160 : i32
          %add3A_937 = arith.addi %add3A_936, %scan3A_248 : i32
          %get3A_938 = arith.index_cast %add3A_937 : i32 to index
          %get3A_939 = arith.constant 48 : index
          %get3A_940 = tpu.vector_load %arg10[%get3A_938, %get3A_939] {strides = array<i32>} : memref<640x64xi32, #tpu.memory_space<vmem>>, vector<1x16xi32>,
          %get3A_941 = vector.shape_cast %get3A_940 : vector<1x16xi32> to vector<16xi32>
          %shift_left3A_942 = arith.constant 16 : i32
          %shift_left3A_943 = vector.broadcast %shift_left3A_942 : i32 to vector<16xi32>
          %shift_left3A_944 = arith.shli %get3A_941, %shift_left3A_943 : vector<16xi32>
          %bitcast_convert_type3A_945 = tpu.bitcast %shift_left3A_944 : vector<16xi32> -> vector<16xf32>
          %bitcast_convert_type3A_946 = tpu.bitcast %get3A_941 : vector<16xi32> -> vector<16xf32>
          %add3A_947 = arith.addf %add3A_934, %bitcast_convert_type3A_945 : vector<16xf32>
          %add3A_948 = arith.addf %add3A_935, %bitcast_convert_type3A_946 : vector<16xf32>
          %add3A_949 = arith.constant 200 : i32
          %add3A_950 = arith.addi %add3A_949, %scan3A_248 : i32
          %get3A_951 = arith.index_cast %add3A_950 : i32 to index
          %get3A_952 = arith.constant 48 : index
          %get3A_953 = tpu.vector_load %arg10[%get3A_951, %get3A_952] {strides = array<i32>} : memref<640x64xi32, #tpu.memory_space<vmem>>, vector<1x16xi32>,
          %get3A_954 = vector.shape_cast %get3A_953 : vector<1x16xi32> to vector<16xi32>
          %shift_left3A_955 = arith.constant 16 : i32
          %shift_left3A_956 = vector.broadcast %shift_left3A_955 : i32 to vector<16xi32>
          %shift_left3A_957 = arith.shli %get3A_954, %shift_left3A_956 : vector<16xi32>
          %bitcast_convert_type3A_958 = tpu.bitcast %shift_left3A_957 : vector<16xi32> -> vector<16xf32>
          %bitcast_convert_type3A_959 = tpu.bitcast %get3A_954 : vector<16xi32> -> vector<16xf32>
          %add3A_960 = arith.addf %add3A_947, %bitcast_convert_type3A_958 : vector<16xf32>
          %add3A_961 = arith.addf %add3A_948, %bitcast_convert_type3A_959 : vector<16xf32>
          %add3A_962 = arith.constant 240 : i32
          %add3A_963 = arith.addi %add3A_962, %scan3A_248 : i32
          %get3A_964 = arith.index_cast %add3A_963 : i32 to index
          %get3A_965 = arith.constant 48 : index
          %get3A_966 = tpu.vector_load %arg10[%get3A_964, %get3A_965] {strides = array<i32>} : memref<640x64xi32, #tpu.memory_space<vmem>>, vector<1x16xi32>,
          %get3A_967 = vector.shape_cast %get3A_966 : vector<1x16xi32> to vector<16xi32>
          %shift_left3A_968 = arith.constant 16 : i32
          %shift_left3A_969 = vector.broadcast %shift_left3A_968 : i32 to vector<16xi32>
          %shift_left3A_970 = arith.shli %get3A_967, %shift_left3A_969 : vector<16xi32>
          %bitcast_convert_type3A_971 = tpu.bitcast %shift_left3A_970 : vector<16xi32> -> vector<16xf32>
          %bitcast_convert_type3A_972 = tpu.bitcast %get3A_967 : vector<16xi32> -> vector<16xf32>
          %add3A_973 = arith.addf %add3A_960, %bitcast_convert_type3A_971 : vector<16xf32>
          %add3A_974 = arith.addf %add3A_961, %bitcast_convert_type3A_972 : vector<16xf32>
          %add3A_975 = arith.constant 280 : i32
          %add3A_976 = arith.addi %add3A_975, %scan3A_248 : i32
          %get3A_977 = arith.index_cast %add3A_976 : i32 to index
          %get3A_978 = arith.constant 48 : index
          %get3A_979 = tpu.vector_load %arg10[%get3A_977, %get3A_978] {strides = array<i32>} : memref<640x64xi32, #tpu.memory_space<vmem>>, vector<1x16xi32>,
          %get3A_980 = vector.shape_cast %get3A_979 : vector<1x16xi32> to vector<16xi32>
          %shift_left3A_981 = arith.constant 16 : i32
          %shift_left3A_982 = vector.broadcast %shift_left3A_981 : i32 to vector<16xi32>
          %shift_left3A_983 = arith.shli %get3A_980, %shift_left3A_982 : vector<16xi32>
          %bitcast_convert_type3A_984 = tpu.bitcast %shift_left3A_983 : vector<16xi32> -> vector<16xf32>
          %bitcast_convert_type3A_985 = tpu.bitcast %get3A_980 : vector<16xi32> -> vector<16xf32>
          %add3A_986 = arith.addf %add3A_973, %bitcast_convert_type3A_984 : vector<16xf32>
          %add3A_987 = arith.addf %add3A_974, %bitcast_convert_type3A_985 : vector<16xf32>
          %add3A_988 = arith.constant 320 : i32
          %add3A_989 = arith.addi %add3A_988, %scan3A_248 : i32
          %get3A_990 = arith.index_cast %add3A_989 : i32 to index
          %get3A_991 = arith.constant 48 : index
          %get3A_992 = tpu.vector_load %arg10[%get3A_990, %get3A_991] {strides = array<i32>} : memref<640x64xi32, #tpu.memory_space<vmem>>, vector<1x16xi32>,
          %get3A_993 = vector.shape_cast %get3A_992 : vector<1x16xi32> to vector<16xi32>
          %shift_left3A_994 = arith.constant 16 : i32
          %shift_left3A_995 = vector.broadcast %shift_left3A_994 : i32 to vector<16xi32>
          %shift_left3A_996 = arith.shli %get3A_993, %shift_left3A_995 : vector<16xi32>
          %bitcast_convert_type3A_997 = tpu.bitcast %shift_left3A_996 : vector<16xi32> -> vector<16xf32>
          %bitcast_convert_type3A_998 = tpu.bitcast %get3A_993 : vector<16xi32> -> vector<16xf32>
          %add3A_999 = arith.addf %add3A_986, %bitcast_convert_type3A_997 : vector<16xf32>
          %add3A_1000 = arith.addf %add3A_987, %bitcast_convert_type3A_998 : vector<16xf32>
          %add3A_1001 = arith.constant 360 : i32
          %add3A_1002 = arith.addi %add3A_1001, %scan3A_248 : i32
          %get3A_1003 = arith.index_cast %add3A_1002 : i32 to index
          %get3A_1004 = arith.constant 48 : index
          %get3A_1005 = tpu.vector_load %arg10[%get3A_1003, %get3A_1004] {strides = array<i32>} : memref<640x64xi32, #tpu.memory_space<vmem>>, vector<1x16xi32>,
          %get3A_1006 = vector.shape_cast %get3A_1005 : vector<1x16xi32> to vector<16xi32>
          %shift_left3A_1007 = arith.constant 16 : i32
          %shift_left3A_1008 = vector.broadcast %shift_left3A_1007 : i32 to vector<16xi32>
          %shift_left3A_1009 = arith.shli %get3A_1006, %shift_left3A_1008 : vector<16xi32>
          %bitcast_convert_type3A_1010 = tpu.bitcast %shift_left3A_1009 : vector<16xi32> -> vector<16xf32>
          %bitcast_convert_type3A_1011 = tpu.bitcast %get3A_1006 : vector<16xi32> -> vector<16xf32>
          %add3A_1012 = arith.addf %add3A_999, %bitcast_convert_type3A_1010 : vector<16xf32>
          %add3A_1013 = arith.addf %add3A_1000, %bitcast_convert_type3A_1011 : vector<16xf32>
          %add3A_1014 = arith.constant 400 : i32
          %add3A_1015 = arith.addi %add3A_1014, %scan3A_248 : i32
          %get3A_1016 = arith.index_cast %add3A_1015 : i32 to index
          %get3A_1017 = arith.constant 48 : index
          %get3A_1018 = tpu.vector_load %arg10[%get3A_1016, %get3A_1017] {strides = array<i32>} : memref<640x64xi32, #tpu.memory_space<vmem>>, vector<1x16xi32>,
          %get3A_1019 = vector.shape_cast %get3A_1018 : vector<1x16xi32> to vector<16xi32>
          %shift_left3A_1020 = arith.constant 16 : i32
          %shift_left3A_1021 = vector.broadcast %shift_left3A_1020 : i32 to vector<16xi32>
          %shift_left3A_1022 = arith.shli %get3A_1019, %shift_left3A_1021 : vector<16xi32>
          %bitcast_convert_type3A_1023 = tpu.bitcast %shift_left3A_1022 : vector<16xi32> -> vector<16xf32>
          %bitcast_convert_type3A_1024 = tpu.bitcast %get3A_1019 : vector<16xi32> -> vector<16xf32>
          %add3A_1025 = arith.addf %add3A_1012, %bitcast_convert_type3A_1023 : vector<16xf32>
          %add3A_1026 = arith.addf %add3A_1013, %bitcast_convert_type3A_1024 : vector<16xf32>
          %add3A_1027 = arith.constant 440 : i32
          %add3A_1028 = arith.addi %add3A_1027, %scan3A_248 : i32
          %get3A_1029 = arith.index_cast %add3A_1028 : i32 to index
          %get3A_1030 = arith.constant 48 : index
          %get3A_1031 = tpu.vector_load %arg10[%get3A_1029, %get3A_1030] {strides = array<i32>} : memref<640x64xi32, #tpu.memory_space<vmem>>, vector<1x16xi32>,
          %get3A_1032 = vector.shape_cast %get3A_1031 : vector<1x16xi32> to vector<16xi32>
          %shift_left3A_1033 = arith.constant 16 : i32
          %shift_left3A_1034 = vector.broadcast %shift_left3A_1033 : i32 to vector<16xi32>
          %shift_left3A_1035 = arith.shli %get3A_1032, %shift_left3A_1034 : vector<16xi32>
          %bitcast_convert_type3A_1036 = tpu.bitcast %shift_left3A_1035 : vector<16xi32> -> vector<16xf32>
          %bitcast_convert_type3A_1037 = tpu.bitcast %get3A_1032 : vector<16xi32> -> vector<16xf32>
          %add3A_1038 = arith.addf %add3A_1025, %bitcast_convert_type3A_1036 : vector<16xf32>
          %add3A_1039 = arith.addf %add3A_1026, %bitcast_convert_type3A_1037 : vector<16xf32>
          %add3A_1040 = arith.constant 480 : i32
          %add3A_1041 = arith.addi %add3A_1040, %scan3A_248 : i32
          %get3A_1042 = arith.index_cast %add3A_1041 : i32 to index
          %get3A_1043 = arith.constant 48 : index
          %get3A_1044 = tpu.vector_load %arg10[%get3A_1042, %get3A_1043] {strides = array<i32>} : memref<640x64xi32, #tpu.memory_space<vmem>>, vector<1x16xi32>,
          %get3A_1045 = vector.shape_cast %get3A_1044 : vector<1x16xi32> to vector<16xi32>
          %shift_left3A_1046 = arith.constant 16 : i32
          %shift_left3A_1047 = vector.broadcast %shift_left3A_1046 : i32 to vector<16xi32>
          %shift_left3A_1048 = arith.shli %get3A_1045, %shift_left3A_1047 : vector<16xi32>
          %bitcast_convert_type3A_1049 = tpu.bitcast %shift_left3A_1048 : vector<16xi32> -> vector<16xf32>
          %bitcast_convert_type3A_1050 = tpu.bitcast %get3A_1045 : vector<16xi32> -> vector<16xf32>
          %add3A_1051 = arith.addf %add3A_1038, %bitcast_convert_type3A_1049 : vector<16xf32>
          %add3A_1052 = arith.addf %add3A_1039, %bitcast_convert_type3A_1050 : vector<16xf32>
          %add3A_1053 = arith.constant 520 : i32
          %add3A_1054 = arith.addi %add3A_1053, %scan3A_248 : i32
          %get3A_1055 = arith.index_cast %add3A_1054 : i32 to index
          %get3A_1056 = arith.constant 48 : index
          %get3A_1057 = tpu.vector_load %arg10[%get3A_1055, %get3A_1056] {strides = array<i32>} : memref<640x64xi32, #tpu.memory_space<vmem>>, vector<1x16xi32>,
          %get3A_1058 = vector.shape_cast %get3A_1057 : vector<1x16xi32> to vector<16xi32>
          %shift_left3A_1059 = arith.constant 16 : i32
          %shift_left3A_1060 = vector.broadcast %shift_left3A_1059 : i32 to vector<16xi32>
          %shift_left3A_1061 = arith.shli %get3A_1058, %shift_left3A_1060 : vector<16xi32>
          %bitcast_convert_type3A_1062 = tpu.bitcast %shift_left3A_1061 : vector<16xi32> -> vector<16xf32>
          %bitcast_convert_type3A_1063 = tpu.bitcast %get3A_1058 : vector<16xi32> -> vector<16xf32>
          %add3A_1064 = arith.addf %add3A_1051, %bitcast_convert_type3A_1062 : vector<16xf32>
          %add3A_1065 = arith.addf %add3A_1052, %bitcast_convert_type3A_1063 : vector<16xf32>
          %add3A_1066 = arith.constant 560 : i32
          %add3A_1067 = arith.addi %add3A_1066, %scan3A_248 : i32
          %get3A_1068 = arith.index_cast %add3A_1067 : i32 to index
          %get3A_1069 = arith.constant 48 : index
          %get3A_1070 = tpu.vector_load %arg10[%get3A_1068, %get3A_1069] {strides = array<i32>} : memref<640x64xi32, #tpu.memory_space<vmem>>, vector<1x16xi32>,
          %get3A_1071 = vector.shape_cast %get3A_1070 : vector<1x16xi32> to vector<16xi32>
          %shift_left3A_1072 = arith.constant 16 : i32
          %shift_left3A_1073 = vector.broadcast %shift_left3A_1072 : i32 to vector<16xi32>
          %shift_left3A_1074 = arith.shli %get3A_1071, %shift_left3A_1073 : vector<16xi32>
          %bitcast_convert_type3A_1075 = tpu.bitcast %shift_left3A_1074 : vector<16xi32> -> vector<16xf32>
          %bitcast_convert_type3A_1076 = tpu.bitcast %get3A_1071 : vector<16xi32> -> vector<16xf32>
          %add3A_1077 = arith.addf %add3A_1064, %bitcast_convert_type3A_1075 : vector<16xf32>
          %add3A_1078 = arith.addf %add3A_1065, %bitcast_convert_type3A_1076 : vector<16xf32>
          %add3A_1079 = arith.constant 600 : i32
          %add3A_1080 = arith.addi %add3A_1079, %scan3A_248 : i32
          %get3A_1081 = arith.index_cast %add3A_1080 : i32 to index
          %get3A_1082 = arith.constant 48 : index
          %get3A_1083 = tpu.vector_load %arg10[%get3A_1081, %get3A_1082] {strides = array<i32>} : memref<640x64xi32, #tpu.memory_space<vmem>>, vector<1x16xi32>,
          %get3A_1084 = vector.shape_cast %get3A_1083 : vector<1x16xi32> to vector<16xi32>
          %shift_left3A_1085 = arith.constant 16 : i32
          %shift_left3A_1086 = vector.broadcast %shift_left3A_1085 : i32 to vector<16xi32>
          %shift_left3A_1087 = arith.shli %get3A_1084, %shift_left3A_1086 : vector<16xi32>
          %bitcast_convert_type3A_1088 = tpu.bitcast %shift_left3A_1087 : vector<16xi32> -> vector<16xf32>
          %bitcast_convert_type3A_1089 = tpu.bitcast %get3A_1084 : vector<16xi32> -> vector<16xf32>
          %add3A_1090 = arith.addf %add3A_1077, %bitcast_convert_type3A_1088 : vector<16xf32>
          %add3A_1091 = arith.addf %add3A_1078, %bitcast_convert_type3A_1089 : vector<16xf32>
          %swap3A_1092 = arith.index_cast %scan3A_248 : i32 to index
          %swap3A_1093 = arith.constant 96 : index
          %swap3A_1094 = tpu.vector_load %arg12[%swap3A_1092, %swap3A_1093] {strides = array<i32>} : memref<40x128xf32, #tpu.memory_space<vmem>>, vector<1x16xf32>,
          %swap3A_1095 = vector.shape_cast %swap3A_1094 : vector<1x16xf32> to vector<16xf32>
          %swap3A_1096 = vector.shape_cast %add3A_1090 : vector<16xf32> to vector<1x16xf32>
          tpu.vector_store %arg12[%swap3A_1092, %swap3A_1093], %swap3A_1096 {strides = array<i32>} : memref<40x128xf32, #tpu.memory_space<vmem>>, vector<1x16xf32>,
          %swap3A_1097 = arith.index_cast %scan3A_248 : i32 to index
          %swap3A_1098 = arith.constant 112 : index
          %swap3A_1099 = tpu.vector_load %arg12[%swap3A_1097, %swap3A_1098] {strides = array<i32>} : memref<40x128xf32, #tpu.memory_space<vmem>>, vector<1x16xf32>,
          %swap3A_1100 = vector.shape_cast %swap3A_1099 : vector<1x16xf32> to vector<16xf32>
          %swap3A_1101 = vector.shape_cast %add3A_1091 : vector<16xf32> to vector<1x16xf32>
          tpu.vector_store %arg12[%swap3A_1097, %swap3A_1098], %swap3A_1101 {strides = array<i32>} : memref<40x128xf32, #tpu.memory_space<vmem>>, vector<1x16xf32>,
          %scan3A_1102 = arith.constant 0 : i32
          scf.yield %scan3A_1102 : i32
        }
        %scan3A_239 = arith.constant 40 : i32
        %mul3A_240 = arith.constant 32 : i32
        %mul3A_241 = arith.muli %add3A_190, %mul3A_240 : i32
        %add3A_242 = arith.addi %add3A, %mul3A_241 : i32
        %mul3A_243 = arith.constant 40 : i32
        %mul3A_244 = arith.muli %add3A_242, %mul3A_243 : i32
        %dma_start3A = arith.constant 0 : i32
        %dma_start3A_245 = tpu.memref_slice %arg4[%mul3A_244, %dma_start3A] : memref<80000x128xf32, #tpu.memory_space<hbm>> -> memref<40x128xf32, #tpu.memory_space<hbm>>
        %dma_start3A_246 = arith.constant 0 : i32
        %dma_start3A_247 = tpu.memref_slice %arg4[%mul3A_244, %dma_start3A_246] : memref<80000x128xf32, #tpu.memory_space<hbm>> -> memref<40x128xf32, #tpu.memory_space<hbm>>
        tpu.enqueue_dma source(%arg12 : memref<40x128xf32, #tpu.memory_space<vmem>>) target(%dma_start3A_247 : memref<40x128xf32, #tpu.memory_space<hbm>>) target_semaphore(%arg16 : memref<!tpu.dma_semaphore, #tpu.memory_space<semaphore_mem>>)
      } else {
      }
      %scan3A_227 = arith.constant 0 : i32
      scf.yield %scan3A_227 : i32
    }
    %scan3A_24 = arith.constant 32 : i32
    %sub3A = arith.constant 2000 : i32
    %sub3A_25 = arith.subi %sub3A, %add3A : i32
    %add3A_26 = arith.constant 32 : i32
    %add3A_27 = arith.addi %sub3A_25, %add3A_26 : i32
    %sub3A_28 = arith.constant 1 : i32
    %sub3A_29 = arith.subi %add3A_27, %sub3A_28 : i32
    %jit3A = arith.constant 32 : i32
    %div3A = arith.divsi %sub3A_29, %jit3A : i32
    %sign3A = arith.constant 0 : i32
    %sign3A_30 = arith.cmpi sgt, %sub3A_29, %sign3A : i32
    %sign3A_31 = arith.extui %sign3A_30 : i1 to i32
    %sign3A_32 = arith.constant 0 : i32
    %sign3A_33 = arith.cmpi slt, %sub3A_29, %sign3A_32 : i32
    %sign3A_34 = arith.extui %sign3A_33 : i1 to i32
    %sign3A_35 = arith.subi %sign3A_31, %sign3A_34 : i32
    %sign3A_36 = arith.constant 0 : i32
    %sign3A_37 = arith.cmpi sgt, %jit3A, %sign3A_36 : i32
    %sign3A_38 = arith.extui %sign3A_37 : i1 to i32
    %sign3A_39 = arith.constant 0 : i32
    %sign3A_40 = arith.cmpi slt, %jit3A, %sign3A_39 : i32
    %sign3A_41 = arith.extui %sign3A_40 : i1 to i32
    %sign3A_42 = arith.subi %sign3A_38, %sign3A_41 : i32
    %ne3A = arith.cmpi ne, %sign3A_35, %sign3A_42 : i32
    %rem3A = arith.remsi %sub3A_29, %jit3A : i32
    %ne3A_43 = arith.constant 0 : i32
    %ne3A_44 = arith.cmpi ne, %rem3A, %ne3A_43 : i32
    %and3A = arith.andi %ne3A, %ne3A_44 : i1
    %sub3A_45 = arith.constant 1 : i32
    %sub3A_46 = arith.subi %div3A, %sub3A_45 : i32
    %select_n3A = arith.select %and3A, %sub3A_46, %div3A : i32
    %ge3A = arith.constant 1 : i32
    %ge3A_47 = arith.cmpi sge, %select_n3A, %ge3A : i32
    %sub3A_48 = arith.constant 1 : i32
    %sub3A_49 = arith.subi %select_n3A, %sub3A_48 : i32
    %jit3A_50 = arith.constant 2 : i32
    %eq3A = arith.constant 0 : i32
    %eq3A_51 = arith.cmpi eq, %jit3A_50, %eq3A : i32
    %jit3A_52 = arith.constant 1 : i32
    %select_n3A_53 = arith.select %eq3A_51, %jit3A_52, %jit3A_50 : i32
    %rem3A_54 = arith.remsi %sub3A_49, %select_n3A_53 : i32
    %ne3A_55 = arith.constant 0 : i32
    %ne3A_56 = arith.cmpi ne, %rem3A_54, %ne3A_55 : i32
    %lt3A_57 = arith.constant 0 : i32
    %lt3A_58 = arith.cmpi slt, %rem3A_54, %lt3A_57 : i32
    %lt3A_59 = arith.constant 0 : i32
    %lt3A_60 = arith.cmpi slt, %select_n3A_53, %lt3A_59 : i32
    %ne3A_61 = arith.xori %lt3A_58, %lt3A_60 : i1
    %and3A_62 = arith.andi %ne3A_61, %ne3A_56 : i1
    %add3A_63 = arith.addi %rem3A_54, %select_n3A_53 : i32
    %select_n3A_64 = arith.select %and3A_62, %add3A_63, %rem3A_54 : i32
    %eq3A_65 = arith.constant 0 : i32
    %eq3A_66 = arith.cmpi eq, %select_n3A_64, %eq3A_65 : i32
    %and3A_67 = arith.andi %ge3A_47, %eq3A_66 : i1
    %convert_element_type3A_68 = arith.extui %and3A_67 : i1 to i32
    %cond3A_69 = arith.constant 0 : i32
    %cond3A_70 = arith.cmpi ne, %convert_element_type3A_68, %cond3A_69 : i32
    scf.if %cond3A_70 {
      %sub3A_149 = arith.constant 1 : i32
      %sub3A_150 = arith.subi %select_n3A, %sub3A_149 : i32
      %mul3A_151 = arith.constant 32 : i32
      %mul3A_152 = arith.muli %sub3A_150, %mul3A_151 : i32
      %add3A_153 = arith.addi %add3A, %mul3A_152 : i32
      %mul3A_154 = arith.constant 40 : i32
      %mul3A_155 = arith.muli %add3A_153, %mul3A_154 : i32
      %dma_wait3A = arith.constant 0 : i32
      %dma_wait3A_156 = tpu.memref_slice %arg4[%mul3A_155, %dma_wait3A] : memref<80000x128xf32, #tpu.memory_space<hbm>> -> memref<40x128xf32, #tpu.memory_space<hbm>>
      %dma_wait3A_157 = arith.constant 0 : i32
      %dma_wait3A_158 = tpu.memref_slice %arg4[%mul3A_155, %dma_wait3A_157] : memref<80000x128xf32, #tpu.memory_space<hbm>> -> memref<40x128xf32, #tpu.memory_space<hbm>>
      tpu.wait_dma2 semaphore(%arg15 : memref<!tpu.dma_semaphore, #tpu.memory_space<semaphore_mem>>) src(%arg11 : memref<40x128xf32, #tpu.memory_space<vmem>>) dst(%dma_wait3A_158 : memref<40x128xf32, #tpu.memory_space<hbm>>)
    } else {
    }
    %ge3A_71 = arith.constant 2 : i32
    %ge3A_72 = arith.cmpi sge, %select_n3A, %ge3A_71 : i32
    %sub3A_73 = arith.constant 2 : i32
    %sub3A_74 = arith.subi %select_n3A, %sub3A_73 : i32
    %jit3A_75 = arith.constant 2 : i32
    %eq3A_76 = arith.constant 0 : i32
    %eq3A_77 = arith.cmpi eq, %jit3A_75, %eq3A_76 : i32
    %jit3A_78 = arith.constant 1 : i32
    %select_n3A_79 = arith.select %eq3A_77, %jit3A_78, %jit3A_75 : i32
    %rem3A_80 = arith.remsi %sub3A_74, %select_n3A_79 : i32
    %ne3A_81 = arith.constant 0 : i32
    %ne3A_82 = arith.cmpi ne, %rem3A_80, %ne3A_81 : i32
    %lt3A_83 = arith.constant 0 : i32
    %lt3A_84 = arith.cmpi slt, %rem3A_80, %lt3A_83 : i32
    %lt3A_85 = arith.constant 0 : i32
    %lt3A_86 = arith.cmpi slt, %select_n3A_79, %lt3A_85 : i32
    %ne3A_87 = arith.xori %lt3A_84, %lt3A_86 : i1
    %and3A_88 = arith.andi %ne3A_87, %ne3A_82 : i1
    %add3A_89 = arith.addi %rem3A_80, %select_n3A_79 : i32
    %select_n3A_90 = arith.select %and3A_88, %add3A_89, %rem3A_80 : i32
    %eq3A_91 = arith.constant 0 : i32
    %eq3A_92 = arith.cmpi eq, %select_n3A_90, %eq3A_91 : i32
    %and3A_93 = arith.andi %ge3A_72, %eq3A_92 : i1
    %convert_element_type3A_94 = arith.extui %and3A_93 : i1 to i32
    %cond3A_95 = arith.constant 0 : i32
    %cond3A_96 = arith.cmpi ne, %convert_element_type3A_94, %cond3A_95 : i32
    scf.if %cond3A_96 {
      %sub3A_149 = arith.constant 2 : i32
      %sub3A_150 = arith.subi %select_n3A, %sub3A_149 : i32
      %mul3A_151 = arith.constant 32 : i32
      %mul3A_152 = arith.muli %sub3A_150, %mul3A_151 : i32
      %add3A_153 = arith.addi %add3A, %mul3A_152 : i32
      %mul3A_154 = arith.constant 40 : i32
      %mul3A_155 = arith.muli %add3A_153, %mul3A_154 : i32
      %dma_wait3A = arith.constant 0 : i32
      %dma_wait3A_156 = tpu.memref_slice %arg4[%mul3A_155, %dma_wait3A] : memref<80000x128xf32, #tpu.memory_space<hbm>> -> memref<40x128xf32, #tpu.memory_space<hbm>>
      %dma_wait3A_157 = arith.constant 0 : i32
      %dma_wait3A_158 = tpu.memref_slice %arg4[%mul3A_155, %dma_wait3A_157] : memref<80000x128xf32, #tpu.memory_space<hbm>> -> memref<40x128xf32, #tpu.memory_space<hbm>>
      tpu.wait_dma2 semaphore(%arg15 : memref<!tpu.dma_semaphore, #tpu.memory_space<semaphore_mem>>) src(%arg11 : memref<40x128xf32, #tpu.memory_space<vmem>>) dst(%dma_wait3A_158 : memref<40x128xf32, #tpu.memory_space<hbm>>)
    } else {
    }
    %ge3A_97 = arith.constant 1 : i32
    %ge3A_98 = arith.cmpi sge, %select_n3A, %ge3A_97 : i32
    %sub3A_99 = arith.constant 1 : i32
    %sub3A_100 = arith.subi %select_n3A, %sub3A_99 : i32
    %jit3A_101 = arith.constant 2 : i32
    %eq3A_102 = arith.constant 0 : i32
    %eq3A_103 = arith.cmpi eq, %jit3A_101, %eq3A_102 : i32
    %jit3A_104 = arith.constant 1 : i32
    %select_n3A_105 = arith.select %eq3A_103, %jit3A_104, %jit3A_101 : i32
    %rem3A_106 = arith.remsi %sub3A_100, %select_n3A_105 : i32
    %ne3A_107 = arith.constant 0 : i32
    %ne3A_108 = arith.cmpi ne, %rem3A_106, %ne3A_107 : i32
    %lt3A_109 = arith.constant 0 : i32
    %lt3A_110 = arith.cmpi slt, %rem3A_106, %lt3A_109 : i32
    %lt3A_111 = arith.constant 0 : i32
    %lt3A_112 = arith.cmpi slt, %select_n3A_105, %lt3A_111 : i32
    %ne3A_113 = arith.xori %lt3A_110, %lt3A_112 : i1
    %and3A_114 = arith.andi %ne3A_113, %ne3A_108 : i1
    %add3A_115 = arith.addi %rem3A_106, %select_n3A_105 : i32
    %select_n3A_116 = arith.select %and3A_114, %add3A_115, %rem3A_106 : i32
    %eq3A_117 = arith.constant 1 : i32
    %eq3A_118 = arith.cmpi eq, %select_n3A_116, %eq3A_117 : i32
    %and3A_119 = arith.andi %ge3A_98, %eq3A_118 : i1
    %convert_element_type3A_120 = arith.extui %and3A_119 : i1 to i32
    %cond3A_121 = arith.constant 0 : i32
    %cond3A_122 = arith.cmpi ne, %convert_element_type3A_120, %cond3A_121 : i32
    scf.if %cond3A_122 {
      %sub3A_149 = arith.constant 1 : i32
      %sub3A_150 = arith.subi %select_n3A, %sub3A_149 : i32
      %mul3A_151 = arith.constant 32 : i32
      %mul3A_152 = arith.muli %sub3A_150, %mul3A_151 : i32
      %add3A_153 = arith.addi %add3A, %mul3A_152 : i32
      %mul3A_154 = arith.constant 40 : i32
      %mul3A_155 = arith.muli %add3A_153, %mul3A_154 : i32
      %dma_wait3A = arith.constant 0 : i32
      %dma_wait3A_156 = tpu.memref_slice %arg4[%mul3A_155, %dma_wait3A] : memref<80000x128xf32, #tpu.memory_space<hbm>> -> memref<40x128xf32, #tpu.memory_space<hbm>>
      %dma_wait3A_157 = arith.constant 0 : i32
      %dma_wait3A_158 = tpu.memref_slice %arg4[%mul3A_155, %dma_wait3A_157] : memref<80000x128xf32, #tpu.memory_space<hbm>> -> memref<40x128xf32, #tpu.memory_space<hbm>>
      tpu.wait_dma2 semaphore(%arg16 : memref<!tpu.dma_semaphore, #tpu.memory_space<semaphore_mem>>) src(%arg12 : memref<40x128xf32, #tpu.memory_space<vmem>>) dst(%dma_wait3A_158 : memref<40x128xf32, #tpu.memory_space<hbm>>)
    } else {
    }
    %ge3A_123 = arith.constant 2 : i32
    %ge3A_124 = arith.cmpi sge, %select_n3A, %ge3A_123 : i32
    %sub3A_125 = arith.constant 2 : i32
    %sub3A_126 = arith.subi %select_n3A, %sub3A_125 : i32
    %jit3A_127 = arith.constant 2 : i32
    %eq3A_128 = arith.constant 0 : i32
    %eq3A_129 = arith.cmpi eq, %jit3A_127, %eq3A_128 : i32
    %jit3A_130 = arith.constant 1 : i32
    %select_n3A_131 = arith.select %eq3A_129, %jit3A_130, %jit3A_127 : i32
    %rem3A_132 = arith.remsi %sub3A_126, %select_n3A_131 : i32
    %ne3A_133 = arith.constant 0 : i32
    %ne3A_134 = arith.cmpi ne, %rem3A_132, %ne3A_133 : i32
    %lt3A_135 = arith.constant 0 : i32
    %lt3A_136 = arith.cmpi slt, %rem3A_132, %lt3A_135 : i32
    %lt3A_137 = arith.constant 0 : i32
    %lt3A_138 = arith.cmpi slt, %select_n3A_131, %lt3A_137 : i32
    %ne3A_139 = arith.xori %lt3A_136, %lt3A_138 : i1
    %and3A_140 = arith.andi %ne3A_139, %ne3A_134 : i1
    %add3A_141 = arith.addi %rem3A_132, %select_n3A_131 : i32
    %select_n3A_142 = arith.select %and3A_140, %add3A_141, %rem3A_132 : i32
    %eq3A_143 = arith.constant 1 : i32
    %eq3A_144 = arith.cmpi eq, %select_n3A_142, %eq3A_143 : i32
    %and3A_145 = arith.andi %ge3A_124, %eq3A_144 : i1
    %convert_element_type3A_146 = arith.extui %and3A_145 : i1 to i32
    %cond3A_147 = arith.constant 0 : i32
    %cond3A_148 = arith.cmpi ne, %convert_element_type3A_146, %cond3A_147 : i32
    scf.if %cond3A_148 {
      %sub3A_149 = arith.constant 2 : i32
      %sub3A_150 = arith.subi %select_n3A, %sub3A_149 : i32
      %mul3A_151 = arith.constant 32 : i32
      %mul3A_152 = arith.muli %sub3A_150, %mul3A_151 : i32
      %add3A_153 = arith.addi %add3A, %mul3A_152 : i32
      %mul3A_154 = arith.constant 40 : i32
      %mul3A_155 = arith.muli %add3A_153, %mul3A_154 : i32
      %dma_wait3A = arith.constant 0 : i32
      %dma_wait3A_156 = tpu.memref_slice %arg4[%mul3A_155, %dma_wait3A] : memref<80000x128xf32, #tpu.memory_space<hbm>> -> memref<40x128xf32, #tpu.memory_space<hbm>>
      %dma_wait3A_157 = arith.constant 0 : i32
      %dma_wait3A_158 = tpu.memref_slice %arg4[%mul3A_155, %dma_wait3A_157] : memref<80000x128xf32, #tpu.memory_space<hbm>> -> memref<40x128xf32, #tpu.memory_space<hbm>>
      tpu.wait_dma2 semaphore(%arg16 : memref<!tpu.dma_semaphore, #tpu.memory_space<semaphore_mem>>) src(%arg12 : memref<40x128xf32, #tpu.memory_space<vmem>>) dst(%dma_wait3A_158 : memref<40x128xf32, #tpu.memory_space<hbm>>)
    } else {
    }
    return
  }
}

module attributes {stable_mosaic.version = 14 : i64} {
  func.func @_mm_body(%arg0: i32, %arg1: memref<2000x128xf32, #tpu.memory_space<vmem>>, %arg2: memref<2000x128xf32, #tpu.memory_space<vmem>>, %arg3: memref<128x128xf32, #tpu.memory_space<vmem>>, %arg4: memref<2000x128xi32, #tpu.memory_space<vmem>>) attributes {dimension_semantics = [#tpu.dimension_semantics<arbitrary>], iteration_bounds = array<i64: 20>, scalar_prefetch = 0 : i64, scratch_operands = 0 : i64, tpu.core_type = #tpu.core_type<tc>, window_params = [{transform_indices = @transform_0, window_bounds = array<i64: 2000, 128>}, {transform_indices = @transform_1, window_bounds = array<i64: 2000, 128>}, {pipeline_mode = #tpu.pipeline_mode<synchronous>, transform_indices = @transform_2, window_bounds = array<i64: 128, 128>}, {transform_indices = @transform_3, window_bounds = array<i64: 2000, 128>}]} {
    %get3A = arith.constant 0 : index
    %get3A_0 = arith.constant 0 : index
    %get3A_1 = vector.load %arg3[%get3A, %get3A_0] : memref<128x128xf32, #tpu.memory_space<vmem>>, vector<128x128xf32>
    %mul3A = arith.constant 6.250000e-02 : f32
    %mul3A_2 = vector.broadcast %mul3A : f32 to vector<128x128xf32>
    %mul3A_3 = arith.mulf %get3A_1, %mul3A_2 : vector<128x128xf32>
    %get3A_4 = arith.constant 0 : index
    %get3A_5 = arith.constant 0 : index
    %get3A_6 = vector.load %arg1[%get3A_4, %get3A_5] : memref<2000x128xf32, #tpu.memory_space<vmem>>, vector<2000x128xf32>
    %dot_general3A = arith.constant dense<0.000000e+00> : vector<2000x128xf32>
    %dot_general3A_7 = tpu.matmul %get3A_6, %mul3A_3, %dot_general3A {dimension_numbers = #tpu.dot_dimension_numbers<[1], [0], [0], [1], [0, 0, 1, 1], [], []>, transpose_lhs_hint = false} : vector<2000x128xf32>, vector<128x128xf32>, vector<2000x128xf32> -> vector<2000x128xf32>
    %slice3A = vector.extract_strided_slice %dot_general3A_7 {offsets = [0, 0], sizes = [2000, 64], strides = [1, 1]} : vector<2000x128xf32> to vector<2000x64xf32>
    %convert_element_type3A = arith.truncf %slice3A : vector<2000x64xf32> to vector<2000x64xbf16>
    %bitcast_convert_type3A = tpu.bitcast %convert_element_type3A : vector<2000x64xbf16> -> vector<2000x64xi16>
    %convert_element_type3A_8 = arith.extui %bitcast_convert_type3A : vector<2000x64xi16> to vector<2000x64xi32>
    %slice3A_9 = vector.extract_strided_slice %dot_general3A_7 {offsets = [0, 64], sizes = [2000, 64], strides = [1, 1]} : vector<2000x128xf32> to vector<2000x64xf32>
    %convert_element_type3A_10 = arith.truncf %slice3A_9 : vector<2000x64xf32> to vector<2000x64xbf16>
    %bitcast_convert_type3A_11 = tpu.bitcast %convert_element_type3A_10 : vector<2000x64xbf16> -> vector<2000x64xi16>
    %convert_element_type3A_12 = arith.extui %bitcast_convert_type3A_11 : vector<2000x64xi16> to vector<2000x64xi32>
    %shift_left3A = arith.constant 16 : i32
    %shift_left3A_13 = vector.broadcast %shift_left3A : i32 to vector<2000x64xi32>
    %shift_left3A_14 = arith.shli %convert_element_type3A_12, %shift_left3A_13 : vector<2000x64xi32>
    %or3A = arith.ori %convert_element_type3A_8, %shift_left3A_14 : vector<2000x64xi32>
    %bitcast_convert_type3A_15 = tpu.bitcast %or3A : vector<2000x64xi32> -> vector<2000x64xi32>
    %swap3A = arith.constant 0 : index
    %swap3A_16 = arith.constant 0 : index
    %swap3A_17 = vector.load %arg4[%swap3A, %swap3A_16] : memref<2000x128xi32, #tpu.memory_space<vmem>>, vector<2000x64xi32>
    tpu.vector_store %arg4[%swap3A, %swap3A_16], %bitcast_convert_type3A_15 {strides = array<i32>} : memref<2000x128xi32, #tpu.memory_space<vmem>>, vector<2000x64xi32>,
    %get3A_18 = arith.constant 0 : index
    %get3A_19 = arith.constant 0 : index
    %get3A_20 = vector.load %arg2[%get3A_18, %get3A_19] : memref<2000x128xf32, #tpu.memory_space<vmem>>, vector<2000x128xf32>
    %dot_general3A_21 = arith.constant dense<0.000000e+00> : vector<2000x128xf32>
    %dot_general3A_22 = tpu.matmul %get3A_20, %mul3A_3, %dot_general3A_21 {dimension_numbers = #tpu.dot_dimension_numbers<[1], [0], [0], [1], [0, 0, 1, 1], [], []>, transpose_lhs_hint = false} : vector<2000x128xf32>, vector<128x128xf32>, vector<2000x128xf32> -> vector<2000x128xf32>
    %slice3A_23 = vector.extract_strided_slice %dot_general3A_22 {offsets = [0, 0], sizes = [2000, 64], strides = [1, 1]} : vector<2000x128xf32> to vector<2000x64xf32>
    %convert_element_type3A_24 = arith.truncf %slice3A_23 : vector<2000x64xf32> to vector<2000x64xbf16>
    %bitcast_convert_type3A_25 = tpu.bitcast %convert_element_type3A_24 : vector<2000x64xbf16> -> vector<2000x64xi16>
    %convert_element_type3A_26 = arith.extui %bitcast_convert_type3A_25 : vector<2000x64xi16> to vector<2000x64xi32>
    %slice3A_27 = vector.extract_strided_slice %dot_general3A_22 {offsets = [0, 64], sizes = [2000, 64], strides = [1, 1]} : vector<2000x128xf32> to vector<2000x64xf32>
    %convert_element_type3A_28 = arith.truncf %slice3A_27 : vector<2000x64xf32> to vector<2000x64xbf16>
    %bitcast_convert_type3A_29 = tpu.bitcast %convert_element_type3A_28 : vector<2000x64xbf16> -> vector<2000x64xi16>
    %convert_element_type3A_30 = arith.extui %bitcast_convert_type3A_29 : vector<2000x64xi16> to vector<2000x64xi32>
    %shift_left3A_31 = arith.constant 16 : i32
    %shift_left3A_32 = vector.broadcast %shift_left3A_31 : i32 to vector<2000x64xi32>
    %shift_left3A_33 = arith.shli %convert_element_type3A_30, %shift_left3A_32 : vector<2000x64xi32>
    %or3A_34 = arith.ori %convert_element_type3A_26, %shift_left3A_33 : vector<2000x64xi32>
    %bitcast_convert_type3A_35 = tpu.bitcast %or3A_34 : vector<2000x64xi32> -> vector<2000x64xi32>
    %swap3A_36 = arith.constant 0 : index
    %swap3A_37 = arith.constant 64 : index
    %swap3A_38 = vector.load %arg4[%swap3A_36, %swap3A_37] : memref<2000x128xi32, #tpu.memory_space<vmem>>, vector<2000x64xi32>
    tpu.vector_store %arg4[%swap3A_36, %swap3A_37], %bitcast_convert_type3A_35 {strides = array<i32>} : memref<2000x128xi32, #tpu.memory_space<vmem>>, vector<2000x64xi32>,
    return
  }
  func.func @transform_0(%arg0: i32) -> (i32, i32) {
    %c0_i32 = arith.constant 0 : i32
    %c0_i32_0 = arith.constant 0 : i32
    return %arg0, %c0_i32 : i32, i32
  }
  func.func @transform_1(%arg0: i32) -> (i32, i32) {
    %add3A = arith.constant 20 : i32
    %add3A_0 = arith.addi %arg0, %add3A : i32
    %c0_i32 = arith.constant 0 : i32
    %c0_i32_1 = arith.constant 0 : i32
    return %add3A_0, %c0_i32 : i32, i32
  }
  func.func @transform_2(%arg0: i32) -> (i32, i32) {
    %c0_i32 = arith.constant 0 : i32
    %c0_i32_0 = arith.constant 0 : i32
    %c0_i32_1 = arith.constant 0 : i32
    return %c0_i32, %c0_i32_0 : i32, i32
  }
  func.func @transform_3(%arg0: i32) -> (i32, i32) {
    %c0_i32 = arith.constant 0 : i32
    %c0_i32_0 = arith.constant 0 : i32
    return %arg0, %c0_i32 : i32, i32
  }
}

</mosaic_0001>

<sc_bundles>
// kernel: kernel.4.cloned.1.call-start
scs
__scs_entry_jumppad:
0x0: {  	(pc) =	sbr.rel $0x88, $3  }
0x1: {  	(tag) =	ssettag $0x0;
	lr =	simm.s32 $0x1  }
0x2: {  	[smem:$0x3F9E] =	sst lr;
	_ =	strace $0xD0000000  }
0x3: {  	_ = 	snop  }
0x4: {  	_ = 	snop  }
0x5: {  	_ = 	snop  }
0x6: {  	_ = 	snop  }
0x7: {  	_ = 	snop  }
__scs_overlays_trampoline_lowered:
0x8: {  	[smem:$0x3FAD] =	sst s0  }
0x9: {  	[smem:$0x3FAE] =	sst s1  }
0xa: {  	[smem:$0x3FAF] =	sst s2  }
0xb: {  	[smem:$0x3FB0] =	sst s3  }
0xc: {  	[smem:$0x3FB1] =	sst s4  }
0xd: {  	[smem:$0x3FB2] =	sst s5  }
0xe: {  	[smem:$0x3FB3] =	sst s6  }
0xf: {  	[smem:$0x3FB4] =	sst s7  }
0x10: {  	[smem:$0x3FB5] =	sst s8  }
0x11: {  	[smem:$0x3FB6] =	sst s9;
	s0 =	simm.s32 @!p0 $0x0  }
0x12: {  	s1 =	sld [smem:$0x3F9C];
	s0 =	simm.s32 @p0 $0x1  }
0x13: {  	[smem:$0x3FB7] =	sst s0;
	s0 =	simm.s32 @!p1 $0x0  }
0x14: {  	s2 =	sld [smem:$0x3F9B];
	s0 =	simm.s32 @p1 $0x1  }
0x15: {  	[smem:$0x3FB8] =	sst s0;
	s0 =	simm.s32 @!p2 $0x0  }
0x16: {  	s3 =	sld [smem:$0x3FDB];
	s0 =	simm.s32 @p2 $0x1  }
0x17: {  	s4 =	simm.s32 $0x1BF5;
	[smem:$0x3FBA] =	sst s0  }
0x18: {  	s0 =	sld [smem:$0x3F9D];
	_ =	swait.ge [sflag:s4], $0x0  }
0x19: {  	s7 =	sld [smem:$0x3F9E]  }
0x1a: {  	s8 =	sadd.s32 $0xFFFFE003, lr  }
0x1b: {  	s9 =	sadd.s32 $0xFFFFFEF7, lr;
	s5 =	simm.s32 $0xFFFFFFFF;
	p2 =	slt.u32 s8, $0xFFFFF086  }
0x1c: {  	p1 =	slt.u32 s9, $0xF7A;
	s5 =	simm.s32 @!p2 $0x0  }
0x1d: {  	s5 =	simm.s32 @p1 $0x1;
	p0 =	seq.s32 s7, s2  }
0x1e: {  	s7 =	smul.u32 @!p0 $0xF7A, s2;
	p2 =	seq.s32 @!p0 s5, $0x0  }
0x1f: {  	s9 =	smul.u32 $0xF7A, s1;
	s8 =	simm.s32 @!p0 $0x1BF5;
	p2 =	por !p2, p0  }
0x20: {  	[sflag:s8] =	ssyncset.s32 @!p0 $0xFFFFF086;
	s6 =	sadd.s32 @!p0 s3, s7;
	s7 =	simm.s32 @!p0 $0x108  }
0x21: {  	s3 =	sadd.s32 s3, s9;
	s6 =	sadd.s32 @!p0 $0x88, s6;
	s7 =	simm.s32 @p2 $0x1082  }
0x22: {  	[simem:s7], [sflag:s8] =	dma.local @!p0 [hbm:s6], $0xF7A  }
0x23: {  	s9 =	sor.u32 $0xD0000000, s2;
	s6 =	simm.s32 $0x108;
	_ =	swait.ge @!p0 [sflag:s8], $0x0  }
0x24: {  	s3 =	sadd.s32 $0x88, s3;
	s6 =	simm.s32 @!p1 $0x1082;
	[sflag:s4] =	ssyncset.s32 $0xFFFFF086  }
0x25: {  	[simem:s6], [sflag:s4] =	dma.local [hbm:s3], $0xF7A  }
0x26: {  	[smem:$0x3F9E] =	sst s1;
	(tag) =	ssettag s2;
	_ =	strace s9  }
0x27: {  	s1 =	sld [smem:$0x3FAE]  }
0x28: {  	s2 =	sld [smem:$0x3FAF]  }
0x29: {  	s4 =	sld [smem:$0x3FB1]  }
0x2a: {  	p0 =	seq.s32 s5, $0x0;
	s5 =	sld [smem:$0x3FB2]  }
0x2b: {  	s6 =	sld [smem:$0x3FB3]  }
0x2c: {  	s7 =	sld [smem:$0x3FB4]  }
0x2d: {  	s3 =	simm.s32 $0x108;
	s8 =	sld [smem:$0x3FB5]  }
0x2e: {  	s3 =	simm.s32 @!p0 $0x1082;
	s9 =	sld [smem:$0x3FB6]  }
0x2f: {  	lr =	sadd.s32 s0, s3;
	s0 =	sld [smem:$0x3FAD]  }
0x30: {  	s3 =	sld [smem:$0x3FB0]  }
0x31: {  	[smem:$0x3FB9] =	sst s10  }
0x32: {  	s10 =	sld [smem:$0x3FB7];
	_ =	sdelay $0x3  }
0x33: {  	p0 =	seq.s32 s10, $0x1;
	s10 =	sld [smem:$0x3FB9];
	_ =	sdelay $0x3  }
0x34: {  	[smem:$0x3FB9] =	sst s10  }
0x35: {  	s10 =	sld [smem:$0x3FB8];
	_ =	sdelay $0x3  }
0x36: {  	p1 =	seq.s32 s10, $0x1;
	s10 =	sld [smem:$0x3FB9];
	_ =	sdelay $0x3  }
0x37: {  	[smem:$0x3FB9] =	sst s10  }
0x38: {  	s10 =	sld [smem:$0x3FBA]  }
0x39: {  	_ = 	snop;
	(pc) =	sbr.ind lr, $3  }
0x3a: {  	_ = 	snop  }
0x3b: {  	_ = 	snop  }
0x3c: {  	p2 =	seq.s32 s10, $0x1;
	s10 =	sld [smem:$0x3FB9]  }
0x3d: {  	_ =	shalt  }
0x3e: {  	_ =	shalt  }
0x3f: {  	_ =	shalt  }
0x40: {  	_ =	shalt  }
0x41: {  	_ =	shalt  }
0x42: {  	_ =	shalt  }
0x43: {  	_ =	shalt  }
0x44: {  	_ =	shalt  }
0x45: {  	_ =	shalt  }
0x46: {  	_ =	shalt  }
0x47: {  	_ =	shalt  }
0x48: {  	_ =	shalt  }
0x49: {  	_ =	shalt  }
0x4a: {  	_ =	shalt  }
0x4b: {  	_ =	shalt  }
0x4c: {  	_ =	shalt  }
0x4d: {  	_ =	shalt  }
0x4e: {  	_ =	shalt  }
0x4f: {  	_ =	shalt  }
0x50: {  	_ =	shalt  }
0x51: {  	_ =	shalt  }
0x52: {  	_ =	shalt  }
0x53: {  	_ =	shalt  }
0x54: {  	_ =	shalt  }
0x55: {  	_ =	shalt  }
0x56: {  	_ =	shalt  }
0x57: {  	_ =	shalt  }
0x58: {  	_ =	shalt  }
0x59: {  	_ =	shalt  }
0x5a: {  	_ =	shalt  }
0x5b: {  	_ =	shalt  }
0x5c: {  	_ =	shalt  }
0x5d: {  	_ =	shalt  }
0x5e: {  	_ =	shalt  }
0x5f: {  	_ =	shalt  }
0x60: {  	_ =	shalt  }
0x61: {  	_ =	shalt  }
0x62: {  	_ =	shalt  }
0x63: {  	_ =	shalt  }
0x64: {  	_ =	shalt  }
0x65: {  	_ =	shalt  }
0x66: {  	_ =	shalt  }
0x67: {  	_ =	shalt  }
0x68: {  	_ =	shalt  }
0x69: {  	_ =	shalt  }
0x6a: {  	_ =	shalt  }
0x6b: {  	_ =	shalt  }
0x6c: {  	_ =	shalt  }
0x6d: {  	_ =	shalt  }
0x6e: {  	_ =	shalt  }
0x6f: {  	_ =	shalt  }
0x70: {  	_ =	shalt  }
0x71: {  	_ =	shalt  }
0x72: {  	_ =	shalt  }
0x73: {  	_ =	shalt  }
0x74: {  	_ =	shalt  }
0x75: {  	_ =	shalt  }
0x76: {  	_ =	shalt  }
0x77: {  	_ =	shalt  }
0x78: {  	_ =	shalt  }
0x79: {  	_ =	shalt  }
0x7a: {  	_ =	shalt  }
0x7b: {  	_ =	shalt  }
0x7c: {  	_ =	shalt  }
0x7d: {  	_ =	shalt  }
0x7e: {  	_ =	shalt  }
0x7f: {  	_ =	shalt  }
0x80: {  	_ =	shalt  }
0x81: {  	_ =	shalt  }
0x82: {  	_ =	shalt  }
0x83: {  	_ =	shalt  }
0x84: {  	_ =	shalt  }
0x85: {  	_ =	shalt  }
0x86: {  	_ =	shalt  }
0x87: {  	_ =	shalt  }
.Lfunc_end0:
.L_simem_size_0:
called_computation_lowered:
.L_overlay_start_0:
0x88: {  	s2 =	sld [smem:$0x3FD9]  }
0x89: {  	s3 =	sld [smem:$0x3FFE];
	_ =	sdelay $0x1  }
0x8a: {  	s1 =	srdreg.scid  }
0x8b: {  	s0 =	sand.u32 $0x1, s1  }
0x8c: {  	s17 =	sshll.u32 s0, $0xA;
	s2 =	sadd.s32 s3, s2  }
0x8d: {  	s2 =	sadd.s32 s2, s17  }
0x8e: {  	[smem:$0x3FC5] =	sst s2  }
0x8f: {  	_ = 	snop  }
0x90: {  	s2 =	sld [smem:$0x3FD0];
	(tm) =	ssettm $0x1  }
0x91: {  	s18 =	sld [smem:$0x3FFB];
	_ =	sdelay $0x3  }
0x92: {  	_ =	strace s18  }
0x93: {  	s3 =	sld [smem:$0x3FFC];
	_ =	sdelay $0x3  }
0x94: {  	_ =	strace s3  }
0x95: {  	s3 =	sld [smem:$0x3FFD];
	_ =	sdelay $0x3  }
0x96: {  	_ =	strace s3  }
0x97: {  	_ =	strace $0x8FFFFFFF  }
0x98: {  	s19 =	sld [smem:$0x3FDB];
	_ =	sdelay $0x1  }
0x99: {  	s4 =	simm.s32 $_scs_section_size  }
0x9a: {  	s5 =	simm.s32 $_size__tile_overlayer_lowered;
	s6 =	simm.s32 $_tile_overlayer_lowered  }
0x9b: {  	s22 =	simm.s32 $0x1BFF;
	s21 =	sshll.u32 s6, $0x1;
	s3 =	sadd.s32 s4, s19  }
0x9c: {  	s7 =	simm.s32 $0x0;
	s20 =	sshll.u32 s5, $0x1;
	s5 =	sadd.s32 s21, s3  }
0x9d: {  	[timem:s7], [sflag:s22] =	dma.local [hbm:s5], s20  }
0x9e: {  	_ =	swait.ge [sflag:s22], s20  }
0x9f: {  	s4 =	ssub.s32 $0x0, s20;
	[sflag:s22] =	ssyncset.done $0x0  }
0xa0: {  	[sflag:s22] =	ssyncadd.s32 s4;
	_ =	sdelay $0x1  }
0xa1: {  	s23 =	simm.s32 $0x1B8B  }
0xa2: {  	_ =	swait.ge [sflag:s23], $0x1  }
0xa3: {  	[sflag:s23] =	ssyncset.done $0x0  }
0xa4: {  	s25 =	simm.s32 $0x1B8E;
	s24 =	sld [smem:$0x3FFE];
	[sflag:s23] =	ssyncadd.s32 $0xFFFFFFFF  }
0xa5: {  	s26 =	simm.s32 $execute0_lowered;
	[smem:$0x3FD2] =	sst s25  }
0xa6: {  	s5 =	sshll.u32 s26, $0x1;
	_ =	strace $0x80000046;
	[dreg:$0x1] =	wrdreg $0xFFFFFFFF  }
0xa7: {  	s28 =	simm.s32 $_size_execute0_lowered;
	s3 =	sadd.s32 s3, s5;
	[dreg:$0x0] =	wrdreg $0x0  }
0xa8: {  	s5 =	sshll.u32 s28, $0x1;
	[dreg:$0x2] =	wrdreg s3  }
0xa9: {  	[dreg:$0x3] =	wrdreg s5  }
0xaa: {  	[dreg:$0x4] =	wrdreg $0xC0  }
0xab: {  	_ =	task [dreg:s7], $0x5FFFF  }
0xac: {  	[dreg:$0x1] =	wrdreg $0xFFFFFFFF  }
0xad: {  	[dreg:$0x0] =	wrdreg $0x60  }
0xae: {  	[dreg:$0x2] =	wrdreg s24  }
0xaf: {  	[dreg:$0x3] =	wrdreg s2  }
0xb0: {  	[dreg:$0x4] =	wrdreg $0x9  }
0xb1: {  	_ =	task.clear_ibuf [dreg:s7], $0x5FFFF;
	_ =	strace $0x90000046  }
0xb2: {  	s29 =	simm.s32 $0x9;
	_ =	strace $0x80000048  }
0xb3: {  	_ =	swait.ge [sflag:s29], $0x1  }
0xb4: {  	[sflag:s29] =	ssyncadd.s32 $0xFFFFFFFF  }
0xb5: {  	_ =	strace $0x90000048  }
0xb6: {  	_ =	sfence  }
0xb7: {  	s30 =	sld [smem:$0x0];
	_ =	sdelay $0x2  }
0xb8: {  	s31 =	sshll.u32 s1, $0xD;
	s1 =	sshrl.u32 s1, $0x2  }
0xb9: {  	s3 =	sand.u32 $0x4000, s31;
	s1 =	sadd.s32 s1, s30  }
0xba: {  	s0 =	sor.u32 s3, s0;
	s1 =	sshll.u32 s1, $0x11  }
0xbb: {  	s0 =	sor.u32 s1, s0  }
0xbc: {  	s0 =	sadd.s32 $0x8F2B, s0  }
0xbd: {  	[sflag:s0] =	ssyncadd.remote.s32 $0x1  }
0xbe: {  	_ =	sfence.sel $0xFFFF  }
0xbf: {  	[dreg:$0x0] =	wrdreg $0xFFFFFFFF;
	(pc) =	sbr.abs _section_cstart, $3  }
0xc0: {  	[dreg:$0x1] =	wrdreg $0xFFFFFFFF  }
0xc1: {  	_ =	task.clear_ibuf [dreg:s7], $0x2FFFF;
	_ =	strace $0x9FFFFFFF  }
0xc2: {  	(tm) =	ssettm $0x7FFFFFFF  }
0xc3: {  	_ =	shalt  }
tec
execute0_lowered:
.L_overlay_start_1:
0x0: {  	(tag) =	ssettag $0x1  }
0x1: {  	s0 =	rddreg [dreg:$0x0];
	s1 =	srdreg.scid  }
0x2: {  	s3 =	stileid.u32;
	s2 =	rddreg [dreg:$0x1];
	s15 =	simm.s32 $0x5  }
0x3: {  	s16 =	simm.s32 $0x80;
	s17 =	simm.s32 $0x500;
	s18 =	simm.s32 $0xA00  }
0x4: {  	s19 =	simm.s32 $0x580;
	s20 =	simm.s32 $0x2A00;
	s21 =	simm.s32 $0x600  }
0x5: {  	s22 =	simm.s32 $0x4A00;
	s23 =	simm.s32 $0x680;
	s24 =	simm.s32 $0x6A00  }
0x6: {  	s25 =	simm.s32 $0x700;
	s26 =	simm.s32 $0x8A00;
	s28 =	simm.s32 $0x6  }
0x7: {  	s29 =	simm.s32 $0x15E00;
	s1 =	sand.u32 $0x1, s1;
	s4 =	sshll.u32 s3, $0x1  }
0x8: {  	s8 =	simm.s32 $0x0;
	s3 =	simm.s32 $0x0;
	s4 =	sor.u32 s1, s4  }
0x9: {  	s5 =	sadd.s32 $0x600, s0;
	s1 =	ssub.s32 $0x2, s1;
	s7 =	smul.u32 $0x5, s4  }
.Ltmp0:
0xa: {  	s6 =	sadd.s32 $0x27800, s0;
	s30 =	sshrl.u32 s1, $0x1;
	(pc) =	sbr.rel .LBB2_1-.Ltmp0, $4  }
0xb: {  	[smem:$0x7FF] =	sst s3;
	s0 =	ssub.s32 s1, s30;
	s7 =	sadd.s32 s5, s7  }
0xc: {  	_ =	strace $0x80000047;
	s0 =	smax.u32 s0, $0x1;
	[dreg:$0x3] =	wrdreg s7  }
0xd: {  	s9 =	sor.u32 $0x40, s4;
	s31 =	sadd.s32 $0xA0, s7;
	[dreg:$0x5] =	wrdreg s0  }
0xe: {  	v0 =	vimm.s32 $0x0;
	s10 =	sor.u32 $0x60, s4;
	s7 =	simm.s32 $0x14A00;
	[dreg:$0x4] =	wrdreg s31  }
.LBB2_15:
0xf: {  	s0 =	simm.s32 $0x3  }
0x10: {  	_ =	swait.ge [sflag:s0], $0x1400  }
0x11: {  	[sflag:s0] =	ssyncset.done $0x0  }
0x12: {  	s1 =	simm.s32 $0x4;
	[sflag:s0] =	ssyncadd.s32 $0xFFFFEC00  }
0x13: {  	_ =	swait.ge [sflag:s1], $0x1400  }
0x14: {  	s8 =	rddreg [dreg:$0x6]  }
0x15: {  	s31 =	rddreg [dreg:$0x5];
	s8 =	sadd.s32 $0x1, s8  }
0x16: {  	p0 =	sne.s32 s8, s31  }
.Ltmp1:
0x17: {  	_ = 	snop;
	(pc) =	sbr.rel @!p0 .LBB2_16-.Ltmp1, $3  }
0x18: {  	_ =	sdelay $0x1  }
0x19: {  	[sflag:s1] =	ssyncset.done $0x0  }
0x1a: {  	[sflag:s1] =	ssyncadd.s32 $0xFFFFEC00  }
.LBB2_1:
0x1b: {  	[dreg:$0x6] =	wrdreg s8  }
0x1c: {  	s0 =	rddreg [dreg:$0x3];
	s1 =	simm.s32 $0x28;
	s14 =	simm.s32 $0x2710  }
0x1d: {  	[tilespmem:s3], [sflag:$0x5] =	stream.strided.gather [hbm4b:s0+s1], $0x280, s14, s1, $0x38;
	[tilespmem:$0x17200] =	vst v63  }
0x1e: {  	s31 =	rddreg [dreg:$0x4];
	s11 =	simm.s32 $0x280  }
0x1f: {  	[tilespmem:s11], [sflag:$0x6] =	stream.strided.gather [hbm4b:s31+s1], $0x280, s14, s1, $0x38;
	[tilespmem:$0x17200] =	vst v63  }
0x20: {  	_ =	swait.ge [sflag:s15], $0x280  }
0x21: {  	[sflag:s15] =	ssyncset.done $0x0  }
0x22: {  	[sflag:s15] =	ssyncadd.s32 $0xFFFFFD80  }
0x23: {  	v1 =	vld [tilespmem:$0x0]  }
0x24: {  	v2 =	vld [tilespmem:$0x10]  }
0x25: {  	v3 =	vld [tilespmem:$0x18]  }
0x26: {  	v4 =	vld [tilespmem:$0x28]  }
0x27: {  	v6 =	vld [tilespmem:$0x38]  }
0x28: {  	v58 =	vld [tilespmem:$0x40]  }
0x29: {  	v8 =	vld [tilespmem:$0x50]  }
0x2a: {  	v10 =	vld [tilespmem:$0x60]  }
0x2b: {  	v60 =	vld [tilespmem:$0x68]  }
0x2c: {  	v11 =	vld [tilespmem:$0x78]  }
0x2d: {  	v13 =	vld [tilespmem:$0x88]  }
0x2e: {  	v63 =	vld [tilespmem:$0x90]  }
0x2f: {  	v14 =	vld [tilespmem:$0xA0]  }
0x30: {  	v17 =	vld [tilespmem:$0xC8]  }
0x31: {  	v24 =	vld [tilespmem:$0xE0];
	vm0 =	vgt.s32 v1, $0x9C3F;
	v1 =	vshll.u32 v1, $0x1  }
0x32: {  	v26 =	vld [tilespmem:$0xF0];
	vm5 =	vgt.s32 v2, $0x9C3F;
	v2 =	vshll.u32 v2, $0x1;
	vm6 =	vgt.s32 v3, $0x9C3F  }
0x33: {  	v29 =	vld [tilespmem:$0x100];
	vm7 =	vgt.s32 v4, $0x9C3F;
	v3 =	vshll.u32 v3, $0x1;
	v4 =	vshll.u32 v4, $0x1  }
0x34: {  	v33 =	vld [tilespmem:$0x118];
	vm8 =	vgt.s32 v6, $0x9C3F;
	v6 =	vshll.u32 v6, $0x1;
	vm9 =	vgt.s32 v58, $0x9C3F  }
0x35: {  	v39 =	vld [tilespmem:$0x128];
	vm10 =	vgt.s32 v8, $0x9C3F;
	v8 =	vshll.u32 v8, $0x1;
	vm11 =	vgt.s32 v10, $0x9C3F  }
0x36: {  	v44 =	vld [tilespmem:$0x140];
	v10 =	vshll.u32 v10, $0x1;
	vm12 =	vgt.s32 v60, $0x9C3F;
	vm13 =	vgt.s32 v11, $0x9C3F  }
0x37: {  	v11 =	vshll.u32 v11, $0x1;
	vm14 =	vgt.s32 v13, $0x9C3F;
	v13 =	vshll.u32 v13, $0x1  }
0x38: {  	vm15 =	vgt.s32 v63, $0x9C3F;
	vm4 =	vgt.s32 v14, $0x9C3F;
	v14 =	vshll.u32 v14, $0x1  }
0x39: {  	v27 =	vshll.u32 v17, $0x1;
	v36 =	vshll.u32 v24, $0x1;
	v37 =	vshll.u32 v26, $0x1  }
0x3a: {  	v16 =	vld [tilespmem:$0xB0];
	v42 =	vshll.u32 v29, $0x1;
	v46 =	vshll.u32 v33, $0x1;
	v51 =	vshll.u32 v39, $0x1  }
0x3b: {  	v21 =	vld [tilespmem:$0xB8];
	v55 =	vshll.u32 v44, $0x1;
	v5 =	vsel vm0, $0xFFFEC781, v0;
	v7 =	vsel vm5, $0xFFFEC781, v0  }
0x3c: {  	v30 =	vld [tilespmem:$0x108];
	v59 =	vsel vm6, $0xFFFEC781, v0;
	v9 =	vsel vm7, $0xFFFEC781, v0;
	v61 =	vsel vm8, $0xFFFEC781, v0  }
0x3d: {  	v62 =	vsel vm9, $0xFFFEC781, v0;
	v12 =	vsel vm10, $0xFFFEC781, v0;
	v19 =	vsel vm11, $0xFFFEC781, v0  }
0x3e: {  	v41 =	vld [tilespmem:$0x130];
	v20 =	vsel vm12, $0xFFFEC781, v0;
	v15 =	vsel vm13, $0xFFFEC781, v0;
	v22 =	vsel vm14, $0xFFFEC781, v0  }
0x3f: {  	v23 =	vsel vm15, $0xFFFEC781, v0;
	v18 =	vsel vm4, $0xFFFEC781, v0;
	vm5 =	vgt.s32 v16, $0x9C3F  }
0x40: {  	vm6 =	vgt.s32 v21, $0x9C3F;
	vm7 =	vgt.s32 v17, $0x9C3F;
	vm9 =	vgt.s32 v24, $0x9C3F  }
0x41: {  	vm10 =	vgt.s32 v26, $0x9C3F;
	vm11 =	vgt.s32 v29, $0x9C3F;
	vm12 =	vgt.s32 v30, $0x9C3F  }
0x42: {  	vm13 =	vgt.s32 v33, $0x9C3F;
	vm14 =	vgt.s32 v39, $0x9C3F;
	v1 =	vadd.s32 v1, v5  }
0x43: {  	vm15 =	vgt.s32 v41, $0x9C3F;
	vm4 =	vgt.s32 v44, $0x9C3F;
	v2 =	vadd.s32 v2, v7;
	[tilespmem:$0x500] =	vst v1  }
0x44: {  	v3 =	vadd.s32 v3, v59;
	v4 =	vadd.s32 v4, v9;
	v6 =	vadd.s32 v6, v61;
	[tilespmem:$0x510] =	vst v2  }
0x45: {  	v48 =	vld [tilespmem:$0x150];
	v5 =	vshll.u32 v58, $0x1;
	v8 =	vadd.s32 v8, v12;
	v10 =	vadd.s32 v10, v19;
	[tilespmem:$0x528] =	vst v4  }
0x46: {  	v53 =	vld [tilespmem:$0x168];
	v7 =	vshll.u32 v60, $0x1;
	v11 =	vadd.s32 v11, v15;
	v13 =	vadd.s32 v13, v22;
	[tilespmem:$0x538] =	vst v6  }
0x47: {  	v50 =	vld [tilespmem:$0x158];
	v9 =	vshll.u32 v63, $0x1;
	v14 =	vadd.s32 v14, v18;
	v25 =	vsel vm5, $0xFFFEC781, v0;
	[tilespmem:$0x550] =	vst v8  }
0x48: {  	v28 =	vsel vm7, $0xFFFEC781, v0;
	v35 =	vsel vm9, $0xFFFEC781, v0;
	v38 =	vsel vm10, $0xFFFEC781, v0;
	[tilespmem:$0x560] =	vst v10  }
0x49: {  	v43 =	vsel vm11, $0xFFFEC781, v0;
	v45 =	vsel vm12, $0xFFFEC781, v0;
	v47 =	vsel vm13, $0xFFFEC781, v0;
	[tilespmem:$0x578] =	vst v11  }
0x4a: {  	v52 =	vsel vm14, $0xFFFEC781, v0;
	v54 =	vsel vm15, $0xFFFEC781, v0;
	v56 =	vsel vm4, $0xFFFEC781, v0;
	[tilespmem:$0x588] =	vst v13  }
0x4b: {  	vm5 =	vgt.s32 v48, $0x9C3F;
	v59 =	vshll.u32 v48, $0x1;
	vm7 =	vgt.s32 v53, $0x9C3F;
	[tilespmem:$0x5A0] =	vst v14  }
0x4c: {  	v63 =	vshll.u32 v50, $0x1;
	v5 =	vadd.s32 v5, v62;
	v7 =	vadd.s32 v7, v20;
	[tilespmem:$0x518] =	vst v3  }
0x4d: {  	v9 =	vadd.s32 v9, v23;
	v1 =	vshll.u32 v16, $0x1;
	v2 =	vsel vm6, $0xFFFEC781, v0;
	[tilespmem:$0x540] =	vst v5  }
0x4e: {  	v57 =	vld [tilespmem:$0x178];
	v6 =	vadd.s32 v36, v35;
	v40 =	vadd.s32 v37, v38;
	v4 =	vshll.u32 v30, $0x1;
	[tilespmem:$0x568] =	vst v7  }
0x4f: {  	v19 =	vld [tilespmem:$0xD8];
	v49 =	vadd.s32 v46, v47;
	v60 =	vsel vm5, $0xFFFEC781, v0;
	vm6 =	vgt.s32 v50, $0x9C3F;
	[tilespmem:$0x590] =	vst v9  }
0x50: {  	v58 =	vld [tilespmem:$0x180];
	v16 =	vshll.u32 v53, $0x1;
	v17 =	vsel vm7, $0xFFFEC781, v0;
	v1 =	vadd.s32 v1, v25;
	[tilespmem:$0x5F0] =	vst v40  }
0x51: {  	v61 =	vld [tilespmem:$0x190];
	v3 =	vshll.u32 v21, $0x1;
	v7 =	vadd.s32 v42, v43;
	v4 =	vadd.s32 v4, v45;
	[tilespmem:$0x618] =	vst v49  }
0x52: {  	v18 =	vld [tilespmem:$0x1A0];
	v5 =	vadd.s32 v59, v60;
	v62 =	vsel vm6, $0xFFFEC781, v0;
	v2 =	vadd.s32 v3, v2;
	[tilespmem:$0x5B0] =	vst v1  }
0x53: {  	v20 =	vld [tilespmem:$0x1A8];
	v21 =	vshll.u32 v57, $0x1;
	v3 =	vadd.s32 v27, v28;
	v1 =	vadd.s32 v51, v52;
	[tilespmem:$0x5B8] =	vst v2  }
0x54: {  	v23 =	vld [tilespmem:$0x1B8];
	v2 =	vshll.u32 v41, $0x1;
	[tilespmem:$0x5C8] =	vst v3;
	v3 =	vadd.s32 v55, v56;
	vm8 =	vgt.s32 v19, $0x9C3F  }
0x55: {  	v30 =	vld [tilespmem:$0x1E0];
	[tilespmem:$0x600] =	vst v7;
	v31 =	vshll.u32 v19, $0x1;
	v2 =	vadd.s32 v2, v54;
	v19 =	vadd.s32 v16, v17  }
0x56: {  	v35 =	vld [tilespmem:$0x1F0];
	[tilespmem:$0x628] =	vst v1;
	vm9 =	vgt.s32 v58, $0x9C3F;
	vm10 =	vgt.s32 v61, $0x9C3F;
	v1 =	vshll.u32 v58, $0x1  }
0x57: {  	v37 =	vld [tilespmem:$0x1F8];
	v25 =	vshll.u32 v61, $0x1;
	vm11 =	vgt.s32 v18, $0x9C3F;
	[tilespmem:$0x640] =	vst v3;
	v3 =	vshll.u32 v18, $0x1  }
0x58: {  	v48 =	vld [tilespmem:$0x230];
	[tilespmem:$0x650] =	vst v5;
	v32 =	vsel vm8, $0xFFFEC781, v0;
	vm8 =	vgt.s32 v57, $0x9C3F;
	v24 =	vsel vm9, $0xFFFEC781, v0  }
0x59: {  	[tilespmem:$0x608] =	vst v4;
	v26 =	vsel vm10, $0xFFFEC781, v0;
	v29 =	vsel vm11, $0xFFFEC781, v0;
	vm12 =	vgt.s32 v20, $0x9C3F  }
0x5a: {  	[tilespmem:$0x630] =	vst v2;
	vm13 =	vgt.s32 v23, $0x9C3F;
	v33 =	vshll.u32 v23, $0x1;
	vm4 =	vgt.s32 v30, $0x9C3F  }
0x5b: {  	v44 =	vld [tilespmem:$0x218];
	[tilespmem:$0x668] =	vst v19;
	v42 =	vshll.u32 v30, $0x1;
	vm5 =	vgt.s32 v35, $0x9C3F;
	v34 =	vadd.s32 v31, v32  }
0x5c: {  	v40 =	vld [tilespmem:$0x208];
	v46 =	vshll.u32 v35, $0x1;
	vm6 =	vgt.s32 v37, $0x9C3F;
	v2 =	vadd.s32 v25, v26;
	[tilespmem:$0x5D8] =	vst v34  }
0x5d: {  	v45 =	vld [tilespmem:$0x220];
	vm10 =	vgt.s32 v48, $0x9C3F;
	v57 =	vshll.u32 v48, $0x1;
	v3 =	vadd.s32 v3, v29;
	[tilespmem:$0x690] =	vst v2  }
0x5e: {  	v53 =	vld [tilespmem:$0x248];
	v22 =	vsel vm8, $0xFFFEC781, v0;
	v1 =	vadd.s32 v1, v24;
	v31 =	vsel vm12, $0xFFFEC781, v0;
	[tilespmem:$0x6A0] =	vst v3  }
0x5f: {  	v27 =	vld [tilespmem:$0x1C8];
	v32 =	vshll.u32 v20, $0x1;
	v43 =	vsel vm4, $0xFFFEC781, v0;
	v4 =	vadd.s32 v21, v22;
	[tilespmem:$0x5E0] =	vst v6  }
0x60: {  	v28 =	vld [tilespmem:$0x1D0];
	v47 =	vsel vm5, $0xFFFEC781, v0;
	v49 =	vsel vm6, $0xFFFEC781, v0;
	v5 =	vadd.s32 v32, v31;
	[tilespmem:$0x678] =	vst v4  }
0x61: {  	vm7 =	vgt.s32 v40, $0x9C3F;
	v50 =	vshll.u32 v40, $0x1;
	v3 =	vadd.s32 v42, v43;
	[tilespmem:$0x6A8] =	vst v5  }
0x62: {  	vm8 =	vgt.s32 v44, $0x9C3F;
	vm9 =	vgt.s32 v45, $0x9C3F;
	v6 =	vadd.s32 v63, v62;
	[tilespmem:$0x6E0] =	vst v3  }
0x63: {  	v58 =	vsel vm10, $0xFFFEC781, v0;
	vm12 =	vgt.s32 v53, $0x9C3F;
	v34 =	vsel vm13, $0xFFFEC781, v0;
	[tilespmem:$0x658] =	vst v6  }
0x64: {  	v52 =	vld [tilespmem:$0x240];
	vm14 =	vgt.s32 v27, $0x9C3F;
	v38 =	vshll.u32 v27, $0x1;
	v36 =	vadd.s32 v33, v34;
	[tilespmem:$0x680] =	vst v1  }
0x65: {  	v55 =	vld [tilespmem:$0x258];
	vm15 =	vgt.s32 v28, $0x9C3F;
	v39 =	vsel vm14, $0xFFFEC781, v0;
	v5 =	vadd.s32 v46, v47;
	[tilespmem:$0x6B8] =	vst v36  }
0x66: {  	v54 =	vsel vm8, $0xFFFEC781, v0;
	v3 =	vshll.u32 v44, $0x1;
	v1 =	vadd.s32 v38, v39;
	[tilespmem:$0x6F0] =	vst v5  }
0x67: {  	v59 =	vld [tilespmem:$0x268];
	v2 =	vshll.u32 v28, $0x1;
	v41 =	vsel vm15, $0xFFFEC781, v0;
	v3 =	vadd.s32 v3, v54;
	[tilespmem:$0x6C8] =	vst v1  }
0x68: {  	v51 =	vsel vm7, $0xFFFEC781, v0;
	v2 =	vadd.s32 v2, v41;
	v1 =	vshll.u32 v37, $0x1;
	[tilespmem:$0x718] =	vst v3  }
0x69: {  	v60 =	vld [tilespmem:$0x270];
	v56 =	vsel vm9, $0xFFFEC781, v0;
	vm11 =	vgt.s32 v52, $0x9C3F;
	[tilespmem:$0x6D0] =	vst v2;
	v1 =	vadd.s32 v1, v49  }
0x6a: {  	v61 =	vsel vm11, $0xFFFEC781, v0;
	vm13 =	vgt.s32 v55, $0x9C3F;
	v2 =	vadd.s32 v50, v51;
	[tilespmem:$0x6F8] =	vst v1  }
0x6b: {  	v62 =	vshll.u32 v55, $0x1;
	v1 =	vshll.u32 v45, $0x1;
	[tilespmem:$0x708] =	vst v2;
	v2 =	vadd.s32 v57, v58  }
0x6c: {  	vm14 =	vgt.s32 v59, $0x9C3F;
	v3 =	vshll.u32 v52, $0x1;
	v1 =	vadd.s32 v1, v56;
	[tilespmem:$0x730] =	vst v2  }
0x6d: {  	v2 =	vshll.u32 v53, $0x1;
	[tilespmem:$0x720] =	vst v1;
	v1 =	vadd.s32 v3, v61;
	v3 =	vsel vm12, $0xFFFEC781, v0  }
0x6e: {  	vm15 =	vgt.s32 v60, $0x9C3F;
	v63 =	vsel vm13, $0xFFFEC781, v0;
	[tilespmem:$0x740] =	vst v1;
	v1 =	vadd.s32 v2, v3  }
0x6f: {  	v2 =	vadd.s32 v62, v63;
	v3 =	vsel vm14, $0xFFFEC781, v0;
	[tilespmem:$0x748] =	vst v1;
	v1 =	vshll.u32 v59, $0x1  }
0x70: {  	[tilespmem:$0x758] =	vst v2;
	v2 =	vshll.u32 v60, $0x1;
	v1 =	vadd.s32 v1, v3;
	v3 =	vsel vm15, $0xFFFEC781, v0  }
0x71: {  	[tilespmem:$0x768] =	vst v1;
	v1 =	vadd.s32 v2, v3  }
0x72: {  	[tilespmem:$0x770] =	vst v1  }
0x73: {  	[tilespmem:s18], [sflag:$0x1] =	stream.indirect.gather [hbm4b:s6+s16], $0x40, s17, s16, $0xb8;
	[tilespmem:$0x17200] =	vst v63  }
0x74: {  	_ = 	snop  }
0x75: {  	[tilespmem:s20], [sflag:$0x1] =	stream.indirect.gather [hbm4b:s6+s16], $0x40, s19, s16, $0xb8;
	[tilespmem:$0x17200] =	vst v63  }
0x76: {  	_ = 	snop  }
0x77: {  	[tilespmem:s22], [sflag:$0x1] =	stream.indirect.gather [hbm4b:s6+s16], $0x40, s21, s16, $0xb8;
	[tilespmem:$0x17200] =	vst v63  }
.Ltmp2:
0x78: {  	_ = 	snop;
	(pc) =	sbr.rel .LBB2_2-.Ltmp2, $4  }
0x79: {  	_ = 	snop  }
0x7a: {  	[tilespmem:s24], [sflag:$0x1] =	stream.indirect.gather [hbm4b:s6+s16], $0x40, s23, s16, $0xb8;
	[tilespmem:$0x17200] =	vst v63  }
0x7b: {  	s30 =	simm.s32 $0x0  }
0x7c: {  	[tilespmem:s26], [sflag:$0x1] =	stream.indirect.gather [hbm4b:s6+s16], $0x40, s25, s16, $0xb8;
	[tilespmem:$0x17200] =	vst v63  }
.LBB2_14:
0x7d: {  	s30 =	sadd.s32 $0x1, s30  }
0x7e: {  	p0 =	sne.s32 s30, $0x20  }
.Ltmp3:
0x7f: {  	_ = 	snop;
	(pc) =	sbr.rel @!p0 .LBB2_15-.Ltmp3, $1  }
0x80: {  	_ =	sdelay $0x3  }
.LBB2_2:
0x81: {  	s0 =	sshll.u32 s30, $0x6  }
0x82: {  	s14 =	sor.u32 s4, s0  }
0x83: {  	p3 =	sgt.u32 s14, $0x7CF  }
0x84: {  	s1 =	sadd.s32 s9, s0;
	s8 =	simm.s32 @!p3 $0x1  }
0x85: {  	p1 =	sgt.u32 s1, $0x7CF;
	_ =	swait.ge @!p3 [sflag:s8], $0x2000  }
0x86: {  	s11 =	sand.u32 @!p1 $0xFFFE, s1;
	[sflag:s8] =	ssyncset.done @!p3 $0x0  }
0x87: {  	s11 =	sshrl.u32 @!p1 s11, $0x1;
	[sflag:s8] =	ssyncadd.s32 @!p3 $0xFFFFE000  }
0x88: {  	s11 =	smul.u32 @!p1 $0x8313, s11;
	_ =	swait.ge @!p3 [sflag:s8], $0x2000  }
0x89: {  	[sflag:s8] =	ssyncset.done @!p3 $0x0  }
0x8a: {  	s11 =	sshrl.u32 @!p1 s11, $0x16;
	[sflag:s8] =	ssyncadd.s32 @!p3 $0xFFFFE000  }
0x8b: {  	s12 =	smul.u32 @!p1 $0xFA, s11;
	_ =	swait.ge @!p3 [sflag:s8], $0x2000  }
0x8c: {  	[sflag:s8] =	ssyncset.done @!p3 $0x0  }
0x8d: {  	s12 =	ssub.s32 @!p1 s1, s12;
	[sflag:s8] =	ssyncadd.s32 @!p3 $0xFFFFE000  }
0x8e: {  	s31 =	sor.u32 $0x20, s14;
	s12 =	smul.u32 @!p1 $0x28, s12;
	_ =	swait.ge @!p3 [sflag:s8], $0x2000  }
0x8f: {  	p0 =	sgt.u32 s31, $0x7CF;
	s11 =	smul.u32 @!p1 $0x27100, s11;
	[sflag:s8] =	ssyncset.done @!p3 $0x0  }
.Ltmp4:
0x90: {  	s12 =	sand.u32 @!p1 $0xFFF8, s12;
	[sflag:s8] =	ssyncadd.s32 @!p3 $0xFFFFE000;
	(pc) =	sbr.rel @p0 .LBB2_4-.Ltmp4, $4  }
0x91: {  	s13 =	simm.s32 @!p1 $0x0;
	s11 =	sadd.s32 @!p1 s12, s11;
	_ =	swait.ge @!p3 [sflag:s8], $0x2000  }
0x92: {  	s12 =	simm.s32 @!p1 $0x2710;
	s11 =	sshrl.u32 @!p1 s11, $0x3;
	[sflag:s8] =	ssyncset.done @!p3 $0x0  }
0x93: {  	[sflag:s8] =	ssyncadd.s32 @!p3 $0xFFFFE000;
	s8 =	sadd.s32 @!p1 s5, s11;
	s11 =	simm.s32 @!p1 $0x28  }
0x94: {  	[tilespmem:s13], [sflag:$0x5] =	stream.strided.gather @!p1 [hbm4b:s8+s11], $0x280, s12, s11, $0x38;
	[tilespmem:$0x17200] =	vst v63  }
0x95: {  	_ =	swait.ge [sflag:s28], $0x280  }
0x96: {  	[sflag:s28] =	ssyncset.done $0x0  }
0x97: {  	[sflag:s28] =	ssyncadd.s32 $0xFFFFFD80  }
0x98: {  	v1 =	vld [tilespmem:$0x280]  }
0x99: {  	v2 =	vld [tilespmem:$0x290]  }
0x9a: {  	v3 =	vld [tilespmem:$0x298]  }
0x9b: {  	v4 =	vld [tilespmem:$0x2A8]  }
0x9c: {  	v6 =	vld [tilespmem:$0x2B8]  }
0x9d: {  	v9 =	vld [tilespmem:$0x2D0]  }
0x9e: {  	v12 =	vld [tilespmem:$0x2F8]  }
0x9f: {  	v15 =	vld [tilespmem:$0x320]  }
0xa0: {  	s8 =	sand.u32 $0xFFFE, s31;
	v18 =	vld [tilespmem:$0x348]  }
0xa1: {  	s8 =	sshrl.u32 s8, $0x1;
	v21 =	vld [tilespmem:$0x370]  }
0xa2: {  	s8 =	smul.u32 $0x8313, s8;
	v24 =	vld [tilespmem:$0x398]  }
0xa3: {  	v63 =	vld [tilespmem:$0x3A8]  }
0xa4: {  	v28 =	vld [tilespmem:$0x3B0];
	s8 =	sshrl.u32 s8, $0x16  }
0xa5: {  	v26 =	vld [tilespmem:$0x3C0];
	s8 =	smul.u32 $0x2710, s8  }
0xa6: {  	v32 =	vld [tilespmem:$0x3D0]  }
0xa7: {  	v34 =	vld [tilespmem:$0x3D8];
	v1 =	vadd.s32 s8, v1;
	v2 =	vadd.s32 s8, v2  }
0xa8: {  	v3 =	vadd.s32 s8, v3;
	v4 =	vadd.s32 s8, v4;
	v6 =	vadd.s32 s8, v6  }
0xa9: {  	v9 =	vadd.s32 s8, v9;
	v12 =	vadd.s32 s8, v12;
	v15 =	vadd.s32 s8, v15  }
0xaa: {  	v18 =	vadd.s32 s8, v18;
	v21 =	vadd.s32 s8, v21;
	v24 =	vadd.s32 s8, v24  }
0xab: {  	v31 =	vadd.s32 s8, v63;
	v33 =	vadd.s32 s8, v28;
	v38 =	vadd.s32 s8, v26  }
0xac: {  	v42 =	vadd.s32 s8, v32;
	v44 =	vadd.s32 s8, v34;
	vm0 =	vgt.s32 v1, $0x9C3F  }
0xad: {  	v1 =	vshll.u32 v1, $0x1;
	vm5 =	vgt.s32 v2, $0x9C3F;
	v2 =	vshll.u32 v2, $0x1  }
0xae: {  	vm6 =	vgt.s32 v3, $0x9C3F;
	v3 =	vshll.u32 v3, $0x1;
	vm7 =	vgt.s32 v4, $0x9C3F  }
0xaf: {  	v4 =	vshll.u32 v4, $0x1;
	vm8 =	vgt.s32 v6, $0x9C3F;
	v6 =	vshll.u32 v6, $0x1  }
0xb0: {  	vm10 =	vgt.s32 v9, $0x9C3F;
	v9 =	vshll.u32 v9, $0x1;
	vm13 =	vgt.s32 v12, $0x9C3F  }
0xb1: {  	v12 =	vshll.u32 v12, $0x1;
	vm4 =	vgt.s32 v15, $0x9C3F;
	v15 =	vshll.u32 v15, $0x1  }
0xb2: {  	v46 =	vld [tilespmem:$0x2C0];
	v35 =	vshll.u32 v31, $0x1;
	v40 =	vshll.u32 v38, $0x1;
	v5 =	vsel vm0, $0xFFFEC781, v0  }
0xb3: {  	v48 =	vld [tilespmem:$0x2E0];
	v7 =	vsel vm5, $0xFFFEC781, v0;
	v8 =	vsel vm6, $0xFFFEC781, v0;
	v47 =	vsel vm7, $0xFFFEC781, v0  }
0xb4: {  	v49 =	vld [tilespmem:$0x2E8];
	v10 =	vsel vm8, $0xFFFEC781, v0;
	v50 =	vsel vm10, $0xFFFEC781, v0;
	v53 =	vsel vm13, $0xFFFEC781, v0  }
0xb5: {  	v52 =	vld [tilespmem:$0x310];
	v56 =	vsel vm4, $0xFFFEC781, v0;
	vm7 =	vgt.s32 v18, $0x9C3F;
	v18 =	vshll.u32 v18, $0x1  }
0xb6: {  	vm10 =	vgt.s32 v21, $0x9C3F;
	v21 =	vshll.u32 v21, $0x1;
	vm13 =	vgt.s32 v24, $0x9C3F  }
0xb7: {  	v39 =	vld [tilespmem:$0x3E8];
	vm4 =	vgt.s32 v38, $0x9C3F;
	v1 =	vadd.s32 v1, v5;
	v2 =	vadd.s32 v2, v7  }
0xb8: {  	v43 =	vld [tilespmem:$0x3F8];
	v3 =	vadd.s32 v3, v8;
	v4 =	vadd.s32 v4, v47;
	v5 =	vadd.s32 s8, v46  }
0xb9: {  	v6 =	vadd.s32 v6, v10;
	v8 =	vadd.s32 s8, v48;
	v9 =	vadd.s32 v9, v50  }
0xba: {  	v7 =	vadd.s32 s8, v49;
	v12 =	vadd.s32 v12, v53;
	v10 =	vadd.s32 s8, v52  }
0xbb: {  	v15 =	vadd.s32 v15, v56;
	v59 =	vsel vm7, $0xFFFEC781, v0;
	v62 =	vsel vm10, $0xFFFEC781, v0  }
0xbc: {  	v30 =	vsel vm13, $0xFFFEC781, v0;
	v41 =	vsel vm4, $0xFFFEC781, v0;
	v48 =	vadd.s32 s8, v39  }
0xbd: {  	v52 =	vadd.s32 s8, v43;
	vm9 =	vgt.s32 v5, $0x9C3F;
	v5 =	vshll.u32 v5, $0x1  }
0xbe: {  	v51 =	vld [tilespmem:$0x308];
	vm11 =	vgt.s32 v8, $0x9C3F;
	v8 =	vshll.u32 v8, $0x1;
	vm12 =	vgt.s32 v7, $0x9C3F  }
0xbf: {  	v54 =	vld [tilespmem:$0x330];
	v7 =	vshll.u32 v7, $0x1;
	vm15 =	vgt.s32 v10, $0x9C3F;
	v10 =	vshll.u32 v10, $0x1;
	[tilespmem:$0x790] =	vst v2  }
0xc0: {  	v55 =	vld [tilespmem:$0x338];
	v18 =	vadd.s32 v18, v59;
	v21 =	vadd.s32 v21, v62;
	[tilespmem:$0x7A8] =	vst v4;
	v4 =	vshll.u32 v33, $0x1  }
0xc1: {  	v57 =	vld [tilespmem:$0x358];
	[tilespmem:$0x7D0] =	vst v9;
	v9 =	vshll.u32 v42, $0x1;
	vm7 =	vgt.s32 v48, $0x9C3F;
	v50 =	vshll.u32 v48, $0x1  }
0xc2: {  	[tilespmem:$0x7F8] =	vst v12;
	v12 =	vshll.u32 v52, $0x1;
	v11 =	vsel vm9, $0xFFFEC781, v0;
	v13 =	vsel vm11, $0xFFFEC781, v0  }
0xc3: {  	v14 =	vsel vm12, $0xFFFEC781, v0;
	v17 =	vsel vm15, $0xFFFEC781, v0;
	[tilespmem:$0x798] =	vst v3;
	v3 =	vshll.u32 v24, $0x1  }
0xc4: {  	vm15 =	vgt.s32 v33, $0x9C3F;
	v5 =	vadd.s32 v5, v11;
	v8 =	vadd.s32 v8, v13  }
0xc5: {  	v7 =	vadd.s32 v7, v14;
	v11 =	vadd.s32 s8, v51;
	v10 =	vadd.s32 v10, v17  }
0xc6: {  	v45 =	vld [tilespmem:$0x400];
	v14 =	vadd.s32 s8, v54;
	v13 =	vadd.s32 s8, v55;
	v17 =	vadd.s32 s8, v57  }
0xc7: {  	v3 =	vadd.s32 v3, v30;
	v37 =	vsel vm15, $0xFFFEC781, v0;
	v51 =	vsel vm7, $0xFFFEC781, v0  }
0xc8: {  	v58 =	vld [tilespmem:$0x360];
	vm14 =	vgt.s32 v11, $0x9C3F;
	v11 =	vshll.u32 v11, $0x1;
	vm5 =	vgt.s32 v14, $0x9C3F  }
0xc9: {  	v49 =	vld [tilespmem:$0x410];
	[tilespmem:$0x7B8] =	vst v6;
	v14 =	vshll.u32 v14, $0x1;
	vm6 =	vgt.s32 v13, $0x9C3F;
	v13 =	vshll.u32 v13, $0x1  }
0xca: {  	v53 =	vld [tilespmem:$0x420];
	vm8 =	vgt.s32 v17, $0x9C3F;
	v17 =	vshll.u32 v17, $0x1;
	[tilespmem:$0x7C0] =	vst v5;
	v4 =	vadd.s32 v4, v37  }
0xcb: {  	v60 =	vld [tilespmem:$0x380];
	[tilespmem:$0x7E0] =	vst v8;
	v5 =	vadd.s32 v40, v41;
	v8 =	vadd.s32 s8, v45;
	v16 =	vsel vm14, $0xFFFEC781, v0  }
0xcc: {  	v61 =	vld [tilespmem:$0x388];
	v19 =	vsel vm5, $0xFFFEC781, v0;
	v20 =	vsel vm6, $0xFFFEC781, v0;
	v22 =	vsel vm8, $0xFFFEC781, v0  }
0xcd: {  	vm14 =	vgt.s32 v31, $0x9C3F;
	vm5 =	vgt.s32 v42, $0x9C3F;
	vm6 =	vgt.s32 v44, $0x9C3F  }
0xce: {  	v62 =	vld [tilespmem:$0x450];
	[tilespmem:$0x7E8] =	vst v7;
	v7 =	vshll.u32 v44, $0x1;
	vm8 =	vgt.s32 v52, $0x9C3F;
	v57 =	vadd.s32 s8, v49  }
0xcf: {  	[tilespmem:$0x820] =	vst v15;
	v15 =	vadd.s32 s8, v53;
	v11 =	vadd.s32 v11, v16;
	v14 =	vadd.s32 v14, v19  }
0xd0: {  	v13 =	vadd.s32 v13, v20;
	v16 =	vadd.s32 s8, v58;
	v17 =	vadd.s32 v17, v22  }
0xd1: {  	v20 =	vadd.s32 s8, v60;
	v19 =	vadd.s32 s8, v61;
	v36 =	vsel vm14, $0xFFFEC781, v0  }
0xd2: {  	v26 =	vld [tilespmem:$0x470];
	v46 =	vsel vm5, $0xFFFEC781, v0;
	v47 =	vsel vm6, $0xFFFEC781, v0;
	v55 =	vsel vm8, $0xFFFEC781, v0  }
0xd3: {  	[tilespmem:$0x780] =	vst v1;
	v33 =	vld [tilespmem:$0x488];
	vm10 =	vgt.s32 v57, $0x9C3F;
	v59 =	vshll.u32 v57, $0x1;
	v27 =	vadd.s32 s8, v62  }
0xd4: {  	[tilespmem:$0x848] =	vst v18;
	vm9 =	vgt.s32 v16, $0x9C3F;
	v16 =	vshll.u32 v16, $0x1;
	vm11 =	vgt.s32 v20, $0x9C3F  }
0xd5: {  	[tilespmem:$0x870] =	vst v21;
	v20 =	vshll.u32 v20, $0x1;
	vm12 =	vgt.s32 v19, $0x9C3F;
	v1 =	vshll.u32 v19, $0x1  }
0xd6: {  	v54 =	vld [tilespmem:$0x428];
	[tilespmem:$0x898] =	vst v3;
	v6 =	vadd.s32 v35, v36;
	v9 =	vadd.s32 v9, v46;
	v7 =	vadd.s32 v7, v47  }
0xd7: {  	v28 =	vld [tilespmem:$0x478];
	[tilespmem:$0x808] =	vst v11;
	v12 =	vadd.s32 v12, v55;
	v60 =	vsel vm10, $0xFFFEC781, v0;
	vm15 =	vgt.s32 v27, $0x9C3F  }
0xd8: {  	v43 =	vld [tilespmem:$0x4B0];
	[tilespmem:$0x830] =	vst v14;
	v36 =	vadd.s32 s8, v26;
	v42 =	vadd.s32 s8, v33;
	v23 =	vsel vm9, $0xFFFEC781, v0  }
0xd9: {  	v25 =	vsel vm11, $0xFFFEC781, v0;
	v29 =	vsel vm12, $0xFFFEC781, v0;
	[tilespmem:$0x810] =	vst v10;
	v10 =	vadd.s32 v50, v51  }
0xda: {  	[tilespmem:$0x838] =	vst v13;
	vm9 =	vgt.s32 v8, $0x9C3F;
	v8 =	vshll.u32 v8, $0x1;
	v13 =	vadd.s32 v59, v60  }
0xdb: {  	[tilespmem:$0x8C0] =	vst v5;
	vm11 =	vgt.s32 v15, $0x9C3F;
	v11 =	vadd.s32 s8, v54;
	v31 =	vsel vm15, $0xFFFEC781, v0  }
0xdc: {  	v37 =	vld [tilespmem:$0x498];
	[tilespmem:$0x8A8] =	vst v6;
	vm5 =	vgt.s32 v36, $0x9C3F;
	v6 =	vadd.s32 s8, v28;
	v39 =	vshll.u32 v36, $0x1  }
0xdd: {  	[tilespmem:$0x858] =	vst v17;
	vm7 =	vgt.s32 v42, $0x9C3F;
	v51 =	vadd.s32 s8, v43;
	v16 =	vadd.s32 v16, v23  }
0xde: {  	[tilespmem:$0x8D0] =	vst v9;
	v2 =	vadd.s32 v20, v25;
	v1 =	vadd.s32 v1, v29;
	v56 =	vsel vm9, $0xFFFEC781, v0  }
0xdf: {  	v52 =	vld [tilespmem:$0x4D8];
	v63 =	vsel vm11, $0xFFFEC781, v0;
	vm12 =	vgt.s32 v11, $0x9C3F;
	[tilespmem:$0x8B0] =	vst v4;
	v4 =	vshll.u32 v27, $0x1  }
0xe0: {  	v58 =	vld [tilespmem:$0x438];
	[tilespmem:$0x8F8] =	vst v12;
	v40 =	vsel vm5, $0xFFFEC781, v0;
	vm6 =	vgt.s32 v6, $0x9C3F;
	v6 =	vshll.u32 v6, $0x1  }
0xe1: {  	v61 =	vld [tilespmem:$0x448];
	[tilespmem:$0x8D8] =	vst v7;
	v44 =	vsel vm7, $0xFFFEC781, v0;
	v45 =	vadd.s32 s8, v37;
	vm10 =	vgt.s32 v51, $0x9C3F  }
0xe2: {  	v46 =	vld [tilespmem:$0x4C0];
	v8 =	vadd.s32 v8, v56;
	[tilespmem:$0x880] =	vst v2;
	v2 =	vshll.u32 v15, $0x1;
	v21 =	vsel vm12, $0xFFFEC781, v0  }
0xe3: {  	v47 =	vld [tilespmem:$0x4C8];
	[tilespmem:$0x8E8] =	vst v10;
	v4 =	vadd.s32 v4, v31;
	v41 =	vsel vm6, $0xFFFEC781, v0;
	vm8 =	vgt.s32 v45, $0x9C3F  }
0xe4: {  	v55 =	vld [tilespmem:$0x4E8];
	[tilespmem:$0x910] =	vst v13;
	v48 =	vshll.u32 v45, $0x1;
	v53 =	vsel vm10, $0xFFFEC781, v0;
	v60 =	vadd.s32 s8, v52  }
0xe5: {  	[tilespmem:$0x888] =	vst v1;
	v1 =	vshll.u32 v11, $0x1;
	v22 =	vadd.s32 s8, v58;
	v2 =	vadd.s32 v2, v63  }
0xe6: {  	[tilespmem:$0x860] =	vst v16;
	v25 =	vadd.s32 s8, v61;
	v6 =	vadd.s32 v6, v41;
	v49 =	vsel vm8, $0xFFFEC781, v0  }
0xe7: {  	[tilespmem:$0x900] =	vst v8;
	v1 =	vadd.s32 v1, v21;
	vm13 =	vgt.s32 v22, $0x9C3F;
	v3 =	vshll.u32 v22, $0x1  }
0xe8: {  	v23 =	vld [tilespmem:$0x460];
	vm14 =	vgt.s32 v25, $0x9C3F;
	v29 =	vshll.u32 v25, $0x1;
	[tilespmem:$0x920] =	vst v2;
	v2 =	vadd.s32 v39, v40  }
0xe9: {  	v54 =	vadd.s32 s8, v46;
	v56 =	vadd.s32 s8, v47;
	v62 =	vadd.s32 s8, v55;
	[tilespmem:$0x928] =	vst v1  }
0xea: {  	v24 =	vsel vm13, $0xFFFEC781, v0;
	v30 =	vsel vm14, $0xFFFEC781, v0;
	v1 =	vshll.u32 v42, $0x1;
	[tilespmem:$0x970] =	vst v2  }
0xeb: {  	v38 =	vld [tilespmem:$0x4A0];
	v2 =	vshll.u32 v51, $0x1;
	vm11 =	vgt.s32 v54, $0x9C3F;
	v3 =	vadd.s32 v3, v24;
	[tilespmem:$0x978] =	vst v6  }
0xec: {  	vm12 =	vgt.s32 v56, $0x9C3F;
	vm13 =	vgt.s32 v60, $0x9C3F;
	v5 =	vadd.s32 v29, v30;
	[tilespmem:$0x938] =	vst v3  }
0xed: {  	vm14 =	vgt.s32 v62, $0x9C3F;
	v32 =	vadd.s32 s8, v23;
	v1 =	vadd.s32 v1, v44;
	[tilespmem:$0x948] =	vst v5  }
0xee: {  	v2 =	vadd.s32 v2, v53;
	v58 =	vsel vm11, $0xFFFEC781, v0;
	v59 =	vsel vm12, $0xFFFEC781, v0;
	[tilespmem:$0x988] =	vst v1  }
0xef: {  	v57 =	vld [tilespmem:$0x4F0];
	v61 =	vsel vm13, $0xFFFEC781, v0;
	vm4 =	vgt.s32 v32, $0x9C3F;
	v34 =	vshll.u32 v32, $0x1;
	[tilespmem:$0x9B0] =	vst v2  }
0xf0: {  	v3 =	vadd.s32 s8, v38;
	v5 =	vadd.s32 v48, v49;
	v1 =	vshll.u32 v54, $0x1;
	[tilespmem:$0x950] =	vst v4  }
0xf1: {  	v35 =	vsel vm4, $0xFFFEC781, v0;
	vm9 =	vgt.s32 v3, $0x9C3F;
	[tilespmem:$0x998] =	vst v5;
	v1 =	vadd.s32 v1, v58  }
0xf2: {  	v3 =	vshll.u32 v3, $0x1;
	v7 =	vadd.s32 v34, v35;
	v50 =	vsel vm9, $0xFFFEC781, v0;
	[tilespmem:$0x9C0] =	vst v1  }
0xf3: {  	v2 =	vshll.u32 v60, $0x1;
	v4 =	vshll.u32 v56, $0x1;
	[tilespmem:$0x960] =	vst v7;
	v3 =	vadd.s32 v3, v50  }
0xf4: {  	v1 =	vadd.s32 v2, v61;
	v2 =	vadd.s32 s8, v57;
	[tilespmem:$0x9A0] =	vst v3;
	v3 =	vadd.s32 v4, v59  }
0xf5: {  	v63 =	vsel vm14, $0xFFFEC781, v0;
	vm15 =	vgt.s32 v2, $0x9C3F;
	[tilespmem:$0x9C8] =	vst v3;
	v3 =	vshll.u32 v62, $0x1  }
0xf6: {  	[tilespmem:$0x9D8] =	vst v1;
	v2 =	vshll.u32 v2, $0x1;
	v1 =	vadd.s32 v3, v63;
	v3 =	vsel vm15, $0xFFFEC781, v0  }
0xf7: {  	[tilespmem:$0x9E8] =	vst v1;
	v1 =	vadd.s32 v2, v3  }
0xf8: {  	s13 =	simm.s32 $0x780;
	s11 =	simm.s32 $0xAA00;
	[tilespmem:$0x9F0] =	vst v1  }
0xf9: {  	[tilespmem:s11], [sflag:$0x2] =	stream.indirect.gather [hbm4b:s6+s16], $0x40, s13, s16, $0xb8;
	[tilespmem:$0x17200] =	vst v63  }
0xfa: {  	s12 =	simm.s32 $0x800;
	s13 =	simm.s32 $0xCA00  }
0xfb: {  	[tilespmem:s13], [sflag:$0x2] =	stream.indirect.gather [hbm4b:s6+s16], $0x40, s12, s16, $0xb8;
	[tilespmem:$0x17200] =	vst v63  }
0xfc: {  	s12 =	simm.s32 $0x880;
	s13 =	simm.s32 $0xEA00  }
0xfd: {  	[tilespmem:s13], [sflag:$0x2] =	stream.indirect.gather [hbm4b:s6+s16], $0x40, s12, s16, $0xb8;
	[tilespmem:$0x17200] =	vst v63  }
0xfe: {  	s12 =	simm.s32 $0x900;
	s13 =	simm.s32 $0x10A00  }
0xff: {  	[tilespmem:s13], [sflag:$0x2] =	stream.indirect.gather [hbm4b:s6+s16], $0x40, s12, s16, $0xb8;
	[tilespmem:$0x17200] =	vst v63  }
0x100: {  	s12 =	simm.s32 $0x980;
	s13 =	simm.s32 $0x12A00  }
0x101: {  	[tilespmem:s13], [sflag:$0x2] =	stream.indirect.gather [hbm4b:s6+s16], $0x40, s12, s16, $0xb8;
	[tilespmem:$0x17200] =	vst v63  }
.LBB2_4:
.Ltmp5:
0x102: {  	(pc) =	sbr.rel @p3 .LBB2_8-.Ltmp5, $2  }
0x103: {  	_ =	sdelay $0x2  }
0x104: {  	p2 =	seq.s32 s30, $0x0  }
0x105: {  	s8 =	simm.s32 @!p2 $0x3  }
0x106: {  	_ =	swait.ge @!p2 [sflag:s8], $0x1400  }
0x107: {  	[sflag:s8] =	ssyncset.done @!p2 $0x0  }
0x108: {  	s11 =	simm.s32 $0x0;
	[sflag:s8] =	ssyncadd.s32 @!p2 $0xFFFFEC00  }
0x109: {  	v1 =	vld [tilespmem:s11+$0xA00]  }
0x10a: {  	v2 =	vld [tilespmem:s11+$0x1400];
	_ =	sdelay $0x1  }
0x10b: {  	v3 =	vld [tilespmem:s11+$0x1E00];
	_ =	sdelay $0x1  }
0x10c: {  	v4 =	vld [tilespmem:s11+$0x2800]  }
0x10d: {  	v5 =	vshll.u32 v1, $0x10;
	v6 =	vshll.u32 v2, $0x10;
	v1 =	vadd.f32 v2, v1  }
0x10e: {  	v2 =	vadd.f32 v6, v5;
	v5 =	vld [tilespmem:s11+$0x3200]  }
0x10f: {  	v6 =	vshll.u32 v3, $0x10;
	v1 =	vadd.f32 v3, v1  }
0x110: {  	v3 =	vld [tilespmem:s11+$0x3C00];
	v2 =	vadd.f32 v6, v2  }
0x111: {  	v6 =	vshll.u32 v4, $0x10;
	v1 =	vadd.f32 v4, v1  }
0x112: {  	v4 =	vld [tilespmem:s11+$0x4600];
	v2 =	vadd.f32 v6, v2  }
0x113: {  	v6 =	vshll.u32 v5, $0x10;
	v1 =	vadd.f32 v5, v1  }
0x114: {  	v5 =	vld [tilespmem:s11+$0x5000];
	v2 =	vadd.f32 v6, v2  }
0x115: {  	v6 =	vshll.u32 v3, $0x10;
	v1 =	vadd.f32 v3, v1  }
0x116: {  	v3 =	vld [tilespmem:s11+$0x5A00];
	v2 =	vadd.f32 v6, v2  }
0x117: {  	v6 =	vshll.u32 v4, $0x10;
	v1 =	vadd.f32 v4, v1  }
0x118: {  	v4 =	vld [tilespmem:s11+$0x6400];
	v2 =	vadd.f32 v6, v2  }
0x119: {  	v6 =	vshll.u32 v5, $0x10;
	v1 =	vadd.f32 v5, v1  }
0x11a: {  	v5 =	vld [tilespmem:s11+$0x6E00];
	v2 =	vadd.f32 v6, v2  }
0x11b: {  	v6 =	vshll.u32 v3, $0x10;
	v1 =	vadd.f32 v3, v1  }
0x11c: {  	v3 =	vld [tilespmem:s11+$0x7800];
	v2 =	vadd.f32 v6, v2  }
0x11d: {  	v6 =	vshll.u32 v4, $0x10;
	v1 =	vadd.f32 v4, v1  }
0x11e: {  	v4 =	vld [tilespmem:s11+$0x8200];
	v2 =	vadd.f32 v6, v2  }
0x11f: {  	v6 =	vshll.u32 v5, $0x10;
	v1 =	vadd.f32 v5, v1  }
0x120: {  	v5 =	vld [tilespmem:s11+$0x8C00];
	v2 =	vadd.f32 v6, v2  }
0x121: {  	v6 =	vshll.u32 v3, $0x10;
	v1 =	vadd.f32 v3, v1  }
0x122: {  	v3 =	vld [tilespmem:s11+$0x9600];
	v2 =	vadd.f32 v6, v2  }
0x123: {  	v6 =	vshll.u32 v4, $0x10;
	v1 =	vadd.f32 v4, v1  }
0x124: {  	v4 =	vld [tilespmem:s11+$0xA000];
	v2 =	vadd.f32 v6, v2  }
0x125: {  	v6 =	vshll.u32 v5, $0x10;
	v1 =	vadd.f32 v5, v1  }
0x126: {  	v2 =	vadd.f32 v6, v2  }
0x127: {  	v5 =	vshll.u32 v3, $0x10;
	v1 =	vadd.f32 v3, v1  }
0x128: {  	v2 =	vadd.f32 v5, v2  }
0x129: {  	v3 =	vshll.u32 v4, $0x10;
	v1 =	vadd.f32 v4, v1  }
0x12a: {  	s12 =	simm.s32 $0x14A40;
	v2 =	vadd.f32 v3, v2  }
0x12b: {  	[tilespmem:s12+$0xFFFFFFD0] =	vst v1  }
0x12c: {  	[tilespmem:s12+$0xFFFFFFC0] =	vst v2  }
0x12d: {  	v1 =	vld [tilespmem:s11+$0xA10]  }
0x12e: {  	v2 =	vld [tilespmem:s11+$0x1410];
	_ =	sdelay $0x1  }
0x12f: {  	v3 =	vld [tilespmem:s11+$0x1E10];
	_ =	sdelay $0x1  }
0x130: {  	v4 =	vld [tilespmem:s11+$0x2810]  }
0x131: {  	v5 =	vshll.u32 v1, $0x10;
	v6 =	vshll.u32 v2, $0x10;
	v1 =	vadd.f32 v2, v1  }
0x132: {  	v2 =	vadd.f32 v6, v5;
	v5 =	vld [tilespmem:s11+$0x3210]  }
0x133: {  	v6 =	vshll.u32 v3, $0x10;
	v1 =	vadd.f32 v3, v1  }
0x134: {  	v3 =	vld [tilespmem:s11+$0x3C10];
	v2 =	vadd.f32 v6, v2  }
0x135: {  	v6 =	vshll.u32 v4, $0x10;
	v1 =	vadd.f32 v4, v1  }
0x136: {  	v4 =	vld [tilespmem:s11+$0x4610];
	v2 =	vadd.f32 v6, v2  }
0x137: {  	v6 =	vshll.u32 v5, $0x10;
	v1 =	vadd.f32 v5, v1  }
0x138: {  	v5 =	vld [tilespmem:s11+$0x5010];
	v2 =	vadd.f32 v6, v2  }
0x139: {  	v6 =	vshll.u32 v3, $0x10;
	v1 =	vadd.f32 v3, v1  }
0x13a: {  	v3 =	vld [tilespmem:s11+$0x5A10];
	v2 =	vadd.f32 v6, v2  }
0x13b: {  	v6 =	vshll.u32 v4, $0x10;
	v1 =	vadd.f32 v4, v1  }
0x13c: {  	v4 =	vld [tilespmem:s11+$0x6410];
	v2 =	vadd.f32 v6, v2  }
0x13d: {  	v6 =	vshll.u32 v5, $0x10;
	v1 =	vadd.f32 v5, v1  }
0x13e: {  	v5 =	vld [tilespmem:s11+$0x6E10];
	v2 =	vadd.f32 v6, v2  }
0x13f: {  	v6 =	vshll.u32 v3, $0x10;
	v1 =	vadd.f32 v3, v1  }
0x140: {  	v3 =	vld [tilespmem:s11+$0x7810];
	v2 =	vadd.f32 v6, v2  }
0x141: {  	v6 =	vshll.u32 v4, $0x10;
	v1 =	vadd.f32 v4, v1  }
0x142: {  	v4 =	vld [tilespmem:s11+$0x8210];
	v2 =	vadd.f32 v6, v2  }
0x143: {  	v6 =	vshll.u32 v5, $0x10;
	v1 =	vadd.f32 v5, v1  }
0x144: {  	v5 =	vld [tilespmem:s11+$0x8C10];
	v2 =	vadd.f32 v6, v2  }
0x145: {  	v6 =	vshll.u32 v3, $0x10;
	v1 =	vadd.f32 v3, v1  }
0x146: {  	v3 =	vld [tilespmem:s11+$0x9610];
	v2 =	vadd.f32 v6, v2  }
0x147: {  	v6 =	vshll.u32 v4, $0x10;
	v1 =	vadd.f32 v4, v1  }
0x148: {  	v4 =	vld [tilespmem:s11+$0xA010];
	v2 =	vadd.f32 v6, v2  }
0x149: {  	v6 =	vshll.u32 v5, $0x10;
	v1 =	vadd.f32 v5, v1  }
0x14a: {  	v2 =	vadd.f32 v6, v2  }
0x14b: {  	v5 =	vshll.u32 v3, $0x10;
	v1 =	vadd.f32 v3, v1  }
0x14c: {  	v2 =	vadd.f32 v5, v2  }
0x14d: {  	v3 =	vshll.u32 v4, $0x10;
	v1 =	vadd.f32 v4, v1  }
0x14e: {  	v2 =	vadd.f32 v3, v2  }
0x14f: {  	[tilespmem:s12+$0xFFFFFFF0] =	vst v1  }
0x150: {  	[tilespmem:s12+$0xFFFFFFE0] =	vst v2  }
0x151: {  	v1 =	vld [tilespmem:s11+$0xA20]  }
0x152: {  	v2 =	vld [tilespmem:s11+$0x1420];
	_ =	sdelay $0x1  }
0x153: {  	v3 =	vld [tilespmem:s11+$0x1E20];
	_ =	sdelay $0x1  }
0x154: {  	v4 =	vld [tilespmem:s11+$0x2820]  }
0x155: {  	v5 =	vshll.u32 v1, $0x10;
	v6 =	vshll.u32 v2, $0x10;
	v1 =	vadd.f32 v2, v1  }
0x156: {  	v2 =	vadd.f32 v6, v5;
	v5 =	vld [tilespmem:s11+$0x3220]  }
0x157: {  	v6 =	vshll.u32 v3, $0x10;
	v1 =	vadd.f32 v3, v1  }
0x158: {  	v3 =	vld [tilespmem:s11+$0x3C20];
	v2 =	vadd.f32 v6, v2  }
0x159: {  	v6 =	vshll.u32 v4, $0x10;
	v1 =	vadd.f32 v4, v1  }
0x15a: {  	v4 =	vld [tilespmem:s11+$0x4620];
	v2 =	vadd.f32 v6, v2  }
0x15b: {  	v6 =	vshll.u32 v5, $0x10;
	v1 =	vadd.f32 v5, v1  }
0x15c: {  	v5 =	vld [tilespmem:s11+$0x5020];
	v2 =	vadd.f32 v6, v2  }
0x15d: {  	v6 =	vshll.u32 v3, $0x10;
	v1 =	vadd.f32 v3, v1  }
0x15e: {  	v3 =	vld [tilespmem:s11+$0x5A20];
	v2 =	vadd.f32 v6, v2  }
0x15f: {  	v6 =	vshll.u32 v4, $0x10;
	v1 =	vadd.f32 v4, v1  }
0x160: {  	v4 =	vld [tilespmem:s11+$0x6420];
	v2 =	vadd.f32 v6, v2  }
0x161: {  	v6 =	vshll.u32 v5, $0x10;
	v1 =	vadd.f32 v5, v1  }
0x162: {  	v5 =	vld [tilespmem:s11+$0x6E20];
	v2 =	vadd.f32 v6, v2  }
0x163: {  	v6 =	vshll.u32 v3, $0x10;
	v1 =	vadd.f32 v3, v1  }
0x164: {  	v3 =	vld [tilespmem:s11+$0x7820];
	v2 =	vadd.f32 v6, v2  }
0x165: {  	v6 =	vshll.u32 v4, $0x10;
	v1 =	vadd.f32 v4, v1  }
0x166: {  	v4 =	vld [tilespmem:s11+$0x8220];
	v2 =	vadd.f32 v6, v2  }
0x167: {  	v6 =	vshll.u32 v5, $0x10;
	v1 =	vadd.f32 v5, v1  }
0x168: {  	v5 =	vld [tilespmem:s11+$0x8C20];
	v2 =	vadd.f32 v6, v2  }
0x169: {  	v6 =	vshll.u32 v3, $0x10;
	v1 =	vadd.f32 v3, v1  }
0x16a: {  	v3 =	vld [tilespmem:s11+$0x9620];
	v2 =	vadd.f32 v6, v2  }
0x16b: {  	v6 =	vshll.u32 v4, $0x10;
	v1 =	vadd.f32 v4, v1  }
0x16c: {  	v4 =	vld [tilespmem:s11+$0xA020];
	v2 =	vadd.f32 v6, v2  }
0x16d: {  	v6 =	vshll.u32 v5, $0x10;
	v1 =	vadd.f32 v5, v1  }
0x16e: {  	v2 =	vadd.f32 v6, v2  }
0x16f: {  	v5 =	vshll.u32 v3, $0x10;
	v1 =	vadd.f32 v3, v1  }
0x170: {  	v2 =	vadd.f32 v5, v2  }
0x171: {  	v3 =	vshll.u32 v4, $0x10;
	v1 =	vadd.f32 v4, v1  }
0x172: {  	v2 =	vadd.f32 v3, v2  }
0x173: {  	[tilespmem:s12+$0x10] =	vst v1  }
0x174: {  	[tilespmem:s12+$0x0] =	vst v2  }
0x175: {  	v1 =	vld [tilespmem:s11+$0xA30]  }
0x176: {  	v2 =	vld [tilespmem:s11+$0x1430];
	_ =	sdelay $0x1  }
0x177: {  	v3 =	vld [tilespmem:s11+$0x1E30];
	_ =	sdelay $0x1  }
0x178: {  	v4 =	vld [tilespmem:s11+$0x2830]  }
0x179: {  	v5 =	vshll.u32 v1, $0x10;
	v6 =	vshll.u32 v2, $0x10  }
0x17a: {  	v7 =	vld [tilespmem:s11+$0x3230];
	v1 =	vadd.f32 v2, v1;
	v2 =	vadd.f32 v6, v5  }
0x17b: {  	v5 =	vshll.u32 v3, $0x10  }
0x17c: {  	v6 =	vld [tilespmem:s11+$0x3C30];
	v1 =	vadd.f32 v3, v1;
	v2 =	vadd.f32 v5, v2  }
0x17d: {  	v3 =	vshll.u32 v4, $0x10  }
0x17e: {  	v5 =	vld [tilespmem:s11+$0x4630];
	v1 =	vadd.f32 v4, v1;
	v2 =	vadd.f32 v3, v2  }
0x17f: {  	v3 =	vshll.u32 v7, $0x10  }
0x180: {  	v4 =	vld [tilespmem:s11+$0x5030];
	v1 =	vadd.f32 v7, v1;
	v2 =	vadd.f32 v3, v2  }
0x181: {  	v3 =	vshll.u32 v6, $0x10  }
0x182: {  	v7 =	vld [tilespmem:s11+$0x5A30];
	v1 =	vadd.f32 v6, v1;
	v2 =	vadd.f32 v3, v2  }
0x183: {  	v3 =	vshll.u32 v5, $0x10  }
0x184: {  	v6 =	vld [tilespmem:s11+$0x6430];
	v1 =	vadd.f32 v5, v1;
	v2 =	vadd.f32 v3, v2  }
0x185: {  	v3 =	vshll.u32 v4, $0x10  }
0x186: {  	v5 =	vld [tilespmem:s11+$0x6E30];
	v1 =	vadd.f32 v4, v1;
	v2 =	vadd.f32 v3, v2  }
0x187: {  	v3 =	vshll.u32 v7, $0x10  }
0x188: {  	v4 =	vld [tilespmem:s11+$0x7830];
	v1 =	vadd.f32 v7, v1;
	v2 =	vadd.f32 v3, v2  }
0x189: {  	v3 =	vshll.u32 v6, $0x10  }
0x18a: {  	v7 =	vld [tilespmem:s11+$0x8230];
	v1 =	vadd.f32 v6, v1;
	v2 =	vadd.f32 v3, v2  }
0x18b: {  	v3 =	vshll.u32 v5, $0x10  }
0x18c: {  	v6 =	vld [tilespmem:s11+$0x8C30];
	v5 =	vadd.f32 v5, v1;
	v2 =	vadd.f32 v3, v2  }
0x18d: {  	v1 =	vld [tilespmem:s11+$0x9630];
	v3 =	vshll.u32 v4, $0x10  }
0x18e: {  	v4 =	vadd.f32 v4, v5;
	v2 =	vadd.f32 v3, v2  }
0x18f: {  	v3 =	vshll.u32 v7, $0x10  }
0x190: {  	v4 =	vadd.f32 v7, v4;
	v3 =	vadd.f32 v3, v2;
	v2 =	vld [tilespmem:s11+$0xA030]  }
0x191: {  	v7 =	vshll.u32 v6, $0x10  }
0x192: {  	s13 =	simm.s32 $0x14A40;
	s8 =	simm.s32 $0x100;
	v5 =	vadd.f32 v6, v4;
	v4 =	vshll.u32 v1, $0x10;
	v3 =	vadd.f32 v7, v3  }
.LBB2_6:
0x193: {  	p3 =	sne.s32 s8, $0x2700  }
0x194: {  	v1 =	vadd.f32 v1, v5;
	s12 =	sadd.s32 $0x80, s12;
	s11 =	smov.u32 s8;
	s8 =	sadd.s32 $0x100, s8  }
0x195: {  	v3 =	vadd.f32 v4, v3;
	v4 =	vshll.u32 v2, $0x10  }
0x196: {  	v1 =	vadd.f32 v2, v1  }
0x197: {  	v2 =	vadd.f32 v4, v3  }
0x198: {  	s11 =	sshra.s32 s11, $0x2;
	[tilespmem:s13+$0x30] =	vst v1  }
0x199: {  	[tilespmem:s13+$0x20] =	vst v2;
	s13 =	smov.u32 s12  }
0x19a: {  	v1 =	vld [tilespmem:s11+$0xA00]  }
0x19b: {  	v2 =	vld [tilespmem:s11+$0x1400];
	_ =	sdelay $0x1  }
0x19c: {  	v3 =	vld [tilespmem:s11+$0x1E00];
	_ =	sdelay $0x1  }
0x19d: {  	v4 =	vld [tilespmem:s11+$0x2800]  }
0x19e: {  	v5 =	vshll.u32 v1, $0x10;
	v6 =	vshll.u32 v2, $0x10;
	v1 =	vadd.f32 v2, v1  }
0x19f: {  	v2 =	vadd.f32 v6, v5;
	v5 =	vld [tilespmem:s11+$0x3200]  }
0x1a0: {  	v6 =	vshll.u32 v3, $0x10;
	v1 =	vadd.f32 v3, v1  }
0x1a1: {  	v2 =	vadd.f32 v6, v2;
	v3 =	vld [tilespmem:s11+$0x3C00]  }
0x1a2: {  	v6 =	vshll.u32 v4, $0x10;
	v1 =	vadd.f32 v4, v1  }
0x1a3: {  	v2 =	vadd.f32 v6, v2;
	v4 =	vld [tilespmem:s11+$0x4600]  }
0x1a4: {  	v6 =	vshll.u32 v5, $0x10;
	v1 =	vadd.f32 v5, v1  }
0x1a5: {  	v2 =	vadd.f32 v6, v2;
	v5 =	vld [tilespmem:s11+$0x5000]  }
0x1a6: {  	v6 =	vshll.u32 v3, $0x10;
	v1 =	vadd.f32 v3, v1  }
0x1a7: {  	v2 =	vadd.f32 v6, v2;
	v3 =	vld [tilespmem:s11+$0x5A00]  }
0x1a8: {  	v6 =	vshll.u32 v4, $0x10;
	v1 =	vadd.f32 v4, v1  }
0x1a9: {  	v2 =	vadd.f32 v6, v2;
	v4 =	vld [tilespmem:s11+$0x6400]  }
0x1aa: {  	v6 =	vshll.u32 v5, $0x10;
	v1 =	vadd.f32 v5, v1  }
0x1ab: {  	v2 =	vadd.f32 v6, v2;
	v5 =	vld [tilespmem:s11+$0x6E00]  }
0x1ac: {  	v6 =	vshll.u32 v3, $0x10;
	v1 =	vadd.f32 v3, v1  }
0x1ad: {  	v2 =	vadd.f32 v6, v2;
	v3 =	vld [tilespmem:s11+$0x7800]  }
0x1ae: {  	v6 =	vshll.u32 v4, $0x10;
	v1 =	vadd.f32 v4, v1  }
0x1af: {  	v2 =	vadd.f32 v6, v2;
	v4 =	vld [tilespmem:s11+$0x8200]  }
0x1b0: {  	v6 =	vshll.u32 v5, $0x10;
	v1 =	vadd.f32 v5, v1  }
0x1b1: {  	v2 =	vadd.f32 v6, v2;
	v5 =	vld [tilespmem:s11+$0x8C00]  }
0x1b2: {  	v6 =	vshll.u32 v3, $0x10;
	v1 =	vadd.f32 v3, v1  }
0x1b3: {  	v2 =	vadd.f32 v6, v2;
	v3 =	vld [tilespmem:s11+$0x9600]  }
0x1b4: {  	v6 =	vshll.u32 v4, $0x10;
	v1 =	vadd.f32 v4, v1  }
0x1b5: {  	v2 =	vadd.f32 v6, v2;
	v4 =	vld [tilespmem:s11+$0xA000]  }
0x1b6: {  	v6 =	vshll.u32 v5, $0x10;
	v1 =	vadd.f32 v5, v1  }
0x1b7: {  	v2 =	vadd.f32 v6, v2  }
0x1b8: {  	v5 =	vshll.u32 v3, $0x10;
	v1 =	vadd.f32 v3, v1  }
0x1b9: {  	v2 =	vadd.f32 v5, v2  }
0x1ba: {  	v3 =	vshll.u32 v4, $0x10;
	v1 =	vadd.f32 v4, v1  }
0x1bb: {  	v2 =	vadd.f32 v3, v2  }
0x1bc: {  	[tilespmem:s12+$0xFFFFFFD0] =	vst v1  }
0x1bd: {  	[tilespmem:s12+$0xFFFFFFC0] =	vst v2  }
0x1be: {  	v1 =	vld [tilespmem:s11+$0xA10]  }
0x1bf: {  	v2 =	vld [tilespmem:s11+$0x1410];
	_ =	sdelay $0x1  }
0x1c0: {  	v3 =	vld [tilespmem:s11+$0x1E10];
	_ =	sdelay $0x1  }
0x1c1: {  	v4 =	vld [tilespmem:s11+$0x2810]  }
0x1c2: {  	v5 =	vshll.u32 v1, $0x10;
	v6 =	vshll.u32 v2, $0x10;
	v1 =	vadd.f32 v2, v1  }
0x1c3: {  	v2 =	vadd.f32 v6, v5;
	v5 =	vld [tilespmem:s11+$0x3210]  }
0x1c4: {  	v6 =	vshll.u32 v3, $0x10;
	v1 =	vadd.f32 v3, v1  }
0x1c5: {  	v2 =	vadd.f32 v6, v2;
	v3 =	vld [tilespmem:s11+$0x3C10]  }
0x1c6: {  	v6 =	vshll.u32 v4, $0x10;
	v1 =	vadd.f32 v4, v1  }
0x1c7: {  	v2 =	vadd.f32 v6, v2;
	v4 =	vld [tilespmem:s11+$0x4610]  }
0x1c8: {  	v6 =	vshll.u32 v5, $0x10;
	v1 =	vadd.f32 v5, v1  }
0x1c9: {  	v2 =	vadd.f32 v6, v2;
	v5 =	vld [tilespmem:s11+$0x5010]  }
0x1ca: {  	v6 =	vshll.u32 v3, $0x10;
	v1 =	vadd.f32 v3, v1  }
0x1cb: {  	v2 =	vadd.f32 v6, v2;
	v3 =	vld [tilespmem:s11+$0x5A10]  }
0x1cc: {  	v6 =	vshll.u32 v4, $0x10;
	v1 =	vadd.f32 v4, v1  }
0x1cd: {  	v2 =	vadd.f32 v6, v2;
	v4 =	vld [tilespmem:s11+$0x6410]  }
0x1ce: {  	v6 =	vshll.u32 v5, $0x10;
	v1 =	vadd.f32 v5, v1  }
0x1cf: {  	v2 =	vadd.f32 v6, v2;
	v5 =	vld [tilespmem:s11+$0x6E10]  }
0x1d0: {  	v6 =	vshll.u32 v3, $0x10;
	v1 =	vadd.f32 v3, v1  }
0x1d1: {  	v2 =	vadd.f32 v6, v2;
	v3 =	vld [tilespmem:s11+$0x7810]  }
0x1d2: {  	v6 =	vshll.u32 v4, $0x10;
	v1 =	vadd.f32 v4, v1  }
0x1d3: {  	v2 =	vadd.f32 v6, v2;
	v4 =	vld [tilespmem:s11+$0x8210]  }
0x1d4: {  	v6 =	vshll.u32 v5, $0x10;
	v1 =	vadd.f32 v5, v1  }
0x1d5: {  	v2 =	vadd.f32 v6, v2;
	v5 =	vld [tilespmem:s11+$0x8C10]  }
0x1d6: {  	v6 =	vshll.u32 v3, $0x10;
	v1 =	vadd.f32 v3, v1  }
0x1d7: {  	v2 =	vadd.f32 v6, v2;
	v3 =	vld [tilespmem:s11+$0x9610]  }
0x1d8: {  	v6 =	vshll.u32 v4, $0x10;
	v1 =	vadd.f32 v4, v1  }
0x1d9: {  	v2 =	vadd.f32 v6, v2;
	v4 =	vld [tilespmem:s11+$0xA010]  }
0x1da: {  	v6 =	vshll.u32 v5, $0x10;
	v1 =	vadd.f32 v5, v1  }
0x1db: {  	v2 =	vadd.f32 v6, v2  }
0x1dc: {  	v5 =	vshll.u32 v3, $0x10;
	v1 =	vadd.f32 v3, v1  }
0x1dd: {  	v2 =	vadd.f32 v5, v2  }
0x1de: {  	v3 =	vshll.u32 v4, $0x10;
	v1 =	vadd.f32 v4, v1  }
0x1df: {  	v2 =	vadd.f32 v3, v2  }
0x1e0: {  	[tilespmem:s12+$0xFFFFFFF0] =	vst v1  }
0x1e1: {  	[tilespmem:s12+$0xFFFFFFE0] =	vst v2  }
0x1e2: {  	v1 =	vld [tilespmem:s11+$0xA20]  }
0x1e3: {  	v2 =	vld [tilespmem:s11+$0x1420];
	_ =	sdelay $0x1  }
0x1e4: {  	v3 =	vld [tilespmem:s11+$0x1E20];
	_ =	sdelay $0x1  }
0x1e5: {  	v4 =	vshll.u32 v1, $0x10;
	v5 =	vld [tilespmem:s11+$0x2820]  }
0x1e6: {  	v6 =	vshll.u32 v2, $0x10;
	v1 =	vadd.f32 v2, v1  }
0x1e7: {  	v2 =	vadd.f32 v6, v4;
	v4 =	vld [tilespmem:s11+$0x3220]  }
0x1e8: {  	v6 =	vshll.u32 v3, $0x10;
	v1 =	vadd.f32 v3, v1  }
0x1e9: {  	v2 =	vadd.f32 v6, v2;
	v3 =	vld [tilespmem:s11+$0x3C20]  }
0x1ea: {  	v6 =	vshll.u32 v5, $0x10;
	v1 =	vadd.f32 v5, v1  }
0x1eb: {  	v2 =	vadd.f32 v6, v2;
	v5 =	vld [tilespmem:s11+$0x4620]  }
0x1ec: {  	v6 =	vshll.u32 v4, $0x10;
	v1 =	vadd.f32 v4, v1  }
0x1ed: {  	v2 =	vadd.f32 v6, v2;
	v4 =	vld [tilespmem:s11+$0x5020]  }
0x1ee: {  	v6 =	vshll.u32 v3, $0x10;
	v1 =	vadd.f32 v3, v1  }
0x1ef: {  	v2 =	vadd.f32 v6, v2;
	v3 =	vld [tilespmem:s11+$0x5A20]  }
0x1f0: {  	v6 =	vshll.u32 v5, $0x10;
	v1 =	vadd.f32 v5, v1  }
0x1f1: {  	v2 =	vadd.f32 v6, v2;
	v5 =	vld [tilespmem:s11+$0x6420]  }
0x1f2: {  	v6 =	vshll.u32 v4, $0x10;
	v1 =	vadd.f32 v4, v1  }
0x1f3: {  	v2 =	vadd.f32 v6, v2;
	v4 =	vld [tilespmem:s11+$0x6E20]  }
0x1f4: {  	v6 =	vshll.u32 v3, $0x10;
	v1 =	vadd.f32 v3, v1  }
0x1f5: {  	v2 =	vadd.f32 v6, v2;
	v3 =	vld [tilespmem:s11+$0x7820]  }
0x1f6: {  	v6 =	vshll.u32 v5, $0x10;
	v1 =	vadd.f32 v5, v1  }
0x1f7: {  	v2 =	vadd.f32 v6, v2;
	v5 =	vld [tilespmem:s11+$0x8220]  }
0x1f8: {  	v6 =	vshll.u32 v4, $0x10;
	v1 =	vadd.f32 v4, v1  }
0x1f9: {  	v2 =	vadd.f32 v6, v2;
	v4 =	vld [tilespmem:s11+$0x8C20]  }
0x1fa: {  	v6 =	vshll.u32 v3, $0x10;
	v1 =	vadd.f32 v3, v1  }
0x1fb: {  	v2 =	vadd.f32 v6, v2;
	v3 =	vld [tilespmem:s11+$0x9620]  }
0x1fc: {  	v6 =	vshll.u32 v5, $0x10;
	v1 =	vadd.f32 v5, v1  }
0x1fd: {  	v2 =	vadd.f32 v6, v2;
	v5 =	vld [tilespmem:s11+$0xA020]  }
0x1fe: {  	v6 =	vshll.u32 v4, $0x10;
	v1 =	vadd.f32 v4, v1  }
0x1ff: {  	v2 =	vadd.f32 v6, v2  }
0x200: {  	v4 =	vshll.u32 v3, $0x10;
	v1 =	vadd.f32 v3, v1  }
0x201: {  	v2 =	vadd.f32 v4, v2  }
0x202: {  	v3 =	vshll.u32 v5, $0x10;
	v1 =	vadd.f32 v5, v1  }
0x203: {  	v2 =	vadd.f32 v3, v2  }
0x204: {  	[tilespmem:s12+$0x10] =	vst v1  }
0x205: {  	[tilespmem:s12+$0x0] =	vst v2  }
0x206: {  	v1 =	vld [tilespmem:s11+$0xA30]  }
0x207: {  	v2 =	vld [tilespmem:s11+$0x1430]  }
0x208: {  	v3 =	vld [tilespmem:s11+$0x1E30]  }
0x209: {  	v4 =	vld [tilespmem:s11+$0x2830]  }
0x20a: {  	v5 =	vld [tilespmem:s11+$0x3230]  }
0x20b: {  	v6 =	vshll.u32 v1, $0x10;
	v7 =	vld [tilespmem:s11+$0x3C30]  }
0x20c: {  	v8 =	vshll.u32 v2, $0x10;
	v1 =	vadd.f32 v2, v1;
	v9 =	vld [tilespmem:s11+$0x4630]  }
0x20d: {  	v2 =	vadd.f32 v8, v6;
	v6 =	vshll.u32 v3, $0x10;
	v8 =	vld [tilespmem:s11+$0x5030]  }
0x20e: {  	v1 =	vadd.f32 v3, v1;
	v3 =	vld [tilespmem:s11+$0x5A30]  }
0x20f: {  	v2 =	vadd.f32 v6, v2;
	v6 =	vshll.u32 v4, $0x10;
	v10 =	vld [tilespmem:s11+$0x6430]  }
0x210: {  	v1 =	vadd.f32 v4, v1;
	v4 =	vld [tilespmem:s11+$0x6E30]  }
0x211: {  	v2 =	vadd.f32 v6, v2;
	v6 =	vshll.u32 v5, $0x10;
	v11 =	vld [tilespmem:s11+$0x7830]  }
0x212: {  	v1 =	vadd.f32 v5, v1;
	v5 =	vld [tilespmem:s11+$0x8230]  }
0x213: {  	v2 =	vadd.f32 v6, v2;
	v6 =	vshll.u32 v7, $0x10;
	v12 =	vld [tilespmem:s11+$0x8C30]  }
0x214: {  	v7 =	vadd.f32 v7, v1;
	v1 =	vld [tilespmem:s11+$0x9630]  }
0x215: {  	v13 =	vshll.u32 v9, $0x10;
	v6 =	vadd.f32 v6, v2;
	v2 =	vld [tilespmem:s11+$0xA030]  }
0x216: {  	v7 =	vadd.f32 v9, v7  }
0x217: {  	v9 =	vshll.u32 v8, $0x10;
	v6 =	vadd.f32 v13, v6  }
0x218: {  	v7 =	vadd.f32 v8, v7  }
0x219: {  	v8 =	vshll.u32 v3, $0x10;
	v6 =	vadd.f32 v9, v6  }
0x21a: {  	v3 =	vadd.f32 v3, v7  }
0x21b: {  	v7 =	vshll.u32 v10, $0x10;
	v6 =	vadd.f32 v8, v6  }
0x21c: {  	v3 =	vadd.f32 v10, v3  }
0x21d: {  	v6 =	vadd.f32 v7, v6;
	v7 =	vshll.u32 v4, $0x10  }
0x21e: {  	v3 =	vadd.f32 v4, v3  }
0x21f: {  	v4 =	vadd.f32 v7, v6;
	v6 =	vshll.u32 v11, $0x10  }
0x220: {  	v3 =	vadd.f32 v11, v3  }
.Ltmp6:
0x221: {  	v4 =	vadd.f32 v6, v4;
	v6 =	vshll.u32 v5, $0x10;
	(pc) =	sbr.rel @p3 .LBB2_6-.Ltmp6, $4  }
0x222: {  	v3 =	vadd.f32 v5, v3  }
0x223: {  	v4 =	vadd.f32 v6, v4;
	v6 =	vshll.u32 v12, $0x10  }
0x224: {  	v5 =	vadd.f32 v12, v3  }
0x225: {  	v3 =	vadd.f32 v6, v4;
	v4 =	vshll.u32 v1, $0x10  }
0x226: {  	v1 =	vadd.f32 v1, v5  }
0x227: {  	v3 =	vadd.f32 v4, v3  }
0x228: {  	v63 =	vshll.u32 v2, $0x10;
	v1 =	vadd.f32 v2, v1  }
0x229: {  	s8 =	smul.u32 $0x280, s14;
	v2 =	vadd.f32 v63, v3  }
0x22a: {  	[tilespmem:s13+$0x30] =	vst v1  }
0x22b: {  	s8 =	sadd.s32 s2, s8;
	[tilespmem:s13+$0x20] =	vst v2  }
0x22c: {  	[hbm4b:s8+s3] =	stream.linear.scatter [tilespmem:s7], [sflag:$0x3], $0x1400, $0x38;
	[tilespmem:$0x17200] =	vst v63  }
0x22d: {  	s8 =	simm.s32 @!p0 $0x2  }
0x22e: {  	_ =	swait.ge @!p0 [sflag:s8], $0x2000  }
0x22f: {  	[sflag:s8] =	ssyncset.done @!p0 $0x0  }
0x230: {  	[sflag:s8] =	ssyncadd.s32 @!p0 $0xFFFFE000  }
0x231: {  	_ =	swait.ge @!p0 [sflag:s8], $0x2000  }
0x232: {  	[sflag:s8] =	ssyncset.done @!p0 $0x0  }
0x233: {  	[sflag:s8] =	ssyncadd.s32 @!p0 $0xFFFFE000  }
0x234: {  	_ =	swait.ge @!p0 [sflag:s8], $0x2000  }
0x235: {  	[sflag:s8] =	ssyncset.done @!p0 $0x0  }
0x236: {  	[sflag:s8] =	ssyncadd.s32 @!p0 $0xFFFFE000  }
0x237: {  	_ =	swait.ge @!p0 [sflag:s8], $0x2000  }
0x238: {  	[sflag:s8] =	ssyncset.done @!p0 $0x0  }
0x239: {  	[sflag:s8] =	ssyncadd.s32 @!p0 $0xFFFFE000  }
0x23a: {  	_ =	swait.ge @!p0 [sflag:s8], $0x2000  }
0x23b: {  	[sflag:s8] =	ssyncset.done @!p0 $0x0  }
0x23c: {  	[sflag:s8] =	ssyncadd.s32 @!p0 $0xFFFFE000  }
.LBB2_8:
0x23d: {  	s0 =	sadd.s32 s10, s0  }
0x23e: {  	p3 =	sgt.u32 s0, $0x7CF  }
0x23f: {  	s8 =	sand.u32 @!p3 $0xFFFE, s0  }
0x240: {  	s8 =	sshrl.u32 @!p3 s8, $0x1  }
0x241: {  	s8 =	smul.u32 @!p3 $0x8313, s8;
	_ =	sdelay $0x1  }
0x242: {  	s8 =	sshrl.u32 @!p3 s8, $0x16  }
0x243: {  	s11 =	smul.u32 @!p3 $0xFA, s8;
	_ =	sdelay $0x1  }
0x244: {  	s0 =	ssub.s32 @!p3 s0, s11  }
0x245: {  	s0 =	smul.u32 @!p3 $0x28, s0  }
0x246: {  	s8 =	smul.u32 @!p3 $0x27100, s8  }
.Ltmp7:
0x247: {  	s0 =	sand.u32 @!p3 $0xFFF8, s0;
	(pc) =	sbr.rel @p1 .LBB2_10-.Ltmp7, $4  }
0x248: {  	s0 =	sadd.s32 @!p3 s0, s8  }
0x249: {  	s12 =	simm.s32 @!p3 $0x280;
	s0 =	sshrl.u32 @!p3 s0, $0x3  }
0x24a: {  	s11 =	simm.s32 @!p3 $0x2710;
	s8 =	simm.s32 @!p3 $0x28;
	s0 =	sadd.s32 @!p3 s5, s0  }
0x24b: {  	[tilespmem:s12], [sflag:$0x6] =	stream.strided.gather @!p3 [hbm4b:s0+s8], $0x280, s11, s8, $0x38;
	[tilespmem:$0x17200] =	vst v63  }
0x24c: {  	_ =	swait.ge [sflag:s15], $0x280  }
0x24d: {  	[sflag:s15] =	ssyncset.done $0x0  }
0x24e: {  	[sflag:s15] =	ssyncadd.s32 $0xFFFFFD80  }
0x24f: {  	v1 =	vld [tilespmem:$0x0]  }
0x250: {  	v2 =	vld [tilespmem:$0x10]  }
0x251: {  	v3 =	vld [tilespmem:$0x18]  }
0x252: {  	v4 =	vld [tilespmem:$0x28]  }
0x253: {  	v6 =	vld [tilespmem:$0x38]  }
0x254: {  	v9 =	vld [tilespmem:$0x50]  }
0x255: {  	v12 =	vld [tilespmem:$0x78]  }
0x256: {  	v15 =	vld [tilespmem:$0xA0]  }
0x257: {  	s0 =	sand.u32 $0xFFFE, s1;
	v18 =	vld [tilespmem:$0xC8]  }
0x258: {  	s0 =	sshrl.u32 s0, $0x1;
	v21 =	vld [tilespmem:$0xF0]  }
0x259: {  	s0 =	smul.u32 $0x8313, s0;
	v24 =	vld [tilespmem:$0x118]  }
0x25a: {  	v63 =	vld [tilespmem:$0x128]  }
0x25b: {  	v28 =	vld [tilespmem:$0x130];
	s0 =	sshrl.u32 s0, $0x16  }
0x25c: {  	v26 =	vld [tilespmem:$0x140];
	s0 =	smul.u32 $0x2710, s0  }
0x25d: {  	v32 =	vld [tilespmem:$0x150]  }
0x25e: {  	v34 =	vld [tilespmem:$0x158];
	v1 =	vadd.s32 s0, v1;
	v2 =	vadd.s32 s0, v2  }
0x25f: {  	v3 =	vadd.s32 s0, v3;
	v4 =	vadd.s32 s0, v4;
	v6 =	vadd.s32 s0, v6  }
0x260: {  	v9 =	vadd.s32 s0, v9;
	v12 =	vadd.s32 s0, v12;
	v15 =	vadd.s32 s0, v15  }
0x261: {  	v18 =	vadd.s32 s0, v18;
	v21 =	vadd.s32 s0, v21;
	v24 =	vadd.s32 s0, v24  }
0x262: {  	v31 =	vadd.s32 s0, v63;
	v33 =	vadd.s32 s0, v28;
	v38 =	vadd.s32 s0, v26  }
0x263: {  	v42 =	vadd.s32 s0, v32;
	v44 =	vadd.s32 s0, v34;
	vm0 =	vgt.s32 v1, $0x9C3F  }
0x264: {  	v1 =	vshll.u32 v1, $0x1;
	vm5 =	vgt.s32 v2, $0x9C3F;
	v2 =	vshll.u32 v2, $0x1  }
0x265: {  	vm6 =	vgt.s32 v3, $0x9C3F;
	v3 =	vshll.u32 v3, $0x1;
	vm7 =	vgt.s32 v4, $0x9C3F  }
0x266: {  	v4 =	vshll.u32 v4, $0x1;
	vm8 =	vgt.s32 v6, $0x9C3F;
	v6 =	vshll.u32 v6, $0x1  }
0x267: {  	vm10 =	vgt.s32 v9, $0x9C3F;
	v9 =	vshll.u32 v9, $0x1;
	vm13 =	vgt.s32 v12, $0x9C3F  }
0x268: {  	v12 =	vshll.u32 v12, $0x1;
	vm4 =	vgt.s32 v15, $0x9C3F;
	v15 =	vshll.u32 v15, $0x1  }
0x269: {  	v46 =	vld [tilespmem:$0x40];
	v35 =	vshll.u32 v31, $0x1;
	v40 =	vshll.u32 v38, $0x1;
	v5 =	vsel vm0, $0xFFFEC781, v0  }
0x26a: {  	v48 =	vld [tilespmem:$0x60];
	v7 =	vsel vm5, $0xFFFEC781, v0;
	v8 =	vsel vm6, $0xFFFEC781, v0;
	v47 =	vsel vm7, $0xFFFEC781, v0  }
0x26b: {  	v49 =	vld [tilespmem:$0x68];
	v10 =	vsel vm8, $0xFFFEC781, v0;
	v50 =	vsel vm10, $0xFFFEC781, v0;
	v53 =	vsel vm13, $0xFFFEC781, v0  }
0x26c: {  	v52 =	vld [tilespmem:$0x90];
	v56 =	vsel vm4, $0xFFFEC781, v0;
	vm7 =	vgt.s32 v18, $0x9C3F;
	v18 =	vshll.u32 v18, $0x1  }
0x26d: {  	vm10 =	vgt.s32 v21, $0x9C3F;
	v21 =	vshll.u32 v21, $0x1;
	vm13 =	vgt.s32 v24, $0x9C3F  }
0x26e: {  	v39 =	vld [tilespmem:$0x168];
	vm4 =	vgt.s32 v38, $0x9C3F;
	v1 =	vadd.s32 v1, v5;
	v2 =	vadd.s32 v2, v7  }
0x26f: {  	v43 =	vld [tilespmem:$0x178];
	v3 =	vadd.s32 v3, v8;
	v4 =	vadd.s32 v4, v47;
	v5 =	vadd.s32 s0, v46  }
0x270: {  	v6 =	vadd.s32 v6, v10;
	v8 =	vadd.s32 s0, v48;
	v9 =	vadd.s32 v9, v50  }
0x271: {  	v7 =	vadd.s32 s0, v49;
	v12 =	vadd.s32 v12, v53;
	v10 =	vadd.s32 s0, v52  }
0x272: {  	v15 =	vadd.s32 v15, v56;
	v59 =	vsel vm7, $0xFFFEC781, v0;
	v62 =	vsel vm10, $0xFFFEC781, v0  }
0x273: {  	v30 =	vsel vm13, $0xFFFEC781, v0;
	v41 =	vsel vm4, $0xFFFEC781, v0;
	v48 =	vadd.s32 s0, v39  }
0x274: {  	v52 =	vadd.s32 s0, v43;
	vm9 =	vgt.s32 v5, $0x9C3F;
	v5 =	vshll.u32 v5, $0x1  }
0x275: {  	v51 =	vld [tilespmem:$0x88];
	vm11 =	vgt.s32 v8, $0x9C3F;
	v8 =	vshll.u32 v8, $0x1;
	vm12 =	vgt.s32 v7, $0x9C3F  }
0x276: {  	v54 =	vld [tilespmem:$0xB0];
	v7 =	vshll.u32 v7, $0x1;
	vm15 =	vgt.s32 v10, $0x9C3F;
	v10 =	vshll.u32 v10, $0x1;
	[tilespmem:$0x510] =	vst v2  }
0x277: {  	v55 =	vld [tilespmem:$0xB8];
	v18 =	vadd.s32 v18, v59;
	v21 =	vadd.s32 v21, v62;
	[tilespmem:$0x528] =	vst v4;
	v4 =	vshll.u32 v33, $0x1  }
0x278: {  	v57 =	vld [tilespmem:$0xD8];
	[tilespmem:$0x550] =	vst v9;
	v9 =	vshll.u32 v42, $0x1;
	vm7 =	vgt.s32 v48, $0x9C3F;
	v50 =	vshll.u32 v48, $0x1  }
0x279: {  	[tilespmem:$0x578] =	vst v12;
	v12 =	vshll.u32 v52, $0x1;
	v11 =	vsel vm9, $0xFFFEC781, v0;
	v13 =	vsel vm11, $0xFFFEC781, v0  }
0x27a: {  	v14 =	vsel vm12, $0xFFFEC781, v0;
	v17 =	vsel vm15, $0xFFFEC781, v0;
	[tilespmem:$0x518] =	vst v3;
	v3 =	vshll.u32 v24, $0x1  }
0x27b: {  	vm15 =	vgt.s32 v33, $0x9C3F;
	v5 =	vadd.s32 v5, v11;
	v8 =	vadd.s32 v8, v13  }
0x27c: {  	v7 =	vadd.s32 v7, v14;
	v11 =	vadd.s32 s0, v51;
	v10 =	vadd.s32 v10, v17  }
0x27d: {  	v45 =	vld [tilespmem:$0x180];
	v14 =	vadd.s32 s0, v54;
	v13 =	vadd.s32 s0, v55;
	v17 =	vadd.s32 s0, v57  }
0x27e: {  	v3 =	vadd.s32 v3, v30;
	v37 =	vsel vm15, $0xFFFEC781, v0;
	v51 =	vsel vm7, $0xFFFEC781, v0  }
0x27f: {  	v58 =	vld [tilespmem:$0xE0];
	vm14 =	vgt.s32 v11, $0x9C3F;
	v11 =	vshll.u32 v11, $0x1;
	vm5 =	vgt.s32 v14, $0x9C3F  }
0x280: {  	v49 =	vld [tilespmem:$0x190];
	[tilespmem:$0x538] =	vst v6;
	v14 =	vshll.u32 v14, $0x1;
	vm6 =	vgt.s32 v13, $0x9C3F;
	v13 =	vshll.u32 v13, $0x1  }
0x281: {  	v53 =	vld [tilespmem:$0x1A0];
	vm8 =	vgt.s32 v17, $0x9C3F;
	v17 =	vshll.u32 v17, $0x1;
	[tilespmem:$0x540] =	vst v5;
	v4 =	vadd.s32 v4, v37  }
0x282: {  	v60 =	vld [tilespmem:$0x100];
	[tilespmem:$0x560] =	vst v8;
	v5 =	vadd.s32 v40, v41;
	v8 =	vadd.s32 s0, v45;
	v16 =	vsel vm14, $0xFFFEC781, v0  }
0x283: {  	v61 =	vld [tilespmem:$0x108];
	v19 =	vsel vm5, $0xFFFEC781, v0;
	v20 =	vsel vm6, $0xFFFEC781, v0;
	v22 =	vsel vm8, $0xFFFEC781, v0  }
0x284: {  	vm14 =	vgt.s32 v31, $0x9C3F;
	vm5 =	vgt.s32 v42, $0x9C3F;
	vm6 =	vgt.s32 v44, $0x9C3F  }
0x285: {  	v62 =	vld [tilespmem:$0x1D0];
	[tilespmem:$0x568] =	vst v7;
	v7 =	vshll.u32 v44, $0x1;
	vm8 =	vgt.s32 v52, $0x9C3F;
	v57 =	vadd.s32 s0, v49  }
0x286: {  	[tilespmem:$0x5A0] =	vst v15;
	v15 =	vadd.s32 s0, v53;
	v11 =	vadd.s32 v11, v16;
	v14 =	vadd.s32 v14, v19  }
0x287: {  	v13 =	vadd.s32 v13, v20;
	v16 =	vadd.s32 s0, v58;
	v17 =	vadd.s32 v17, v22  }
0x288: {  	v20 =	vadd.s32 s0, v60;
	v19 =	vadd.s32 s0, v61;
	v36 =	vsel vm14, $0xFFFEC781, v0  }
0x289: {  	v26 =	vld [tilespmem:$0x1F0];
	v46 =	vsel vm5, $0xFFFEC781, v0;
	v47 =	vsel vm6, $0xFFFEC781, v0;
	v55 =	vsel vm8, $0xFFFEC781, v0  }
0x28a: {  	[tilespmem:$0x500] =	vst v1;
	v33 =	vld [tilespmem:$0x208];
	vm10 =	vgt.s32 v57, $0x9C3F;
	v59 =	vshll.u32 v57, $0x1;
	v27 =	vadd.s32 s0, v62  }
0x28b: {  	[tilespmem:$0x5C8] =	vst v18;
	vm9 =	vgt.s32 v16, $0x9C3F;
	v16 =	vshll.u32 v16, $0x1;
	vm11 =	vgt.s32 v20, $0x9C3F  }
0x28c: {  	[tilespmem:$0x5F0] =	vst v21;
	v20 =	vshll.u32 v20, $0x1;
	vm12 =	vgt.s32 v19, $0x9C3F;
	v1 =	vshll.u32 v19, $0x1  }
0x28d: {  	v54 =	vld [tilespmem:$0x1A8];
	[tilespmem:$0x618] =	vst v3;
	v6 =	vadd.s32 v35, v36;
	v9 =	vadd.s32 v9, v46;
	v7 =	vadd.s32 v7, v47  }
0x28e: {  	v28 =	vld [tilespmem:$0x1F8];
	[tilespmem:$0x588] =	vst v11;
	v12 =	vadd.s32 v12, v55;
	v60 =	vsel vm10, $0xFFFEC781, v0;
	vm15 =	vgt.s32 v27, $0x9C3F  }
0x28f: {  	v43 =	vld [tilespmem:$0x230];
	[tilespmem:$0x5B0] =	vst v14;
	v36 =	vadd.s32 s0, v26;
	v42 =	vadd.s32 s0, v33;
	v23 =	vsel vm9, $0xFFFEC781, v0  }
0x290: {  	v25 =	vsel vm11, $0xFFFEC781, v0;
	v29 =	vsel vm12, $0xFFFEC781, v0;
	[tilespmem:$0x590] =	vst v10;
	v10 =	vadd.s32 v50, v51  }
0x291: {  	[tilespmem:$0x5B8] =	vst v13;
	vm9 =	vgt.s32 v8, $0x9C3F;
	v8 =	vshll.u32 v8, $0x1;
	v13 =	vadd.s32 v59, v60  }
0x292: {  	[tilespmem:$0x640] =	vst v5;
	vm11 =	vgt.s32 v15, $0x9C3F;
	v11 =	vadd.s32 s0, v54;
	v31 =	vsel vm15, $0xFFFEC781, v0  }
0x293: {  	v37 =	vld [tilespmem:$0x218];
	[tilespmem:$0x628] =	vst v6;
	vm5 =	vgt.s32 v36, $0x9C3F;
	v6 =	vadd.s32 s0, v28;
	v39 =	vshll.u32 v36, $0x1  }
0x294: {  	[tilespmem:$0x5D8] =	vst v17;
	vm7 =	vgt.s32 v42, $0x9C3F;
	v51 =	vadd.s32 s0, v43;
	v16 =	vadd.s32 v16, v23  }
0x295: {  	[tilespmem:$0x650] =	vst v9;
	v2 =	vadd.s32 v20, v25;
	v1 =	vadd.s32 v1, v29;
	v56 =	vsel vm9, $0xFFFEC781, v0  }
0x296: {  	v52 =	vld [tilespmem:$0x258];
	v63 =	vsel vm11, $0xFFFEC781, v0;
	vm12 =	vgt.s32 v11, $0x9C3F;
	[tilespmem:$0x630] =	vst v4;
	v4 =	vshll.u32 v27, $0x1  }
0x297: {  	v58 =	vld [tilespmem:$0x1B8];
	[tilespmem:$0x678] =	vst v12;
	v40 =	vsel vm5, $0xFFFEC781, v0;
	vm6 =	vgt.s32 v6, $0x9C3F;
	v6 =	vshll.u32 v6, $0x1  }
0x298: {  	v61 =	vld [tilespmem:$0x1C8];
	[tilespmem:$0x658] =	vst v7;
	v44 =	vsel vm7, $0xFFFEC781, v0;
	v45 =	vadd.s32 s0, v37;
	vm10 =	vgt.s32 v51, $0x9C3F  }
0x299: {  	v46 =	vld [tilespmem:$0x240];
	v8 =	vadd.s32 v8, v56;
	[tilespmem:$0x600] =	vst v2;
	v2 =	vshll.u32 v15, $0x1;
	v21 =	vsel vm12, $0xFFFEC781, v0  }
0x29a: {  	v47 =	vld [tilespmem:$0x248];
	[tilespmem:$0x668] =	vst v10;
	v4 =	vadd.s32 v4, v31;
	v41 =	vsel vm6, $0xFFFEC781, v0;
	vm8 =	vgt.s32 v45, $0x9C3F  }
0x29b: {  	v55 =	vld [tilespmem:$0x268];
	[tilespmem:$0x690] =	vst v13;
	v48 =	vshll.u32 v45, $0x1;
	v53 =	vsel vm10, $0xFFFEC781, v0;
	v60 =	vadd.s32 s0, v52  }
0x29c: {  	[tilespmem:$0x608] =	vst v1;
	v1 =	vshll.u32 v11, $0x1;
	v22 =	vadd.s32 s0, v58;
	v2 =	vadd.s32 v2, v63  }
0x29d: {  	[tilespmem:$0x5E0] =	vst v16;
	v25 =	vadd.s32 s0, v61;
	v6 =	vadd.s32 v6, v41;
	v49 =	vsel vm8, $0xFFFEC781, v0  }
0x29e: {  	[tilespmem:$0x680] =	vst v8;
	v1 =	vadd.s32 v1, v21;
	vm13 =	vgt.s32 v22, $0x9C3F;
	v3 =	vshll.u32 v22, $0x1  }
0x29f: {  	v23 =	vld [tilespmem:$0x1E0];
	vm14 =	vgt.s32 v25, $0x9C3F;
	v29 =	vshll.u32 v25, $0x1;
	[tilespmem:$0x6A0] =	vst v2;
	v2 =	vadd.s32 v39, v40  }
0x2a0: {  	v54 =	vadd.s32 s0, v46;
	v56 =	vadd.s32 s0, v47;
	v62 =	vadd.s32 s0, v55;
	[tilespmem:$0x6A8] =	vst v1  }
0x2a1: {  	v24 =	vsel vm13, $0xFFFEC781, v0;
	v30 =	vsel vm14, $0xFFFEC781, v0;
	v1 =	vshll.u32 v42, $0x1;
	[tilespmem:$0x6F0] =	vst v2  }
0x2a2: {  	v38 =	vld [tilespmem:$0x220];
	v2 =	vshll.u32 v51, $0x1;
	vm11 =	vgt.s32 v54, $0x9C3F;
	v3 =	vadd.s32 v3, v24;
	[tilespmem:$0x6F8] =	vst v6  }
0x2a3: {  	vm12 =	vgt.s32 v56, $0x9C3F;
	vm13 =	vgt.s32 v60, $0x9C3F;
	v5 =	vadd.s32 v29, v30;
	[tilespmem:$0x6B8] =	vst v3  }
0x2a4: {  	vm14 =	vgt.s32 v62, $0x9C3F;
	v32 =	vadd.s32 s0, v23;
	v1 =	vadd.s32 v1, v44;
	[tilespmem:$0x6C8] =	vst v5  }
0x2a5: {  	v2 =	vadd.s32 v2, v53;
	v58 =	vsel vm11, $0xFFFEC781, v0;
	v59 =	vsel vm12, $0xFFFEC781, v0;
	[tilespmem:$0x708] =	vst v1  }
0x2a6: {  	v57 =	vld [tilespmem:$0x270];
	v61 =	vsel vm13, $0xFFFEC781, v0;
	vm4 =	vgt.s32 v32, $0x9C3F;
	v34 =	vshll.u32 v32, $0x1;
	[tilespmem:$0x730] =	vst v2  }
0x2a7: {  	v3 =	vadd.s32 s0, v38;
	v5 =	vadd.s32 v48, v49;
	v1 =	vshll.u32 v54, $0x1;
	[tilespmem:$0x6D0] =	vst v4  }
0x2a8: {  	v35 =	vsel vm4, $0xFFFEC781, v0;
	vm9 =	vgt.s32 v3, $0x9C3F;
	[tilespmem:$0x718] =	vst v5;
	v1 =	vadd.s32 v1, v58  }
0x2a9: {  	v3 =	vshll.u32 v3, $0x1;
	v7 =	vadd.s32 v34, v35;
	v50 =	vsel vm9, $0xFFFEC781, v0;
	[tilespmem:$0x740] =	vst v1  }
0x2aa: {  	v2 =	vshll.u32 v60, $0x1;
	v4 =	vshll.u32 v56, $0x1;
	[tilespmem:$0x6E0] =	vst v7;
	v3 =	vadd.s32 v3, v50  }
0x2ab: {  	v1 =	vadd.s32 v2, v61;
	v2 =	vadd.s32 s0, v57;
	[tilespmem:$0x720] =	vst v3;
	v3 =	vadd.s32 v4, v59  }
0x2ac: {  	v63 =	vsel vm14, $0xFFFEC781, v0;
	vm15 =	vgt.s32 v2, $0x9C3F;
	[tilespmem:$0x748] =	vst v3;
	v3 =	vshll.u32 v62, $0x1  }
0x2ad: {  	[tilespmem:$0x758] =	vst v1;
	v2 =	vshll.u32 v2, $0x1;
	v1 =	vadd.s32 v3, v63;
	v3 =	vsel vm15, $0xFFFEC781, v0  }
0x2ae: {  	[tilespmem:$0x768] =	vst v1;
	v1 =	vadd.s32 v2, v3  }
0x2af: {  	[tilespmem:$0x770] =	vst v1  }
0x2b0: {  	[tilespmem:s18], [sflag:$0x1] =	stream.indirect.gather [hbm4b:s6+s16], $0x40, s17, s16, $0xb8;
	[tilespmem:$0x17200] =	vst v63  }
0x2b1: {  	_ = 	snop  }
0x2b2: {  	[tilespmem:s20], [sflag:$0x1] =	stream.indirect.gather [hbm4b:s6+s16], $0x40, s19, s16, $0xb8;
	[tilespmem:$0x17200] =	vst v63  }
0x2b3: {  	_ = 	snop  }
0x2b4: {  	[tilespmem:s22], [sflag:$0x1] =	stream.indirect.gather [hbm4b:s6+s16], $0x40, s21, s16, $0xb8;
	[tilespmem:$0x17200] =	vst v63  }
0x2b5: {  	_ = 	snop  }
0x2b6: {  	[tilespmem:s24], [sflag:$0x1] =	stream.indirect.gather [hbm4b:s6+s16], $0x40, s23, s16, $0xb8;
	[tilespmem:$0x17200] =	vst v63  }
0x2b7: {  	_ = 	snop  }
0x2b8: {  	[tilespmem:s26], [sflag:$0x1] =	stream.indirect.gather [hbm4b:s6+s16], $0x40, s25, s16, $0xb8;
	[tilespmem:$0x17200] =	vst v63  }
.LBB2_10:
.Ltmp8:
0x2b9: {  	(pc) =	sbr.rel @p0 .LBB2_14-.Ltmp8, $1  }
0x2ba: {  	_ =	sdelay $0x3  }
0x2bb: {  	s0 =	simm.s32 @!p2 $0x4  }
0x2bc: {  	_ =	swait.ge @!p2 [sflag:s0], $0x1400  }
0x2bd: {  	[sflag:s0] =	ssyncset.done @!p2 $0x0  }
0x2be: {  	s1 =	simm.s32 $0x0;
	[sflag:s0] =	ssyncadd.s32 @!p2 $0xFFFFEC00  }
0x2bf: {  	v1 =	vld [tilespmem:s1+$0xAA00]  }
0x2c0: {  	v2 =	vld [tilespmem:s1+$0xB400];
	_ =	sdelay $0x1  }
0x2c1: {  	v3 =	vld [tilespmem:s1+$0xBE00];
	_ =	sdelay $0x1  }
0x2c2: {  	v4 =	vld [tilespmem:s1+$0xC800]  }
0x2c3: {  	v5 =	vshll.u32 v1, $0x10;
	v6 =	vshll.u32 v2, $0x10;
	v1 =	vadd.f32 v2, v1  }
0x2c4: {  	v2 =	vadd.f32 v6, v5;
	v5 =	vld [tilespmem:s1+$0xD200]  }
0x2c5: {  	v6 =	vshll.u32 v3, $0x10;
	v1 =	vadd.f32 v3, v1  }
0x2c6: {  	v3 =	vld [tilespmem:s1+$0xDC00];
	v2 =	vadd.f32 v6, v2  }
0x2c7: {  	v6 =	vshll.u32 v4, $0x10;
	v1 =	vadd.f32 v4, v1  }
0x2c8: {  	v4 =	vld [tilespmem:s1+$0xE600];
	v2 =	vadd.f32 v6, v2  }
0x2c9: {  	v6 =	vshll.u32 v5, $0x10;
	v1 =	vadd.f32 v5, v1  }
0x2ca: {  	v5 =	vld [tilespmem:s1+$0xF000];
	v2 =	vadd.f32 v6, v2  }
0x2cb: {  	v6 =	vshll.u32 v3, $0x10;
	v1 =	vadd.f32 v3, v1  }
0x2cc: {  	v3 =	vld [tilespmem:s1+$0xFA00];
	v2 =	vadd.f32 v6, v2  }
0x2cd: {  	v6 =	vshll.u32 v4, $0x10;
	v1 =	vadd.f32 v4, v1  }
0x2ce: {  	v4 =	vld [tilespmem:s1+$0x10400];
	v2 =	vadd.f32 v6, v2  }
0x2cf: {  	v6 =	vshll.u32 v5, $0x10;
	v1 =	vadd.f32 v5, v1  }
0x2d0: {  	v5 =	vld [tilespmem:s1+$0x10E00];
	v2 =	vadd.f32 v6, v2  }
0x2d1: {  	v6 =	vshll.u32 v3, $0x10;
	v1 =	vadd.f32 v3, v1  }
0x2d2: {  	v3 =	vld [tilespmem:s1+$0x11800];
	v2 =	vadd.f32 v6, v2  }
0x2d3: {  	v6 =	vshll.u32 v4, $0x10;
	v1 =	vadd.f32 v4, v1  }
0x2d4: {  	v4 =	vld [tilespmem:s1+$0x12200];
	v2 =	vadd.f32 v6, v2  }
0x2d5: {  	v6 =	vshll.u32 v5, $0x10;
	v1 =	vadd.f32 v5, v1  }
0x2d6: {  	v5 =	vld [tilespmem:s1+$0x12C00];
	v2 =	vadd.f32 v6, v2  }
0x2d7: {  	v6 =	vshll.u32 v3, $0x10;
	v1 =	vadd.f32 v3, v1  }
0x2d8: {  	v3 =	vld [tilespmem:s1+$0x13600];
	v2 =	vadd.f32 v6, v2  }
0x2d9: {  	v6 =	vshll.u32 v4, $0x10;
	v1 =	vadd.f32 v4, v1  }
0x2da: {  	v4 =	vld [tilespmem:s1+$0x14000];
	v2 =	vadd.f32 v6, v2  }
0x2db: {  	v6 =	vshll.u32 v5, $0x10;
	v1 =	vadd.f32 v5, v1  }
0x2dc: {  	v2 =	vadd.f32 v6, v2  }
0x2dd: {  	v5 =	vshll.u32 v3, $0x10;
	v1 =	vadd.f32 v3, v1  }
0x2de: {  	v2 =	vadd.f32 v5, v2  }
0x2df: {  	v3 =	vshll.u32 v4, $0x10;
	v1 =	vadd.f32 v4, v1  }
0x2e0: {  	s0 =	simm.s32 $0x15E40;
	v2 =	vadd.f32 v3, v2  }
0x2e1: {  	[tilespmem:s0+$0xFFFFFFD0] =	vst v1  }
0x2e2: {  	[tilespmem:s0+$0xFFFFFFC0] =	vst v2  }
0x2e3: {  	v1 =	vld [tilespmem:s1+$0xAA10]  }
0x2e4: {  	v2 =	vld [tilespmem:s1+$0xB410];
	_ =	sdelay $0x1  }
0x2e5: {  	v3 =	vld [tilespmem:s1+$0xBE10];
	_ =	sdelay $0x1  }
0x2e6: {  	v4 =	vld [tilespmem:s1+$0xC810]  }
0x2e7: {  	v5 =	vshll.u32 v1, $0x10;
	v6 =	vshll.u32 v2, $0x10;
	v1 =	vadd.f32 v2, v1  }
0x2e8: {  	v2 =	vadd.f32 v6, v5;
	v5 =	vld [tilespmem:s1+$0xD210]  }
0x2e9: {  	v6 =	vshll.u32 v3, $0x10;
	v1 =	vadd.f32 v3, v1  }
0x2ea: {  	v3 =	vld [tilespmem:s1+$0xDC10];
	v2 =	vadd.f32 v6, v2  }
0x2eb: {  	v6 =	vshll.u32 v4, $0x10;
	v1 =	vadd.f32 v4, v1  }
0x2ec: {  	v4 =	vld [tilespmem:s1+$0xE610];
	v2 =	vadd.f32 v6, v2  }
0x2ed: {  	v6 =	vshll.u32 v5, $0x10;
	v1 =	vadd.f32 v5, v1  }
0x2ee: {  	v5 =	vld [tilespmem:s1+$0xF010];
	v2 =	vadd.f32 v6, v2  }
0x2ef: {  	v6 =	vshll.u32 v3, $0x10;
	v1 =	vadd.f32 v3, v1  }
0x2f0: {  	v3 =	vld [tilespmem:s1+$0xFA10];
	v2 =	vadd.f32 v6, v2  }
0x2f1: {  	v6 =	vshll.u32 v4, $0x10;
	v1 =	vadd.f32 v4, v1  }
0x2f2: {  	v4 =	vld [tilespmem:s1+$0x10410];
	v2 =	vadd.f32 v6, v2  }
0x2f3: {  	v6 =	vshll.u32 v5, $0x10;
	v1 =	vadd.f32 v5, v1  }
0x2f4: {  	v5 =	vld [tilespmem:s1+$0x10E10];
	v2 =	vadd.f32 v6, v2  }
0x2f5: {  	v6 =	vshll.u32 v3, $0x10;
	v1 =	vadd.f32 v3, v1  }
0x2f6: {  	v3 =	vld [tilespmem:s1+$0x11810];
	v2 =	vadd.f32 v6, v2  }
0x2f7: {  	v6 =	vshll.u32 v4, $0x10;
	v1 =	vadd.f32 v4, v1  }
0x2f8: {  	v4 =	vld [tilespmem:s1+$0x12210];
	v2 =	vadd.f32 v6, v2  }
0x2f9: {  	v6 =	vshll.u32 v5, $0x10;
	v1 =	vadd.f32 v5, v1  }
0x2fa: {  	v5 =	vld [tilespmem:s1+$0x12C10];
	v2 =	vadd.f32 v6, v2  }
0x2fb: {  	v6 =	vshll.u32 v3, $0x10;
	v1 =	vadd.f32 v3, v1  }
0x2fc: {  	v3 =	vld [tilespmem:s1+$0x13610];
	v2 =	vadd.f32 v6, v2  }
0x2fd: {  	v6 =	vshll.u32 v4, $0x10;
	v1 =	vadd.f32 v4, v1  }
0x2fe: {  	v4 =	vld [tilespmem:s1+$0x14010];
	v2 =	vadd.f32 v6, v2  }
0x2ff: {  	v6 =	vshll.u32 v5, $0x10;
	v1 =	vadd.f32 v5, v1  }
0x300: {  	v2 =	vadd.f32 v6, v2  }
0x301: {  	v5 =	vshll.u32 v3, $0x10;
	v1 =	vadd.f32 v3, v1  }
0x302: {  	v2 =	vadd.f32 v5, v2  }
0x303: {  	v3 =	vshll.u32 v4, $0x10;
	v1 =	vadd.f32 v4, v1  }
0x304: {  	v2 =	vadd.f32 v3, v2  }
0x305: {  	[tilespmem:s0+$0xFFFFFFF0] =	vst v1  }
0x306: {  	[tilespmem:s0+$0xFFFFFFE0] =	vst v2  }
0x307: {  	v1 =	vld [tilespmem:s1+$0xAA20]  }
0x308: {  	v2 =	vld [tilespmem:s1+$0xB420];
	_ =	sdelay $0x1  }
0x309: {  	v3 =	vld [tilespmem:s1+$0xBE20];
	_ =	sdelay $0x1  }
0x30a: {  	v4 =	vld [tilespmem:s1+$0xC820]  }
0x30b: {  	v5 =	vshll.u32 v1, $0x10;
	v6 =	vshll.u32 v2, $0x10;
	v1 =	vadd.f32 v2, v1  }
0x30c: {  	v2 =	vadd.f32 v6, v5;
	v5 =	vld [tilespmem:s1+$0xD220]  }
0x30d: {  	v6 =	vshll.u32 v3, $0x10;
	v1 =	vadd.f32 v3, v1  }
0x30e: {  	v3 =	vld [tilespmem:s1+$0xDC20];
	v2 =	vadd.f32 v6, v2  }
0x30f: {  	v6 =	vshll.u32 v4, $0x10;
	v1 =	vadd.f32 v4, v1  }
0x310: {  	v4 =	vld [tilespmem:s1+$0xE620];
	v2 =	vadd.f32 v6, v2  }
0x311: {  	v6 =	vshll.u32 v5, $0x10;
	v1 =	vadd.f32 v5, v1  }
0x312: {  	v5 =	vld [tilespmem:s1+$0xF020];
	v2 =	vadd.f32 v6, v2  }
0x313: {  	v6 =	vshll.u32 v3, $0x10;
	v1 =	vadd.f32 v3, v1  }
0x314: {  	v3 =	vld [tilespmem:s1+$0xFA20];
	v2 =	vadd.f32 v6, v2  }
0x315: {  	v6 =	vshll.u32 v4, $0x10;
	v1 =	vadd.f32 v4, v1  }
0x316: {  	v4 =	vld [tilespmem:s1+$0x10420];
	v2 =	vadd.f32 v6, v2  }
0x317: {  	v6 =	vshll.u32 v5, $0x10;
	v1 =	vadd.f32 v5, v1  }
0x318: {  	v5 =	vld [tilespmem:s1+$0x10E20];
	v2 =	vadd.f32 v6, v2  }
0x319: {  	v6 =	vshll.u32 v3, $0x10;
	v1 =	vadd.f32 v3, v1  }
0x31a: {  	v3 =	vld [tilespmem:s1+$0x11820];
	v2 =	vadd.f32 v6, v2  }
0x31b: {  	v6 =	vshll.u32 v4, $0x10;
	v1 =	vadd.f32 v4, v1  }
0x31c: {  	v4 =	vld [tilespmem:s1+$0x12220];
	v2 =	vadd.f32 v6, v2  }
0x31d: {  	v6 =	vshll.u32 v5, $0x10;
	v1 =	vadd.f32 v5, v1  }
0x31e: {  	v5 =	vld [tilespmem:s1+$0x12C20];
	v2 =	vadd.f32 v6, v2  }
0x31f: {  	v6 =	vshll.u32 v3, $0x10;
	v1 =	vadd.f32 v3, v1  }
0x320: {  	v3 =	vld [tilespmem:s1+$0x13620];
	v2 =	vadd.f32 v6, v2  }
0x321: {  	v6 =	vshll.u32 v4, $0x10;
	v1 =	vadd.f32 v4, v1  }
0x322: {  	v4 =	vld [tilespmem:s1+$0x14020];
	v2 =	vadd.f32 v6, v2  }
0x323: {  	v6 =	vshll.u32 v5, $0x10;
	v1 =	vadd.f32 v5, v1  }
0x324: {  	v2 =	vadd.f32 v6, v2  }
0x325: {  	v5 =	vshll.u32 v3, $0x10;
	v1 =	vadd.f32 v3, v1  }
0x326: {  	v2 =	vadd.f32 v5, v2  }
0x327: {  	v3 =	vshll.u32 v4, $0x10;
	v1 =	vadd.f32 v4, v1  }
0x328: {  	v2 =	vadd.f32 v3, v2  }
0x329: {  	[tilespmem:s0+$0x10] =	vst v1  }
0x32a: {  	[tilespmem:s0+$0x0] =	vst v2  }
0x32b: {  	v1 =	vld [tilespmem:s1+$0xAA30]  }
0x32c: {  	v2 =	vld [tilespmem:s1+$0xB430];
	_ =	sdelay $0x1  }
0x32d: {  	v3 =	vld [tilespmem:s1+$0xBE30];
	_ =	sdelay $0x1  }
0x32e: {  	v4 =	vld [tilespmem:s1+$0xC830]  }
0x32f: {  	v5 =	vshll.u32 v1, $0x10;
	v6 =	vshll.u32 v2, $0x10  }
0x330: {  	v7 =	vld [tilespmem:s1+$0xD230];
	v1 =	vadd.f32 v2, v1;
	v2 =	vadd.f32 v6, v5  }
0x331: {  	v5 =	vshll.u32 v3, $0x10  }
0x332: {  	v6 =	vld [tilespmem:s1+$0xDC30];
	v1 =	vadd.f32 v3, v1;
	v2 =	vadd.f32 v5, v2  }
0x333: {  	v3 =	vshll.u32 v4, $0x10  }
0x334: {  	v5 =	vld [tilespmem:s1+$0xE630];
	v1 =	vadd.f32 v4, v1;
	v2 =	vadd.f32 v3, v2  }
0x335: {  	v3 =	vshll.u32 v7, $0x10  }
0x336: {  	v4 =	vld [tilespmem:s1+$0xF030];
	v1 =	vadd.f32 v7, v1;
	v2 =	vadd.f32 v3, v2  }
0x337: {  	v3 =	vshll.u32 v6, $0x10  }
0x338: {  	v7 =	vld [tilespmem:s1+$0xFA30];
	v1 =	vadd.f32 v6, v1;
	v2 =	vadd.f32 v3, v2  }
0x339: {  	v3 =	vshll.u32 v5, $0x10  }
0x33a: {  	v6 =	vld [tilespmem:s1+$0x10430];
	v1 =	vadd.f32 v5, v1;
	v2 =	vadd.f32 v3, v2  }
0x33b: {  	v3 =	vshll.u32 v4, $0x10  }
0x33c: {  	v5 =	vld [tilespmem:s1+$0x10E30];
	v1 =	vadd.f32 v4, v1;
	v2 =	vadd.f32 v3, v2  }
0x33d: {  	v3 =	vshll.u32 v7, $0x10  }
0x33e: {  	v4 =	vld [tilespmem:s1+$0x11830];
	v1 =	vadd.f32 v7, v1;
	v2 =	vadd.f32 v3, v2  }
0x33f: {  	v3 =	vshll.u32 v6, $0x10  }
0x340: {  	v7 =	vld [tilespmem:s1+$0x12230];
	v1 =	vadd.f32 v6, v1;
	v2 =	vadd.f32 v3, v2  }
0x341: {  	v3 =	vshll.u32 v5, $0x10  }
0x342: {  	v6 =	vld [tilespmem:s1+$0x12C30];
	v5 =	vadd.f32 v5, v1;
	v2 =	vadd.f32 v3, v2  }
0x343: {  	v1 =	vld [tilespmem:s1+$0x13630];
	v3 =	vshll.u32 v4, $0x10  }
0x344: {  	v4 =	vadd.f32 v4, v5;
	v2 =	vadd.f32 v3, v2  }
0x345: {  	v3 =	vshll.u32 v7, $0x10  }
0x346: {  	v4 =	vadd.f32 v7, v4;
	v3 =	vadd.f32 v3, v2;
	v2 =	vld [tilespmem:s1+$0x14030]  }
0x347: {  	v7 =	vshll.u32 v6, $0x10  }
0x348: {  	s8 =	simm.s32 $0x100;
	s1 =	simm.s32 $0x15E40;
	v5 =	vadd.f32 v6, v4;
	v4 =	vshll.u32 v1, $0x10;
	v3 =	vadd.f32 v7, v3  }
.LBB2_12:
0x349: {  	p0 =	sne.s32 s8, $0x2700  }
0x34a: {  	v1 =	vadd.f32 v1, v5;
	s0 =	sadd.s32 $0x80, s0;
	s11 =	smov.u32 s8;
	s8 =	sadd.s32 $0x100, s8  }
0x34b: {  	v3 =	vadd.f32 v4, v3;
	v4 =	vshll.u32 v2, $0x10  }
0x34c: {  	v1 =	vadd.f32 v2, v1  }
0x34d: {  	v2 =	vadd.f32 v4, v3  }
0x34e: {  	s11 =	sshra.s32 s11, $0x2;
	[tilespmem:s1+$0x30] =	vst v1  }
0x34f: {  	[tilespmem:s1+$0x20] =	vst v2;
	s1 =	smov.u32 s0  }
0x350: {  	v1 =	vld [tilespmem:s11+$0xAA00]  }
0x351: {  	v2 =	vld [tilespmem:s11+$0xB400];
	_ =	sdelay $0x1  }
0x352: {  	v3 =	vld [tilespmem:s11+$0xBE00];
	_ =	sdelay $0x1  }
0x353: {  	v4 =	vld [tilespmem:s11+$0xC800]  }
0x354: {  	v5 =	vshll.u32 v1, $0x10;
	v6 =	vshll.u32 v2, $0x10;
	v1 =	vadd.f32 v2, v1  }
0x355: {  	v2 =	vadd.f32 v6, v5;
	v5 =	vld [tilespmem:s11+$0xD200]  }
0x356: {  	v6 =	vshll.u32 v3, $0x10;
	v1 =	vadd.f32 v3, v1  }
0x357: {  	v2 =	vadd.f32 v6, v2;
	v3 =	vld [tilespmem:s11+$0xDC00]  }
0x358: {  	v6 =	vshll.u32 v4, $0x10;
	v1 =	vadd.f32 v4, v1  }
0x359: {  	v2 =	vadd.f32 v6, v2;
	v4 =	vld [tilespmem:s11+$0xE600]  }
0x35a: {  	v6 =	vshll.u32 v5, $0x10;
	v1 =	vadd.f32 v5, v1  }
0x35b: {  	v2 =	vadd.f32 v6, v2;
	v5 =	vld [tilespmem:s11+$0xF000]  }
0x35c: {  	v6 =	vshll.u32 v3, $0x10;
	v1 =	vadd.f32 v3, v1  }
0x35d: {  	v2 =	vadd.f32 v6, v2;
	v3 =	vld [tilespmem:s11+$0xFA00]  }
0x35e: {  	v6 =	vshll.u32 v4, $0x10;
	v1 =	vadd.f32 v4, v1  }
0x35f: {  	v2 =	vadd.f32 v6, v2;
	v4 =	vld [tilespmem:s11+$0x10400]  }
0x360: {  	v6 =	vshll.u32 v5, $0x10;
	v1 =	vadd.f32 v5, v1  }
0x361: {  	v2 =	vadd.f32 v6, v2;
	v5 =	vld [tilespmem:s11+$0x10E00]  }
0x362: {  	v6 =	vshll.u32 v3, $0x10;
	v1 =	vadd.f32 v3, v1  }
0x363: {  	v2 =	vadd.f32 v6, v2;
	v3 =	vld [tilespmem:s11+$0x11800]  }
0x364: {  	v6 =	vshll.u32 v4, $0x10;
	v1 =	vadd.f32 v4, v1  }
0x365: {  	v2 =	vadd.f32 v6, v2;
	v4 =	vld [tilespmem:s11+$0x12200]  }
0x366: {  	v6 =	vshll.u32 v5, $0x10;
	v1 =	vadd.f32 v5, v1  }
0x367: {  	v2 =	vadd.f32 v6, v2;
	v5 =	vld [tilespmem:s11+$0x12C00]  }
0x368: {  	v6 =	vshll.u32 v3, $0x10;
	v1 =	vadd.f32 v3, v1  }
0x369: {  	v2 =	vadd.f32 v6, v2;
	v3 =	vld [tilespmem:s11+$0x13600]  }
0x36a: {  	v6 =	vshll.u32 v4, $0x10;
	v1 =	vadd.f32 v4, v1  }
0x36b: {  	v2 =	vadd.f32 v6, v2;
	v4 =	vld [tilespmem:s11+$0x14000]  }
0x36c: {  	v6 =	vshll.u32 v5, $0x10;
	v1 =	vadd.f32 v5, v1  }
0x36d: {  	v2 =	vadd.f32 v6, v2  }
0x36e: {  	v5 =	vshll.u32 v3, $0x10;
	v1 =	vadd.f32 v3, v1  }
0x36f: {  	v2 =	vadd.f32 v5, v2  }
0x370: {  	v3 =	vshll.u32 v4, $0x10;
	v1 =	vadd.f32 v4, v1  }
0x371: {  	v2 =	vadd.f32 v3, v2  }
0x372: {  	[tilespmem:s0+$0xFFFFFFD0] =	vst v1  }
0x373: {  	[tilespmem:s0+$0xFFFFFFC0] =	vst v2  }
0x374: {  	v1 =	vld [tilespmem:s11+$0xAA10]  }
0x375: {  	v2 =	vld [tilespmem:s11+$0xB410];
	_ =	sdelay $0x1  }
0x376: {  	v3 =	vld [tilespmem:s11+$0xBE10];
	_ =	sdelay $0x1  }
0x377: {  	v4 =	vld [tilespmem:s11+$0xC810]  }
0x378: {  	v5 =	vshll.u32 v1, $0x10;
	v6 =	vshll.u32 v2, $0x10;
	v1 =	vadd.f32 v2, v1  }
0x379: {  	v2 =	vadd.f32 v6, v5;
	v5 =	vld [tilespmem:s11+$0xD210]  }
0x37a: {  	v6 =	vshll.u32 v3, $0x10;
	v1 =	vadd.f32 v3, v1  }
0x37b: {  	v2 =	vadd.f32 v6, v2;
	v3 =	vld [tilespmem:s11+$0xDC10]  }
0x37c: {  	v6 =	vshll.u32 v4, $0x10;
	v1 =	vadd.f32 v4, v1  }
0x37d: {  	v2 =	vadd.f32 v6, v2;
	v4 =	vld [tilespmem:s11+$0xE610]  }
0x37e: {  	v6 =	vshll.u32 v5, $0x10;
	v1 =	vadd.f32 v5, v1  }
0x37f: {  	v2 =	vadd.f32 v6, v2;
	v5 =	vld [tilespmem:s11+$0xF010]  }
0x380: {  	v6 =	vshll.u32 v3, $0x10;
	v1 =	vadd.f32 v3, v1  }
0x381: {  	v2 =	vadd.f32 v6, v2;
	v3 =	vld [tilespmem:s11+$0xFA10]  }
0x382: {  	v6 =	vshll.u32 v4, $0x10;
	v1 =	vadd.f32 v4, v1  }
0x383: {  	v2 =	vadd.f32 v6, v2;
	v4 =	vld [tilespmem:s11+$0x10410]  }
0x384: {  	v6 =	vshll.u32 v5, $0x10;
	v1 =	vadd.f32 v5, v1  }
0x385: {  	v2 =	vadd.f32 v6, v2;
	v5 =	vld [tilespmem:s11+$0x10E10]  }
0x386: {  	v6 =	vshll.u32 v3, $0x10;
	v1 =	vadd.f32 v3, v1  }
0x387: {  	v2 =	vadd.f32 v6, v2;
	v3 =	vld [tilespmem:s11+$0x11810]  }
0x388: {  	v6 =	vshll.u32 v4, $0x10;
	v1 =	vadd.f32 v4, v1  }
0x389: {  	v2 =	vadd.f32 v6, v2;
	v4 =	vld [tilespmem:s11+$0x12210]  }
0x38a: {  	v6 =	vshll.u32 v5, $0x10;
	v1 =	vadd.f32 v5, v1  }
0x38b: {  	v2 =	vadd.f32 v6, v2;
	v5 =	vld [tilespmem:s11+$0x12C10]  }
0x38c: {  	v6 =	vshll.u32 v3, $0x10;
	v1 =	vadd.f32 v3, v1  }
0x38d: {  	v2 =	vadd.f32 v6, v2;
	v3 =	vld [tilespmem:s11+$0x13610]  }
0x38e: {  	v6 =	vshll.u32 v4, $0x10;
	v1 =	vadd.f32 v4, v1  }
0x38f: {  	v2 =	vadd.f32 v6, v2;
	v4 =	vld [tilespmem:s11+$0x14010]  }
0x390: {  	v6 =	vshll.u32 v5, $0x10;
	v1 =	vadd.f32 v5, v1  }
0x391: {  	v2 =	vadd.f32 v6, v2  }
0x392: {  	v5 =	vshll.u32 v3, $0x10;
	v1 =	vadd.f32 v3, v1  }
0x393: {  	v2 =	vadd.f32 v5, v2  }
0x394: {  	v3 =	vshll.u32 v4, $0x10;
	v1 =	vadd.f32 v4, v1  }
0x395: {  	v2 =	vadd.f32 v3, v2  }
0x396: {  	[tilespmem:s0+$0xFFFFFFF0] =	vst v1  }
0x397: {  	[tilespmem:s0+$0xFFFFFFE0] =	vst v2  }
0x398: {  	v1 =	vld [tilespmem:s11+$0xAA20]  }
0x399: {  	v2 =	vld [tilespmem:s11+$0xB420];
	_ =	sdelay $0x1  }
0x39a: {  	v3 =	vld [tilespmem:s11+$0xBE20];
	_ =	sdelay $0x1  }
0x39b: {  	v4 =	vshll.u32 v1, $0x10;
	v5 =	vld [tilespmem:s11+$0xC820]  }
0x39c: {  	v6 =	vshll.u32 v2, $0x10;
	v1 =	vadd.f32 v2, v1  }
0x39d: {  	v2 =	vadd.f32 v6, v4;
	v4 =	vld [tilespmem:s11+$0xD220]  }
0x39e: {  	v6 =	vshll.u32 v3, $0x10;
	v1 =	vadd.f32 v3, v1  }
0x39f: {  	v2 =	vadd.f32 v6, v2;
	v3 =	vld [tilespmem:s11+$0xDC20]  }
0x3a0: {  	v6 =	vshll.u32 v5, $0x10;
	v1 =	vadd.f32 v5, v1  }
0x3a1: {  	v2 =	vadd.f32 v6, v2;
	v5 =	vld [tilespmem:s11+$0xE620]  }
0x3a2: {  	v6 =	vshll.u32 v4, $0x10;
	v1 =	vadd.f32 v4, v1  }
0x3a3: {  	v2 =	vadd.f32 v6, v2;
	v4 =	vld [tilespmem:s11+$0xF020]  }
0x3a4: {  	v6 =	vshll.u32 v3, $0x10;
	v1 =	vadd.f32 v3, v1  }
0x3a5: {  	v2 =	vadd.f32 v6, v2;
	v3 =	vld [tilespmem:s11+$0xFA20]  }
0x3a6: {  	v6 =	vshll.u32 v5, $0x10;
	v1 =	vadd.f32 v5, v1  }
0x3a7: {  	v2 =	vadd.f32 v6, v2;
	v5 =	vld [tilespmem:s11+$0x10420]  }
0x3a8: {  	v6 =	vshll.u32 v4, $0x10;
	v1 =	vadd.f32 v4, v1  }
0x3a9: {  	v2 =	vadd.f32 v6, v2;
	v4 =	vld [tilespmem:s11+$0x10E20]  }
0x3aa: {  	v6 =	vshll.u32 v3, $0x10;
	v1 =	vadd.f32 v3, v1  }
0x3ab: {  	v2 =	vadd.f32 v6, v2;
	v3 =	vld [tilespmem:s11+$0x11820]  }
0x3ac: {  	v6 =	vshll.u32 v5, $0x10;
	v1 =	vadd.f32 v5, v1  }
0x3ad: {  	v2 =	vadd.f32 v6, v2;
	v5 =	vld [tilespmem:s11+$0x12220]  }
0x3ae: {  	v6 =	vshll.u32 v4, $0x10;
	v1 =	vadd.f32 v4, v1  }
0x3af: {  	v2 =	vadd.f32 v6, v2;
	v4 =	vld [tilespmem:s11+$0x12C20]  }
0x3b0: {  	v6 =	vshll.u32 v3, $0x10;
	v1 =	vadd.f32 v3, v1  }
0x3b1: {  	v2 =	vadd.f32 v6, v2;
	v3 =	vld [tilespmem:s11+$0x13620]  }
0x3b2: {  	v6 =	vshll.u32 v5, $0x10;
	v1 =	vadd.f32 v5, v1  }
0x3b3: {  	v2 =	vadd.f32 v6, v2;
	v5 =	vld [tilespmem:s11+$0x14020]  }
0x3b4: {  	v6 =	vshll.u32 v4, $0x10;
	v1 =	vadd.f32 v4, v1  }
0x3b5: {  	v2 =	vadd.f32 v6, v2  }
0x3b6: {  	v4 =	vshll.u32 v3, $0x10;
	v1 =	vadd.f32 v3, v1  }
0x3b7: {  	v2 =	vadd.f32 v4, v2  }
0x3b8: {  	v3 =	vshll.u32 v5, $0x10;
	v1 =	vadd.f32 v5, v1  }
0x3b9: {  	v2 =	vadd.f32 v3, v2  }
0x3ba: {  	[tilespmem:s0+$0x10] =	vst v1  }
0x3bb: {  	[tilespmem:s0+$0x0] =	vst v2  }
0x3bc: {  	v1 =	vld [tilespmem:s11+$0xAA30]  }
0x3bd: {  	v2 =	vld [tilespmem:s11+$0xB430]  }
0x3be: {  	v3 =	vld [tilespmem:s11+$0xBE30]  }
0x3bf: {  	v4 =	vld [tilespmem:s11+$0xC830]  }
0x3c0: {  	v5 =	vld [tilespmem:s11+$0xD230]  }
0x3c1: {  	v6 =	vshll.u32 v1, $0x10;
	v7 =	vld [tilespmem:s11+$0xDC30]  }
0x3c2: {  	v8 =	vshll.u32 v2, $0x10;
	v1 =	vadd.f32 v2, v1;
	v9 =	vld [tilespmem:s11+$0xE630]  }
0x3c3: {  	v2 =	vadd.f32 v8, v6;
	v6 =	vshll.u32 v3, $0x10;
	v8 =	vld [tilespmem:s11+$0xF030]  }
0x3c4: {  	v1 =	vadd.f32 v3, v1;
	v3 =	vld [tilespmem:s11+$0xFA30]  }
0x3c5: {  	v2 =	vadd.f32 v6, v2;
	v6 =	vshll.u32 v4, $0x10;
	v10 =	vld [tilespmem:s11+$0x10430]  }
0x3c6: {  	v1 =	vadd.f32 v4, v1;
	v4 =	vld [tilespmem:s11+$0x10E30]  }
0x3c7: {  	v2 =	vadd.f32 v6, v2;
	v6 =	vshll.u32 v5, $0x10;
	v11 =	vld [tilespmem:s11+$0x11830]  }
0x3c8: {  	v1 =	vadd.f32 v5, v1;
	v5 =	vld [tilespmem:s11+$0x12230]  }
0x3c9: {  	v2 =	vadd.f32 v6, v2;
	v6 =	vshll.u32 v7, $0x10;
	v12 =	vld [tilespmem:s11+$0x12C30]  }
0x3ca: {  	v7 =	vadd.f32 v7, v1;
	v1 =	vld [tilespmem:s11+$0x13630]  }
0x3cb: {  	v13 =	vshll.u32 v9, $0x10;
	v6 =	vadd.f32 v6, v2;
	v2 =	vld [tilespmem:s11+$0x14030]  }
0x3cc: {  	v7 =	vadd.f32 v9, v7  }
0x3cd: {  	v9 =	vshll.u32 v8, $0x10;
	v6 =	vadd.f32 v13, v6  }
0x3ce: {  	v7 =	vadd.f32 v8, v7  }
0x3cf: {  	v8 =	vshll.u32 v3, $0x10;
	v6 =	vadd.f32 v9, v6  }
0x3d0: {  	v3 =	vadd.f32 v3, v7  }
0x3d1: {  	v7 =	vshll.u32 v10, $0x10;
	v6 =	vadd.f32 v8, v6  }
0x3d2: {  	v3 =	vadd.f32 v10, v3  }
0x3d3: {  	v6 =	vadd.f32 v7, v6;
	v7 =	vshll.u32 v4, $0x10  }
0x3d4: {  	v3 =	vadd.f32 v4, v3  }
0x3d5: {  	v4 =	vadd.f32 v7, v6;
	v6 =	vshll.u32 v11, $0x10  }
0x3d6: {  	v3 =	vadd.f32 v11, v3  }
.Ltmp9:
0x3d7: {  	v4 =	vadd.f32 v6, v4;
	v6 =	vshll.u32 v5, $0x10;
	(pc) =	sbr.rel @p0 .LBB2_12-.Ltmp9, $4  }
0x3d8: {  	v3 =	vadd.f32 v5, v3  }
0x3d9: {  	v4 =	vadd.f32 v6, v4;
	v6 =	vshll.u32 v12, $0x10  }
0x3da: {  	v5 =	vadd.f32 v12, v3  }
0x3db: {  	v3 =	vadd.f32 v6, v4;
	v4 =	vshll.u32 v1, $0x10  }
0x3dc: {  	v1 =	vadd.f32 v1, v5  }
0x3dd: {  	v3 =	vadd.f32 v4, v3  }
.Ltmp10:
0x3de: {  	v63 =	vshll.u32 v2, $0x10;
	v1 =	vadd.f32 v2, v1;
	(pc) =	sbr.rel .LBB2_14-.Ltmp10, $4  }
0x3df: {  	s0 =	smul.u32 $0x280, s31;
	v2 =	vadd.f32 v63, v3  }
0x3e0: {  	[tilespmem:s1+$0x30] =	vst v1  }
0x3e1: {  	s0 =	sadd.s32 s2, s0;
	[tilespmem:s1+$0x20] =	vst v2  }
0x3e2: {  	[hbm4b:s0+s3] =	stream.linear.scatter [tilespmem:s29], [sflag:$0x4], $0x1400, $0x38;
	[tilespmem:$0x17200] =	vst v63  }
.LBB2_16:
0x3e3: {  	_ =	sfence.sel $0x180000  }
0x3e4: {  	[bflag:$0x0] =	sbarrier.arrive $0xFFFF  }
0x3e5: {  	_ =	strace $0x90000047  }
0x3e6: {  	s0 =	stileid.u32;
	[bflag:$0x2] =	sbarrier.arrive $0xFFFF  }
0x3e7: {  	p0 =	sne.s32 s0, $0x0;
	s0 =	rddreg [dreg:$0x2]  }
0x3e8: {  	s0 =	sadd.s32 @!p0 $0x100000, s0  }
0x3e9: {  	[sflag:s0] =	ssyncadd.tile.s32 @!p0 $0x1;
	_ =	shalt  }
.Lfunc_end2:
_tile_overlayer_lowered:
.L_overlay_start_2:
0x3ea: {  	(tag) =	ssettag $0x2  }
0x3eb: {  	s0 =	rddreg [dreg:$0x0];
	s2 =	stileid.u32  }
0x3ec: {  	s1 =	rddreg [dreg:$0x1];
	p0 =	sne.s32 s2, $0x0  }
0x3ed: {  	s3 =	rddreg [dreg:$0x2];
	[bflag:$0x3] =	sbarrier.arrive $0xFFFF;
	s2 =	simm.s32 @!p0 $0x1C07  }
0x3ee: {  	[timem:s3], [sflag:s2] =	dma.local @!p0 [hbm:s0], s1  }
0x3ef: {  	s0 =	simm.s32 @!p0 $0x7  }
0x3f0: {  	_ =	swait.ge @!p0 [sflag:s0], s1  }
0x3f1: {  	s1 =	ssub.s32 @!p0 $0x0, s1;
	[sflag:s0] =	ssyncset.done @!p0 $0x0  }
0x3f2: {  	[sflag:s0] =	ssyncadd.s32 @!p0 s1  }
0x3f3: {  	[bflag:$0x3] =	sbarrier.arrive $0xFFFF  }
0x3f4: {  	_ =	shalt  }

</sc_bundles>
